<compile_context>
chip_gen: v7x
topology: tpu7x:2x2x1
jax: 0.10.2.dev20260603
libtpu: 0.0.44.dev20260713+nightly
codegen_flags: <defaults>
</compile_context>

<pallas_src>
import functools

import jax
import jax.numpy as jnp
from jax import lax
from jax.experimental import pallas as pl
from jax.experimental.pallas import tpu as pltpu
from jax.experimental.pallas import tpu_sc as plsc

N = 10000
E = 320000
D_IN = 128
D_HID = 128
D_OUT = 64

NC = 2
NS = 16
NW = NC * NS
CHUNK = 128
EPW = E // NW
CPW = 80
WCH = 8
NWIN = CPW // WCH
NPAD = 10112
DUMMY = N
ROWS_PT = NPAD // NS
RB = NPAD // 8


def _mesh():
    return plsc.VectorSubcoreMesh(core_axis_name="c", subcore_axis_name="s")



@functools.lru_cache(maxsize=None)
def _hist_call():

    def body(idx_hbm, zeros_hbm, onehot_hbm, out_hbm,
             hist, idx_all, vals, s0_, s1_):
        c = lax.axis_index("c")
        s = lax.axis_index("s")
        wid = c * NS + s
        pltpu.sync_copy(zeros_hbm, hist.at[pl.ds(s * ROWS_PT, ROWS_PT)])
        plsc.subcore_barrier()
        sems = (s0_, s1_)
        for a in range(4):
            pltpu.sync_copy(onehot_hbm.at[a], vals)
            pltpu.sync_copy(idx_hbm.at[a, wid], idx_all)

            def pair(i, carry):
                for v in range(2):
                    @pl.when(i >= 1)
                    def _(v=v):
                        pltpu.make_async_copy(
                            vals, hist.at[idx_all.at[0]], sems[v]).wait()
                    pltpu.async_copy(vals, hist.at[idx_all.at[2 * i + v]],
                                     sems[v], add=True)
                return carry

            lax.fori_loop(0, CPW // 2, pair, 0)
            for v in range(2):
                pltpu.make_async_copy(vals, hist.at[idx_all.at[0]],
                                      sems[v]).wait()
        plsc.subcore_barrier()
        pltpu.sync_copy(hist.at[pl.ds(s * ROWS_PT, ROWS_PT)],
                        out_hbm.at[c, pl.ds(s * ROWS_PT, ROWS_PT)])

    return pl.kernel(
        body,
        out_type=jax.ShapeDtypeStruct((NC, NPAD, 128), jnp.float32),
        mesh=_mesh(),
        scratch_types=[
            pltpu.VMEM_SHARED((NPAD, 128), jnp.float32),
            pltpu.VMEM((CPW, CHUNK), jnp.int32),
            pltpu.VMEM((CHUNK, 128), jnp.float32),
            pltpu.SemaphoreType.DMA,
            pltpu.SemaphoreType.DMA,
        ],
    )


@functools.lru_cache(maxsize=None)
def _agg_call(d):

    def body(feat_hbm, src_hbm, dst_hbm, zeros_hbm, out_hbm,
             acc, sidx_all, didx_w, rows0, rows1,
             sg0, sg1, ss0, ss1, si):
        c = lax.axis_index("c")
        s = lax.axis_index("s")
        wid = c * NS + s
        rows = (rows0, rows1)
        sg = (sg0, sg1)
        ss = (ss0, ss1)

        def fire_gather(k, b):
            pltpu.async_copy(feat_hbm.at[sidx_all.at[k]], rows[b], sg[b])

        def wait_gather(b):
            pltpu.make_async_copy(feat_hbm.at[sidx_all.at[0]],
                                  rows[b], sg[b]).wait()

        def fire_scatter(v, j, b):
            pltpu.async_copy(rows[b], acc.at[didx_w.at[v, j]],
                             ss[b], add=True)

        def wait_scatter(b):
            pltpu.make_async_copy(rows[b], acc.at[didx_w.at[0, 0]],
                                  ss[b]).wait()

        def wait_refill(v):
            pltpu.make_async_copy(dst_hbm.at[wid, pl.ds(0, WCH)],
                                  didx_w.at[v], si).wait()

        pltpu.sync_copy(zeros_hbm,
                        acc.at[pl.ds(s * ROWS_PT, ROWS_PT)])
        pltpu.sync_copy(src_hbm.at[wid], sidx_all)
        pltpu.sync_copy(dst_hbm.at[wid, pl.ds(0, WCH)], didx_w.at[0])
        plsc.subcore_barrier()
        fire_gather(0, 0)

        def superstep(u, carry):
            for v in range(2):
                w = 2 * u + v
                for j in range(WCH):
                    b = j % 2
                    k = w * WCH + j
                    if j == 0:
                        if v == 0:
                            @pl.when(u >= 1)
                            def _():
                                wait_refill(0)
                        else:
                            wait_refill(1)
                    wait_gather(b)
                    fire_scatter(v, j, b)
                    if j == 0:
                        if v == 0:
                            @pl.when(u >= 1)
                            def _():
                                wait_scatter(1)
                        else:
                            wait_scatter(1)
                    else:
                        wait_scatter(1 - b)
                    if j == 2:
                        if v == 0:
                            pltpu.async_copy(
                                dst_hbm.at[wid, pl.ds((w + 1) * WCH, WCH)],
                                didx_w.at[1], si)
                        else:
                            @pl.when(u < NWIN // 2 - 1)
                            def _():
                                pltpu.async_copy(
                                    dst_hbm.at[wid, pl.ds((w + 1) * WCH, WCH)],
                                    didx_w.at[0], si)
                    if j == WCH - 1 and v == 1:
                        @pl.when(u < NWIN // 2 - 1)
                        def _():
                            fire_gather(k + 1, 1 - b)
                    else:
                        fire_gather(k + 1, 1 - b)
            return carry

        lax.fori_loop(0, NWIN // 2, superstep, 0)
        wait_scatter(1)
        plsc.subcore_barrier()
        pltpu.sync_copy(acc.at[pl.ds(s * ROWS_PT, ROWS_PT)],
                        out_hbm.at[c, pl.ds(s * ROWS_PT, ROWS_PT)])

    return pl.kernel(
        body,
        out_type=jax.ShapeDtypeStruct((NC, NPAD, d), jnp.float32),
        mesh=_mesh(),
        scratch_types=[
            pltpu.VMEM_SHARED((NPAD, d), jnp.float32),
            pltpu.VMEM((CPW, CHUNK), jnp.int32),
            pltpu.VMEM((2, WCH, CHUNK), jnp.int32),
            pltpu.VMEM((CHUNK, d), jnp.float32),
            pltpu.VMEM((CHUNK, d), jnp.float32),
            pltpu.SemaphoreType.DMA,
            pltpu.SemaphoreType.DMA,
            pltpu.SemaphoreType.DMA,
            pltpu.SemaphoreType.DMA,
            pltpu.SemaphoreType.DMA,
        ],
    )



def _norm(da, db, a):
    c = 32 * a
    return lax.rsqrt(jnp.maximum(da[:, c:c + 1] + db[:, c:c + 1], 1.0))


def _tc1_body(x_ref, da_ref, db_ref, o_ref):
    o_ref[...] = x_ref[...] * _norm(da_ref, db_ref, 0)


def _tc2_body(p0, p1, da, db, w1, b1, o):
    agg = p0[...] + p1[...]
    z = jnp.dot(agg, w1[...], preferred_element_type=jnp.float32)
    t = jnp.maximum(z * _norm(da, db, 1) + b1[...], 0.0)
    o[...] = t * _norm(da, db, 2)


def _tc3_body(q0, q1, da, db, w2, b2, o):
    agg = q0[...] + q1[...]
    z = jnp.dot(agg, w2[...], preferred_element_type=jnp.float32)
    o[...] = z * _norm(da, db, 3) + b2[...]


def _rows_spec(cols):
    return pl.BlockSpec((RB, cols), lambda i: (i, 0))


def _full_spec(r, c):
    return pl.BlockSpec((r, c), lambda i: (0, 0))


@functools.lru_cache(maxsize=None)
def _tc1_call():
    return pl.pallas_call(
        _tc1_body,
        grid=(NPAD // RB,),
        in_specs=[_rows_spec(D_IN), _rows_spec(128), _rows_spec(128)],
        out_specs=_rows_spec(D_IN),
        out_shape=jax.ShapeDtypeStruct((NPAD, D_IN), jnp.float32),
    )


@functools.lru_cache(maxsize=None)
def _tc2_call():
    return pl.pallas_call(
        _tc2_body,
        grid=(NPAD // RB,),
        in_specs=[_rows_spec(D_HID), _rows_spec(D_HID),
                  _rows_spec(128), _rows_spec(128),
                  _full_spec(D_IN, D_HID), _full_spec(1, D_HID)],
        out_specs=_rows_spec(D_HID),
        out_shape=jax.ShapeDtypeStruct((NPAD, D_HID), jnp.float32),
    )


@functools.lru_cache(maxsize=None)
def _tc3_call():
    return pl.pallas_call(
        _tc3_body,
        grid=(NPAD // RB,),
        in_specs=[_rows_spec(D_HID), _rows_spec(D_HID),
                  _rows_spec(128), _rows_spec(128),
                  _full_spec(D_HID, D_OUT), _full_spec(1, D_OUT)],
        out_specs=_rows_spec(D_OUT),
        out_shape=jax.ShapeDtypeStruct((NPAD, D_OUT), jnp.float32),
    )



def _prep_edges(ei):
    pad = ((0, 0), (0, CPW * CHUNK - EPW))
    src = jnp.pad(ei[0].reshape(NW, EPW), pad,
                  constant_values=DUMMY).reshape(NW, CPW, CHUNK)
    dst = jnp.pad(ei[1].reshape(NW, EPW), pad,
                  constant_values=DUMMY).reshape(NW, CPW, CHUNK)
    return src, dst


def kernel(x, edge_index0, edge_index1, W1, b1, W2, b2):
    s0, d0 = _prep_edges(edge_index0)
    s1, d1 = _prep_edges(edge_index1)
    idx4 = jnp.stack([s0, d0, s1, d1])
    zeros128 = jnp.zeros((ROWS_PT, D_HID), jnp.float32)
    onehot4 = jnp.zeros((4, CHUNK, 128), jnp.float32)
    for a in range(4):
        onehot4 = onehot4.at[a, :, 32 * a].set(1.0)
    xpad = jnp.pad(x, ((0, NPAD - N), (0, 0)))

    degp = _hist_call()(idx4, zeros128, onehot4)

    h0 = _tc1_call()(xpad, degp[0], degp[1])
    p = _agg_call(D_HID)(h0, s0, d0, zeros128)
    t = _tc2_call()(p[0], p[1], degp[0], degp[1],
                    W1, b1.reshape(1, D_HID))
    q = _agg_call(D_HID)(t, s1, d1, zeros128)
    out = _tc3_call()(q[0], q[1], degp[0], degp[1],
                      W2, b2.reshape(1, D_OUT))
    return out[:N]

# --- scband reference (transcript-rebuilt; emitter-appended) ---
"""Pipeline reference for scband-gcn-86509231276868 (READ-ONLY COPY).

The authoritative reference and input builder live on the scoring server;
editing this copy changes nothing except your own understanding.
"""

import jax, jax.numpy as jnp
import numpy as np

N = 10000
E = 320000
D_IN = 128
D_HID = 128
D_OUT = 64


def setup_inputs(seed: int = 0) -> dict:
    key = jax.random.key(seed)
    k1, k2, k3, k4, k5, k6, k7 = jax.random.split(key, 7)
    x = jax.random.normal(k1, (N, D_IN), dtype=jnp.float32)
    edge_index0 = jax.random.randint(k2, (2, E), 0, N, dtype=jnp.int32)
    edge_index1 = jax.random.randint(k3, (2, E), 0, N, dtype=jnp.int32)
    # GraphConv layer 0 params (in=128, hid=128) and layer 1 params (hid=128, out=64)
    W1 = jax.random.normal(k4, (D_IN, D_HID), dtype=jnp.float32) * (1.0 / np.sqrt(D_IN))
    b1 = jnp.zeros((D_HID,), dtype=jnp.float32)
    W2 = jax.random.normal(k5, (D_HID, D_OUT), dtype=jnp.float32) * (1.0 / np.sqrt(D_HID))
    b2 = jnp.zeros((D_OUT,), dtype=jnp.float32)
    return {"x": x, "edge_index0": edge_index0, "edge_index1": edge_index1,
            "W1": W1, "b1": b1, "W2": W2, "b2": b2}


def _graphconv(feat_src, src, dst, num_src, num_dst, W, b):
    # DGL GraphConv with norm='both':
    #   feat = feat_src * outdeg(src)^{-1/2}
    #   aggregate (sum) messages to dst, apply W (order depends on in/out size)
    #   rst = agg * indeg(dst)^{-1/2} + b
    ones = jnp.ones(src.shape[0], dtype=jnp.float32)
    deg_out = jnp.clip(jax.ops.segment_sum(ones, src, num_segments=num_src), 1.0, None)
    deg_in = jnp.clip(jax.ops.segment_sum(ones, dst, num_segments=num_dst), 1.0, None)
    norm_src = deg_out ** -0.5
    norm_dst = deg_in ** -0.5
    h = feat_src * norm_src[:, None]
    if W.shape[0] > W.shape[1]:
        # mult W first (reduces message width), then aggregate
        h = h @ W
        agg = jax.ops.segment_sum(h[src], dst, num_segments=num_dst)
    else:
        agg = jax.ops.segment_sum(h[src], dst, num_segments=num_dst)
        agg = agg @ W
    return agg * norm_dst[:, None] + b


def reference(x, edge_index0, edge_index1, W1, b1, W2, b2):
    # mfgs[0]: bipartite block (src=N, dst=N here); h_dst = x[:num_dst]
    h = _graphconv(x, edge_index0[0], edge_index0[1], N, N, W1, b1)
    h = jax.nn.relu(h)  # GraphConv activation=F.relu
    h = jax.nn.relu(h)  # explicit F.relu in forward (idempotent, kept for fidelity)
    out = _graphconv(h, edge_index1[0], edge_index1[1], N, N, W2, b2)
    return out

if __name__ == "__main__":
    import jax
    _d = setup_inputs()
    print(jax.jit(kernel)(*tuple(_d.values())))

</pallas_src>

<mosaic_0001>
#map = affine_map<(d0, d1) -> (0, 0, 0, 0)>
#map1 = affine_map<(d0, d1) -> (0, 0)>
#map2 = affine_map<(d0, d1) -> (0, 0, 0)>
module attributes {stable_mosaic.version = 14 : i64} {
  func.func @body(%arg0: i32, %arg1: i32, %arg2: memref<4x32x80x128xi32, #tpu.memory_space<hbm>>, %arg3: memref<632x128xf32, #tpu.memory_space<hbm>>, %arg4: memref<4x128x128xf32, #tpu.memory_space<hbm>>, %arg5: memref<2x10112x128xf32, #tpu.memory_space<hbm>>, %arg6: memref<10112x128xf32, #tpu.memory_space<vmem_shared>>, %arg7: memref<80x128xi32, #tpu.memory_space<vmem>>, %arg8: memref<128x128xf32, #tpu.memory_space<vmem>>, %arg9: memref<!tpu.dma_semaphore, #tpu.memory_space<semaphore_mem>>, %arg10: memref<!tpu.dma_semaphore, #tpu.memory_space<semaphore_mem>>) attributes {dimension_semantics = [#tpu.dimension_semantics<core_parallel>, #tpu.dimension_semantics<subcore_parallel>], iteration_bounds = array<i64: 2, 16>, scalar_prefetch = 0 : i64, scratch_operands = 5 : i64, tpu.core_type = #tpu.core_type<sc_vector_subcore>, window_params = [{transform_indices = #map}, {transform_indices = #map1}, {transform_indices = #map2}, {transform_indices = #map2}]} {
    %mul3A = arith.constant 16 : i32
    %mul3A_0 = arith.muli %arg0, %mul3A : i32
    %add3A = arith.addi %mul3A_0, %arg1 : i32
    %mul3A_1 = arith.constant 632 : i32
    %mul3A_2 = arith.muli %arg1, %mul3A_1 : i32
    "tpu.region"() ({
      %run_scoped3A_93 = tpu.sem_alloc : memref<!tpu.dma_semaphore, #tpu.memory_space<semaphore_mem>>
      %dma_start3A = arith.constant 0 : i32
      %dma_start3A_94 = tpu.memref_slice %arg6[%mul3A_2, %dma_start3A] : memref<10112x128xf32, #tpu.memory_space<vmem_shared>> -> memref<632x128xf32, #tpu.memory_space<vmem_shared>>
      tpu.enqueue_dma source(%arg3 : memref<632x128xf32, #tpu.memory_space<hbm>>) target(%dma_start3A_94 : memref<632x128xf32, #tpu.memory_space<vmem_shared>>) target_semaphore(%run_scoped3A_93 : memref<!tpu.dma_semaphore, #tpu.memory_space<semaphore_mem>>)
      %dma_wait3A_95 = arith.constant 0 : i32
      %dma_wait3A_96 = tpu.memref_slice %arg6[%mul3A_2, %dma_wait3A_95] : memref<10112x128xf32, #tpu.memory_space<vmem_shared>> -> memref<632x128xf32, #tpu.memory_space<vmem_shared>>
      tpu.wait_dma2 semaphore(%run_scoped3A_93 : memref<!tpu.dma_semaphore, #tpu.memory_space<semaphore_mem>>) src(%arg3 : memref<632x128xf32, #tpu.memory_space<hbm>>) dst(%dma_wait3A_96 : memref<632x128xf32, #tpu.memory_space<vmem_shared>>)
      tpu.yield
    }) : () -> ()
    %barrier3A = arith.constant 0 : index
    tpu.barrier barrier_id(%barrier3A)
    %run_scoped3A = arith.constant 0 : i32
    "tpu.region"() ({
      %run_scoped3A_93 = tpu.sem_alloc : memref<!tpu.dma_semaphore, #tpu.memory_space<semaphore_mem>>
      %dma_start3A = arith.constant 0 : i32
      %dma_start3A_94 = arith.constant 0 : i32
      %dma_start3A_95 = tpu.memref_slice %arg4[%run_scoped3A, %dma_start3A, %dma_start3A_94] : memref<4x128x128xf32, #tpu.memory_space<hbm>> -> memref<1x128x128xf32, #tpu.memory_space<hbm>>
      %dma_start3A_96 = tpu.memref_squeeze %dma_start3A_95 : memref<1x128x128xf32, #tpu.memory_space<hbm>> -> memref<128x128xf32, #tpu.memory_space<hbm>>
      %dma_start3A_97 = arith.constant 0 : i32
      %dma_start3A_98 = arith.constant 0 : i32
      %dma_start3A_99 = tpu.memref_slice %arg4[%run_scoped3A, %dma_start3A_97, %dma_start3A_98] : memref<4x128x128xf32, #tpu.memory_space<hbm>> -> memref<1x128x128xf32, #tpu.memory_space<hbm>>
      %dma_start3A_100 = tpu.memref_squeeze %dma_start3A_99 : memref<1x128x128xf32, #tpu.memory_space<hbm>> -> memref<128x128xf32, #tpu.memory_space<hbm>>
      tpu.enqueue_dma source(%dma_start3A_100 : memref<128x128xf32, #tpu.memory_space<hbm>>) target(%arg8 : memref<128x128xf32, #tpu.memory_space<vmem>>) target_semaphore(%run_scoped3A_93 : memref<!tpu.dma_semaphore, #tpu.memory_space<semaphore_mem>>)
      %dma_wait3A_101 = arith.constant 0 : i32
      %dma_wait3A_102 = arith.constant 0 : i32
      %dma_wait3A_103 = tpu.memref_slice %arg4[%run_scoped3A, %dma_wait3A_101, %dma_wait3A_102] : memref<4x128x128xf32, #tpu.memory_space<hbm>> -> memref<1x128x128xf32, #tpu.memory_space<hbm>>
      %dma_wait3A_104 = tpu.memref_squeeze %dma_wait3A_103 : memref<1x128x128xf32, #tpu.memory_space<hbm>> -> memref<128x128xf32, #tpu.memory_space<hbm>>
      %dma_wait3A_105 = arith.constant 0 : i32
      %dma_wait3A_106 = arith.constant 0 : i32
      %dma_wait3A_107 = tpu.memref_slice %arg4[%run_scoped3A, %dma_wait3A_105, %dma_wait3A_106] : memref<4x128x128xf32, #tpu.memory_space<hbm>> -> memref<1x128x128xf32, #tpu.memory_space<hbm>>
      %dma_wait3A_108 = tpu.memref_squeeze %dma_wait3A_107 : memref<1x128x128xf32, #tpu.memory_space<hbm>> -> memref<128x128xf32, #tpu.memory_space<hbm>>
      tpu.wait_dma2 semaphore(%run_scoped3A_93 : memref<!tpu.dma_semaphore, #tpu.memory_space<semaphore_mem>>) src(%dma_wait3A_108 : memref<128x128xf32, #tpu.memory_space<hbm>>) dst(%arg8 : memref<128x128xf32, #tpu.memory_space<vmem>>)
      tpu.yield
    }) : () -> ()
    %run_scoped3A_3 = arith.constant 0 : i32
    "tpu.region"() ({
      %run_scoped3A_93 = tpu.sem_alloc : memref<!tpu.dma_semaphore, #tpu.memory_space<semaphore_mem>>
      %dma_start3A = arith.constant 0 : i32
      %dma_start3A_94 = arith.constant 0 : i32
      %dma_start3A_95 = tpu.memref_slice %arg2[%run_scoped3A_3, %add3A, %dma_start3A, %dma_start3A_94] : memref<4x32x80x128xi32, #tpu.memory_space<hbm>> -> memref<1x1x80x128xi32, #tpu.memory_space<hbm>>
      %dma_start3A_96 = tpu.memref_squeeze %dma_start3A_95 : memref<1x1x80x128xi32, #tpu.memory_space<hbm>> -> memref<80x128xi32, #tpu.memory_space<hbm>>
      %dma_start3A_97 = arith.constant 0 : i32
      %dma_start3A_98 = arith.constant 0 : i32
      %dma_start3A_99 = tpu.memref_slice %arg2[%run_scoped3A_3, %add3A, %dma_start3A_97, %dma_start3A_98] : memref<4x32x80x128xi32, #tpu.memory_space<hbm>> -> memref<1x1x80x128xi32, #tpu.memory_space<hbm>>
      %dma_start3A_100 = tpu.memref_squeeze %dma_start3A_99 : memref<1x1x80x128xi32, #tpu.memory_space<hbm>> -> memref<80x128xi32, #tpu.memory_space<hbm>>
      tpu.enqueue_dma source(%dma_start3A_100 : memref<80x128xi32, #tpu.memory_space<hbm>>) target(%arg7 : memref<80x128xi32, #tpu.memory_space<vmem>>) target_semaphore(%run_scoped3A_93 : memref<!tpu.dma_semaphore, #tpu.memory_space<semaphore_mem>>)
      %dma_wait3A_101 = arith.constant 0 : i32
      %dma_wait3A_102 = arith.constant 0 : i32
      %dma_wait3A_103 = tpu.memref_slice %arg2[%run_scoped3A_3, %add3A, %dma_wait3A_101, %dma_wait3A_102] : memref<4x32x80x128xi32, #tpu.memory_space<hbm>> -> memref<1x1x80x128xi32, #tpu.memory_space<hbm>>
      %dma_wait3A_104 = tpu.memref_squeeze %dma_wait3A_103 : memref<1x1x80x128xi32, #tpu.memory_space<hbm>> -> memref<80x128xi32, #tpu.memory_space<hbm>>
      %dma_wait3A_105 = arith.constant 0 : i32
      %dma_wait3A_106 = arith.constant 0 : i32
      %dma_wait3A_107 = tpu.memref_slice %arg2[%run_scoped3A_3, %add3A, %dma_wait3A_105, %dma_wait3A_106] : memref<4x32x80x128xi32, #tpu.memory_space<hbm>> -> memref<1x1x80x128xi32, #tpu.memory_space<hbm>>
      %dma_wait3A_108 = tpu.memref_squeeze %dma_wait3A_107 : memref<1x1x80x128xi32, #tpu.memory_space<hbm>> -> memref<80x128xi32, #tpu.memory_space<hbm>>
      tpu.wait_dma2 semaphore(%run_scoped3A_93 : memref<!tpu.dma_semaphore, #tpu.memory_space<semaphore_mem>>) src(%dma_wait3A_108 : memref<80x128xi32, #tpu.memory_space<hbm>>) dst(%arg7 : memref<80x128xi32, #tpu.memory_space<vmem>>)
      tpu.yield
    }) : () -> ()
    %scan3A = arith.constant 0 : i32
    %scan3A_4 = arith.constant 0 : i32
    %scan3A_5 = arith.constant 40 : i32
    %scan3A_6 = arith.addi %scan3A_4, %scan3A_5 : i32
    %scan3A_7 = arith.constant 1 : i32
    scf.for %scan3A_93 = %scan3A_4 to %scan3A_6 step %scan3A_7  : i32 {
      %ge3A = arith.constant 1 : i32
      %ge3A_94 = arith.cmpi sge, %scan3A_93, %ge3A : i32
      %convert_element_type3A = arith.extui %ge3A_94 : i1 to i32
      %cond3A = arith.constant 0 : i32
      %cond3A_95 = arith.cmpi ne, %convert_element_type3A, %cond3A : i32
      scf.if %cond3A_95 {
        %dma_wait3A_120 = arith.constant 0 : i32
        %dma_wait3A_121 = arith.constant 0 : i32
        %dma_wait3A_122 = tpu.memref_slice %arg7[%dma_wait3A_120, %dma_wait3A_121] : memref<80x128xi32, #tpu.memory_space<vmem>> -> memref<1x128xi32, #tpu.memory_space<vmem>>
        %dma_wait3A_123 = tpu.memref_squeeze %dma_wait3A_122 : memref<1x128xi32, #tpu.memory_space<vmem>> -> memref<128xi32, #tpu.memory_space<vmem>>
        %dma_wait3A_124 = arith.constant 0 : i32
        %dma_wait3A_125 = arith.constant 0 : i32
        %dma_wait3A_126 = tpu.memref_slice %arg6[%dma_wait3A_124, %dma_wait3A_125] : memref<10112x128xf32, #tpu.memory_space<vmem_shared>> -> memref<10112x128xf32, #tpu.memory_space<vmem_shared>>
        tpu.wait_indirect_dma semaphore(%arg9 : memref<!tpu.dma_semaphore, #tpu.memory_space<semaphore_mem>>) src(%arg8 : memref<128x128xf32, #tpu.memory_space<vmem>>) dst(%dma_wait3A_126 : memref<10112x128xf32, #tpu.memory_space<vmem_shared>>)
      } else {
      }
      %mul3A_96 = arith.constant 2 : i32
      %mul3A_97 = arith.muli %mul3A_96, %scan3A_93 : i32
      %add3A_98 = arith.constant 0 : i32
      %add3A_99 = arith.addi %mul3A_97, %add3A_98 : i32
      %dma_start3A = arith.constant 0 : i32
      %dma_start3A_100 = tpu.memref_slice %arg7[%add3A_99, %dma_start3A] : memref<80x128xi32, #tpu.memory_space<vmem>> -> memref<1x128xi32, #tpu.memory_space<vmem>>
      %dma_start3A_101 = tpu.memref_squeeze %dma_start3A_100 : memref<1x128xi32, #tpu.memory_space<vmem>> -> memref<128xi32, #tpu.memory_space<vmem>>
      %dma_start3A_102 = arith.constant 0 : i32
      %dma_start3A_103 = arith.constant 0 : i32
      %dma_start3A_104 = tpu.memref_slice %arg6[%dma_start3A_102, %dma_start3A_103] : memref<10112x128xf32, #tpu.memory_space<vmem_shared>> -> memref<10112x128xf32, #tpu.memory_space<vmem_shared>>
      tpu.enqueue_indirect_dma source(%arg8 : memref<128x128xf32, #tpu.memory_space<vmem>>) target(%dma_start3A_104 : memref<10112x128xf32, #tpu.memory_space<vmem_shared>>) offsets(%dma_start3A_101 : memref<128xi32, #tpu.memory_space<vmem>>) semaphore(%arg9 : memref<!tpu.dma_semaphore, #tpu.memory_space<semaphore_mem>>) {add = true}
      %ge3A_105 = arith.constant 1 : i32
      %ge3A_106 = arith.cmpi sge, %scan3A_93, %ge3A_105 : i32
      %convert_element_type3A_107 = arith.extui %ge3A_106 : i1 to i32
      %cond3A_108 = arith.constant 0 : i32
      %cond3A_109 = arith.cmpi ne, %convert_element_type3A_107, %cond3A_108 : i32
      scf.if %cond3A_109 {
        %dma_wait3A_120 = arith.constant 0 : i32
        %dma_wait3A_121 = arith.constant 0 : i32
        %dma_wait3A_122 = tpu.memref_slice %arg7[%dma_wait3A_120, %dma_wait3A_121] : memref<80x128xi32, #tpu.memory_space<vmem>> -> memref<1x128xi32, #tpu.memory_space<vmem>>
        %dma_wait3A_123 = tpu.memref_squeeze %dma_wait3A_122 : memref<1x128xi32, #tpu.memory_space<vmem>> -> memref<128xi32, #tpu.memory_space<vmem>>
        %dma_wait3A_124 = arith.constant 0 : i32
        %dma_wait3A_125 = arith.constant 0 : i32
        %dma_wait3A_126 = tpu.memref_slice %arg6[%dma_wait3A_124, %dma_wait3A_125] : memref<10112x128xf32, #tpu.memory_space<vmem_shared>> -> memref<10112x128xf32, #tpu.memory_space<vmem_shared>>
        tpu.wait_indirect_dma semaphore(%arg10 : memref<!tpu.dma_semaphore, #tpu.memory_space<semaphore_mem>>) src(%arg8 : memref<128x128xf32, #tpu.memory_space<vmem>>) dst(%dma_wait3A_126 : memref<10112x128xf32, #tpu.memory_space<vmem_shared>>)
      } else {
      }
      %mul3A_110 = arith.constant 2 : i32
      %mul3A_111 = arith.muli %mul3A_110, %scan3A_93 : i32
      %add3A_112 = arith.constant 1 : i32
      %add3A_113 = arith.addi %mul3A_111, %add3A_112 : i32
      %dma_start3A_114 = arith.constant 0 : i32
      %dma_start3A_115 = tpu.memref_slice %arg7[%add3A_113, %dma_start3A_114] : memref<80x128xi32, #tpu.memory_space<vmem>> -> memref<1x128xi32, #tpu.memory_space<vmem>>
      %dma_start3A_116 = tpu.memref_squeeze %dma_start3A_115 : memref<1x128xi32, #tpu.memory_space<vmem>> -> memref<128xi32, #tpu.memory_space<vmem>>
      %dma_start3A_117 = arith.constant 0 : i32
      %dma_start3A_118 = arith.constant 0 : i32
      %dma_start3A_119 = tpu.memref_slice %arg6[%dma_start3A_117, %dma_start3A_118] : memref<10112x128xf32, #tpu.memory_space<vmem_shared>> -> memref<10112x128xf32, #tpu.memory_space<vmem_shared>>
      tpu.enqueue_indirect_dma source(%arg8 : memref<128x128xf32, #tpu.memory_space<vmem>>) target(%dma_start3A_119 : memref<10112x128xf32, #tpu.memory_space<vmem_shared>>) offsets(%dma_start3A_116 : memref<128xi32, #tpu.memory_space<vmem>>) semaphore(%arg10 : memref<!tpu.dma_semaphore, #tpu.memory_space<semaphore_mem>>) {add = true}
    }
    %scan3A_8 = arith.constant 40 : i32
    %dma_wait3A = arith.constant 0 : i32
    %dma_wait3A_9 = arith.constant 0 : i32
    %dma_wait3A_10 = tpu.memref_slice %arg7[%dma_wait3A, %dma_wait3A_9] : memref<80x128xi32, #tpu.memory_space<vmem>> -> memref<1x128xi32, #tpu.memory_space<vmem>>
    %dma_wait3A_11 = tpu.memref_squeeze %dma_wait3A_10 : memref<1x128xi32, #tpu.memory_space<vmem>> -> memref<128xi32, #tpu.memory_space<vmem>>
    %dma_wait3A_12 = arith.constant 0 : i32
    %dma_wait3A_13 = arith.constant 0 : i32
    %dma_wait3A_14 = tpu.memref_slice %arg6[%dma_wait3A_12, %dma_wait3A_13] : memref<10112x128xf32, #tpu.memory_space<vmem_shared>> -> memref<10112x128xf32, #tpu.memory_space<vmem_shared>>
    tpu.wait_indirect_dma semaphore(%arg9 : memref<!tpu.dma_semaphore, #tpu.memory_space<semaphore_mem>>) src(%arg8 : memref<128x128xf32, #tpu.memory_space<vmem>>) dst(%dma_wait3A_14 : memref<10112x128xf32, #tpu.memory_space<vmem_shared>>)
    %dma_wait3A_15 = arith.constant 0 : i32
    %dma_wait3A_16 = arith.constant 0 : i32
    %dma_wait3A_17 = tpu.memref_slice %arg7[%dma_wait3A_15, %dma_wait3A_16] : memref<80x128xi32, #tpu.memory_space<vmem>> -> memref<1x128xi32, #tpu.memory_space<vmem>>
    %dma_wait3A_18 = tpu.memref_squeeze %dma_wait3A_17 : memref<1x128xi32, #tpu.memory_space<vmem>> -> memref<128xi32, #tpu.memory_space<vmem>>
    %dma_wait3A_19 = arith.constant 0 : i32
    %dma_wait3A_20 = arith.constant 0 : i32
    %dma_wait3A_21 = tpu.memref_slice %arg6[%dma_wait3A_19, %dma_wait3A_20] : memref<10112x128xf32, #tpu.memory_space<vmem_shared>> -> memref<10112x128xf32, #tpu.memory_space<vmem_shared>>
    tpu.wait_indirect_dma semaphore(%arg10 : memref<!tpu.dma_semaphore, #tpu.memory_space<semaphore_mem>>) src(%arg8 : memref<128x128xf32, #tpu.memory_space<vmem>>) dst(%dma_wait3A_21 : memref<10112x128xf32, #tpu.memory_space<vmem_shared>>)
    %run_scoped3A_22 = arith.constant 1 : i32
    "tpu.region"() ({
      %run_scoped3A_93 = tpu.sem_alloc : memref<!tpu.dma_semaphore, #tpu.memory_space<semaphore_mem>>
      %dma_start3A = arith.constant 0 : i32
      %dma_start3A_94 = arith.constant 0 : i32
      %dma_start3A_95 = tpu.memref_slice %arg4[%run_scoped3A_22, %dma_start3A, %dma_start3A_94] : memref<4x128x128xf32, #tpu.memory_space<hbm>> -> memref<1x128x128xf32, #tpu.memory_space<hbm>>
      %dma_start3A_96 = tpu.memref_squeeze %dma_start3A_95 : memref<1x128x128xf32, #tpu.memory_space<hbm>> -> memref<128x128xf32, #tpu.memory_space<hbm>>
      %dma_start3A_97 = arith.constant 0 : i32
      %dma_start3A_98 = arith.constant 0 : i32
      %dma_start3A_99 = tpu.memref_slice %arg4[%run_scoped3A_22, %dma_start3A_97, %dma_start3A_98] : memref<4x128x128xf32, #tpu.memory_space<hbm>> -> memref<1x128x128xf32, #tpu.memory_space<hbm>>
      %dma_start3A_100 = tpu.memref_squeeze %dma_start3A_99 : memref<1x128x128xf32, #tpu.memory_space<hbm>> -> memref<128x128xf32, #tpu.memory_space<hbm>>
      tpu.enqueue_dma source(%dma_start3A_100 : memref<128x128xf32, #tpu.memory_space<hbm>>) target(%arg8 : memref<128x128xf32, #tpu.memory_space<vmem>>) target_semaphore(%run_scoped3A_93 : memref<!tpu.dma_semaphore, #tpu.memory_space<semaphore_mem>>)
      %dma_wait3A_101 = arith.constant 0 : i32
      %dma_wait3A_102 = arith.constant 0 : i32
      %dma_wait3A_103 = tpu.memref_slice %arg4[%run_scoped3A_22, %dma_wait3A_101, %dma_wait3A_102] : memref<4x128x128xf32, #tpu.memory_space<hbm>> -> memref<1x128x128xf32, #tpu.memory_space<hbm>>
      %dma_wait3A_104 = tpu.memref_squeeze %dma_wait3A_103 : memref<1x128x128xf32, #tpu.memory_space<hbm>> -> memref<128x128xf32, #tpu.memory_space<hbm>>
      %dma_wait3A_105 = arith.constant 0 : i32
      %dma_wait3A_106 = arith.constant 0 : i32
      %dma_wait3A_107 = tpu.memref_slice %arg4[%run_scoped3A_22, %dma_wait3A_105, %dma_wait3A_106] : memref<4x128x128xf32, #tpu.memory_space<hbm>> -> memref<1x128x128xf32, #tpu.memory_space<hbm>>
      %dma_wait3A_108 = tpu.memref_squeeze %dma_wait3A_107 : memref<1x128x128xf32, #tpu.memory_space<hbm>> -> memref<128x128xf32, #tpu.memory_space<hbm>>
      tpu.wait_dma2 semaphore(%run_scoped3A_93 : memref<!tpu.dma_semaphore, #tpu.memory_space<semaphore_mem>>) src(%dma_wait3A_108 : memref<128x128xf32, #tpu.memory_space<hbm>>) dst(%arg8 : memref<128x128xf32, #tpu.memory_space<vmem>>)
      tpu.yield
    }) : () -> ()
    %run_scoped3A_23 = arith.constant 1 : i32
    "tpu.region"() ({
      %run_scoped3A_93 = tpu.sem_alloc : memref<!tpu.dma_semaphore, #tpu.memory_space<semaphore_mem>>
      %dma_start3A = arith.constant 0 : i32
      %dma_start3A_94 = arith.constant 0 : i32
      %dma_start3A_95 = tpu.memref_slice %arg2[%run_scoped3A_23, %add3A, %dma_start3A, %dma_start3A_94] : memref<4x32x80x128xi32, #tpu.memory_space<hbm>> -> memref<1x1x80x128xi32, #tpu.memory_space<hbm>>
      %dma_start3A_96 = tpu.memref_squeeze %dma_start3A_95 : memref<1x1x80x128xi32, #tpu.memory_space<hbm>> -> memref<80x128xi32, #tpu.memory_space<hbm>>
      %dma_start3A_97 = arith.constant 0 : i32
      %dma_start3A_98 = arith.constant 0 : i32
      %dma_start3A_99 = tpu.memref_slice %arg2[%run_scoped3A_23, %add3A, %dma_start3A_97, %dma_start3A_98] : memref<4x32x80x128xi32, #tpu.memory_space<hbm>> -> memref<1x1x80x128xi32, #tpu.memory_space<hbm>>
      %dma_start3A_100 = tpu.memref_squeeze %dma_start3A_99 : memref<1x1x80x128xi32, #tpu.memory_space<hbm>> -> memref<80x128xi32, #tpu.memory_space<hbm>>
      tpu.enqueue_dma source(%dma_start3A_100 : memref<80x128xi32, #tpu.memory_space<hbm>>) target(%arg7 : memref<80x128xi32, #tpu.memory_space<vmem>>) target_semaphore(%run_scoped3A_93 : memref<!tpu.dma_semaphore, #tpu.memory_space<semaphore_mem>>)
      %dma_wait3A_101 = arith.constant 0 : i32
      %dma_wait3A_102 = arith.constant 0 : i32
      %dma_wait3A_103 = tpu.memref_slice %arg2[%run_scoped3A_23, %add3A, %dma_wait3A_101, %dma_wait3A_102] : memref<4x32x80x128xi32, #tpu.memory_space<hbm>> -> memref<1x1x80x128xi32, #tpu.memory_space<hbm>>
      %dma_wait3A_104 = tpu.memref_squeeze %dma_wait3A_103 : memref<1x1x80x128xi32, #tpu.memory_space<hbm>> -> memref<80x128xi32, #tpu.memory_space<hbm>>
      %dma_wait3A_105 = arith.constant 0 : i32
      %dma_wait3A_106 = arith.constant 0 : i32
      %dma_wait3A_107 = tpu.memref_slice %arg2[%run_scoped3A_23, %add3A, %dma_wait3A_105, %dma_wait3A_106] : memref<4x32x80x128xi32, #tpu.memory_space<hbm>> -> memref<1x1x80x128xi32, #tpu.memory_space<hbm>>
      %dma_wait3A_108 = tpu.memref_squeeze %dma_wait3A_107 : memref<1x1x80x128xi32, #tpu.memory_space<hbm>> -> memref<80x128xi32, #tpu.memory_space<hbm>>
      tpu.wait_dma2 semaphore(%run_scoped3A_93 : memref<!tpu.dma_semaphore, #tpu.memory_space<semaphore_mem>>) src(%dma_wait3A_108 : memref<80x128xi32, #tpu.memory_space<hbm>>) dst(%arg7 : memref<80x128xi32, #tpu.memory_space<vmem>>)
      tpu.yield
    }) : () -> ()
    %scan3A_24 = arith.constant 0 : i32
    %scan3A_25 = arith.constant 0 : i32
    %scan3A_26 = arith.constant 40 : i32
    %scan3A_27 = arith.addi %scan3A_25, %scan3A_26 : i32
    %scan3A_28 = arith.constant 1 : i32
    scf.for %scan3A_93 = %scan3A_25 to %scan3A_27 step %scan3A_28  : i32 {
      %ge3A = arith.constant 1 : i32
      %ge3A_94 = arith.cmpi sge, %scan3A_93, %ge3A : i32
      %convert_element_type3A = arith.extui %ge3A_94 : i1 to i32
      %cond3A = arith.constant 0 : i32
      %cond3A_95 = arith.cmpi ne, %convert_element_type3A, %cond3A : i32
      scf.if %cond3A_95 {
        %dma_wait3A_120 = arith.constant 0 : i32
        %dma_wait3A_121 = arith.constant 0 : i32
        %dma_wait3A_122 = tpu.memref_slice %arg7[%dma_wait3A_120, %dma_wait3A_121] : memref<80x128xi32, #tpu.memory_space<vmem>> -> memref<1x128xi32, #tpu.memory_space<vmem>>
        %dma_wait3A_123 = tpu.memref_squeeze %dma_wait3A_122 : memref<1x128xi32, #tpu.memory_space<vmem>> -> memref<128xi32, #tpu.memory_space<vmem>>
        %dma_wait3A_124 = arith.constant 0 : i32
        %dma_wait3A_125 = arith.constant 0 : i32
        %dma_wait3A_126 = tpu.memref_slice %arg6[%dma_wait3A_124, %dma_wait3A_125] : memref<10112x128xf32, #tpu.memory_space<vmem_shared>> -> memref<10112x128xf32, #tpu.memory_space<vmem_shared>>
        tpu.wait_indirect_dma semaphore(%arg9 : memref<!tpu.dma_semaphore, #tpu.memory_space<semaphore_mem>>) src(%arg8 : memref<128x128xf32, #tpu.memory_space<vmem>>) dst(%dma_wait3A_126 : memref<10112x128xf32, #tpu.memory_space<vmem_shared>>)
      } else {
      }
      %mul3A_96 = arith.constant 2 : i32
      %mul3A_97 = arith.muli %mul3A_96, %scan3A_93 : i32
      %add3A_98 = arith.constant 0 : i32
      %add3A_99 = arith.addi %mul3A_97, %add3A_98 : i32
      %dma_start3A = arith.constant 0 : i32
      %dma_start3A_100 = tpu.memref_slice %arg7[%add3A_99, %dma_start3A] : memref<80x128xi32, #tpu.memory_space<vmem>> -> memref<1x128xi32, #tpu.memory_space<vmem>>
      %dma_start3A_101 = tpu.memref_squeeze %dma_start3A_100 : memref<1x128xi32, #tpu.memory_space<vmem>> -> memref<128xi32, #tpu.memory_space<vmem>>
      %dma_start3A_102 = arith.constant 0 : i32
      %dma_start3A_103 = arith.constant 0 : i32
      %dma_start3A_104 = tpu.memref_slice %arg6[%dma_start3A_102, %dma_start3A_103] : memref<10112x128xf32, #tpu.memory_space<vmem_shared>> -> memref<10112x128xf32, #tpu.memory_space<vmem_shared>>
      tpu.enqueue_indirect_dma source(%arg8 : memref<128x128xf32, #tpu.memory_space<vmem>>) target(%dma_start3A_104 : memref<10112x128xf32, #tpu.memory_space<vmem_shared>>) offsets(%dma_start3A_101 : memref<128xi32, #tpu.memory_space<vmem>>) semaphore(%arg9 : memref<!tpu.dma_semaphore, #tpu.memory_space<semaphore_mem>>) {add = true}
      %ge3A_105 = arith.constant 1 : i32
      %ge3A_106 = arith.cmpi sge, %scan3A_93, %ge3A_105 : i32
      %convert_element_type3A_107 = arith.extui %ge3A_106 : i1 to i32
      %cond3A_108 = arith.constant 0 : i32
      %cond3A_109 = arith.cmpi ne, %convert_element_type3A_107, %cond3A_108 : i32
      scf.if %cond3A_109 {
        %dma_wait3A_120 = arith.constant 0 : i32
        %dma_wait3A_121 = arith.constant 0 : i32
        %dma_wait3A_122 = tpu.memref_slice %arg7[%dma_wait3A_120, %dma_wait3A_121] : memref<80x128xi32, #tpu.memory_space<vmem>> -> memref<1x128xi32, #tpu.memory_space<vmem>>
        %dma_wait3A_123 = tpu.memref_squeeze %dma_wait3A_122 : memref<1x128xi32, #tpu.memory_space<vmem>> -> memref<128xi32, #tpu.memory_space<vmem>>
        %dma_wait3A_124 = arith.constant 0 : i32
        %dma_wait3A_125 = arith.constant 0 : i32
        %dma_wait3A_126 = tpu.memref_slice %arg6[%dma_wait3A_124, %dma_wait3A_125] : memref<10112x128xf32, #tpu.memory_space<vmem_shared>> -> memref<10112x128xf32, #tpu.memory_space<vmem_shared>>
        tpu.wait_indirect_dma semaphore(%arg10 : memref<!tpu.dma_semaphore, #tpu.memory_space<semaphore_mem>>) src(%arg8 : memref<128x128xf32, #tpu.memory_space<vmem>>) dst(%dma_wait3A_126 : memref<10112x128xf32, #tpu.memory_space<vmem_shared>>)
      } else {
      }
      %mul3A_110 = arith.constant 2 : i32
      %mul3A_111 = arith.muli %mul3A_110, %scan3A_93 : i32
      %add3A_112 = arith.constant 1 : i32
      %add3A_113 = arith.addi %mul3A_111, %add3A_112 : i32
      %dma_start3A_114 = arith.constant 0 : i32
      %dma_start3A_115 = tpu.memref_slice %arg7[%add3A_113, %dma_start3A_114] : memref<80x128xi32, #tpu.memory_space<vmem>> -> memref<1x128xi32, #tpu.memory_space<vmem>>
      %dma_start3A_116 = tpu.memref_squeeze %dma_start3A_115 : memref<1x128xi32, #tpu.memory_space<vmem>> -> memref<128xi32, #tpu.memory_space<vmem>>
      %dma_start3A_117 = arith.constant 0 : i32
      %dma_start3A_118 = arith.constant 0 : i32
      %dma_start3A_119 = tpu.memref_slice %arg6[%dma_start3A_117, %dma_start3A_118] : memref<10112x128xf32, #tpu.memory_space<vmem_shared>> -> memref<10112x128xf32, #tpu.memory_space<vmem_shared>>
      tpu.enqueue_indirect_dma source(%arg8 : memref<128x128xf32, #tpu.memory_space<vmem>>) target(%dma_start3A_119 : memref<10112x128xf32, #tpu.memory_space<vmem_shared>>) offsets(%dma_start3A_116 : memref<128xi32, #tpu.memory_space<vmem>>) semaphore(%arg10 : memref<!tpu.dma_semaphore, #tpu.memory_space<semaphore_mem>>) {add = true}
    }
    %scan3A_29 = arith.constant 40 : i32
    %dma_wait3A_30 = arith.constant 0 : i32
    %dma_wait3A_31 = arith.constant 0 : i32
    %dma_wait3A_32 = tpu.memref_slice %arg7[%dma_wait3A_30, %dma_wait3A_31] : memref<80x128xi32, #tpu.memory_space<vmem>> -> memref<1x128xi32, #tpu.memory_space<vmem>>
    %dma_wait3A_33 = tpu.memref_squeeze %dma_wait3A_32 : memref<1x128xi32, #tpu.memory_space<vmem>> -> memref<128xi32, #tpu.memory_space<vmem>>
    %dma_wait3A_34 = arith.constant 0 : i32
    %dma_wait3A_35 = arith.constant 0 : i32
    %dma_wait3A_36 = tpu.memref_slice %arg6[%dma_wait3A_34, %dma_wait3A_35] : memref<10112x128xf32, #tpu.memory_space<vmem_shared>> -> memref<10112x128xf32, #tpu.memory_space<vmem_shared>>
    tpu.wait_indirect_dma semaphore(%arg9 : memref<!tpu.dma_semaphore, #tpu.memory_space<semaphore_mem>>) src(%arg8 : memref<128x128xf32, #tpu.memory_space<vmem>>) dst(%dma_wait3A_36 : memref<10112x128xf32, #tpu.memory_space<vmem_shared>>)
    %dma_wait3A_37 = arith.constant 0 : i32
    %dma_wait3A_38 = arith.constant 0 : i32
    %dma_wait3A_39 = tpu.memref_slice %arg7[%dma_wait3A_37, %dma_wait3A_38] : memref<80x128xi32, #tpu.memory_space<vmem>> -> memref<1x128xi32, #tpu.memory_space<vmem>>
    %dma_wait3A_40 = tpu.memref_squeeze %dma_wait3A_39 : memref<1x128xi32, #tpu.memory_space<vmem>> -> memref<128xi32, #tpu.memory_space<vmem>>
    %dma_wait3A_41 = arith.constant 0 : i32
    %dma_wait3A_42 = arith.constant 0 : i32
    %dma_wait3A_43 = tpu.memref_slice %arg6[%dma_wait3A_41, %dma_wait3A_42] : memref<10112x128xf32, #tpu.memory_space<vmem_shared>> -> memref<10112x128xf32, #tpu.memory_space<vmem_shared>>
    tpu.wait_indirect_dma semaphore(%arg10 : memref<!tpu.dma_semaphore, #tpu.memory_space<semaphore_mem>>) src(%arg8 : memref<128x128xf32, #tpu.memory_space<vmem>>) dst(%dma_wait3A_43 : memref<10112x128xf32, #tpu.memory_space<vmem_shared>>)
    %run_scoped3A_44 = arith.constant 2 : i32
    "tpu.region"() ({
      %run_scoped3A_93 = tpu.sem_alloc : memref<!tpu.dma_semaphore, #tpu.memory_space<semaphore_mem>>
      %dma_start3A = arith.constant 0 : i32
      %dma_start3A_94 = arith.constant 0 : i32
      %dma_start3A_95 = tpu.memref_slice %arg4[%run_scoped3A_44, %dma_start3A, %dma_start3A_94] : memref<4x128x128xf32, #tpu.memory_space<hbm>> -> memref<1x128x128xf32, #tpu.memory_space<hbm>>
      %dma_start3A_96 = tpu.memref_squeeze %dma_start3A_95 : memref<1x128x128xf32, #tpu.memory_space<hbm>> -> memref<128x128xf32, #tpu.memory_space<hbm>>
      %dma_start3A_97 = arith.constant 0 : i32
      %dma_start3A_98 = arith.constant 0 : i32
      %dma_start3A_99 = tpu.memref_slice %arg4[%run_scoped3A_44, %dma_start3A_97, %dma_start3A_98] : memref<4x128x128xf32, #tpu.memory_space<hbm>> -> memref<1x128x128xf32, #tpu.memory_space<hbm>>
      %dma_start3A_100 = tpu.memref_squeeze %dma_start3A_99 : memref<1x128x128xf32, #tpu.memory_space<hbm>> -> memref<128x128xf32, #tpu.memory_space<hbm>>
      tpu.enqueue_dma source(%dma_start3A_100 : memref<128x128xf32, #tpu.memory_space<hbm>>) target(%arg8 : memref<128x128xf32, #tpu.memory_space<vmem>>) target_semaphore(%run_scoped3A_93 : memref<!tpu.dma_semaphore, #tpu.memory_space<semaphore_mem>>)
      %dma_wait3A_101 = arith.constant 0 : i32
      %dma_wait3A_102 = arith.constant 0 : i32
      %dma_wait3A_103 = tpu.memref_slice %arg4[%run_scoped3A_44, %dma_wait3A_101, %dma_wait3A_102] : memref<4x128x128xf32, #tpu.memory_space<hbm>> -> memref<1x128x128xf32, #tpu.memory_space<hbm>>
      %dma_wait3A_104 = tpu.memref_squeeze %dma_wait3A_103 : memref<1x128x128xf32, #tpu.memory_space<hbm>> -> memref<128x128xf32, #tpu.memory_space<hbm>>
      %dma_wait3A_105 = arith.constant 0 : i32
      %dma_wait3A_106 = arith.constant 0 : i32
      %dma_wait3A_107 = tpu.memref_slice %arg4[%run_scoped3A_44, %dma_wait3A_105, %dma_wait3A_106] : memref<4x128x128xf32, #tpu.memory_space<hbm>> -> memref<1x128x128xf32, #tpu.memory_space<hbm>>
      %dma_wait3A_108 = tpu.memref_squeeze %dma_wait3A_107 : memref<1x128x128xf32, #tpu.memory_space<hbm>> -> memref<128x128xf32, #tpu.memory_space<hbm>>
      tpu.wait_dma2 semaphore(%run_scoped3A_93 : memref<!tpu.dma_semaphore, #tpu.memory_space<semaphore_mem>>) src(%dma_wait3A_108 : memref<128x128xf32, #tpu.memory_space<hbm>>) dst(%arg8 : memref<128x128xf32, #tpu.memory_space<vmem>>)
      tpu.yield
    }) : () -> ()
    %run_scoped3A_45 = arith.constant 2 : i32
    "tpu.region"() ({
      %run_scoped3A_93 = tpu.sem_alloc : memref<!tpu.dma_semaphore, #tpu.memory_space<semaphore_mem>>
      %dma_start3A = arith.constant 0 : i32
      %dma_start3A_94 = arith.constant 0 : i32
      %dma_start3A_95 = tpu.memref_slice %arg2[%run_scoped3A_45, %add3A, %dma_start3A, %dma_start3A_94] : memref<4x32x80x128xi32, #tpu.memory_space<hbm>> -> memref<1x1x80x128xi32, #tpu.memory_space<hbm>>
      %dma_start3A_96 = tpu.memref_squeeze %dma_start3A_95 : memref<1x1x80x128xi32, #tpu.memory_space<hbm>> -> memref<80x128xi32, #tpu.memory_space<hbm>>
      %dma_start3A_97 = arith.constant 0 : i32
      %dma_start3A_98 = arith.constant 0 : i32
      %dma_start3A_99 = tpu.memref_slice %arg2[%run_scoped3A_45, %add3A, %dma_start3A_97, %dma_start3A_98] : memref<4x32x80x128xi32, #tpu.memory_space<hbm>> -> memref<1x1x80x128xi32, #tpu.memory_space<hbm>>
      %dma_start3A_100 = tpu.memref_squeeze %dma_start3A_99 : memref<1x1x80x128xi32, #tpu.memory_space<hbm>> -> memref<80x128xi32, #tpu.memory_space<hbm>>
      tpu.enqueue_dma source(%dma_start3A_100 : memref<80x128xi32, #tpu.memory_space<hbm>>) target(%arg7 : memref<80x128xi32, #tpu.memory_space<vmem>>) target_semaphore(%run_scoped3A_93 : memref<!tpu.dma_semaphore, #tpu.memory_space<semaphore_mem>>)
      %dma_wait3A_101 = arith.constant 0 : i32
      %dma_wait3A_102 = arith.constant 0 : i32
      %dma_wait3A_103 = tpu.memref_slice %arg2[%run_scoped3A_45, %add3A, %dma_wait3A_101, %dma_wait3A_102] : memref<4x32x80x128xi32, #tpu.memory_space<hbm>> -> memref<1x1x80x128xi32, #tpu.memory_space<hbm>>
      %dma_wait3A_104 = tpu.memref_squeeze %dma_wait3A_103 : memref<1x1x80x128xi32, #tpu.memory_space<hbm>> -> memref<80x128xi32, #tpu.memory_space<hbm>>
      %dma_wait3A_105 = arith.constant 0 : i32
      %dma_wait3A_106 = arith.constant 0 : i32
      %dma_wait3A_107 = tpu.memref_slice %arg2[%run_scoped3A_45, %add3A, %dma_wait3A_105, %dma_wait3A_106] : memref<4x32x80x128xi32, #tpu.memory_space<hbm>> -> memref<1x1x80x128xi32, #tpu.memory_space<hbm>>
      %dma_wait3A_108 = tpu.memref_squeeze %dma_wait3A_107 : memref<1x1x80x128xi32, #tpu.memory_space<hbm>> -> memref<80x128xi32, #tpu.memory_space<hbm>>
      tpu.wait_dma2 semaphore(%run_scoped3A_93 : memref<!tpu.dma_semaphore, #tpu.memory_space<semaphore_mem>>) src(%dma_wait3A_108 : memref<80x128xi32, #tpu.memory_space<hbm>>) dst(%arg7 : memref<80x128xi32, #tpu.memory_space<vmem>>)
      tpu.yield
    }) : () -> ()
    %scan3A_46 = arith.constant 0 : i32
    %scan3A_47 = arith.constant 0 : i32
    %scan3A_48 = arith.constant 40 : i32
    %scan3A_49 = arith.addi %scan3A_47, %scan3A_48 : i32
    %scan3A_50 = arith.constant 1 : i32
    scf.for %scan3A_93 = %scan3A_47 to %scan3A_49 step %scan3A_50  : i32 {
      %ge3A = arith.constant 1 : i32
      %ge3A_94 = arith.cmpi sge, %scan3A_93, %ge3A : i32
      %convert_element_type3A = arith.extui %ge3A_94 : i1 to i32
      %cond3A = arith.constant 0 : i32
      %cond3A_95 = arith.cmpi ne, %convert_element_type3A, %cond3A : i32
      scf.if %cond3A_95 {
        %dma_wait3A_120 = arith.constant 0 : i32
        %dma_wait3A_121 = arith.constant 0 : i32
        %dma_wait3A_122 = tpu.memref_slice %arg7[%dma_wait3A_120, %dma_wait3A_121] : memref<80x128xi32, #tpu.memory_space<vmem>> -> memref<1x128xi32, #tpu.memory_space<vmem>>
        %dma_wait3A_123 = tpu.memref_squeeze %dma_wait3A_122 : memref<1x128xi32, #tpu.memory_space<vmem>> -> memref<128xi32, #tpu.memory_space<vmem>>
        %dma_wait3A_124 = arith.constant 0 : i32
        %dma_wait3A_125 = arith.constant 0 : i32
        %dma_wait3A_126 = tpu.memref_slice %arg6[%dma_wait3A_124, %dma_wait3A_125] : memref<10112x128xf32, #tpu.memory_space<vmem_shared>> -> memref<10112x128xf32, #tpu.memory_space<vmem_shared>>
        tpu.wait_indirect_dma semaphore(%arg9 : memref<!tpu.dma_semaphore, #tpu.memory_space<semaphore_mem>>) src(%arg8 : memref<128x128xf32, #tpu.memory_space<vmem>>) dst(%dma_wait3A_126 : memref<10112x128xf32, #tpu.memory_space<vmem_shared>>)
      } else {
      }
      %mul3A_96 = arith.constant 2 : i32
      %mul3A_97 = arith.muli %mul3A_96, %scan3A_93 : i32
      %add3A_98 = arith.constant 0 : i32
      %add3A_99 = arith.addi %mul3A_97, %add3A_98 : i32
      %dma_start3A = arith.constant 0 : i32
      %dma_start3A_100 = tpu.memref_slice %arg7[%add3A_99, %dma_start3A] : memref<80x128xi32, #tpu.memory_space<vmem>> -> memref<1x128xi32, #tpu.memory_space<vmem>>
      %dma_start3A_101 = tpu.memref_squeeze %dma_start3A_100 : memref<1x128xi32, #tpu.memory_space<vmem>> -> memref<128xi32, #tpu.memory_space<vmem>>
      %dma_start3A_102 = arith.constant 0 : i32
      %dma_start3A_103 = arith.constant 0 : i32
      %dma_start3A_104 = tpu.memref_slice %arg6[%dma_start3A_102, %dma_start3A_103] : memref<10112x128xf32, #tpu.memory_space<vmem_shared>> -> memref<10112x128xf32, #tpu.memory_space<vmem_shared>>
      tpu.enqueue_indirect_dma source(%arg8 : memref<128x128xf32, #tpu.memory_space<vmem>>) target(%dma_start3A_104 : memref<10112x128xf32, #tpu.memory_space<vmem_shared>>) offsets(%dma_start3A_101 : memref<128xi32, #tpu.memory_space<vmem>>) semaphore(%arg9 : memref<!tpu.dma_semaphore, #tpu.memory_space<semaphore_mem>>) {add = true}
      %ge3A_105 = arith.constant 1 : i32
      %ge3A_106 = arith.cmpi sge, %scan3A_93, %ge3A_105 : i32
      %convert_element_type3A_107 = arith.extui %ge3A_106 : i1 to i32
      %cond3A_108 = arith.constant 0 : i32
      %cond3A_109 = arith.cmpi ne, %convert_element_type3A_107, %cond3A_108 : i32
      scf.if %cond3A_109 {
        %dma_wait3A_120 = arith.constant 0 : i32
        %dma_wait3A_121 = arith.constant 0 : i32
        %dma_wait3A_122 = tpu.memref_slice %arg7[%dma_wait3A_120, %dma_wait3A_121] : memref<80x128xi32, #tpu.memory_space<vmem>> -> memref<1x128xi32, #tpu.memory_space<vmem>>
        %dma_wait3A_123 = tpu.memref_squeeze %dma_wait3A_122 : memref<1x128xi32, #tpu.memory_space<vmem>> -> memref<128xi32, #tpu.memory_space<vmem>>
        %dma_wait3A_124 = arith.constant 0 : i32
        %dma_wait3A_125 = arith.constant 0 : i32
        %dma_wait3A_126 = tpu.memref_slice %arg6[%dma_wait3A_124, %dma_wait3A_125] : memref<10112x128xf32, #tpu.memory_space<vmem_shared>> -> memref<10112x128xf32, #tpu.memory_space<vmem_shared>>
        tpu.wait_indirect_dma semaphore(%arg10 : memref<!tpu.dma_semaphore, #tpu.memory_space<semaphore_mem>>) src(%arg8 : memref<128x128xf32, #tpu.memory_space<vmem>>) dst(%dma_wait3A_126 : memref<10112x128xf32, #tpu.memory_space<vmem_shared>>)
      } else {
      }
      %mul3A_110 = arith.constant 2 : i32
      %mul3A_111 = arith.muli %mul3A_110, %scan3A_93 : i32
      %add3A_112 = arith.constant 1 : i32
      %add3A_113 = arith.addi %mul3A_111, %add3A_112 : i32
      %dma_start3A_114 = arith.constant 0 : i32
      %dma_start3A_115 = tpu.memref_slice %arg7[%add3A_113, %dma_start3A_114] : memref<80x128xi32, #tpu.memory_space<vmem>> -> memref<1x128xi32, #tpu.memory_space<vmem>>
      %dma_start3A_116 = tpu.memref_squeeze %dma_start3A_115 : memref<1x128xi32, #tpu.memory_space<vmem>> -> memref<128xi32, #tpu.memory_space<vmem>>
      %dma_start3A_117 = arith.constant 0 : i32
      %dma_start3A_118 = arith.constant 0 : i32
      %dma_start3A_119 = tpu.memref_slice %arg6[%dma_start3A_117, %dma_start3A_118] : memref<10112x128xf32, #tpu.memory_space<vmem_shared>> -> memref<10112x128xf32, #tpu.memory_space<vmem_shared>>
      tpu.enqueue_indirect_dma source(%arg8 : memref<128x128xf32, #tpu.memory_space<vmem>>) target(%dma_start3A_119 : memref<10112x128xf32, #tpu.memory_space<vmem_shared>>) offsets(%dma_start3A_116 : memref<128xi32, #tpu.memory_space<vmem>>) semaphore(%arg10 : memref<!tpu.dma_semaphore, #tpu.memory_space<semaphore_mem>>) {add = true}
    }
    %scan3A_51 = arith.constant 40 : i32
    %dma_wait3A_52 = arith.constant 0 : i32
    %dma_wait3A_53 = arith.constant 0 : i32
    %dma_wait3A_54 = tpu.memref_slice %arg7[%dma_wait3A_52, %dma_wait3A_53] : memref<80x128xi32, #tpu.memory_space<vmem>> -> memref<1x128xi32, #tpu.memory_space<vmem>>
    %dma_wait3A_55 = tpu.memref_squeeze %dma_wait3A_54 : memref<1x128xi32, #tpu.memory_space<vmem>> -> memref<128xi32, #tpu.memory_space<vmem>>
    %dma_wait3A_56 = arith.constant 0 : i32
    %dma_wait3A_57 = arith.constant 0 : i32
    %dma_wait3A_58 = tpu.memref_slice %arg6[%dma_wait3A_56, %dma_wait3A_57] : memref<10112x128xf32, #tpu.memory_space<vmem_shared>> -> memref<10112x128xf32, #tpu.memory_space<vmem_shared>>
    tpu.wait_indirect_dma semaphore(%arg9 : memref<!tpu.dma_semaphore, #tpu.memory_space<semaphore_mem>>) src(%arg8 : memref<128x128xf32, #tpu.memory_space<vmem>>) dst(%dma_wait3A_58 : memref<10112x128xf32, #tpu.memory_space<vmem_shared>>)
    %dma_wait3A_59 = arith.constant 0 : i32
    %dma_wait3A_60 = arith.constant 0 : i32
    %dma_wait3A_61 = tpu.memref_slice %arg7[%dma_wait3A_59, %dma_wait3A_60] : memref<80x128xi32, #tpu.memory_space<vmem>> -> memref<1x128xi32, #tpu.memory_space<vmem>>
    %dma_wait3A_62 = tpu.memref_squeeze %dma_wait3A_61 : memref<1x128xi32, #tpu.memory_space<vmem>> -> memref<128xi32, #tpu.memory_space<vmem>>
    %dma_wait3A_63 = arith.constant 0 : i32
    %dma_wait3A_64 = arith.constant 0 : i32
    %dma_wait3A_65 = tpu.memref_slice %arg6[%dma_wait3A_63, %dma_wait3A_64] : memref<10112x128xf32, #tpu.memory_space<vmem_shared>> -> memref<10112x128xf32, #tpu.memory_space<vmem_shared>>
    tpu.wait_indirect_dma semaphore(%arg10 : memref<!tpu.dma_semaphore, #tpu.memory_space<semaphore_mem>>) src(%arg8 : memref<128x128xf32, #tpu.memory_space<vmem>>) dst(%dma_wait3A_65 : memref<10112x128xf32, #tpu.memory_space<vmem_shared>>)
    %run_scoped3A_66 = arith.constant 3 : i32
    "tpu.region"() ({
      %run_scoped3A_93 = tpu.sem_alloc : memref<!tpu.dma_semaphore, #tpu.memory_space<semaphore_mem>>
      %dma_start3A = arith.constant 0 : i32
      %dma_start3A_94 = arith.constant 0 : i32
      %dma_start3A_95 = tpu.memref_slice %arg4[%run_scoped3A_66, %dma_start3A, %dma_start3A_94] : memref<4x128x128xf32, #tpu.memory_space<hbm>> -> memref<1x128x128xf32, #tpu.memory_space<hbm>>
      %dma_start3A_96 = tpu.memref_squeeze %dma_start3A_95 : memref<1x128x128xf32, #tpu.memory_space<hbm>> -> memref<128x128xf32, #tpu.memory_space<hbm>>
      %dma_start3A_97 = arith.constant 0 : i32
      %dma_start3A_98 = arith.constant 0 : i32
      %dma_start3A_99 = tpu.memref_slice %arg4[%run_scoped3A_66, %dma_start3A_97, %dma_start3A_98] : memref<4x128x128xf32, #tpu.memory_space<hbm>> -> memref<1x128x128xf32, #tpu.memory_space<hbm>>
      %dma_start3A_100 = tpu.memref_squeeze %dma_start3A_99 : memref<1x128x128xf32, #tpu.memory_space<hbm>> -> memref<128x128xf32, #tpu.memory_space<hbm>>
      tpu.enqueue_dma source(%dma_start3A_100 : memref<128x128xf32, #tpu.memory_space<hbm>>) target(%arg8 : memref<128x128xf32, #tpu.memory_space<vmem>>) target_semaphore(%run_scoped3A_93 : memref<!tpu.dma_semaphore, #tpu.memory_space<semaphore_mem>>)
      %dma_wait3A_101 = arith.constant 0 : i32
      %dma_wait3A_102 = arith.constant 0 : i32
      %dma_wait3A_103 = tpu.memref_slice %arg4[%run_scoped3A_66, %dma_wait3A_101, %dma_wait3A_102] : memref<4x128x128xf32, #tpu.memory_space<hbm>> -> memref<1x128x128xf32, #tpu.memory_space<hbm>>
      %dma_wait3A_104 = tpu.memref_squeeze %dma_wait3A_103 : memref<1x128x128xf32, #tpu.memory_space<hbm>> -> memref<128x128xf32, #tpu.memory_space<hbm>>
      %dma_wait3A_105 = arith.constant 0 : i32
      %dma_wait3A_106 = arith.constant 0 : i32
      %dma_wait3A_107 = tpu.memref_slice %arg4[%run_scoped3A_66, %dma_wait3A_105, %dma_wait3A_106] : memref<4x128x128xf32, #tpu.memory_space<hbm>> -> memref<1x128x128xf32, #tpu.memory_space<hbm>>
      %dma_wait3A_108 = tpu.memref_squeeze %dma_wait3A_107 : memref<1x128x128xf32, #tpu.memory_space<hbm>> -> memref<128x128xf32, #tpu.memory_space<hbm>>
      tpu.wait_dma2 semaphore(%run_scoped3A_93 : memref<!tpu.dma_semaphore, #tpu.memory_space<semaphore_mem>>) src(%dma_wait3A_108 : memref<128x128xf32, #tpu.memory_space<hbm>>) dst(%arg8 : memref<128x128xf32, #tpu.memory_space<vmem>>)
      tpu.yield
    }) : () -> ()
    %run_scoped3A_67 = arith.constant 3 : i32
    "tpu.region"() ({
      %run_scoped3A_93 = tpu.sem_alloc : memref<!tpu.dma_semaphore, #tpu.memory_space<semaphore_mem>>
      %dma_start3A = arith.constant 0 : i32
      %dma_start3A_94 = arith.constant 0 : i32
      %dma_start3A_95 = tpu.memref_slice %arg2[%run_scoped3A_67, %add3A, %dma_start3A, %dma_start3A_94] : memref<4x32x80x128xi32, #tpu.memory_space<hbm>> -> memref<1x1x80x128xi32, #tpu.memory_space<hbm>>
      %dma_start3A_96 = tpu.memref_squeeze %dma_start3A_95 : memref<1x1x80x128xi32, #tpu.memory_space<hbm>> -> memref<80x128xi32, #tpu.memory_space<hbm>>
      %dma_start3A_97 = arith.constant 0 : i32
      %dma_start3A_98 = arith.constant 0 : i32
      %dma_start3A_99 = tpu.memref_slice %arg2[%run_scoped3A_67, %add3A, %dma_start3A_97, %dma_start3A_98] : memref<4x32x80x128xi32, #tpu.memory_space<hbm>> -> memref<1x1x80x128xi32, #tpu.memory_space<hbm>>
      %dma_start3A_100 = tpu.memref_squeeze %dma_start3A_99 : memref<1x1x80x128xi32, #tpu.memory_space<hbm>> -> memref<80x128xi32, #tpu.memory_space<hbm>>
      tpu.enqueue_dma source(%dma_start3A_100 : memref<80x128xi32, #tpu.memory_space<hbm>>) target(%arg7 : memref<80x128xi32, #tpu.memory_space<vmem>>) target_semaphore(%run_scoped3A_93 : memref<!tpu.dma_semaphore, #tpu.memory_space<semaphore_mem>>)
      %dma_wait3A_101 = arith.constant 0 : i32
      %dma_wait3A_102 = arith.constant 0 : i32
      %dma_wait3A_103 = tpu.memref_slice %arg2[%run_scoped3A_67, %add3A, %dma_wait3A_101, %dma_wait3A_102] : memref<4x32x80x128xi32, #tpu.memory_space<hbm>> -> memref<1x1x80x128xi32, #tpu.memory_space<hbm>>
      %dma_wait3A_104 = tpu.memref_squeeze %dma_wait3A_103 : memref<1x1x80x128xi32, #tpu.memory_space<hbm>> -> memref<80x128xi32, #tpu.memory_space<hbm>>
      %dma_wait3A_105 = arith.constant 0 : i32
      %dma_wait3A_106 = arith.constant 0 : i32
      %dma_wait3A_107 = tpu.memref_slice %arg2[%run_scoped3A_67, %add3A, %dma_wait3A_105, %dma_wait3A_106] : memref<4x32x80x128xi32, #tpu.memory_space<hbm>> -> memref<1x1x80x128xi32, #tpu.memory_space<hbm>>
      %dma_wait3A_108 = tpu.memref_squeeze %dma_wait3A_107 : memref<1x1x80x128xi32, #tpu.memory_space<hbm>> -> memref<80x128xi32, #tpu.memory_space<hbm>>
      tpu.wait_dma2 semaphore(%run_scoped3A_93 : memref<!tpu.dma_semaphore, #tpu.memory_space<semaphore_mem>>) src(%dma_wait3A_108 : memref<80x128xi32, #tpu.memory_space<hbm>>) dst(%arg7 : memref<80x128xi32, #tpu.memory_space<vmem>>)
      tpu.yield
    }) : () -> ()
    %scan3A_68 = arith.constant 0 : i32
    %scan3A_69 = arith.constant 0 : i32
    %scan3A_70 = arith.constant 40 : i32
    %scan3A_71 = arith.addi %scan3A_69, %scan3A_70 : i32
    %scan3A_72 = arith.constant 1 : i32
    scf.for %scan3A_93 = %scan3A_69 to %scan3A_71 step %scan3A_72  : i32 {
      %ge3A = arith.constant 1 : i32
      %ge3A_94 = arith.cmpi sge, %scan3A_93, %ge3A : i32
      %convert_element_type3A = arith.extui %ge3A_94 : i1 to i32
      %cond3A = arith.constant 0 : i32
      %cond3A_95 = arith.cmpi ne, %convert_element_type3A, %cond3A : i32
      scf.if %cond3A_95 {
        %dma_wait3A_120 = arith.constant 0 : i32
        %dma_wait3A_121 = arith.constant 0 : i32
        %dma_wait3A_122 = tpu.memref_slice %arg7[%dma_wait3A_120, %dma_wait3A_121] : memref<80x128xi32, #tpu.memory_space<vmem>> -> memref<1x128xi32, #tpu.memory_space<vmem>>
        %dma_wait3A_123 = tpu.memref_squeeze %dma_wait3A_122 : memref<1x128xi32, #tpu.memory_space<vmem>> -> memref<128xi32, #tpu.memory_space<vmem>>
        %dma_wait3A_124 = arith.constant 0 : i32
        %dma_wait3A_125 = arith.constant 0 : i32
        %dma_wait3A_126 = tpu.memref_slice %arg6[%dma_wait3A_124, %dma_wait3A_125] : memref<10112x128xf32, #tpu.memory_space<vmem_shared>> -> memref<10112x128xf32, #tpu.memory_space<vmem_shared>>
        tpu.wait_indirect_dma semaphore(%arg9 : memref<!tpu.dma_semaphore, #tpu.memory_space<semaphore_mem>>) src(%arg8 : memref<128x128xf32, #tpu.memory_space<vmem>>) dst(%dma_wait3A_126 : memref<10112x128xf32, #tpu.memory_space<vmem_shared>>)
      } else {
      }
      %mul3A_96 = arith.constant 2 : i32
      %mul3A_97 = arith.muli %mul3A_96, %scan3A_93 : i32
      %add3A_98 = arith.constant 0 : i32
      %add3A_99 = arith.addi %mul3A_97, %add3A_98 : i32
      %dma_start3A = arith.constant 0 : i32
      %dma_start3A_100 = tpu.memref_slice %arg7[%add3A_99, %dma_start3A] : memref<80x128xi32, #tpu.memory_space<vmem>> -> memref<1x128xi32, #tpu.memory_space<vmem>>
      %dma_start3A_101 = tpu.memref_squeeze %dma_start3A_100 : memref<1x128xi32, #tpu.memory_space<vmem>> -> memref<128xi32, #tpu.memory_space<vmem>>
      %dma_start3A_102 = arith.constant 0 : i32
      %dma_start3A_103 = arith.constant 0 : i32
      %dma_start3A_104 = tpu.memref_slice %arg6[%dma_start3A_102, %dma_start3A_103] : memref<10112x128xf32, #tpu.memory_space<vmem_shared>> -> memref<10112x128xf32, #tpu.memory_space<vmem_shared>>
      tpu.enqueue_indirect_dma source(%arg8 : memref<128x128xf32, #tpu.memory_space<vmem>>) target(%dma_start3A_104 : memref<10112x128xf32, #tpu.memory_space<vmem_shared>>) offsets(%dma_start3A_101 : memref<128xi32, #tpu.memory_space<vmem>>) semaphore(%arg9 : memref<!tpu.dma_semaphore, #tpu.memory_space<semaphore_mem>>) {add = true}
      %ge3A_105 = arith.constant 1 : i32
      %ge3A_106 = arith.cmpi sge, %scan3A_93, %ge3A_105 : i32
      %convert_element_type3A_107 = arith.extui %ge3A_106 : i1 to i32
      %cond3A_108 = arith.constant 0 : i32
      %cond3A_109 = arith.cmpi ne, %convert_element_type3A_107, %cond3A_108 : i32
      scf.if %cond3A_109 {
        %dma_wait3A_120 = arith.constant 0 : i32
        %dma_wait3A_121 = arith.constant 0 : i32
        %dma_wait3A_122 = tpu.memref_slice %arg7[%dma_wait3A_120, %dma_wait3A_121] : memref<80x128xi32, #tpu.memory_space<vmem>> -> memref<1x128xi32, #tpu.memory_space<vmem>>
        %dma_wait3A_123 = tpu.memref_squeeze %dma_wait3A_122 : memref<1x128xi32, #tpu.memory_space<vmem>> -> memref<128xi32, #tpu.memory_space<vmem>>
        %dma_wait3A_124 = arith.constant 0 : i32
        %dma_wait3A_125 = arith.constant 0 : i32
        %dma_wait3A_126 = tpu.memref_slice %arg6[%dma_wait3A_124, %dma_wait3A_125] : memref<10112x128xf32, #tpu.memory_space<vmem_shared>> -> memref<10112x128xf32, #tpu.memory_space<vmem_shared>>
        tpu.wait_indirect_dma semaphore(%arg10 : memref<!tpu.dma_semaphore, #tpu.memory_space<semaphore_mem>>) src(%arg8 : memref<128x128xf32, #tpu.memory_space<vmem>>) dst(%dma_wait3A_126 : memref<10112x128xf32, #tpu.memory_space<vmem_shared>>)
      } else {
      }
      %mul3A_110 = arith.constant 2 : i32
      %mul3A_111 = arith.muli %mul3A_110, %scan3A_93 : i32
      %add3A_112 = arith.constant 1 : i32
      %add3A_113 = arith.addi %mul3A_111, %add3A_112 : i32
      %dma_start3A_114 = arith.constant 0 : i32
      %dma_start3A_115 = tpu.memref_slice %arg7[%add3A_113, %dma_start3A_114] : memref<80x128xi32, #tpu.memory_space<vmem>> -> memref<1x128xi32, #tpu.memory_space<vmem>>
      %dma_start3A_116 = tpu.memref_squeeze %dma_start3A_115 : memref<1x128xi32, #tpu.memory_space<vmem>> -> memref<128xi32, #tpu.memory_space<vmem>>
      %dma_start3A_117 = arith.constant 0 : i32
      %dma_start3A_118 = arith.constant 0 : i32
      %dma_start3A_119 = tpu.memref_slice %arg6[%dma_start3A_117, %dma_start3A_118] : memref<10112x128xf32, #tpu.memory_space<vmem_shared>> -> memref<10112x128xf32, #tpu.memory_space<vmem_shared>>
      tpu.enqueue_indirect_dma source(%arg8 : memref<128x128xf32, #tpu.memory_space<vmem>>) target(%dma_start3A_119 : memref<10112x128xf32, #tpu.memory_space<vmem_shared>>) offsets(%dma_start3A_116 : memref<128xi32, #tpu.memory_space<vmem>>) semaphore(%arg10 : memref<!tpu.dma_semaphore, #tpu.memory_space<semaphore_mem>>) {add = true}
    }
    %scan3A_73 = arith.constant 40 : i32
    %dma_wait3A_74 = arith.constant 0 : i32
    %dma_wait3A_75 = arith.constant 0 : i32
    %dma_wait3A_76 = tpu.memref_slice %arg7[%dma_wait3A_74, %dma_wait3A_75] : memref<80x128xi32, #tpu.memory_space<vmem>> -> memref<1x128xi32, #tpu.memory_space<vmem>>
    %dma_wait3A_77 = tpu.memref_squeeze %dma_wait3A_76 : memref<1x128xi32, #tpu.memory_space<vmem>> -> memref<128xi32, #tpu.memory_space<vmem>>
    %dma_wait3A_78 = arith.constant 0 : i32
    %dma_wait3A_79 = arith.constant 0 : i32
    %dma_wait3A_80 = tpu.memref_slice %arg6[%dma_wait3A_78, %dma_wait3A_79] : memref<10112x128xf32, #tpu.memory_space<vmem_shared>> -> memref<10112x128xf32, #tpu.memory_space<vmem_shared>>
    tpu.wait_indirect_dma semaphore(%arg9 : memref<!tpu.dma_semaphore, #tpu.memory_space<semaphore_mem>>) src(%arg8 : memref<128x128xf32, #tpu.memory_space<vmem>>) dst(%dma_wait3A_80 : memref<10112x128xf32, #tpu.memory_space<vmem_shared>>)
    %dma_wait3A_81 = arith.constant 0 : i32
    %dma_wait3A_82 = arith.constant 0 : i32
    %dma_wait3A_83 = tpu.memref_slice %arg7[%dma_wait3A_81, %dma_wait3A_82] : memref<80x128xi32, #tpu.memory_space<vmem>> -> memref<1x128xi32, #tpu.memory_space<vmem>>
    %dma_wait3A_84 = tpu.memref_squeeze %dma_wait3A_83 : memref<1x128xi32, #tpu.memory_space<vmem>> -> memref<128xi32, #tpu.memory_space<vmem>>
    %dma_wait3A_85 = arith.constant 0 : i32
    %dma_wait3A_86 = arith.constant 0 : i32
    %dma_wait3A_87 = tpu.memref_slice %arg6[%dma_wait3A_85, %dma_wait3A_86] : memref<10112x128xf32, #tpu.memory_space<vmem_shared>> -> memref<10112x128xf32, #tpu.memory_space<vmem_shared>>
    tpu.wait_indirect_dma semaphore(%arg10 : memref<!tpu.dma_semaphore, #tpu.memory_space<semaphore_mem>>) src(%arg8 : memref<128x128xf32, #tpu.memory_space<vmem>>) dst(%dma_wait3A_87 : memref<10112x128xf32, #tpu.memory_space<vmem_shared>>)
    %barrier3A_88 = arith.constant 0 : index
    tpu.barrier barrier_id(%barrier3A_88)
    %mul3A_89 = arith.constant 632 : i32
    %mul3A_90 = arith.muli %arg1, %mul3A_89 : i32
    %mul3A_91 = arith.constant 632 : i32
    %mul3A_92 = arith.muli %arg1, %mul3A_91 : i32
    "tpu.region"() ({
      %run_scoped3A_93 = tpu.sem_alloc : memref<!tpu.dma_semaphore, #tpu.memory_space<semaphore_mem>>
      %dma_start3A = arith.constant 0 : i32
      %dma_start3A_94 = tpu.memref_slice %arg5[%arg0, %mul3A_92, %dma_start3A] : memref<2x10112x128xf32, #tpu.memory_space<hbm>> -> memref<1x632x128xf32, #tpu.memory_space<hbm>>
      %dma_start3A_95 = tpu.memref_squeeze %dma_start3A_94 : memref<1x632x128xf32, #tpu.memory_space<hbm>> -> memref<632x128xf32, #tpu.memory_space<hbm>>
      %dma_start3A_96 = arith.constant 0 : i32
      %dma_start3A_97 = tpu.memref_slice %arg6[%mul3A_90, %dma_start3A_96] : memref<10112x128xf32, #tpu.memory_space<vmem_shared>> -> memref<632x128xf32, #tpu.memory_space<vmem_shared>>
      tpu.enqueue_dma source(%dma_start3A_97 : memref<632x128xf32, #tpu.memory_space<vmem_shared>>) target(%dma_start3A_95 : memref<632x128xf32, #tpu.memory_space<hbm>>) target_semaphore(%run_scoped3A_93 : memref<!tpu.dma_semaphore, #tpu.memory_space<semaphore_mem>>)
      %dma_wait3A_98 = arith.constant 0 : i32
      %dma_wait3A_99 = tpu.memref_slice %arg5[%arg0, %mul3A_92, %dma_wait3A_98] : memref<2x10112x128xf32, #tpu.memory_space<hbm>> -> memref<1x632x128xf32, #tpu.memory_space<hbm>>
      %dma_wait3A_100 = tpu.memref_squeeze %dma_wait3A_99 : memref<1x632x128xf32, #tpu.memory_space<hbm>> -> memref<632x128xf32, #tpu.memory_space<hbm>>
      %dma_wait3A_101 = arith.constant 0 : i32
      %dma_wait3A_102 = tpu.memref_slice %arg6[%mul3A_90, %dma_wait3A_101] : memref<10112x128xf32, #tpu.memory_space<vmem_shared>> -> memref<632x128xf32, #tpu.memory_space<vmem_shared>>
      tpu.wait_dma2 semaphore(%run_scoped3A_93 : memref<!tpu.dma_semaphore, #tpu.memory_space<semaphore_mem>>) src(%dma_wait3A_102 : memref<632x128xf32, #tpu.memory_space<vmem_shared>>) dst(%dma_wait3A_100 : memref<632x128xf32, #tpu.memory_space<hbm>>)
      tpu.yield
    }) : () -> ()
    return
  }
}

#map = affine_map<(d0, d1) -> (0, 0)>
#map1 = affine_map<(d0, d1) -> (0, 0, 0)>
module attributes {stable_mosaic.version = 14 : i64} {
  func.func @body(%arg0: i32, %arg1: i32, %arg2: memref<10112x128xf32, #tpu.memory_space<hbm>>, %arg3: memref<32x80x128xi32, #tpu.memory_space<hbm>>, %arg4: memref<32x80x128xi32, #tpu.memory_space<hbm>>, %arg5: memref<632x128xf32, #tpu.memory_space<hbm>>, %arg6: memref<2x10112x128xf32, #tpu.memory_space<hbm>>, %arg7: memref<10112x128xf32, #tpu.memory_space<vmem_shared>>, %arg8: memref<80x128xi32, #tpu.memory_space<vmem>>, %arg9: memref<2x8x128xi32, #tpu.memory_space<vmem>>, %arg10: memref<128x128xf32, #tpu.memory_space<vmem>>, %arg11: memref<128x128xf32, #tpu.memory_space<vmem>>, %arg12: memref<!tpu.dma_semaphore, #tpu.memory_space<semaphore_mem>>, %arg13: memref<!tpu.dma_semaphore, #tpu.memory_space<semaphore_mem>>, %arg14: memref<!tpu.dma_semaphore, #tpu.memory_space<semaphore_mem>>, %arg15: memref<!tpu.dma_semaphore, #tpu.memory_space<semaphore_mem>>, %arg16: memref<!tpu.dma_semaphore, #tpu.memory_space<semaphore_mem>>) attributes {dimension_semantics = [#tpu.dimension_semantics<core_parallel>, #tpu.dimension_semantics<subcore_parallel>], iteration_bounds = array<i64: 2, 16>, scalar_prefetch = 0 : i64, scratch_operands = 10 : i64, tpu.core_type = #tpu.core_type<sc_vector_subcore>, window_params = [{transform_indices = #map}, {transform_indices = #map1}, {transform_indices = #map1}, {transform_indices = #map}, {transform_indices = #map1}]} {
    %mul3A = arith.constant 16 : i32
    %mul3A_0 = arith.muli %arg0, %mul3A : i32
    %add3A = arith.addi %mul3A_0, %arg1 : i32
    %mul3A_1 = arith.constant 632 : i32
    %mul3A_2 = arith.muli %arg1, %mul3A_1 : i32
    "tpu.region"() ({
      %run_scoped3A_26 = tpu.sem_alloc : memref<!tpu.dma_semaphore, #tpu.memory_space<semaphore_mem>>
      %dma_start3A_27 = arith.constant 0 : i32
      %dma_start3A_28 = tpu.memref_slice %arg7[%mul3A_2, %dma_start3A_27] : memref<10112x128xf32, #tpu.memory_space<vmem_shared>> -> memref<632x128xf32, #tpu.memory_space<vmem_shared>>
      tpu.enqueue_dma source(%arg5 : memref<632x128xf32, #tpu.memory_space<hbm>>) target(%dma_start3A_28 : memref<632x128xf32, #tpu.memory_space<vmem_shared>>) target_semaphore(%run_scoped3A_26 : memref<!tpu.dma_semaphore, #tpu.memory_space<semaphore_mem>>)
      %dma_wait3A_29 = arith.constant 0 : i32
      %dma_wait3A_30 = tpu.memref_slice %arg7[%mul3A_2, %dma_wait3A_29] : memref<10112x128xf32, #tpu.memory_space<vmem_shared>> -> memref<632x128xf32, #tpu.memory_space<vmem_shared>>
      tpu.wait_dma2 semaphore(%run_scoped3A_26 : memref<!tpu.dma_semaphore, #tpu.memory_space<semaphore_mem>>) src(%arg5 : memref<632x128xf32, #tpu.memory_space<hbm>>) dst(%dma_wait3A_30 : memref<632x128xf32, #tpu.memory_space<vmem_shared>>)
      tpu.yield
    }) : () -> ()
    "tpu.region"() ({
      %run_scoped3A_26 = tpu.sem_alloc : memref<!tpu.dma_semaphore, #tpu.memory_space<semaphore_mem>>
      %dma_start3A_27 = arith.constant 0 : i32
      %dma_start3A_28 = arith.constant 0 : i32
      %dma_start3A_29 = tpu.memref_slice %arg3[%add3A, %dma_start3A_27, %dma_start3A_28] : memref<32x80x128xi32, #tpu.memory_space<hbm>> -> memref<1x80x128xi32, #tpu.memory_space<hbm>>
      %dma_start3A_30 = tpu.memref_squeeze %dma_start3A_29 : memref<1x80x128xi32, #tpu.memory_space<hbm>> -> memref<80x128xi32, #tpu.memory_space<hbm>>
      %dma_start3A_31 = arith.constant 0 : i32
      %dma_start3A_32 = arith.constant 0 : i32
      %dma_start3A_33 = tpu.memref_slice %arg3[%add3A, %dma_start3A_31, %dma_start3A_32] : memref<32x80x128xi32, #tpu.memory_space<hbm>> -> memref<1x80x128xi32, #tpu.memory_space<hbm>>
      %dma_start3A_34 = tpu.memref_squeeze %dma_start3A_33 : memref<1x80x128xi32, #tpu.memory_space<hbm>> -> memref<80x128xi32, #tpu.memory_space<hbm>>
      tpu.enqueue_dma source(%dma_start3A_34 : memref<80x128xi32, #tpu.memory_space<hbm>>) target(%arg8 : memref<80x128xi32, #tpu.memory_space<vmem>>) target_semaphore(%run_scoped3A_26 : memref<!tpu.dma_semaphore, #tpu.memory_space<semaphore_mem>>)
      %dma_wait3A_35 = arith.constant 0 : i32
      %dma_wait3A_36 = arith.constant 0 : i32
      %dma_wait3A_37 = tpu.memref_slice %arg3[%add3A, %dma_wait3A_35, %dma_wait3A_36] : memref<32x80x128xi32, #tpu.memory_space<hbm>> -> memref<1x80x128xi32, #tpu.memory_space<hbm>>
      %dma_wait3A_38 = tpu.memref_squeeze %dma_wait3A_37 : memref<1x80x128xi32, #tpu.memory_space<hbm>> -> memref<80x128xi32, #tpu.memory_space<hbm>>
      %dma_wait3A_39 = arith.constant 0 : i32
      %dma_wait3A_40 = arith.constant 0 : i32
      %dma_wait3A_41 = tpu.memref_slice %arg3[%add3A, %dma_wait3A_39, %dma_wait3A_40] : memref<32x80x128xi32, #tpu.memory_space<hbm>> -> memref<1x80x128xi32, #tpu.memory_space<hbm>>
      %dma_wait3A_42 = tpu.memref_squeeze %dma_wait3A_41 : memref<1x80x128xi32, #tpu.memory_space<hbm>> -> memref<80x128xi32, #tpu.memory_space<hbm>>
      tpu.wait_dma2 semaphore(%run_scoped3A_26 : memref<!tpu.dma_semaphore, #tpu.memory_space<semaphore_mem>>) src(%dma_wait3A_42 : memref<80x128xi32, #tpu.memory_space<hbm>>) dst(%arg8 : memref<80x128xi32, #tpu.memory_space<vmem>>)
      tpu.yield
    }) : () -> ()
    %run_scoped3A = arith.constant 0 : i32
    "tpu.region"() ({
      %run_scoped3A_26 = tpu.sem_alloc : memref<!tpu.dma_semaphore, #tpu.memory_space<semaphore_mem>>
      %dma_start3A_27 = arith.constant 0 : i32
      %dma_start3A_28 = arith.constant 0 : i32
      %dma_start3A_29 = tpu.memref_slice %arg9[%run_scoped3A, %dma_start3A_27, %dma_start3A_28] : memref<2x8x128xi32, #tpu.memory_space<vmem>> -> memref<1x8x128xi32, #tpu.memory_space<vmem>>
      %dma_start3A_30 = tpu.memref_squeeze %dma_start3A_29 : memref<1x8x128xi32, #tpu.memory_space<vmem>> -> memref<8x128xi32, #tpu.memory_space<vmem>>
      %dma_start3A_31 = arith.constant 0 : i32
      %dma_start3A_32 = arith.constant 0 : i32
      %dma_start3A_33 = tpu.memref_slice %arg4[%add3A, %dma_start3A_31, %dma_start3A_32] : memref<32x80x128xi32, #tpu.memory_space<hbm>> -> memref<1x8x128xi32, #tpu.memory_space<hbm>>
      %dma_start3A_34 = tpu.memref_squeeze %dma_start3A_33 : memref<1x8x128xi32, #tpu.memory_space<hbm>> -> memref<8x128xi32, #tpu.memory_space<hbm>>
      %dma_start3A_35 = arith.constant 0 : i32
      %dma_start3A_36 = arith.constant 0 : i32
      %dma_start3A_37 = tpu.memref_slice %arg9[%run_scoped3A, %dma_start3A_35, %dma_start3A_36] : memref<2x8x128xi32, #tpu.memory_space<vmem>> -> memref<1x8x128xi32, #tpu.memory_space<vmem>>
      %dma_start3A_38 = tpu.memref_squeeze %dma_start3A_37 : memref<1x8x128xi32, #tpu.memory_space<vmem>> -> memref<8x128xi32, #tpu.memory_space<vmem>>
      %dma_start3A_39 = arith.constant 0 : i32
      %dma_start3A_40 = arith.constant 0 : i32
      %dma_start3A_41 = tpu.memref_slice %arg4[%add3A, %dma_start3A_39, %dma_start3A_40] : memref<32x80x128xi32, #tpu.memory_space<hbm>> -> memref<1x8x128xi32, #tpu.memory_space<hbm>>
      %dma_start3A_42 = tpu.memref_squeeze %dma_start3A_41 : memref<1x8x128xi32, #tpu.memory_space<hbm>> -> memref<8x128xi32, #tpu.memory_space<hbm>>
      tpu.enqueue_dma source(%dma_start3A_42 : memref<8x128xi32, #tpu.memory_space<hbm>>) target(%dma_start3A_38 : memref<8x128xi32, #tpu.memory_space<vmem>>) target_semaphore(%run_scoped3A_26 : memref<!tpu.dma_semaphore, #tpu.memory_space<semaphore_mem>>)
      %dma_wait3A_43 = arith.constant 0 : i32
      %dma_wait3A_44 = arith.constant 0 : i32
      %dma_wait3A_45 = tpu.memref_slice %arg9[%run_scoped3A, %dma_wait3A_43, %dma_wait3A_44] : memref<2x8x128xi32, #tpu.memory_space<vmem>> -> memref<1x8x128xi32, #tpu.memory_space<vmem>>
      %dma_wait3A_46 = tpu.memref_squeeze %dma_wait3A_45 : memref<1x8x128xi32, #tpu.memory_space<vmem>> -> memref<8x128xi32, #tpu.memory_space<vmem>>
      %dma_wait3A_47 = arith.constant 0 : i32
      %dma_wait3A_48 = arith.constant 0 : i32
      %dma_wait3A_49 = tpu.memref_slice %arg4[%add3A, %dma_wait3A_47, %dma_wait3A_48] : memref<32x80x128xi32, #tpu.memory_space<hbm>> -> memref<1x8x128xi32, #tpu.memory_space<hbm>>
      %dma_wait3A_50 = tpu.memref_squeeze %dma_wait3A_49 : memref<1x8x128xi32, #tpu.memory_space<hbm>> -> memref<8x128xi32, #tpu.memory_space<hbm>>
      %dma_wait3A_51 = arith.constant 0 : i32
      %dma_wait3A_52 = arith.constant 0 : i32
      %dma_wait3A_53 = tpu.memref_slice %arg9[%run_scoped3A, %dma_wait3A_51, %dma_wait3A_52] : memref<2x8x128xi32, #tpu.memory_space<vmem>> -> memref<1x8x128xi32, #tpu.memory_space<vmem>>
      %dma_wait3A_54 = tpu.memref_squeeze %dma_wait3A_53 : memref<1x8x128xi32, #tpu.memory_space<vmem>> -> memref<8x128xi32, #tpu.memory_space<vmem>>
      %dma_wait3A_55 = arith.constant 0 : i32
      %dma_wait3A_56 = arith.constant 0 : i32
      %dma_wait3A_57 = tpu.memref_slice %arg4[%add3A, %dma_wait3A_55, %dma_wait3A_56] : memref<32x80x128xi32, #tpu.memory_space<hbm>> -> memref<1x8x128xi32, #tpu.memory_space<hbm>>
      %dma_wait3A_58 = tpu.memref_squeeze %dma_wait3A_57 : memref<1x8x128xi32, #tpu.memory_space<hbm>> -> memref<8x128xi32, #tpu.memory_space<hbm>>
      tpu.wait_dma2 semaphore(%run_scoped3A_26 : memref<!tpu.dma_semaphore, #tpu.memory_space<semaphore_mem>>) src(%dma_wait3A_58 : memref<8x128xi32, #tpu.memory_space<hbm>>) dst(%dma_wait3A_54 : memref<8x128xi32, #tpu.memory_space<vmem>>)
      tpu.yield
    }) : () -> ()
    %barrier3A = arith.constant 0 : index
    tpu.barrier barrier_id(%barrier3A)
    %dma_start3A = arith.constant 0 : i32
    %dma_start3A_3 = arith.constant 0 : i32
    %dma_start3A_4 = tpu.memref_slice %arg8[%dma_start3A, %dma_start3A_3] : memref<80x128xi32, #tpu.memory_space<vmem>> -> memref<1x128xi32, #tpu.memory_space<vmem>>
    %dma_start3A_5 = tpu.memref_squeeze %dma_start3A_4 : memref<1x128xi32, #tpu.memory_space<vmem>> -> memref<128xi32, #tpu.memory_space<vmem>>
    %dma_start3A_6 = arith.constant 0 : i32
    %dma_start3A_7 = arith.constant 0 : i32
    %dma_start3A_8 = tpu.memref_slice %arg2[%dma_start3A_6, %dma_start3A_7] : memref<10112x128xf32, #tpu.memory_space<hbm>> -> memref<10112x128xf32, #tpu.memory_space<hbm>>
    tpu.enqueue_indirect_dma source(%dma_start3A_8 : memref<10112x128xf32, #tpu.memory_space<hbm>>) target(%arg10 : memref<128x128xf32, #tpu.memory_space<vmem>>) offsets(%dma_start3A_5 : memref<128xi32, #tpu.memory_space<vmem>>) semaphore(%arg12 : memref<!tpu.dma_semaphore, #tpu.memory_space<semaphore_mem>>)
    %scan3A = arith.constant 0 : i32
    %scan3A_9 = arith.constant 0 : i32
    %scan3A_10 = arith.constant 5 : i32
    %scan3A_11 = arith.addi %scan3A_9, %scan3A_10 : i32
    %scan3A_12 = arith.constant 1 : i32
    scf.for %scan3A_26 = %scan3A_9 to %scan3A_11 step %scan3A_12  : i32 {
      %mul3A_27 = arith.constant 2 : i32
      %mul3A_28 = arith.muli %mul3A_27, %scan3A_26 : i32
      %add3A_29 = arith.constant 0 : i32
      %add3A_30 = arith.addi %mul3A_28, %add3A_29 : i32
      %mul3A_31 = arith.constant 8 : i32
      %mul3A_32 = arith.muli %add3A_30, %mul3A_31 : i32
      %add3A_33 = arith.constant 0 : i32
      %add3A_34 = arith.addi %mul3A_32, %add3A_33 : i32
      %ge3A = arith.constant 1 : i32
      %ge3A_35 = arith.cmpi sge, %scan3A_26, %ge3A : i32
      %convert_element_type3A = arith.extui %ge3A_35 : i1 to i32
      %cond3A = arith.constant 0 : i32
      %cond3A_36 = arith.cmpi ne, %convert_element_type3A, %cond3A : i32
      scf.if %cond3A_36 {
        %dma_wait3A_631 = arith.constant 0 : i32
        %dma_wait3A_632 = arith.constant 0 : i32
        %dma_wait3A_633 = arith.constant 0 : i32
        %dma_wait3A_634 = tpu.memref_slice %arg9[%dma_wait3A_631, %dma_wait3A_632, %dma_wait3A_633] : memref<2x8x128xi32, #tpu.memory_space<vmem>> -> memref<1x8x128xi32, #tpu.memory_space<vmem>>
        %dma_wait3A_635 = tpu.memref_squeeze %dma_wait3A_634 : memref<1x8x128xi32, #tpu.memory_space<vmem>> -> memref<8x128xi32, #tpu.memory_space<vmem>>
        %dma_wait3A_636 = arith.constant 0 : i32
        %dma_wait3A_637 = arith.constant 0 : i32
        %dma_wait3A_638 = tpu.memref_slice %arg4[%add3A, %dma_wait3A_636, %dma_wait3A_637] : memref<32x80x128xi32, #tpu.memory_space<hbm>> -> memref<1x8x128xi32, #tpu.memory_space<hbm>>
        %dma_wait3A_639 = tpu.memref_squeeze %dma_wait3A_638 : memref<1x8x128xi32, #tpu.memory_space<hbm>> -> memref<8x128xi32, #tpu.memory_space<hbm>>
        %dma_wait3A_640 = arith.constant 0 : i32
        %dma_wait3A_641 = arith.constant 0 : i32
        %dma_wait3A_642 = tpu.memref_slice %arg9[%dma_wait3A_631, %dma_wait3A_640, %dma_wait3A_641] : memref<2x8x128xi32, #tpu.memory_space<vmem>> -> memref<1x8x128xi32, #tpu.memory_space<vmem>>
        %dma_wait3A_643 = tpu.memref_squeeze %dma_wait3A_642 : memref<1x8x128xi32, #tpu.memory_space<vmem>> -> memref<8x128xi32, #tpu.memory_space<vmem>>
        %dma_wait3A_644 = arith.constant 0 : i32
        %dma_wait3A_645 = arith.constant 0 : i32
        %dma_wait3A_646 = tpu.memref_slice %arg4[%add3A, %dma_wait3A_644, %dma_wait3A_645] : memref<32x80x128xi32, #tpu.memory_space<hbm>> -> memref<1x8x128xi32, #tpu.memory_space<hbm>>
        %dma_wait3A_647 = tpu.memref_squeeze %dma_wait3A_646 : memref<1x8x128xi32, #tpu.memory_space<hbm>> -> memref<8x128xi32, #tpu.memory_space<hbm>>
        tpu.wait_dma2 semaphore(%arg16 : memref<!tpu.dma_semaphore, #tpu.memory_space<semaphore_mem>>) src(%dma_wait3A_647 : memref<8x128xi32, #tpu.memory_space<hbm>>) dst(%dma_wait3A_643 : memref<8x128xi32, #tpu.memory_space<vmem>>)
      } else {
      }
      %dma_wait3A_37 = arith.constant 0 : i32
      %dma_wait3A_38 = arith.constant 0 : i32
      %dma_wait3A_39 = tpu.memref_slice %arg8[%dma_wait3A_37, %dma_wait3A_38] : memref<80x128xi32, #tpu.memory_space<vmem>> -> memref<1x128xi32, #tpu.memory_space<vmem>>
      %dma_wait3A_40 = tpu.memref_squeeze %dma_wait3A_39 : memref<1x128xi32, #tpu.memory_space<vmem>> -> memref<128xi32, #tpu.memory_space<vmem>>
      %dma_wait3A_41 = arith.constant 0 : i32
      %dma_wait3A_42 = arith.constant 0 : i32
      %dma_wait3A_43 = tpu.memref_slice %arg2[%dma_wait3A_41, %dma_wait3A_42] : memref<10112x128xf32, #tpu.memory_space<hbm>> -> memref<10112x128xf32, #tpu.memory_space<hbm>>
      tpu.wait_indirect_dma semaphore(%arg12 : memref<!tpu.dma_semaphore, #tpu.memory_space<semaphore_mem>>) src(%dma_wait3A_43 : memref<10112x128xf32, #tpu.memory_space<hbm>>) dst(%arg10 : memref<128x128xf32, #tpu.memory_space<vmem>>)
      %dma_start3A_44 = arith.constant 0 : i32
      %dma_start3A_45 = arith.constant 0 : i32
      %dma_start3A_46 = arith.constant 0 : i32
      %dma_start3A_47 = tpu.memref_slice %arg9[%dma_start3A_44, %dma_start3A_45, %dma_start3A_46] : memref<2x8x128xi32, #tpu.memory_space<vmem>> -> memref<1x1x128xi32, #tpu.memory_space<vmem>>
      %dma_start3A_48 = tpu.memref_squeeze %dma_start3A_47 : memref<1x1x128xi32, #tpu.memory_space<vmem>> -> memref<128xi32, #tpu.memory_space<vmem>>
      %dma_start3A_49 = arith.constant 0 : i32
      %dma_start3A_50 = arith.constant 0 : i32
      %dma_start3A_51 = tpu.memref_slice %arg7[%dma_start3A_49, %dma_start3A_50] : memref<10112x128xf32, #tpu.memory_space<vmem_shared>> -> memref<10112x128xf32, #tpu.memory_space<vmem_shared>>
      tpu.enqueue_indirect_dma source(%arg10 : memref<128x128xf32, #tpu.memory_space<vmem>>) target(%dma_start3A_51 : memref<10112x128xf32, #tpu.memory_space<vmem_shared>>) offsets(%dma_start3A_48 : memref<128xi32, #tpu.memory_space<vmem>>) semaphore(%arg14 : memref<!tpu.dma_semaphore, #tpu.memory_space<semaphore_mem>>) {add = true}
      %ge3A_52 = arith.constant 1 : i32
      %ge3A_53 = arith.cmpi sge, %scan3A_26, %ge3A_52 : i32
      %convert_element_type3A_54 = arith.extui %ge3A_53 : i1 to i32
      %cond3A_55 = arith.constant 0 : i32
      %cond3A_56 = arith.cmpi ne, %convert_element_type3A_54, %cond3A_55 : i32
      scf.if %cond3A_56 {
        %dma_wait3A_631 = arith.constant 0 : i32
        %dma_wait3A_632 = arith.constant 0 : i32
        %dma_wait3A_633 = arith.constant 0 : i32
        %dma_wait3A_634 = tpu.memref_slice %arg9[%dma_wait3A_631, %dma_wait3A_632, %dma_wait3A_633] : memref<2x8x128xi32, #tpu.memory_space<vmem>> -> memref<1x1x128xi32, #tpu.memory_space<vmem>>
        %dma_wait3A_635 = tpu.memref_squeeze %dma_wait3A_634 : memref<1x1x128xi32, #tpu.memory_space<vmem>> -> memref<128xi32, #tpu.memory_space<vmem>>
        %dma_wait3A_636 = arith.constant 0 : i32
        %dma_wait3A_637 = arith.constant 0 : i32
        %dma_wait3A_638 = tpu.memref_slice %arg7[%dma_wait3A_636, %dma_wait3A_637] : memref<10112x128xf32, #tpu.memory_space<vmem_shared>> -> memref<10112x128xf32, #tpu.memory_space<vmem_shared>>
        tpu.wait_indirect_dma semaphore(%arg15 : memref<!tpu.dma_semaphore, #tpu.memory_space<semaphore_mem>>) src(%arg11 : memref<128x128xf32, #tpu.memory_space<vmem>>) dst(%dma_wait3A_638 : memref<10112x128xf32, #tpu.memory_space<vmem_shared>>)
      } else {
      }
      %add3A_57 = arith.constant 1 : i32
      %add3A_58 = arith.addi %add3A_34, %add3A_57 : i32
      %dma_start3A_59 = arith.constant 0 : i32
      %dma_start3A_60 = tpu.memref_slice %arg8[%add3A_58, %dma_start3A_59] : memref<80x128xi32, #tpu.memory_space<vmem>> -> memref<1x128xi32, #tpu.memory_space<vmem>>
      %dma_start3A_61 = tpu.memref_squeeze %dma_start3A_60 : memref<1x128xi32, #tpu.memory_space<vmem>> -> memref<128xi32, #tpu.memory_space<vmem>>
      %dma_start3A_62 = arith.constant 0 : i32
      %dma_start3A_63 = arith.constant 0 : i32
      %dma_start3A_64 = tpu.memref_slice %arg2[%dma_start3A_62, %dma_start3A_63] : memref<10112x128xf32, #tpu.memory_space<hbm>> -> memref<10112x128xf32, #tpu.memory_space<hbm>>
      tpu.enqueue_indirect_dma source(%dma_start3A_64 : memref<10112x128xf32, #tpu.memory_space<hbm>>) target(%arg11 : memref<128x128xf32, #tpu.memory_space<vmem>>) offsets(%dma_start3A_61 : memref<128xi32, #tpu.memory_space<vmem>>) semaphore(%arg13 : memref<!tpu.dma_semaphore, #tpu.memory_space<semaphore_mem>>)
      %mul3A_65 = arith.constant 8 : i32
      %mul3A_66 = arith.muli %add3A_30, %mul3A_65 : i32
      %add3A_67 = arith.constant 1 : i32
      %add3A_68 = arith.addi %mul3A_66, %add3A_67 : i32
      %dma_wait3A_69 = arith.constant 0 : i32
      %dma_wait3A_70 = arith.constant 0 : i32
      %dma_wait3A_71 = tpu.memref_slice %arg8[%dma_wait3A_69, %dma_wait3A_70] : memref<80x128xi32, #tpu.memory_space<vmem>> -> memref<1x128xi32, #tpu.memory_space<vmem>>
      %dma_wait3A_72 = tpu.memref_squeeze %dma_wait3A_71 : memref<1x128xi32, #tpu.memory_space<vmem>> -> memref<128xi32, #tpu.memory_space<vmem>>
      %dma_wait3A_73 = arith.constant 0 : i32
      %dma_wait3A_74 = arith.constant 0 : i32
      %dma_wait3A_75 = tpu.memref_slice %arg2[%dma_wait3A_73, %dma_wait3A_74] : memref<10112x128xf32, #tpu.memory_space<hbm>> -> memref<10112x128xf32, #tpu.memory_space<hbm>>
      tpu.wait_indirect_dma semaphore(%arg13 : memref<!tpu.dma_semaphore, #tpu.memory_space<semaphore_mem>>) src(%dma_wait3A_75 : memref<10112x128xf32, #tpu.memory_space<hbm>>) dst(%arg11 : memref<128x128xf32, #tpu.memory_space<vmem>>)
      %dma_start3A_76 = arith.constant 0 : i32
      %dma_start3A_77 = arith.constant 1 : i32
      %dma_start3A_78 = arith.constant 0 : i32
      %dma_start3A_79 = tpu.memref_slice %arg9[%dma_start3A_76, %dma_start3A_77, %dma_start3A_78] : memref<2x8x128xi32, #tpu.memory_space<vmem>> -> memref<1x1x128xi32, #tpu.memory_space<vmem>>
      %dma_start3A_80 = tpu.memref_squeeze %dma_start3A_79 : memref<1x1x128xi32, #tpu.memory_space<vmem>> -> memref<128xi32, #tpu.memory_space<vmem>>
      %dma_start3A_81 = arith.constant 0 : i32
      %dma_start3A_82 = arith.constant 0 : i32
      %dma_start3A_83 = tpu.memref_slice %arg7[%dma_start3A_81, %dma_start3A_82] : memref<10112x128xf32, #tpu.memory_space<vmem_shared>> -> memref<10112x128xf32, #tpu.memory_space<vmem_shared>>
      tpu.enqueue_indirect_dma source(%arg11 : memref<128x128xf32, #tpu.memory_space<vmem>>) target(%dma_start3A_83 : memref<10112x128xf32, #tpu.memory_space<vmem_shared>>) offsets(%dma_start3A_80 : memref<128xi32, #tpu.memory_space<vmem>>) semaphore(%arg15 : memref<!tpu.dma_semaphore, #tpu.memory_space<semaphore_mem>>) {add = true}
      %dma_wait3A_84 = arith.constant 0 : i32
      %dma_wait3A_85 = arith.constant 0 : i32
      %dma_wait3A_86 = arith.constant 0 : i32
      %dma_wait3A_87 = tpu.memref_slice %arg9[%dma_wait3A_84, %dma_wait3A_85, %dma_wait3A_86] : memref<2x8x128xi32, #tpu.memory_space<vmem>> -> memref<1x1x128xi32, #tpu.memory_space<vmem>>
      %dma_wait3A_88 = tpu.memref_squeeze %dma_wait3A_87 : memref<1x1x128xi32, #tpu.memory_space<vmem>> -> memref<128xi32, #tpu.memory_space<vmem>>
      %dma_wait3A_89 = arith.constant 0 : i32
      %dma_wait3A_90 = arith.constant 0 : i32
      %dma_wait3A_91 = tpu.memref_slice %arg7[%dma_wait3A_89, %dma_wait3A_90] : memref<10112x128xf32, #tpu.memory_space<vmem_shared>> -> memref<10112x128xf32, #tpu.memory_space<vmem_shared>>
      tpu.wait_indirect_dma semaphore(%arg14 : memref<!tpu.dma_semaphore, #tpu.memory_space<semaphore_mem>>) src(%arg10 : memref<128x128xf32, #tpu.memory_space<vmem>>) dst(%dma_wait3A_91 : memref<10112x128xf32, #tpu.memory_space<vmem_shared>>)
      %add3A_92 = arith.constant 1 : i32
      %add3A_93 = arith.addi %add3A_68, %add3A_92 : i32
      %dma_start3A_94 = arith.constant 0 : i32
      %dma_start3A_95 = tpu.memref_slice %arg8[%add3A_93, %dma_start3A_94] : memref<80x128xi32, #tpu.memory_space<vmem>> -> memref<1x128xi32, #tpu.memory_space<vmem>>
      %dma_start3A_96 = tpu.memref_squeeze %dma_start3A_95 : memref<1x128xi32, #tpu.memory_space<vmem>> -> memref<128xi32, #tpu.memory_space<vmem>>
      %dma_start3A_97 = arith.constant 0 : i32
      %dma_start3A_98 = arith.constant 0 : i32
      %dma_start3A_99 = tpu.memref_slice %arg2[%dma_start3A_97, %dma_start3A_98] : memref<10112x128xf32, #tpu.memory_space<hbm>> -> memref<10112x128xf32, #tpu.memory_space<hbm>>
      tpu.enqueue_indirect_dma source(%dma_start3A_99 : memref<10112x128xf32, #tpu.memory_space<hbm>>) target(%arg10 : memref<128x128xf32, #tpu.memory_space<vmem>>) offsets(%dma_start3A_96 : memref<128xi32, #tpu.memory_space<vmem>>) semaphore(%arg12 : memref<!tpu.dma_semaphore, #tpu.memory_space<semaphore_mem>>)
      %mul3A_100 = arith.constant 8 : i32
      %mul3A_101 = arith.muli %add3A_30, %mul3A_100 : i32
      %add3A_102 = arith.constant 2 : i32
      %add3A_103 = arith.addi %mul3A_101, %add3A_102 : i32
      %dma_wait3A_104 = arith.constant 0 : i32
      %dma_wait3A_105 = arith.constant 0 : i32
      %dma_wait3A_106 = tpu.memref_slice %arg8[%dma_wait3A_104, %dma_wait3A_105] : memref<80x128xi32, #tpu.memory_space<vmem>> -> memref<1x128xi32, #tpu.memory_space<vmem>>
      %dma_wait3A_107 = tpu.memref_squeeze %dma_wait3A_106 : memref<1x128xi32, #tpu.memory_space<vmem>> -> memref<128xi32, #tpu.memory_space<vmem>>
      %dma_wait3A_108 = arith.constant 0 : i32
      %dma_wait3A_109 = arith.constant 0 : i32
      %dma_wait3A_110 = tpu.memref_slice %arg2[%dma_wait3A_108, %dma_wait3A_109] : memref<10112x128xf32, #tpu.memory_space<hbm>> -> memref<10112x128xf32, #tpu.memory_space<hbm>>
      tpu.wait_indirect_dma semaphore(%arg12 : memref<!tpu.dma_semaphore, #tpu.memory_space<semaphore_mem>>) src(%dma_wait3A_110 : memref<10112x128xf32, #tpu.memory_space<hbm>>) dst(%arg10 : memref<128x128xf32, #tpu.memory_space<vmem>>)
      %dma_start3A_111 = arith.constant 0 : i32
      %dma_start3A_112 = arith.constant 2 : i32
      %dma_start3A_113 = arith.constant 0 : i32
      %dma_start3A_114 = tpu.memref_slice %arg9[%dma_start3A_111, %dma_start3A_112, %dma_start3A_113] : memref<2x8x128xi32, #tpu.memory_space<vmem>> -> memref<1x1x128xi32, #tpu.memory_space<vmem>>
      %dma_start3A_115 = tpu.memref_squeeze %dma_start3A_114 : memref<1x1x128xi32, #tpu.memory_space<vmem>> -> memref<128xi32, #tpu.memory_space<vmem>>
      %dma_start3A_116 = arith.constant 0 : i32
      %dma_start3A_117 = arith.constant 0 : i32
      %dma_start3A_118 = tpu.memref_slice %arg7[%dma_start3A_116, %dma_start3A_117] : memref<10112x128xf32, #tpu.memory_space<vmem_shared>> -> memref<10112x128xf32, #tpu.memory_space<vmem_shared>>
      tpu.enqueue_indirect_dma source(%arg10 : memref<128x128xf32, #tpu.memory_space<vmem>>) target(%dma_start3A_118 : memref<10112x128xf32, #tpu.memory_space<vmem_shared>>) offsets(%dma_start3A_115 : memref<128xi32, #tpu.memory_space<vmem>>) semaphore(%arg14 : memref<!tpu.dma_semaphore, #tpu.memory_space<semaphore_mem>>) {add = true}
      %dma_wait3A_119 = arith.constant 0 : i32
      %dma_wait3A_120 = arith.constant 0 : i32
      %dma_wait3A_121 = arith.constant 0 : i32
      %dma_wait3A_122 = tpu.memref_slice %arg9[%dma_wait3A_119, %dma_wait3A_120, %dma_wait3A_121] : memref<2x8x128xi32, #tpu.memory_space<vmem>> -> memref<1x1x128xi32, #tpu.memory_space<vmem>>
      %dma_wait3A_123 = tpu.memref_squeeze %dma_wait3A_122 : memref<1x1x128xi32, #tpu.memory_space<vmem>> -> memref<128xi32, #tpu.memory_space<vmem>>
      %dma_wait3A_124 = arith.constant 0 : i32
      %dma_wait3A_125 = arith.constant 0 : i32
      %dma_wait3A_126 = tpu.memref_slice %arg7[%dma_wait3A_124, %dma_wait3A_125] : memref<10112x128xf32, #tpu.memory_space<vmem_shared>> -> memref<10112x128xf32, #tpu.memory_space<vmem_shared>>
      tpu.wait_indirect_dma semaphore(%arg15 : memref<!tpu.dma_semaphore, #tpu.memory_space<semaphore_mem>>) src(%arg11 : memref<128x128xf32, #tpu.memory_space<vmem>>) dst(%dma_wait3A_126 : memref<10112x128xf32, #tpu.memory_space<vmem_shared>>)
      %add3A_127 = arith.constant 1 : i32
      %add3A_128 = arith.addi %add3A_30, %add3A_127 : i32
      %mul3A_129 = arith.constant 8 : i32
      %mul3A_130 = arith.muli %add3A_128, %mul3A_129 : i32
      %dma_start3A_131 = arith.constant 1 : i32
      %dma_start3A_132 = arith.constant 0 : i32
      %dma_start3A_133 = arith.constant 0 : i32
      %dma_start3A_134 = tpu.memref_slice %arg9[%dma_start3A_131, %dma_start3A_132, %dma_start3A_133] : memref<2x8x128xi32, #tpu.memory_space<vmem>> -> memref<1x8x128xi32, #tpu.memory_space<vmem>>
      %dma_start3A_135 = tpu.memref_squeeze %dma_start3A_134 : memref<1x8x128xi32, #tpu.memory_space<vmem>> -> memref<8x128xi32, #tpu.memory_space<vmem>>
      %dma_start3A_136 = arith.constant 0 : i32
      %dma_start3A_137 = tpu.memref_slice %arg4[%add3A, %mul3A_130, %dma_start3A_136] : memref<32x80x128xi32, #tpu.memory_space<hbm>> -> memref<1x8x128xi32, #tpu.memory_space<hbm>>
      %dma_start3A_138 = tpu.memref_squeeze %dma_start3A_137 : memref<1x8x128xi32, #tpu.memory_space<hbm>> -> memref<8x128xi32, #tpu.memory_space<hbm>>
      %dma_start3A_139 = arith.constant 0 : i32
      %dma_start3A_140 = arith.constant 0 : i32
      %dma_start3A_141 = tpu.memref_slice %arg9[%dma_start3A_131, %dma_start3A_139, %dma_start3A_140] : memref<2x8x128xi32, #tpu.memory_space<vmem>> -> memref<1x8x128xi32, #tpu.memory_space<vmem>>
      %dma_start3A_142 = tpu.memref_squeeze %dma_start3A_141 : memref<1x8x128xi32, #tpu.memory_space<vmem>> -> memref<8x128xi32, #tpu.memory_space<vmem>>
      %dma_start3A_143 = arith.constant 0 : i32
      %dma_start3A_144 = tpu.memref_slice %arg4[%add3A, %mul3A_130, %dma_start3A_143] : memref<32x80x128xi32, #tpu.memory_space<hbm>> -> memref<1x8x128xi32, #tpu.memory_space<hbm>>
      %dma_start3A_145 = tpu.memref_squeeze %dma_start3A_144 : memref<1x8x128xi32, #tpu.memory_space<hbm>> -> memref<8x128xi32, #tpu.memory_space<hbm>>
      tpu.enqueue_dma source(%dma_start3A_145 : memref<8x128xi32, #tpu.memory_space<hbm>>) target(%dma_start3A_142 : memref<8x128xi32, #tpu.memory_space<vmem>>) target_semaphore(%arg16 : memref<!tpu.dma_semaphore, #tpu.memory_space<semaphore_mem>>)
      %add3A_146 = arith.constant 1 : i32
      %add3A_147 = arith.addi %add3A_103, %add3A_146 : i32
      %dma_start3A_148 = arith.constant 0 : i32
      %dma_start3A_149 = tpu.memref_slice %arg8[%add3A_147, %dma_start3A_148] : memref<80x128xi32, #tpu.memory_space<vmem>> -> memref<1x128xi32, #tpu.memory_space<vmem>>
      %dma_start3A_150 = tpu.memref_squeeze %dma_start3A_149 : memref<1x128xi32, #tpu.memory_space<vmem>> -> memref<128xi32, #tpu.memory_space<vmem>>
      %dma_start3A_151 = arith.constant 0 : i32
      %dma_start3A_152 = arith.constant 0 : i32
      %dma_start3A_153 = tpu.memref_slice %arg2[%dma_start3A_151, %dma_start3A_152] : memref<10112x128xf32, #tpu.memory_space<hbm>> -> memref<10112x128xf32, #tpu.memory_space<hbm>>
      tpu.enqueue_indirect_dma source(%dma_start3A_153 : memref<10112x128xf32, #tpu.memory_space<hbm>>) target(%arg11 : memref<128x128xf32, #tpu.memory_space<vmem>>) offsets(%dma_start3A_150 : memref<128xi32, #tpu.memory_space<vmem>>) semaphore(%arg13 : memref<!tpu.dma_semaphore, #tpu.memory_space<semaphore_mem>>)
      %mul3A_154 = arith.constant 8 : i32
      %mul3A_155 = arith.muli %add3A_30, %mul3A_154 : i32
      %add3A_156 = arith.constant 3 : i32
      %add3A_157 = arith.addi %mul3A_155, %add3A_156 : i32
      %dma_wait3A_158 = arith.constant 0 : i32
      %dma_wait3A_159 = arith.constant 0 : i32
      %dma_wait3A_160 = tpu.memref_slice %arg8[%dma_wait3A_158, %dma_wait3A_159] : memref<80x128xi32, #tpu.memory_space<vmem>> -> memref<1x128xi32, #tpu.memory_space<vmem>>
      %dma_wait3A_161 = tpu.memref_squeeze %dma_wait3A_160 : memref<1x128xi32, #tpu.memory_space<vmem>> -> memref<128xi32, #tpu.memory_space<vmem>>
      %dma_wait3A_162 = arith.constant 0 : i32
      %dma_wait3A_163 = arith.constant 0 : i32
      %dma_wait3A_164 = tpu.memref_slice %arg2[%dma_wait3A_162, %dma_wait3A_163] : memref<10112x128xf32, #tpu.memory_space<hbm>> -> memref<10112x128xf32, #tpu.memory_space<hbm>>
      tpu.wait_indirect_dma semaphore(%arg13 : memref<!tpu.dma_semaphore, #tpu.memory_space<semaphore_mem>>) src(%dma_wait3A_164 : memref<10112x128xf32, #tpu.memory_space<hbm>>) dst(%arg11 : memref<128x128xf32, #tpu.memory_space<vmem>>)
      %dma_start3A_165 = arith.constant 0 : i32
      %dma_start3A_166 = arith.constant 3 : i32
      %dma_start3A_167 = arith.constant 0 : i32
      %dma_start3A_168 = tpu.memref_slice %arg9[%dma_start3A_165, %dma_start3A_166, %dma_start3A_167] : memref<2x8x128xi32, #tpu.memory_space<vmem>> -> memref<1x1x128xi32, #tpu.memory_space<vmem>>
      %dma_start3A_169 = tpu.memref_squeeze %dma_start3A_168 : memref<1x1x128xi32, #tpu.memory_space<vmem>> -> memref<128xi32, #tpu.memory_space<vmem>>
      %dma_start3A_170 = arith.constant 0 : i32
      %dma_start3A_171 = arith.constant 0 : i32
      %dma_start3A_172 = tpu.memref_slice %arg7[%dma_start3A_170, %dma_start3A_171] : memref<10112x128xf32, #tpu.memory_space<vmem_shared>> -> memref<10112x128xf32, #tpu.memory_space<vmem_shared>>
      tpu.enqueue_indirect_dma source(%arg11 : memref<128x128xf32, #tpu.memory_space<vmem>>) target(%dma_start3A_172 : memref<10112x128xf32, #tpu.memory_space<vmem_shared>>) offsets(%dma_start3A_169 : memref<128xi32, #tpu.memory_space<vmem>>) semaphore(%arg15 : memref<!tpu.dma_semaphore, #tpu.memory_space<semaphore_mem>>) {add = true}
      %dma_wait3A_173 = arith.constant 0 : i32
      %dma_wait3A_174 = arith.constant 0 : i32
      %dma_wait3A_175 = arith.constant 0 : i32
      %dma_wait3A_176 = tpu.memref_slice %arg9[%dma_wait3A_173, %dma_wait3A_174, %dma_wait3A_175] : memref<2x8x128xi32, #tpu.memory_space<vmem>> -> memref<1x1x128xi32, #tpu.memory_space<vmem>>
      %dma_wait3A_177 = tpu.memref_squeeze %dma_wait3A_176 : memref<1x1x128xi32, #tpu.memory_space<vmem>> -> memref<128xi32, #tpu.memory_space<vmem>>
      %dma_wait3A_178 = arith.constant 0 : i32
      %dma_wait3A_179 = arith.constant 0 : i32
      %dma_wait3A_180 = tpu.memref_slice %arg7[%dma_wait3A_178, %dma_wait3A_179] : memref<10112x128xf32, #tpu.memory_space<vmem_shared>> -> memref<10112x128xf32, #tpu.memory_space<vmem_shared>>
      tpu.wait_indirect_dma semaphore(%arg14 : memref<!tpu.dma_semaphore, #tpu.memory_space<semaphore_mem>>) src(%arg10 : memref<128x128xf32, #tpu.memory_space<vmem>>) dst(%dma_wait3A_180 : memref<10112x128xf32, #tpu.memory_space<vmem_shared>>)
      %add3A_181 = arith.constant 1 : i32
      %add3A_182 = arith.addi %add3A_157, %add3A_181 : i32
      %dma_start3A_183 = arith.constant 0 : i32
      %dma_start3A_184 = tpu.memref_slice %arg8[%add3A_182, %dma_start3A_183] : memref<80x128xi32, #tpu.memory_space<vmem>> -> memref<1x128xi32, #tpu.memory_space<vmem>>
      %dma_start3A_185 = tpu.memref_squeeze %dma_start3A_184 : memref<1x128xi32, #tpu.memory_space<vmem>> -> memref<128xi32, #tpu.memory_space<vmem>>
      %dma_start3A_186 = arith.constant 0 : i32
      %dma_start3A_187 = arith.constant 0 : i32
      %dma_start3A_188 = tpu.memref_slice %arg2[%dma_start3A_186, %dma_start3A_187] : memref<10112x128xf32, #tpu.memory_space<hbm>> -> memref<10112x128xf32, #tpu.memory_space<hbm>>
      tpu.enqueue_indirect_dma source(%dma_start3A_188 : memref<10112x128xf32, #tpu.memory_space<hbm>>) target(%arg10 : memref<128x128xf32, #tpu.memory_space<vmem>>) offsets(%dma_start3A_185 : memref<128xi32, #tpu.memory_space<vmem>>) semaphore(%arg12 : memref<!tpu.dma_semaphore, #tpu.memory_space<semaphore_mem>>)
      %mul3A_189 = arith.constant 8 : i32
      %mul3A_190 = arith.muli %add3A_30, %mul3A_189 : i32
      %add3A_191 = arith.constant 4 : i32
      %add3A_192 = arith.addi %mul3A_190, %add3A_191 : i32
      %dma_wait3A_193 = arith.constant 0 : i32
      %dma_wait3A_194 = arith.constant 0 : i32
      %dma_wait3A_195 = tpu.memref_slice %arg8[%dma_wait3A_193, %dma_wait3A_194] : memref<80x128xi32, #tpu.memory_space<vmem>> -> memref<1x128xi32, #tpu.memory_space<vmem>>
      %dma_wait3A_196 = tpu.memref_squeeze %dma_wait3A_195 : memref<1x128xi32, #tpu.memory_space<vmem>> -> memref<128xi32, #tpu.memory_space<vmem>>
      %dma_wait3A_197 = arith.constant 0 : i32
      %dma_wait3A_198 = arith.constant 0 : i32
      %dma_wait3A_199 = tpu.memref_slice %arg2[%dma_wait3A_197, %dma_wait3A_198] : memref<10112x128xf32, #tpu.memory_space<hbm>> -> memref<10112x128xf32, #tpu.memory_space<hbm>>
      tpu.wait_indirect_dma semaphore(%arg12 : memref<!tpu.dma_semaphore, #tpu.memory_space<semaphore_mem>>) src(%dma_wait3A_199 : memref<10112x128xf32, #tpu.memory_space<hbm>>) dst(%arg10 : memref<128x128xf32, #tpu.memory_space<vmem>>)
      %dma_start3A_200 = arith.constant 0 : i32
      %dma_start3A_201 = arith.constant 4 : i32
      %dma_start3A_202 = arith.constant 0 : i32
      %dma_start3A_203 = tpu.memref_slice %arg9[%dma_start3A_200, %dma_start3A_201, %dma_start3A_202] : memref<2x8x128xi32, #tpu.memory_space<vmem>> -> memref<1x1x128xi32, #tpu.memory_space<vmem>>
      %dma_start3A_204 = tpu.memref_squeeze %dma_start3A_203 : memref<1x1x128xi32, #tpu.memory_space<vmem>> -> memref<128xi32, #tpu.memory_space<vmem>>
      %dma_start3A_205 = arith.constant 0 : i32
      %dma_start3A_206 = arith.constant 0 : i32
      %dma_start3A_207 = tpu.memref_slice %arg7[%dma_start3A_205, %dma_start3A_206] : memref<10112x128xf32, #tpu.memory_space<vmem_shared>> -> memref<10112x128xf32, #tpu.memory_space<vmem_shared>>
      tpu.enqueue_indirect_dma source(%arg10 : memref<128x128xf32, #tpu.memory_space<vmem>>) target(%dma_start3A_207 : memref<10112x128xf32, #tpu.memory_space<vmem_shared>>) offsets(%dma_start3A_204 : memref<128xi32, #tpu.memory_space<vmem>>) semaphore(%arg14 : memref<!tpu.dma_semaphore, #tpu.memory_space<semaphore_mem>>) {add = true}
      %dma_wait3A_208 = arith.constant 0 : i32
      %dma_wait3A_209 = arith.constant 0 : i32
      %dma_wait3A_210 = arith.constant 0 : i32
      %dma_wait3A_211 = tpu.memref_slice %arg9[%dma_wait3A_208, %dma_wait3A_209, %dma_wait3A_210] : memref<2x8x128xi32, #tpu.memory_space<vmem>> -> memref<1x1x128xi32, #tpu.memory_space<vmem>>
      %dma_wait3A_212 = tpu.memref_squeeze %dma_wait3A_211 : memref<1x1x128xi32, #tpu.memory_space<vmem>> -> memref<128xi32, #tpu.memory_space<vmem>>
      %dma_wait3A_213 = arith.constant 0 : i32
      %dma_wait3A_214 = arith.constant 0 : i32
      %dma_wait3A_215 = tpu.memref_slice %arg7[%dma_wait3A_213, %dma_wait3A_214] : memref<10112x128xf32, #tpu.memory_space<vmem_shared>> -> memref<10112x128xf32, #tpu.memory_space<vmem_shared>>
      tpu.wait_indirect_dma semaphore(%arg15 : memref<!tpu.dma_semaphore, #tpu.memory_space<semaphore_mem>>) src(%arg11 : memref<128x128xf32, #tpu.memory_space<vmem>>) dst(%dma_wait3A_215 : memref<10112x128xf32, #tpu.memory_space<vmem_shared>>)
      %add3A_216 = arith.constant 1 : i32
      %add3A_217 = arith.addi %add3A_192, %add3A_216 : i32
      %dma_start3A_218 = arith.constant 0 : i32
      %dma_start3A_219 = tpu.memref_slice %arg8[%add3A_217, %dma_start3A_218] : memref<80x128xi32, #tpu.memory_space<vmem>> -> memref<1x128xi32, #tpu.memory_space<vmem>>
      %dma_start3A_220 = tpu.memref_squeeze %dma_start3A_219 : memref<1x128xi32, #tpu.memory_space<vmem>> -> memref<128xi32, #tpu.memory_space<vmem>>
      %dma_start3A_221 = arith.constant 0 : i32
      %dma_start3A_222 = arith.constant 0 : i32
      %dma_start3A_223 = tpu.memref_slice %arg2[%dma_start3A_221, %dma_start3A_222] : memref<10112x128xf32, #tpu.memory_space<hbm>> -> memref<10112x128xf32, #tpu.memory_space<hbm>>
      tpu.enqueue_indirect_dma source(%dma_start3A_223 : memref<10112x128xf32, #tpu.memory_space<hbm>>) target(%arg11 : memref<128x128xf32, #tpu.memory_space<vmem>>) offsets(%dma_start3A_220 : memref<128xi32, #tpu.memory_space<vmem>>) semaphore(%arg13 : memref<!tpu.dma_semaphore, #tpu.memory_space<semaphore_mem>>)
      %mul3A_224 = arith.constant 8 : i32
      %mul3A_225 = arith.muli %add3A_30, %mul3A_224 : i32
      %add3A_226 = arith.constant 5 : i32
      %add3A_227 = arith.addi %mul3A_225, %add3A_226 : i32
      %dma_wait3A_228 = arith.constant 0 : i32
      %dma_wait3A_229 = arith.constant 0 : i32
      %dma_wait3A_230 = tpu.memref_slice %arg8[%dma_wait3A_228, %dma_wait3A_229] : memref<80x128xi32, #tpu.memory_space<vmem>> -> memref<1x128xi32, #tpu.memory_space<vmem>>
      %dma_wait3A_231 = tpu.memref_squeeze %dma_wait3A_230 : memref<1x128xi32, #tpu.memory_space<vmem>> -> memref<128xi32, #tpu.memory_space<vmem>>
      %dma_wait3A_232 = arith.constant 0 : i32
      %dma_wait3A_233 = arith.constant 0 : i32
      %dma_wait3A_234 = tpu.memref_slice %arg2[%dma_wait3A_232, %dma_wait3A_233] : memref<10112x128xf32, #tpu.memory_space<hbm>> -> memref<10112x128xf32, #tpu.memory_space<hbm>>
      tpu.wait_indirect_dma semaphore(%arg13 : memref<!tpu.dma_semaphore, #tpu.memory_space<semaphore_mem>>) src(%dma_wait3A_234 : memref<10112x128xf32, #tpu.memory_space<hbm>>) dst(%arg11 : memref<128x128xf32, #tpu.memory_space<vmem>>)
      %dma_start3A_235 = arith.constant 0 : i32
      %dma_start3A_236 = arith.constant 5 : i32
      %dma_start3A_237 = arith.constant 0 : i32
      %dma_start3A_238 = tpu.memref_slice %arg9[%dma_start3A_235, %dma_start3A_236, %dma_start3A_237] : memref<2x8x128xi32, #tpu.memory_space<vmem>> -> memref<1x1x128xi32, #tpu.memory_space<vmem>>
      %dma_start3A_239 = tpu.memref_squeeze %dma_start3A_238 : memref<1x1x128xi32, #tpu.memory_space<vmem>> -> memref<128xi32, #tpu.memory_space<vmem>>
      %dma_start3A_240 = arith.constant 0 : i32
      %dma_start3A_241 = arith.constant 0 : i32
      %dma_start3A_242 = tpu.memref_slice %arg7[%dma_start3A_240, %dma_start3A_241] : memref<10112x128xf32, #tpu.memory_space<vmem_shared>> -> memref<10112x128xf32, #tpu.memory_space<vmem_shared>>
      tpu.enqueue_indirect_dma source(%arg11 : memref<128x128xf32, #tpu.memory_space<vmem>>) target(%dma_start3A_242 : memref<10112x128xf32, #tpu.memory_space<vmem_shared>>) offsets(%dma_start3A_239 : memref<128xi32, #tpu.memory_space<vmem>>) semaphore(%arg15 : memref<!tpu.dma_semaphore, #tpu.memory_space<semaphore_mem>>) {add = true}
      %dma_wait3A_243 = arith.constant 0 : i32
      %dma_wait3A_244 = arith.constant 0 : i32
      %dma_wait3A_245 = arith.constant 0 : i32
      %dma_wait3A_246 = tpu.memref_slice %arg9[%dma_wait3A_243, %dma_wait3A_244, %dma_wait3A_245] : memref<2x8x128xi32, #tpu.memory_space<vmem>> -> memref<1x1x128xi32, #tpu.memory_space<vmem>>
      %dma_wait3A_247 = tpu.memref_squeeze %dma_wait3A_246 : memref<1x1x128xi32, #tpu.memory_space<vmem>> -> memref<128xi32, #tpu.memory_space<vmem>>
      %dma_wait3A_248 = arith.constant 0 : i32
      %dma_wait3A_249 = arith.constant 0 : i32
      %dma_wait3A_250 = tpu.memref_slice %arg7[%dma_wait3A_248, %dma_wait3A_249] : memref<10112x128xf32, #tpu.memory_space<vmem_shared>> -> memref<10112x128xf32, #tpu.memory_space<vmem_shared>>
      tpu.wait_indirect_dma semaphore(%arg14 : memref<!tpu.dma_semaphore, #tpu.memory_space<semaphore_mem>>) src(%arg10 : memref<128x128xf32, #tpu.memory_space<vmem>>) dst(%dma_wait3A_250 : memref<10112x128xf32, #tpu.memory_space<vmem_shared>>)
      %add3A_251 = arith.constant 1 : i32
      %add3A_252 = arith.addi %add3A_227, %add3A_251 : i32
      %dma_start3A_253 = arith.constant 0 : i32
      %dma_start3A_254 = tpu.memref_slice %arg8[%add3A_252, %dma_start3A_253] : memref<80x128xi32, #tpu.memory_space<vmem>> -> memref<1x128xi32, #tpu.memory_space<vmem>>
      %dma_start3A_255 = tpu.memref_squeeze %dma_start3A_254 : memref<1x128xi32, #tpu.memory_space<vmem>> -> memref<128xi32, #tpu.memory_space<vmem>>
      %dma_start3A_256 = arith.constant 0 : i32
      %dma_start3A_257 = arith.constant 0 : i32
      %dma_start3A_258 = tpu.memref_slice %arg2[%dma_start3A_256, %dma_start3A_257] : memref<10112x128xf32, #tpu.memory_space<hbm>> -> memref<10112x128xf32, #tpu.memory_space<hbm>>
      tpu.enqueue_indirect_dma source(%dma_start3A_258 : memref<10112x128xf32, #tpu.memory_space<hbm>>) target(%arg10 : memref<128x128xf32, #tpu.memory_space<vmem>>) offsets(%dma_start3A_255 : memref<128xi32, #tpu.memory_space<vmem>>) semaphore(%arg12 : memref<!tpu.dma_semaphore, #tpu.memory_space<semaphore_mem>>)
      %mul3A_259 = arith.constant 8 : i32
      %mul3A_260 = arith.muli %add3A_30, %mul3A_259 : i32
      %add3A_261 = arith.constant 6 : i32
      %add3A_262 = arith.addi %mul3A_260, %add3A_261 : i32
      %dma_wait3A_263 = arith.constant 0 : i32
      %dma_wait3A_264 = arith.constant 0 : i32
      %dma_wait3A_265 = tpu.memref_slice %arg8[%dma_wait3A_263, %dma_wait3A_264] : memref<80x128xi32, #tpu.memory_space<vmem>> -> memref<1x128xi32, #tpu.memory_space<vmem>>
      %dma_wait3A_266 = tpu.memref_squeeze %dma_wait3A_265 : memref<1x128xi32, #tpu.memory_space<vmem>> -> memref<128xi32, #tpu.memory_space<vmem>>
      %dma_wait3A_267 = arith.constant 0 : i32
      %dma_wait3A_268 = arith.constant 0 : i32
      %dma_wait3A_269 = tpu.memref_slice %arg2[%dma_wait3A_267, %dma_wait3A_268] : memref<10112x128xf32, #tpu.memory_space<hbm>> -> memref<10112x128xf32, #tpu.memory_space<hbm>>
      tpu.wait_indirect_dma semaphore(%arg12 : memref<!tpu.dma_semaphore, #tpu.memory_space<semaphore_mem>>) src(%dma_wait3A_269 : memref<10112x128xf32, #tpu.memory_space<hbm>>) dst(%arg10 : memref<128x128xf32, #tpu.memory_space<vmem>>)
      %dma_start3A_270 = arith.constant 0 : i32
      %dma_start3A_271 = arith.constant 6 : i32
      %dma_start3A_272 = arith.constant 0 : i32
      %dma_start3A_273 = tpu.memref_slice %arg9[%dma_start3A_270, %dma_start3A_271, %dma_start3A_272] : memref<2x8x128xi32, #tpu.memory_space<vmem>> -> memref<1x1x128xi32, #tpu.memory_space<vmem>>
      %dma_start3A_274 = tpu.memref_squeeze %dma_start3A_273 : memref<1x1x128xi32, #tpu.memory_space<vmem>> -> memref<128xi32, #tpu.memory_space<vmem>>
      %dma_start3A_275 = arith.constant 0 : i32
      %dma_start3A_276 = arith.constant 0 : i32
      %dma_start3A_277 = tpu.memref_slice %arg7[%dma_start3A_275, %dma_start3A_276] : memref<10112x128xf32, #tpu.memory_space<vmem_shared>> -> memref<10112x128xf32, #tpu.memory_space<vmem_shared>>
      tpu.enqueue_indirect_dma source(%arg10 : memref<128x128xf32, #tpu.memory_space<vmem>>) target(%dma_start3A_277 : memref<10112x128xf32, #tpu.memory_space<vmem_shared>>) offsets(%dma_start3A_274 : memref<128xi32, #tpu.memory_space<vmem>>) semaphore(%arg14 : memref<!tpu.dma_semaphore, #tpu.memory_space<semaphore_mem>>) {add = true}
      %dma_wait3A_278 = arith.constant 0 : i32
      %dma_wait3A_279 = arith.constant 0 : i32
      %dma_wait3A_280 = arith.constant 0 : i32
      %dma_wait3A_281 = tpu.memref_slice %arg9[%dma_wait3A_278, %dma_wait3A_279, %dma_wait3A_280] : memref<2x8x128xi32, #tpu.memory_space<vmem>> -> memref<1x1x128xi32, #tpu.memory_space<vmem>>
      %dma_wait3A_282 = tpu.memref_squeeze %dma_wait3A_281 : memref<1x1x128xi32, #tpu.memory_space<vmem>> -> memref<128xi32, #tpu.memory_space<vmem>>
      %dma_wait3A_283 = arith.constant 0 : i32
      %dma_wait3A_284 = arith.constant 0 : i32
      %dma_wait3A_285 = tpu.memref_slice %arg7[%dma_wait3A_283, %dma_wait3A_284] : memref<10112x128xf32, #tpu.memory_space<vmem_shared>> -> memref<10112x128xf32, #tpu.memory_space<vmem_shared>>
      tpu.wait_indirect_dma semaphore(%arg15 : memref<!tpu.dma_semaphore, #tpu.memory_space<semaphore_mem>>) src(%arg11 : memref<128x128xf32, #tpu.memory_space<vmem>>) dst(%dma_wait3A_285 : memref<10112x128xf32, #tpu.memory_space<vmem_shared>>)
      %add3A_286 = arith.constant 1 : i32
      %add3A_287 = arith.addi %add3A_262, %add3A_286 : i32
      %dma_start3A_288 = arith.constant 0 : i32
      %dma_start3A_289 = tpu.memref_slice %arg8[%add3A_287, %dma_start3A_288] : memref<80x128xi32, #tpu.memory_space<vmem>> -> memref<1x128xi32, #tpu.memory_space<vmem>>
      %dma_start3A_290 = tpu.memref_squeeze %dma_start3A_289 : memref<1x128xi32, #tpu.memory_space<vmem>> -> memref<128xi32, #tpu.memory_space<vmem>>
      %dma_start3A_291 = arith.constant 0 : i32
      %dma_start3A_292 = arith.constant 0 : i32
      %dma_start3A_293 = tpu.memref_slice %arg2[%dma_start3A_291, %dma_start3A_292] : memref<10112x128xf32, #tpu.memory_space<hbm>> -> memref<10112x128xf32, #tpu.memory_space<hbm>>
      tpu.enqueue_indirect_dma source(%dma_start3A_293 : memref<10112x128xf32, #tpu.memory_space<hbm>>) target(%arg11 : memref<128x128xf32, #tpu.memory_space<vmem>>) offsets(%dma_start3A_290 : memref<128xi32, #tpu.memory_space<vmem>>) semaphore(%arg13 : memref<!tpu.dma_semaphore, #tpu.memory_space<semaphore_mem>>)
      %mul3A_294 = arith.constant 8 : i32
      %mul3A_295 = arith.muli %add3A_30, %mul3A_294 : i32
      %add3A_296 = arith.constant 7 : i32
      %add3A_297 = arith.addi %mul3A_295, %add3A_296 : i32
      %dma_wait3A_298 = arith.constant 0 : i32
      %dma_wait3A_299 = arith.constant 0 : i32
      %dma_wait3A_300 = tpu.memref_slice %arg8[%dma_wait3A_298, %dma_wait3A_299] : memref<80x128xi32, #tpu.memory_space<vmem>> -> memref<1x128xi32, #tpu.memory_space<vmem>>
      %dma_wait3A_301 = tpu.memref_squeeze %dma_wait3A_300 : memref<1x128xi32, #tpu.memory_space<vmem>> -> memref<128xi32, #tpu.memory_space<vmem>>
      %dma_wait3A_302 = arith.constant 0 : i32
      %dma_wait3A_303 = arith.constant 0 : i32
      %dma_wait3A_304 = tpu.memref_slice %arg2[%dma_wait3A_302, %dma_wait3A_303] : memref<10112x128xf32, #tpu.memory_space<hbm>> -> memref<10112x128xf32, #tpu.memory_space<hbm>>
      tpu.wait_indirect_dma semaphore(%arg13 : memref<!tpu.dma_semaphore, #tpu.memory_space<semaphore_mem>>) src(%dma_wait3A_304 : memref<10112x128xf32, #tpu.memory_space<hbm>>) dst(%arg11 : memref<128x128xf32, #tpu.memory_space<vmem>>)
      %dma_start3A_305 = arith.constant 0 : i32
      %dma_start3A_306 = arith.constant 7 : i32
      %dma_start3A_307 = arith.constant 0 : i32
      %dma_start3A_308 = tpu.memref_slice %arg9[%dma_start3A_305, %dma_start3A_306, %dma_start3A_307] : memref<2x8x128xi32, #tpu.memory_space<vmem>> -> memref<1x1x128xi32, #tpu.memory_space<vmem>>
      %dma_start3A_309 = tpu.memref_squeeze %dma_start3A_308 : memref<1x1x128xi32, #tpu.memory_space<vmem>> -> memref<128xi32, #tpu.memory_space<vmem>>
      %dma_start3A_310 = arith.constant 0 : i32
      %dma_start3A_311 = arith.constant 0 : i32
      %dma_start3A_312 = tpu.memref_slice %arg7[%dma_start3A_310, %dma_start3A_311] : memref<10112x128xf32, #tpu.memory_space<vmem_shared>> -> memref<10112x128xf32, #tpu.memory_space<vmem_shared>>
      tpu.enqueue_indirect_dma source(%arg11 : memref<128x128xf32, #tpu.memory_space<vmem>>) target(%dma_start3A_312 : memref<10112x128xf32, #tpu.memory_space<vmem_shared>>) offsets(%dma_start3A_309 : memref<128xi32, #tpu.memory_space<vmem>>) semaphore(%arg15 : memref<!tpu.dma_semaphore, #tpu.memory_space<semaphore_mem>>) {add = true}
      %dma_wait3A_313 = arith.constant 0 : i32
      %dma_wait3A_314 = arith.constant 0 : i32
      %dma_wait3A_315 = arith.constant 0 : i32
      %dma_wait3A_316 = tpu.memref_slice %arg9[%dma_wait3A_313, %dma_wait3A_314, %dma_wait3A_315] : memref<2x8x128xi32, #tpu.memory_space<vmem>> -> memref<1x1x128xi32, #tpu.memory_space<vmem>>
      %dma_wait3A_317 = tpu.memref_squeeze %dma_wait3A_316 : memref<1x1x128xi32, #tpu.memory_space<vmem>> -> memref<128xi32, #tpu.memory_space<vmem>>
      %dma_wait3A_318 = arith.constant 0 : i32
      %dma_wait3A_319 = arith.constant 0 : i32
      %dma_wait3A_320 = tpu.memref_slice %arg7[%dma_wait3A_318, %dma_wait3A_319] : memref<10112x128xf32, #tpu.memory_space<vmem_shared>> -> memref<10112x128xf32, #tpu.memory_space<vmem_shared>>
      tpu.wait_indirect_dma semaphore(%arg14 : memref<!tpu.dma_semaphore, #tpu.memory_space<semaphore_mem>>) src(%arg10 : memref<128x128xf32, #tpu.memory_space<vmem>>) dst(%dma_wait3A_320 : memref<10112x128xf32, #tpu.memory_space<vmem_shared>>)
      %add3A_321 = arith.constant 1 : i32
      %add3A_322 = arith.addi %add3A_297, %add3A_321 : i32
      %dma_start3A_323 = arith.constant 0 : i32
      %dma_start3A_324 = tpu.memref_slice %arg8[%add3A_322, %dma_start3A_323] : memref<80x128xi32, #tpu.memory_space<vmem>> -> memref<1x128xi32, #tpu.memory_space<vmem>>
      %dma_start3A_325 = tpu.memref_squeeze %dma_start3A_324 : memref<1x128xi32, #tpu.memory_space<vmem>> -> memref<128xi32, #tpu.memory_space<vmem>>
      %dma_start3A_326 = arith.constant 0 : i32
      %dma_start3A_327 = arith.constant 0 : i32
      %dma_start3A_328 = tpu.memref_slice %arg2[%dma_start3A_326, %dma_start3A_327] : memref<10112x128xf32, #tpu.memory_space<hbm>> -> memref<10112x128xf32, #tpu.memory_space<hbm>>
      tpu.enqueue_indirect_dma source(%dma_start3A_328 : memref<10112x128xf32, #tpu.memory_space<hbm>>) target(%arg10 : memref<128x128xf32, #tpu.memory_space<vmem>>) offsets(%dma_start3A_325 : memref<128xi32, #tpu.memory_space<vmem>>) semaphore(%arg12 : memref<!tpu.dma_semaphore, #tpu.memory_space<semaphore_mem>>)
      %mul3A_329 = arith.constant 2 : i32
      %mul3A_330 = arith.muli %mul3A_329, %scan3A_26 : i32
      %add3A_331 = arith.constant 1 : i32
      %add3A_332 = arith.addi %mul3A_330, %add3A_331 : i32
      %mul3A_333 = arith.constant 8 : i32
      %mul3A_334 = arith.muli %add3A_332, %mul3A_333 : i32
      %add3A_335 = arith.constant 0 : i32
      %add3A_336 = arith.addi %mul3A_334, %add3A_335 : i32
      %dma_wait3A_337 = arith.constant 1 : i32
      %dma_wait3A_338 = arith.constant 0 : i32
      %dma_wait3A_339 = arith.constant 0 : i32
      %dma_wait3A_340 = tpu.memref_slice %arg9[%dma_wait3A_337, %dma_wait3A_338, %dma_wait3A_339] : memref<2x8x128xi32, #tpu.memory_space<vmem>> -> memref<1x8x128xi32, #tpu.memory_space<vmem>>
      %dma_wait3A_341 = tpu.memref_squeeze %dma_wait3A_340 : memref<1x8x128xi32, #tpu.memory_space<vmem>> -> memref<8x128xi32, #tpu.memory_space<vmem>>
      %dma_wait3A_342 = arith.constant 0 : i32
      %dma_wait3A_343 = arith.constant 0 : i32
      %dma_wait3A_344 = tpu.memref_slice %arg4[%add3A, %dma_wait3A_342, %dma_wait3A_343] : memref<32x80x128xi32, #tpu.memory_space<hbm>> -> memref<1x8x128xi32, #tpu.memory_space<hbm>>
      %dma_wait3A_345 = tpu.memref_squeeze %dma_wait3A_344 : memref<1x8x128xi32, #tpu.memory_space<hbm>> -> memref<8x128xi32, #tpu.memory_space<hbm>>
      %dma_wait3A_346 = arith.constant 0 : i32
      %dma_wait3A_347 = arith.constant 0 : i32
      %dma_wait3A_348 = tpu.memref_slice %arg9[%dma_wait3A_337, %dma_wait3A_346, %dma_wait3A_347] : memref<2x8x128xi32, #tpu.memory_space<vmem>> -> memref<1x8x128xi32, #tpu.memory_space<vmem>>
      %dma_wait3A_349 = tpu.memref_squeeze %dma_wait3A_348 : memref<1x8x128xi32, #tpu.memory_space<vmem>> -> memref<8x128xi32, #tpu.memory_space<vmem>>
      %dma_wait3A_350 = arith.constant 0 : i32
      %dma_wait3A_351 = arith.constant 0 : i32
      %dma_wait3A_352 = tpu.memref_slice %arg4[%add3A, %dma_wait3A_350, %dma_wait3A_351] : memref<32x80x128xi32, #tpu.memory_space<hbm>> -> memref<1x8x128xi32, #tpu.memory_space<hbm>>
      %dma_wait3A_353 = tpu.memref_squeeze %dma_wait3A_352 : memref<1x8x128xi32, #tpu.memory_space<hbm>> -> memref<8x128xi32, #tpu.memory_space<hbm>>
      tpu.wait_dma2 semaphore(%arg16 : memref<!tpu.dma_semaphore, #tpu.memory_space<semaphore_mem>>) src(%dma_wait3A_353 : memref<8x128xi32, #tpu.memory_space<hbm>>) dst(%dma_wait3A_349 : memref<8x128xi32, #tpu.memory_space<vmem>>)
      %dma_wait3A_354 = arith.constant 0 : i32
      %dma_wait3A_355 = arith.constant 0 : i32
      %dma_wait3A_356 = tpu.memref_slice %arg8[%dma_wait3A_354, %dma_wait3A_355] : memref<80x128xi32, #tpu.memory_space<vmem>> -> memref<1x128xi32, #tpu.memory_space<vmem>>
      %dma_wait3A_357 = tpu.memref_squeeze %dma_wait3A_356 : memref<1x128xi32, #tpu.memory_space<vmem>> -> memref<128xi32, #tpu.memory_space<vmem>>
      %dma_wait3A_358 = arith.constant 0 : i32
      %dma_wait3A_359 = arith.constant 0 : i32
      %dma_wait3A_360 = tpu.memref_slice %arg2[%dma_wait3A_358, %dma_wait3A_359] : memref<10112x128xf32, #tpu.memory_space<hbm>> -> memref<10112x128xf32, #tpu.memory_space<hbm>>
      tpu.wait_indirect_dma semaphore(%arg12 : memref<!tpu.dma_semaphore, #tpu.memory_space<semaphore_mem>>) src(%dma_wait3A_360 : memref<10112x128xf32, #tpu.memory_space<hbm>>) dst(%arg10 : memref<128x128xf32, #tpu.memory_space<vmem>>)
      %dma_start3A_361 = arith.constant 1 : i32
      %dma_start3A_362 = arith.constant 0 : i32
      %dma_start3A_363 = arith.constant 0 : i32
      %dma_start3A_364 = tpu.memref_slice %arg9[%dma_start3A_361, %dma_start3A_362, %dma_start3A_363] : memref<2x8x128xi32, #tpu.memory_space<vmem>> -> memref<1x1x128xi32, #tpu.memory_space<vmem>>
      %dma_start3A_365 = tpu.memref_squeeze %dma_start3A_364 : memref<1x1x128xi32, #tpu.memory_space<vmem>> -> memref<128xi32, #tpu.memory_space<vmem>>
      %dma_start3A_366 = arith.constant 0 : i32
      %dma_start3A_367 = arith.constant 0 : i32
      %dma_start3A_368 = tpu.memref_slice %arg7[%dma_start3A_366, %dma_start3A_367] : memref<10112x128xf32, #tpu.memory_space<vmem_shared>> -> memref<10112x128xf32, #tpu.memory_space<vmem_shared>>
      tpu.enqueue_indirect_dma source(%arg10 : memref<128x128xf32, #tpu.memory_space<vmem>>) target(%dma_start3A_368 : memref<10112x128xf32, #tpu.memory_space<vmem_shared>>) offsets(%dma_start3A_365 : memref<128xi32, #tpu.memory_space<vmem>>) semaphore(%arg14 : memref<!tpu.dma_semaphore, #tpu.memory_space<semaphore_mem>>) {add = true}
      %dma_wait3A_369 = arith.constant 0 : i32
      %dma_wait3A_370 = arith.constant 0 : i32
      %dma_wait3A_371 = arith.constant 0 : i32
      %dma_wait3A_372 = tpu.memref_slice %arg9[%dma_wait3A_369, %dma_wait3A_370, %dma_wait3A_371] : memref<2x8x128xi32, #tpu.memory_space<vmem>> -> memref<1x1x128xi32, #tpu.memory_space<vmem>>
      %dma_wait3A_373 = tpu.memref_squeeze %dma_wait3A_372 : memref<1x1x128xi32, #tpu.memory_space<vmem>> -> memref<128xi32, #tpu.memory_space<vmem>>
      %dma_wait3A_374 = arith.constant 0 : i32
      %dma_wait3A_375 = arith.constant 0 : i32
      %dma_wait3A_376 = tpu.memref_slice %arg7[%dma_wait3A_374, %dma_wait3A_375] : memref<10112x128xf32, #tpu.memory_space<vmem_shared>> -> memref<10112x128xf32, #tpu.memory_space<vmem_shared>>
      tpu.wait_indirect_dma semaphore(%arg15 : memref<!tpu.dma_semaphore, #tpu.memory_space<semaphore_mem>>) src(%arg11 : memref<128x128xf32, #tpu.memory_space<vmem>>) dst(%dma_wait3A_376 : memref<10112x128xf32, #tpu.memory_space<vmem_shared>>)
      %add3A_377 = arith.constant 1 : i32
      %add3A_378 = arith.addi %add3A_336, %add3A_377 : i32
      %dma_start3A_379 = arith.constant 0 : i32
      %dma_start3A_380 = tpu.memref_slice %arg8[%add3A_378, %dma_start3A_379] : memref<80x128xi32, #tpu.memory_space<vmem>> -> memref<1x128xi32, #tpu.memory_space<vmem>>
      %dma_start3A_381 = tpu.memref_squeeze %dma_start3A_380 : memref<1x128xi32, #tpu.memory_space<vmem>> -> memref<128xi32, #tpu.memory_space<vmem>>
      %dma_start3A_382 = arith.constant 0 : i32
      %dma_start3A_383 = arith.constant 0 : i32
      %dma_start3A_384 = tpu.memref_slice %arg2[%dma_start3A_382, %dma_start3A_383] : memref<10112x128xf32, #tpu.memory_space<hbm>> -> memref<10112x128xf32, #tpu.memory_space<hbm>>
      tpu.enqueue_indirect_dma source(%dma_start3A_384 : memref<10112x128xf32, #tpu.memory_space<hbm>>) target(%arg11 : memref<128x128xf32, #tpu.memory_space<vmem>>) offsets(%dma_start3A_381 : memref<128xi32, #tpu.memory_space<vmem>>) semaphore(%arg13 : memref<!tpu.dma_semaphore, #tpu.memory_space<semaphore_mem>>)
      %mul3A_385 = arith.constant 8 : i32
      %mul3A_386 = arith.muli %add3A_332, %mul3A_385 : i32
      %add3A_387 = arith.constant 1 : i32
      %add3A_388 = arith.addi %mul3A_386, %add3A_387 : i32
      %dma_wait3A_389 = arith.constant 0 : i32
      %dma_wait3A_390 = arith.constant 0 : i32
      %dma_wait3A_391 = tpu.memref_slice %arg8[%dma_wait3A_389, %dma_wait3A_390] : memref<80x128xi32, #tpu.memory_space<vmem>> -> memref<1x128xi32, #tpu.memory_space<vmem>>
      %dma_wait3A_392 = tpu.memref_squeeze %dma_wait3A_391 : memref<1x128xi32, #tpu.memory_space<vmem>> -> memref<128xi32, #tpu.memory_space<vmem>>
      %dma_wait3A_393 = arith.constant 0 : i32
      %dma_wait3A_394 = arith.constant 0 : i32
      %dma_wait3A_395 = tpu.memref_slice %arg2[%dma_wait3A_393, %dma_wait3A_394] : memref<10112x128xf32, #tpu.memory_space<hbm>> -> memref<10112x128xf32, #tpu.memory_space<hbm>>
      tpu.wait_indirect_dma semaphore(%arg13 : memref<!tpu.dma_semaphore, #tpu.memory_space<semaphore_mem>>) src(%dma_wait3A_395 : memref<10112x128xf32, #tpu.memory_space<hbm>>) dst(%arg11 : memref<128x128xf32, #tpu.memory_space<vmem>>)
      %dma_start3A_396 = arith.constant 1 : i32
      %dma_start3A_397 = arith.constant 1 : i32
      %dma_start3A_398 = arith.constant 0 : i32
      %dma_start3A_399 = tpu.memref_slice %arg9[%dma_start3A_396, %dma_start3A_397, %dma_start3A_398] : memref<2x8x128xi32, #tpu.memory_space<vmem>> -> memref<1x1x128xi32, #tpu.memory_space<vmem>>
      %dma_start3A_400 = tpu.memref_squeeze %dma_start3A_399 : memref<1x1x128xi32, #tpu.memory_space<vmem>> -> memref<128xi32, #tpu.memory_space<vmem>>
      %dma_start3A_401 = arith.constant 0 : i32
      %dma_start3A_402 = arith.constant 0 : i32
      %dma_start3A_403 = tpu.memref_slice %arg7[%dma_start3A_401, %dma_start3A_402] : memref<10112x128xf32, #tpu.memory_space<vmem_shared>> -> memref<10112x128xf32, #tpu.memory_space<vmem_shared>>
      tpu.enqueue_indirect_dma source(%arg11 : memref<128x128xf32, #tpu.memory_space<vmem>>) target(%dma_start3A_403 : memref<10112x128xf32, #tpu.memory_space<vmem_shared>>) offsets(%dma_start3A_400 : memref<128xi32, #tpu.memory_space<vmem>>) semaphore(%arg15 : memref<!tpu.dma_semaphore, #tpu.memory_space<semaphore_mem>>) {add = true}
      %dma_wait3A_404 = arith.constant 0 : i32
      %dma_wait3A_405 = arith.constant 0 : i32
      %dma_wait3A_406 = arith.constant 0 : i32
      %dma_wait3A_407 = tpu.memref_slice %arg9[%dma_wait3A_404, %dma_wait3A_405, %dma_wait3A_406] : memref<2x8x128xi32, #tpu.memory_space<vmem>> -> memref<1x1x128xi32, #tpu.memory_space<vmem>>
      %dma_wait3A_408 = tpu.memref_squeeze %dma_wait3A_407 : memref<1x1x128xi32, #tpu.memory_space<vmem>> -> memref<128xi32, #tpu.memory_space<vmem>>
      %dma_wait3A_409 = arith.constant 0 : i32
      %dma_wait3A_410 = arith.constant 0 : i32
      %dma_wait3A_411 = tpu.memref_slice %arg7[%dma_wait3A_409, %dma_wait3A_410] : memref<10112x128xf32, #tpu.memory_space<vmem_shared>> -> memref<10112x128xf32, #tpu.memory_space<vmem_shared>>
      tpu.wait_indirect_dma semaphore(%arg14 : memref<!tpu.dma_semaphore, #tpu.memory_space<semaphore_mem>>) src(%arg10 : memref<128x128xf32, #tpu.memory_space<vmem>>) dst(%dma_wait3A_411 : memref<10112x128xf32, #tpu.memory_space<vmem_shared>>)
      %add3A_412 = arith.constant 1 : i32
      %add3A_413 = arith.addi %add3A_388, %add3A_412 : i32
      %dma_start3A_414 = arith.constant 0 : i32
      %dma_start3A_415 = tpu.memref_slice %arg8[%add3A_413, %dma_start3A_414] : memref<80x128xi32, #tpu.memory_space<vmem>> -> memref<1x128xi32, #tpu.memory_space<vmem>>
      %dma_start3A_416 = tpu.memref_squeeze %dma_start3A_415 : memref<1x128xi32, #tpu.memory_space<vmem>> -> memref<128xi32, #tpu.memory_space<vmem>>
      %dma_start3A_417 = arith.constant 0 : i32
      %dma_start3A_418 = arith.constant 0 : i32
      %dma_start3A_419 = tpu.memref_slice %arg2[%dma_start3A_417, %dma_start3A_418] : memref<10112x128xf32, #tpu.memory_space<hbm>> -> memref<10112x128xf32, #tpu.memory_space<hbm>>
      tpu.enqueue_indirect_dma source(%dma_start3A_419 : memref<10112x128xf32, #tpu.memory_space<hbm>>) target(%arg10 : memref<128x128xf32, #tpu.memory_space<vmem>>) offsets(%dma_start3A_416 : memref<128xi32, #tpu.memory_space<vmem>>) semaphore(%arg12 : memref<!tpu.dma_semaphore, #tpu.memory_space<semaphore_mem>>)
      %mul3A_420 = arith.constant 8 : i32
      %mul3A_421 = arith.muli %add3A_332, %mul3A_420 : i32
      %add3A_422 = arith.constant 2 : i32
      %add3A_423 = arith.addi %mul3A_421, %add3A_422 : i32
      %dma_wait3A_424 = arith.constant 0 : i32
      %dma_wait3A_425 = arith.constant 0 : i32
      %dma_wait3A_426 = tpu.memref_slice %arg8[%dma_wait3A_424, %dma_wait3A_425] : memref<80x128xi32, #tpu.memory_space<vmem>> -> memref<1x128xi32, #tpu.memory_space<vmem>>
      %dma_wait3A_427 = tpu.memref_squeeze %dma_wait3A_426 : memref<1x128xi32, #tpu.memory_space<vmem>> -> memref<128xi32, #tpu.memory_space<vmem>>
      %dma_wait3A_428 = arith.constant 0 : i32
      %dma_wait3A_429 = arith.constant 0 : i32
      %dma_wait3A_430 = tpu.memref_slice %arg2[%dma_wait3A_428, %dma_wait3A_429] : memref<10112x128xf32, #tpu.memory_space<hbm>> -> memref<10112x128xf32, #tpu.memory_space<hbm>>
      tpu.wait_indirect_dma semaphore(%arg12 : memref<!tpu.dma_semaphore, #tpu.memory_space<semaphore_mem>>) src(%dma_wait3A_430 : memref<10112x128xf32, #tpu.memory_space<hbm>>) dst(%arg10 : memref<128x128xf32, #tpu.memory_space<vmem>>)
      %dma_start3A_431 = arith.constant 1 : i32
      %dma_start3A_432 = arith.constant 2 : i32
      %dma_start3A_433 = arith.constant 0 : i32
      %dma_start3A_434 = tpu.memref_slice %arg9[%dma_start3A_431, %dma_start3A_432, %dma_start3A_433] : memref<2x8x128xi32, #tpu.memory_space<vmem>> -> memref<1x1x128xi32, #tpu.memory_space<vmem>>
      %dma_start3A_435 = tpu.memref_squeeze %dma_start3A_434 : memref<1x1x128xi32, #tpu.memory_space<vmem>> -> memref<128xi32, #tpu.memory_space<vmem>>
      %dma_start3A_436 = arith.constant 0 : i32
      %dma_start3A_437 = arith.constant 0 : i32
      %dma_start3A_438 = tpu.memref_slice %arg7[%dma_start3A_436, %dma_start3A_437] : memref<10112x128xf32, #tpu.memory_space<vmem_shared>> -> memref<10112x128xf32, #tpu.memory_space<vmem_shared>>
      tpu.enqueue_indirect_dma source(%arg10 : memref<128x128xf32, #tpu.memory_space<vmem>>) target(%dma_start3A_438 : memref<10112x128xf32, #tpu.memory_space<vmem_shared>>) offsets(%dma_start3A_435 : memref<128xi32, #tpu.memory_space<vmem>>) semaphore(%arg14 : memref<!tpu.dma_semaphore, #tpu.memory_space<semaphore_mem>>) {add = true}
      %dma_wait3A_439 = arith.constant 0 : i32
      %dma_wait3A_440 = arith.constant 0 : i32
      %dma_wait3A_441 = arith.constant 0 : i32
      %dma_wait3A_442 = tpu.memref_slice %arg9[%dma_wait3A_439, %dma_wait3A_440, %dma_wait3A_441] : memref<2x8x128xi32, #tpu.memory_space<vmem>> -> memref<1x1x128xi32, #tpu.memory_space<vmem>>
      %dma_wait3A_443 = tpu.memref_squeeze %dma_wait3A_442 : memref<1x1x128xi32, #tpu.memory_space<vmem>> -> memref<128xi32, #tpu.memory_space<vmem>>
      %dma_wait3A_444 = arith.constant 0 : i32
      %dma_wait3A_445 = arith.constant 0 : i32
      %dma_wait3A_446 = tpu.memref_slice %arg7[%dma_wait3A_444, %dma_wait3A_445] : memref<10112x128xf32, #tpu.memory_space<vmem_shared>> -> memref<10112x128xf32, #tpu.memory_space<vmem_shared>>
      tpu.wait_indirect_dma semaphore(%arg15 : memref<!tpu.dma_semaphore, #tpu.memory_space<semaphore_mem>>) src(%arg11 : memref<128x128xf32, #tpu.memory_space<vmem>>) dst(%dma_wait3A_446 : memref<10112x128xf32, #tpu.memory_space<vmem_shared>>)
      %lt3A = arith.constant 4 : i32
      %lt3A_447 = arith.cmpi slt, %scan3A_26, %lt3A : i32
      %convert_element_type3A_448 = arith.extui %lt3A_447 : i1 to i32
      %cond3A_449 = arith.constant 0 : i32
      %cond3A_450 = arith.cmpi ne, %convert_element_type3A_448, %cond3A_449 : i32
      scf.if %cond3A_450 {
        %add3A_631 = arith.constant 1 : i32
        %add3A_632 = arith.addi %add3A_332, %add3A_631 : i32
        %mul3A_633 = arith.constant 8 : i32
        %mul3A_634 = arith.muli %add3A_632, %mul3A_633 : i32
        %dma_start3A_635 = arith.constant 0 : i32
        %dma_start3A_636 = arith.constant 0 : i32
        %dma_start3A_637 = arith.constant 0 : i32
        %dma_start3A_638 = tpu.memref_slice %arg9[%dma_start3A_635, %dma_start3A_636, %dma_start3A_637] : memref<2x8x128xi32, #tpu.memory_space<vmem>> -> memref<1x8x128xi32, #tpu.memory_space<vmem>>
        %dma_start3A_639 = tpu.memref_squeeze %dma_start3A_638 : memref<1x8x128xi32, #tpu.memory_space<vmem>> -> memref<8x128xi32, #tpu.memory_space<vmem>>
        %dma_start3A_640 = arith.constant 0 : i32
        %dma_start3A_641 = tpu.memref_slice %arg4[%add3A, %mul3A_634, %dma_start3A_640] : memref<32x80x128xi32, #tpu.memory_space<hbm>> -> memref<1x8x128xi32, #tpu.memory_space<hbm>>
        %dma_start3A_642 = tpu.memref_squeeze %dma_start3A_641 : memref<1x8x128xi32, #tpu.memory_space<hbm>> -> memref<8x128xi32, #tpu.memory_space<hbm>>
        %dma_start3A_643 = arith.constant 0 : i32
        %dma_start3A_644 = arith.constant 0 : i32
        %dma_start3A_645 = tpu.memref_slice %arg9[%dma_start3A_635, %dma_start3A_643, %dma_start3A_644] : memref<2x8x128xi32, #tpu.memory_space<vmem>> -> memref<1x8x128xi32, #tpu.memory_space<vmem>>
        %dma_start3A_646 = tpu.memref_squeeze %dma_start3A_645 : memref<1x8x128xi32, #tpu.memory_space<vmem>> -> memref<8x128xi32, #tpu.memory_space<vmem>>
        %dma_start3A_647 = arith.constant 0 : i32
        %dma_start3A_648 = tpu.memref_slice %arg4[%add3A, %mul3A_634, %dma_start3A_647] : memref<32x80x128xi32, #tpu.memory_space<hbm>> -> memref<1x8x128xi32, #tpu.memory_space<hbm>>
        %dma_start3A_649 = tpu.memref_squeeze %dma_start3A_648 : memref<1x8x128xi32, #tpu.memory_space<hbm>> -> memref<8x128xi32, #tpu.memory_space<hbm>>
        tpu.enqueue_dma source(%dma_start3A_649 : memref<8x128xi32, #tpu.memory_space<hbm>>) target(%dma_start3A_646 : memref<8x128xi32, #tpu.memory_space<vmem>>) target_semaphore(%arg16 : memref<!tpu.dma_semaphore, #tpu.memory_space<semaphore_mem>>)
      } else {
      }
      %add3A_451 = arith.constant 1 : i32
      %add3A_452 = arith.addi %add3A_423, %add3A_451 : i32
      %dma_start3A_453 = arith.constant 0 : i32
      %dma_start3A_454 = tpu.memref_slice %arg8[%add3A_452, %dma_start3A_453] : memref<80x128xi32, #tpu.memory_space<vmem>> -> memref<1x128xi32, #tpu.memory_space<vmem>>
      %dma_start3A_455 = tpu.memref_squeeze %dma_start3A_454 : memref<1x128xi32, #tpu.memory_space<vmem>> -> memref<128xi32, #tpu.memory_space<vmem>>
      %dma_start3A_456 = arith.constant 0 : i32
      %dma_start3A_457 = arith.constant 0 : i32
      %dma_start3A_458 = tpu.memref_slice %arg2[%dma_start3A_456, %dma_start3A_457] : memref<10112x128xf32, #tpu.memory_space<hbm>> -> memref<10112x128xf32, #tpu.memory_space<hbm>>
      tpu.enqueue_indirect_dma source(%dma_start3A_458 : memref<10112x128xf32, #tpu.memory_space<hbm>>) target(%arg11 : memref<128x128xf32, #tpu.memory_space<vmem>>) offsets(%dma_start3A_455 : memref<128xi32, #tpu.memory_space<vmem>>) semaphore(%arg13 : memref<!tpu.dma_semaphore, #tpu.memory_space<semaphore_mem>>)
      %mul3A_459 = arith.constant 8 : i32
      %mul3A_460 = arith.muli %add3A_332, %mul3A_459 : i32
      %add3A_461 = arith.constant 3 : i32
      %add3A_462 = arith.addi %mul3A_460, %add3A_461 : i32
      %dma_wait3A_463 = arith.constant 0 : i32
      %dma_wait3A_464 = arith.constant 0 : i32
      %dma_wait3A_465 = tpu.memref_slice %arg8[%dma_wait3A_463, %dma_wait3A_464] : memref<80x128xi32, #tpu.memory_space<vmem>> -> memref<1x128xi32, #tpu.memory_space<vmem>>
      %dma_wait3A_466 = tpu.memref_squeeze %dma_wait3A_465 : memref<1x128xi32, #tpu.memory_space<vmem>> -> memref<128xi32, #tpu.memory_space<vmem>>
      %dma_wait3A_467 = arith.constant 0 : i32
      %dma_wait3A_468 = arith.constant 0 : i32
      %dma_wait3A_469 = tpu.memref_slice %arg2[%dma_wait3A_467, %dma_wait3A_468] : memref<10112x128xf32, #tpu.memory_space<hbm>> -> memref<10112x128xf32, #tpu.memory_space<hbm>>
      tpu.wait_indirect_dma semaphore(%arg13 : memref<!tpu.dma_semaphore, #tpu.memory_space<semaphore_mem>>) src(%dma_wait3A_469 : memref<10112x128xf32, #tpu.memory_space<hbm>>) dst(%arg11 : memref<128x128xf32, #tpu.memory_space<vmem>>)
      %dma_start3A_470 = arith.constant 1 : i32
      %dma_start3A_471 = arith.constant 3 : i32
      %dma_start3A_472 = arith.constant 0 : i32
      %dma_start3A_473 = tpu.memref_slice %arg9[%dma_start3A_470, %dma_start3A_471, %dma_start3A_472] : memref<2x8x128xi32, #tpu.memory_space<vmem>> -> memref<1x1x128xi32, #tpu.memory_space<vmem>>
      %dma_start3A_474 = tpu.memref_squeeze %dma_start3A_473 : memref<1x1x128xi32, #tpu.memory_space<vmem>> -> memref<128xi32, #tpu.memory_space<vmem>>
      %dma_start3A_475 = arith.constant 0 : i32
      %dma_start3A_476 = arith.constant 0 : i32
      %dma_start3A_477 = tpu.memref_slice %arg7[%dma_start3A_475, %dma_start3A_476] : memref<10112x128xf32, #tpu.memory_space<vmem_shared>> -> memref<10112x128xf32, #tpu.memory_space<vmem_shared>>
      tpu.enqueue_indirect_dma source(%arg11 : memref<128x128xf32, #tpu.memory_space<vmem>>) target(%dma_start3A_477 : memref<10112x128xf32, #tpu.memory_space<vmem_shared>>) offsets(%dma_start3A_474 : memref<128xi32, #tpu.memory_space<vmem>>) semaphore(%arg15 : memref<!tpu.dma_semaphore, #tpu.memory_space<semaphore_mem>>) {add = true}
      %dma_wait3A_478 = arith.constant 0 : i32
      %dma_wait3A_479 = arith.constant 0 : i32
      %dma_wait3A_480 = arith.constant 0 : i32
      %dma_wait3A_481 = tpu.memref_slice %arg9[%dma_wait3A_478, %dma_wait3A_479, %dma_wait3A_480] : memref<2x8x128xi32, #tpu.memory_space<vmem>> -> memref<1x1x128xi32, #tpu.memory_space<vmem>>
      %dma_wait3A_482 = tpu.memref_squeeze %dma_wait3A_481 : memref<1x1x128xi32, #tpu.memory_space<vmem>> -> memref<128xi32, #tpu.memory_space<vmem>>
      %dma_wait3A_483 = arith.constant 0 : i32
      %dma_wait3A_484 = arith.constant 0 : i32
      %dma_wait3A_485 = tpu.memref_slice %arg7[%dma_wait3A_483, %dma_wait3A_484] : memref<10112x128xf32, #tpu.memory_space<vmem_shared>> -> memref<10112x128xf32, #tpu.memory_space<vmem_shared>>
      tpu.wait_indirect_dma semaphore(%arg14 : memref<!tpu.dma_semaphore, #tpu.memory_space<semaphore_mem>>) src(%arg10 : memref<128x128xf32, #tpu.memory_space<vmem>>) dst(%dma_wait3A_485 : memref<10112x128xf32, #tpu.memory_space<vmem_shared>>)
      %add3A_486 = arith.constant 1 : i32
      %add3A_487 = arith.addi %add3A_462, %add3A_486 : i32
      %dma_start3A_488 = arith.constant 0 : i32
      %dma_start3A_489 = tpu.memref_slice %arg8[%add3A_487, %dma_start3A_488] : memref<80x128xi32, #tpu.memory_space<vmem>> -> memref<1x128xi32, #tpu.memory_space<vmem>>
      %dma_start3A_490 = tpu.memref_squeeze %dma_start3A_489 : memref<1x128xi32, #tpu.memory_space<vmem>> -> memref<128xi32, #tpu.memory_space<vmem>>
      %dma_start3A_491 = arith.constant 0 : i32
      %dma_start3A_492 = arith.constant 0 : i32
      %dma_start3A_493 = tpu.memref_slice %arg2[%dma_start3A_491, %dma_start3A_492] : memref<10112x128xf32, #tpu.memory_space<hbm>> -> memref<10112x128xf32, #tpu.memory_space<hbm>>
      tpu.enqueue_indirect_dma source(%dma_start3A_493 : memref<10112x128xf32, #tpu.memory_space<hbm>>) target(%arg10 : memref<128x128xf32, #tpu.memory_space<vmem>>) offsets(%dma_start3A_490 : memref<128xi32, #tpu.memory_space<vmem>>) semaphore(%arg12 : memref<!tpu.dma_semaphore, #tpu.memory_space<semaphore_mem>>)
      %mul3A_494 = arith.constant 8 : i32
      %mul3A_495 = arith.muli %add3A_332, %mul3A_494 : i32
      %add3A_496 = arith.constant 4 : i32
      %add3A_497 = arith.addi %mul3A_495, %add3A_496 : i32
      %dma_wait3A_498 = arith.constant 0 : i32
      %dma_wait3A_499 = arith.constant 0 : i32
      %dma_wait3A_500 = tpu.memref_slice %arg8[%dma_wait3A_498, %dma_wait3A_499] : memref<80x128xi32, #tpu.memory_space<vmem>> -> memref<1x128xi32, #tpu.memory_space<vmem>>
      %dma_wait3A_501 = tpu.memref_squeeze %dma_wait3A_500 : memref<1x128xi32, #tpu.memory_space<vmem>> -> memref<128xi32, #tpu.memory_space<vmem>>
      %dma_wait3A_502 = arith.constant 0 : i32
      %dma_wait3A_503 = arith.constant 0 : i32
      %dma_wait3A_504 = tpu.memref_slice %arg2[%dma_wait3A_502, %dma_wait3A_503] : memref<10112x128xf32, #tpu.memory_space<hbm>> -> memref<10112x128xf32, #tpu.memory_space<hbm>>
      tpu.wait_indirect_dma semaphore(%arg12 : memref<!tpu.dma_semaphore, #tpu.memory_space<semaphore_mem>>) src(%dma_wait3A_504 : memref<10112x128xf32, #tpu.memory_space<hbm>>) dst(%arg10 : memref<128x128xf32, #tpu.memory_space<vmem>>)
      %dma_start3A_505 = arith.constant 1 : i32
      %dma_start3A_506 = arith.constant 4 : i32
      %dma_start3A_507 = arith.constant 0 : i32
      %dma_start3A_508 = tpu.memref_slice %arg9[%dma_start3A_505, %dma_start3A_506, %dma_start3A_507] : memref<2x8x128xi32, #tpu.memory_space<vmem>> -> memref<1x1x128xi32, #tpu.memory_space<vmem>>
      %dma_start3A_509 = tpu.memref_squeeze %dma_start3A_508 : memref<1x1x128xi32, #tpu.memory_space<vmem>> -> memref<128xi32, #tpu.memory_space<vmem>>
      %dma_start3A_510 = arith.constant 0 : i32
      %dma_start3A_511 = arith.constant 0 : i32
      %dma_start3A_512 = tpu.memref_slice %arg7[%dma_start3A_510, %dma_start3A_511] : memref<10112x128xf32, #tpu.memory_space<vmem_shared>> -> memref<10112x128xf32, #tpu.memory_space<vmem_shared>>
      tpu.enqueue_indirect_dma source(%arg10 : memref<128x128xf32, #tpu.memory_space<vmem>>) target(%dma_start3A_512 : memref<10112x128xf32, #tpu.memory_space<vmem_shared>>) offsets(%dma_start3A_509 : memref<128xi32, #tpu.memory_space<vmem>>) semaphore(%arg14 : memref<!tpu.dma_semaphore, #tpu.memory_space<semaphore_mem>>) {add = true}
      %dma_wait3A_513 = arith.constant 0 : i32
      %dma_wait3A_514 = arith.constant 0 : i32
      %dma_wait3A_515 = arith.constant 0 : i32
      %dma_wait3A_516 = tpu.memref_slice %arg9[%dma_wait3A_513, %dma_wait3A_514, %dma_wait3A_515] : memref<2x8x128xi32, #tpu.memory_space<vmem>> -> memref<1x1x128xi32, #tpu.memory_space<vmem>>
      %dma_wait3A_517 = tpu.memref_squeeze %dma_wait3A_516 : memref<1x1x128xi32, #tpu.memory_space<vmem>> -> memref<128xi32, #tpu.memory_space<vmem>>
      %dma_wait3A_518 = arith.constant 0 : i32
      %dma_wait3A_519 = arith.constant 0 : i32
      %dma_wait3A_520 = tpu.memref_slice %arg7[%dma_wait3A_518, %dma_wait3A_519] : memref<10112x128xf32, #tpu.memory_space<vmem_shared>> -> memref<10112x128xf32, #tpu.memory_space<vmem_shared>>
      tpu.wait_indirect_dma semaphore(%arg15 : memref<!tpu.dma_semaphore, #tpu.memory_space<semaphore_mem>>) src(%arg11 : memref<128x128xf32, #tpu.memory_space<vmem>>) dst(%dma_wait3A_520 : memref<10112x128xf32, #tpu.memory_space<vmem_shared>>)
      %add3A_521 = arith.constant 1 : i32
      %add3A_522 = arith.addi %add3A_497, %add3A_521 : i32
      %dma_start3A_523 = arith.constant 0 : i32
      %dma_start3A_524 = tpu.memref_slice %arg8[%add3A_522, %dma_start3A_523] : memref<80x128xi32, #tpu.memory_space<vmem>> -> memref<1x128xi32, #tpu.memory_space<vmem>>
      %dma_start3A_525 = tpu.memref_squeeze %dma_start3A_524 : memref<1x128xi32, #tpu.memory_space<vmem>> -> memref<128xi32, #tpu.memory_space<vmem>>
      %dma_start3A_526 = arith.constant 0 : i32
      %dma_start3A_527 = arith.constant 0 : i32
      %dma_start3A_528 = tpu.memref_slice %arg2[%dma_start3A_526, %dma_start3A_527] : memref<10112x128xf32, #tpu.memory_space<hbm>> -> memref<10112x128xf32, #tpu.memory_space<hbm>>
      tpu.enqueue_indirect_dma source(%dma_start3A_528 : memref<10112x128xf32, #tpu.memory_space<hbm>>) target(%arg11 : memref<128x128xf32, #tpu.memory_space<vmem>>) offsets(%dma_start3A_525 : memref<128xi32, #tpu.memory_space<vmem>>) semaphore(%arg13 : memref<!tpu.dma_semaphore, #tpu.memory_space<semaphore_mem>>)
      %mul3A_529 = arith.constant 8 : i32
      %mul3A_530 = arith.muli %add3A_332, %mul3A_529 : i32
      %add3A_531 = arith.constant 5 : i32
      %add3A_532 = arith.addi %mul3A_530, %add3A_531 : i32
      %dma_wait3A_533 = arith.constant 0 : i32
      %dma_wait3A_534 = arith.constant 0 : i32
      %dma_wait3A_535 = tpu.memref_slice %arg8[%dma_wait3A_533, %dma_wait3A_534] : memref<80x128xi32, #tpu.memory_space<vmem>> -> memref<1x128xi32, #tpu.memory_space<vmem>>
      %dma_wait3A_536 = tpu.memref_squeeze %dma_wait3A_535 : memref<1x128xi32, #tpu.memory_space<vmem>> -> memref<128xi32, #tpu.memory_space<vmem>>
      %dma_wait3A_537 = arith.constant 0 : i32
      %dma_wait3A_538 = arith.constant 0 : i32
      %dma_wait3A_539 = tpu.memref_slice %arg2[%dma_wait3A_537, %dma_wait3A_538] : memref<10112x128xf32, #tpu.memory_space<hbm>> -> memref<10112x128xf32, #tpu.memory_space<hbm>>
      tpu.wait_indirect_dma semaphore(%arg13 : memref<!tpu.dma_semaphore, #tpu.memory_space<semaphore_mem>>) src(%dma_wait3A_539 : memref<10112x128xf32, #tpu.memory_space<hbm>>) dst(%arg11 : memref<128x128xf32, #tpu.memory_space<vmem>>)
      %dma_start3A_540 = arith.constant 1 : i32
      %dma_start3A_541 = arith.constant 5 : i32
      %dma_start3A_542 = arith.constant 0 : i32
      %dma_start3A_543 = tpu.memref_slice %arg9[%dma_start3A_540, %dma_start3A_541, %dma_start3A_542] : memref<2x8x128xi32, #tpu.memory_space<vmem>> -> memref<1x1x128xi32, #tpu.memory_space<vmem>>
      %dma_start3A_544 = tpu.memref_squeeze %dma_start3A_543 : memref<1x1x128xi32, #tpu.memory_space<vmem>> -> memref<128xi32, #tpu.memory_space<vmem>>
      %dma_start3A_545 = arith.constant 0 : i32
      %dma_start3A_546 = arith.constant 0 : i32
      %dma_start3A_547 = tpu.memref_slice %arg7[%dma_start3A_545, %dma_start3A_546] : memref<10112x128xf32, #tpu.memory_space<vmem_shared>> -> memref<10112x128xf32, #tpu.memory_space<vmem_shared>>
      tpu.enqueue_indirect_dma source(%arg11 : memref<128x128xf32, #tpu.memory_space<vmem>>) target(%dma_start3A_547 : memref<10112x128xf32, #tpu.memory_space<vmem_shared>>) offsets(%dma_start3A_544 : memref<128xi32, #tpu.memory_space<vmem>>) semaphore(%arg15 : memref<!tpu.dma_semaphore, #tpu.memory_space<semaphore_mem>>) {add = true}
      %dma_wait3A_548 = arith.constant 0 : i32
      %dma_wait3A_549 = arith.constant 0 : i32
      %dma_wait3A_550 = arith.constant 0 : i32
      %dma_wait3A_551 = tpu.memref_slice %arg9[%dma_wait3A_548, %dma_wait3A_549, %dma_wait3A_550] : memref<2x8x128xi32, #tpu.memory_space<vmem>> -> memref<1x1x128xi32, #tpu.memory_space<vmem>>
      %dma_wait3A_552 = tpu.memref_squeeze %dma_wait3A_551 : memref<1x1x128xi32, #tpu.memory_space<vmem>> -> memref<128xi32, #tpu.memory_space<vmem>>
      %dma_wait3A_553 = arith.constant 0 : i32
      %dma_wait3A_554 = arith.constant 0 : i32
      %dma_wait3A_555 = tpu.memref_slice %arg7[%dma_wait3A_553, %dma_wait3A_554] : memref<10112x128xf32, #tpu.memory_space<vmem_shared>> -> memref<10112x128xf32, #tpu.memory_space<vmem_shared>>
      tpu.wait_indirect_dma semaphore(%arg14 : memref<!tpu.dma_semaphore, #tpu.memory_space<semaphore_mem>>) src(%arg10 : memref<128x128xf32, #tpu.memory_space<vmem>>) dst(%dma_wait3A_555 : memref<10112x128xf32, #tpu.memory_space<vmem_shared>>)
      %add3A_556 = arith.constant 1 : i32
      %add3A_557 = arith.addi %add3A_532, %add3A_556 : i32
      %dma_start3A_558 = arith.constant 0 : i32
      %dma_start3A_559 = tpu.memref_slice %arg8[%add3A_557, %dma_start3A_558] : memref<80x128xi32, #tpu.memory_space<vmem>> -> memref<1x128xi32, #tpu.memory_space<vmem>>
      %dma_start3A_560 = tpu.memref_squeeze %dma_start3A_559 : memref<1x128xi32, #tpu.memory_space<vmem>> -> memref<128xi32, #tpu.memory_space<vmem>>
      %dma_start3A_561 = arith.constant 0 : i32
      %dma_start3A_562 = arith.constant 0 : i32
      %dma_start3A_563 = tpu.memref_slice %arg2[%dma_start3A_561, %dma_start3A_562] : memref<10112x128xf32, #tpu.memory_space<hbm>> -> memref<10112x128xf32, #tpu.memory_space<hbm>>
      tpu.enqueue_indirect_dma source(%dma_start3A_563 : memref<10112x128xf32, #tpu.memory_space<hbm>>) target(%arg10 : memref<128x128xf32, #tpu.memory_space<vmem>>) offsets(%dma_start3A_560 : memref<128xi32, #tpu.memory_space<vmem>>) semaphore(%arg12 : memref<!tpu.dma_semaphore, #tpu.memory_space<semaphore_mem>>)
      %mul3A_564 = arith.constant 8 : i32
      %mul3A_565 = arith.muli %add3A_332, %mul3A_564 : i32
      %add3A_566 = arith.constant 6 : i32
      %add3A_567 = arith.addi %mul3A_565, %add3A_566 : i32
      %dma_wait3A_568 = arith.constant 0 : i32
      %dma_wait3A_569 = arith.constant 0 : i32
      %dma_wait3A_570 = tpu.memref_slice %arg8[%dma_wait3A_568, %dma_wait3A_569] : memref<80x128xi32, #tpu.memory_space<vmem>> -> memref<1x128xi32, #tpu.memory_space<vmem>>
      %dma_wait3A_571 = tpu.memref_squeeze %dma_wait3A_570 : memref<1x128xi32, #tpu.memory_space<vmem>> -> memref<128xi32, #tpu.memory_space<vmem>>
      %dma_wait3A_572 = arith.constant 0 : i32
      %dma_wait3A_573 = arith.constant 0 : i32
      %dma_wait3A_574 = tpu.memref_slice %arg2[%dma_wait3A_572, %dma_wait3A_573] : memref<10112x128xf32, #tpu.memory_space<hbm>> -> memref<10112x128xf32, #tpu.memory_space<hbm>>
      tpu.wait_indirect_dma semaphore(%arg12 : memref<!tpu.dma_semaphore, #tpu.memory_space<semaphore_mem>>) src(%dma_wait3A_574 : memref<10112x128xf32, #tpu.memory_space<hbm>>) dst(%arg10 : memref<128x128xf32, #tpu.memory_space<vmem>>)
      %dma_start3A_575 = arith.constant 1 : i32
      %dma_start3A_576 = arith.constant 6 : i32
      %dma_start3A_577 = arith.constant 0 : i32
      %dma_start3A_578 = tpu.memref_slice %arg9[%dma_start3A_575, %dma_start3A_576, %dma_start3A_577] : memref<2x8x128xi32, #tpu.memory_space<vmem>> -> memref<1x1x128xi32, #tpu.memory_space<vmem>>
      %dma_start3A_579 = tpu.memref_squeeze %dma_start3A_578 : memref<1x1x128xi32, #tpu.memory_space<vmem>> -> memref<128xi32, #tpu.memory_space<vmem>>
      %dma_start3A_580 = arith.constant 0 : i32
      %dma_start3A_581 = arith.constant 0 : i32
      %dma_start3A_582 = tpu.memref_slice %arg7[%dma_start3A_580, %dma_start3A_581] : memref<10112x128xf32, #tpu.memory_space<vmem_shared>> -> memref<10112x128xf32, #tpu.memory_space<vmem_shared>>
      tpu.enqueue_indirect_dma source(%arg10 : memref<128x128xf32, #tpu.memory_space<vmem>>) target(%dma_start3A_582 : memref<10112x128xf32, #tpu.memory_space<vmem_shared>>) offsets(%dma_start3A_579 : memref<128xi32, #tpu.memory_space<vmem>>) semaphore(%arg14 : memref<!tpu.dma_semaphore, #tpu.memory_space<semaphore_mem>>) {add = true}
      %dma_wait3A_583 = arith.constant 0 : i32
      %dma_wait3A_584 = arith.constant 0 : i32
      %dma_wait3A_585 = arith.constant 0 : i32
      %dma_wait3A_586 = tpu.memref_slice %arg9[%dma_wait3A_583, %dma_wait3A_584, %dma_wait3A_585] : memref<2x8x128xi32, #tpu.memory_space<vmem>> -> memref<1x1x128xi32, #tpu.memory_space<vmem>>
      %dma_wait3A_587 = tpu.memref_squeeze %dma_wait3A_586 : memref<1x1x128xi32, #tpu.memory_space<vmem>> -> memref<128xi32, #tpu.memory_space<vmem>>
      %dma_wait3A_588 = arith.constant 0 : i32
      %dma_wait3A_589 = arith.constant 0 : i32
      %dma_wait3A_590 = tpu.memref_slice %arg7[%dma_wait3A_588, %dma_wait3A_589] : memref<10112x128xf32, #tpu.memory_space<vmem_shared>> -> memref<10112x128xf32, #tpu.memory_space<vmem_shared>>
      tpu.wait_indirect_dma semaphore(%arg15 : memref<!tpu.dma_semaphore, #tpu.memory_space<semaphore_mem>>) src(%arg11 : memref<128x128xf32, #tpu.memory_space<vmem>>) dst(%dma_wait3A_590 : memref<10112x128xf32, #tpu.memory_space<vmem_shared>>)
      %add3A_591 = arith.constant 1 : i32
      %add3A_592 = arith.addi %add3A_567, %add3A_591 : i32
      %dma_start3A_593 = arith.constant 0 : i32
      %dma_start3A_594 = tpu.memref_slice %arg8[%add3A_592, %dma_start3A_593] : memref<80x128xi32, #tpu.memory_space<vmem>> -> memref<1x128xi32, #tpu.memory_space<vmem>>
      %dma_start3A_595 = tpu.memref_squeeze %dma_start3A_594 : memref<1x128xi32, #tpu.memory_space<vmem>> -> memref<128xi32, #tpu.memory_space<vmem>>
      %dma_start3A_596 = arith.constant 0 : i32
      %dma_start3A_597 = arith.constant 0 : i32
      %dma_start3A_598 = tpu.memref_slice %arg2[%dma_start3A_596, %dma_start3A_597] : memref<10112x128xf32, #tpu.memory_space<hbm>> -> memref<10112x128xf32, #tpu.memory_space<hbm>>
      tpu.enqueue_indirect_dma source(%dma_start3A_598 : memref<10112x128xf32, #tpu.memory_space<hbm>>) target(%arg11 : memref<128x128xf32, #tpu.memory_space<vmem>>) offsets(%dma_start3A_595 : memref<128xi32, #tpu.memory_space<vmem>>) semaphore(%arg13 : memref<!tpu.dma_semaphore, #tpu.memory_space<semaphore_mem>>)
      %mul3A_599 = arith.constant 8 : i32
      %mul3A_600 = arith.muli %add3A_332, %mul3A_599 : i32
      %add3A_601 = arith.constant 7 : i32
      %add3A_602 = arith.addi %mul3A_600, %add3A_601 : i32
      %dma_wait3A_603 = arith.constant 0 : i32
      %dma_wait3A_604 = arith.constant 0 : i32
      %dma_wait3A_605 = tpu.memref_slice %arg8[%dma_wait3A_603, %dma_wait3A_604] : memref<80x128xi32, #tpu.memory_space<vmem>> -> memref<1x128xi32, #tpu.memory_space<vmem>>
      %dma_wait3A_606 = tpu.memref_squeeze %dma_wait3A_605 : memref<1x128xi32, #tpu.memory_space<vmem>> -> memref<128xi32, #tpu.memory_space<vmem>>
      %dma_wait3A_607 = arith.constant 0 : i32
      %dma_wait3A_608 = arith.constant 0 : i32
      %dma_wait3A_609 = tpu.memref_slice %arg2[%dma_wait3A_607, %dma_wait3A_608] : memref<10112x128xf32, #tpu.memory_space<hbm>> -> memref<10112x128xf32, #tpu.memory_space<hbm>>
      tpu.wait_indirect_dma semaphore(%arg13 : memref<!tpu.dma_semaphore, #tpu.memory_space<semaphore_mem>>) src(%dma_wait3A_609 : memref<10112x128xf32, #tpu.memory_space<hbm>>) dst(%arg11 : memref<128x128xf32, #tpu.memory_space<vmem>>)
      %dma_start3A_610 = arith.constant 1 : i32
      %dma_start3A_611 = arith.constant 7 : i32
      %dma_start3A_612 = arith.constant 0 : i32
      %dma_start3A_613 = tpu.memref_slice %arg9[%dma_start3A_610, %dma_start3A_611, %dma_start3A_612] : memref<2x8x128xi32, #tpu.memory_space<vmem>> -> memref<1x1x128xi32, #tpu.memory_space<vmem>>
      %dma_start3A_614 = tpu.memref_squeeze %dma_start3A_613 : memref<1x1x128xi32, #tpu.memory_space<vmem>> -> memref<128xi32, #tpu.memory_space<vmem>>
      %dma_start3A_615 = arith.constant 0 : i32
      %dma_start3A_616 = arith.constant 0 : i32
      %dma_start3A_617 = tpu.memref_slice %arg7[%dma_start3A_615, %dma_start3A_616] : memref<10112x128xf32, #tpu.memory_space<vmem_shared>> -> memref<10112x128xf32, #tpu.memory_space<vmem_shared>>
      tpu.enqueue_indirect_dma source(%arg11 : memref<128x128xf32, #tpu.memory_space<vmem>>) target(%dma_start3A_617 : memref<10112x128xf32, #tpu.memory_space<vmem_shared>>) offsets(%dma_start3A_614 : memref<128xi32, #tpu.memory_space<vmem>>) semaphore(%arg15 : memref<!tpu.dma_semaphore, #tpu.memory_space<semaphore_mem>>) {add = true}
      %dma_wait3A_618 = arith.constant 0 : i32
      %dma_wait3A_619 = arith.constant 0 : i32
      %dma_wait3A_620 = arith.constant 0 : i32
      %dma_wait3A_621 = tpu.memref_slice %arg9[%dma_wait3A_618, %dma_wait3A_619, %dma_wait3A_620] : memref<2x8x128xi32, #tpu.memory_space<vmem>> -> memref<1x1x128xi32, #tpu.memory_space<vmem>>
      %dma_wait3A_622 = tpu.memref_squeeze %dma_wait3A_621 : memref<1x1x128xi32, #tpu.memory_space<vmem>> -> memref<128xi32, #tpu.memory_space<vmem>>
      %dma_wait3A_623 = arith.constant 0 : i32
      %dma_wait3A_624 = arith.constant 0 : i32
      %dma_wait3A_625 = tpu.memref_slice %arg7[%dma_wait3A_623, %dma_wait3A_624] : memref<10112x128xf32, #tpu.memory_space<vmem_shared>> -> memref<10112x128xf32, #tpu.memory_space<vmem_shared>>
      tpu.wait_indirect_dma semaphore(%arg14 : memref<!tpu.dma_semaphore, #tpu.memory_space<semaphore_mem>>) src(%arg10 : memref<128x128xf32, #tpu.memory_space<vmem>>) dst(%dma_wait3A_625 : memref<10112x128xf32, #tpu.memory_space<vmem_shared>>)
      %lt3A_626 = arith.constant 4 : i32
      %lt3A_627 = arith.cmpi slt, %scan3A_26, %lt3A_626 : i32
      %convert_element_type3A_628 = arith.extui %lt3A_627 : i1 to i32
      %cond3A_629 = arith.constant 0 : i32
      %cond3A_630 = arith.cmpi ne, %convert_element_type3A_628, %cond3A_629 : i32
      scf.if %cond3A_630 {
        %add3A_631 = arith.constant 1 : i32
        %add3A_632 = arith.addi %add3A_602, %add3A_631 : i32
        %dma_start3A_633 = arith.constant 0 : i32
        %dma_start3A_634 = tpu.memref_slice %arg8[%add3A_632, %dma_start3A_633] : memref<80x128xi32, #tpu.memory_space<vmem>> -> memref<1x128xi32, #tpu.memory_space<vmem>>
        %dma_start3A_635 = tpu.memref_squeeze %dma_start3A_634 : memref<1x128xi32, #tpu.memory_space<vmem>> -> memref<128xi32, #tpu.memory_space<vmem>>
        %dma_start3A_636 = arith.constant 0 : i32
        %dma_start3A_637 = arith.constant 0 : i32
        %dma_start3A_638 = tpu.memref_slice %arg2[%dma_start3A_636, %dma_start3A_637] : memref<10112x128xf32, #tpu.memory_space<hbm>> -> memref<10112x128xf32, #tpu.memory_space<hbm>>
        tpu.enqueue_indirect_dma source(%dma_start3A_638 : memref<10112x128xf32, #tpu.memory_space<hbm>>) target(%arg10 : memref<128x128xf32, #tpu.memory_space<vmem>>) offsets(%dma_start3A_635 : memref<128xi32, #tpu.memory_space<vmem>>) semaphore(%arg12 : memref<!tpu.dma_semaphore, #tpu.memory_space<semaphore_mem>>)
      } else {
      }
    }
    %scan3A_13 = arith.constant 5 : i32
    %dma_wait3A = arith.constant 0 : i32
    %dma_wait3A_14 = arith.constant 0 : i32
    %dma_wait3A_15 = arith.constant 0 : i32
    %dma_wait3A_16 = tpu.memref_slice %arg9[%dma_wait3A, %dma_wait3A_14, %dma_wait3A_15] : memref<2x8x128xi32, #tpu.memory_space<vmem>> -> memref<1x1x128xi32, #tpu.memory_space<vmem>>
    %dma_wait3A_17 = tpu.memref_squeeze %dma_wait3A_16 : memref<1x1x128xi32, #tpu.memory_space<vmem>> -> memref<128xi32, #tpu.memory_space<vmem>>
    %dma_wait3A_18 = arith.constant 0 : i32
    %dma_wait3A_19 = arith.constant 0 : i32
    %dma_wait3A_20 = tpu.memref_slice %arg7[%dma_wait3A_18, %dma_wait3A_19] : memref<10112x128xf32, #tpu.memory_space<vmem_shared>> -> memref<10112x128xf32, #tpu.memory_space<vmem_shared>>
    tpu.wait_indirect_dma semaphore(%arg15 : memref<!tpu.dma_semaphore, #tpu.memory_space<semaphore_mem>>) src(%arg11 : memref<128x128xf32, #tpu.memory_space<vmem>>) dst(%dma_wait3A_20 : memref<10112x128xf32, #tpu.memory_space<vmem_shared>>)
    %barrier3A_21 = arith.constant 0 : index
    tpu.barrier barrier_id(%barrier3A_21)
    %mul3A_22 = arith.constant 632 : i32
    %mul3A_23 = arith.muli %arg1, %mul3A_22 : i32
    %mul3A_24 = arith.constant 632 : i32
    %mul3A_25 = arith.muli %arg1, %mul3A_24 : i32
    "tpu.region"() ({
      %run_scoped3A_26 = tpu.sem_alloc : memref<!tpu.dma_semaphore, #tpu.memory_space<semaphore_mem>>
      %dma_start3A_27 = arith.constant 0 : i32
      %dma_start3A_28 = tpu.memref_slice %arg6[%arg0, %mul3A_25, %dma_start3A_27] : memref<2x10112x128xf32, #tpu.memory_space<hbm>> -> memref<1x632x128xf32, #tpu.memory_space<hbm>>
      %dma_start3A_29 = tpu.memref_squeeze %dma_start3A_28 : memref<1x632x128xf32, #tpu.memory_space<hbm>> -> memref<632x128xf32, #tpu.memory_space<hbm>>
      %dma_start3A_30 = arith.constant 0 : i32
      %dma_start3A_31 = tpu.memref_slice %arg7[%mul3A_23, %dma_start3A_30] : memref<10112x128xf32, #tpu.memory_space<vmem_shared>> -> memref<632x128xf32, #tpu.memory_space<vmem_shared>>
      tpu.enqueue_dma source(%dma_start3A_31 : memref<632x128xf32, #tpu.memory_space<vmem_shared>>) target(%dma_start3A_29 : memref<632x128xf32, #tpu.memory_space<hbm>>) target_semaphore(%run_scoped3A_26 : memref<!tpu.dma_semaphore, #tpu.memory_space<semaphore_mem>>)
      %dma_wait3A_32 = arith.constant 0 : i32
      %dma_wait3A_33 = tpu.memref_slice %arg6[%arg0, %mul3A_25, %dma_wait3A_32] : memref<2x10112x128xf32, #tpu.memory_space<hbm>> -> memref<1x632x128xf32, #tpu.memory_space<hbm>>
      %dma_wait3A_34 = tpu.memref_squeeze %dma_wait3A_33 : memref<1x632x128xf32, #tpu.memory_space<hbm>> -> memref<632x128xf32, #tpu.memory_space<hbm>>
      %dma_wait3A_35 = arith.constant 0 : i32
      %dma_wait3A_36 = tpu.memref_slice %arg7[%mul3A_23, %dma_wait3A_35] : memref<10112x128xf32, #tpu.memory_space<vmem_shared>> -> memref<632x128xf32, #tpu.memory_space<vmem_shared>>
      tpu.wait_dma2 semaphore(%run_scoped3A_26 : memref<!tpu.dma_semaphore, #tpu.memory_space<semaphore_mem>>) src(%dma_wait3A_36 : memref<632x128xf32, #tpu.memory_space<vmem_shared>>) dst(%dma_wait3A_34 : memref<632x128xf32, #tpu.memory_space<hbm>>)
      tpu.yield
    }) : () -> ()
    return
  }
}

#map = affine_map<(d0, d1) -> (0, 0)>
#map1 = affine_map<(d0, d1) -> (0, 0, 0)>
module attributes {stable_mosaic.version = 14 : i64} {
  func.func @body(%arg0: i32, %arg1: i32, %arg2: memref<10112x128xf32, #tpu.memory_space<hbm>>, %arg3: memref<32x80x128xi32, #tpu.memory_space<hbm>>, %arg4: memref<32x80x128xi32, #tpu.memory_space<hbm>>, %arg5: memref<632x128xf32, #tpu.memory_space<hbm>>, %arg6: memref<2x10112x128xf32, #tpu.memory_space<hbm>>, %arg7: memref<10112x128xf32, #tpu.memory_space<vmem_shared>>, %arg8: memref<80x128xi32, #tpu.memory_space<vmem>>, %arg9: memref<2x8x128xi32, #tpu.memory_space<vmem>>, %arg10: memref<128x128xf32, #tpu.memory_space<vmem>>, %arg11: memref<128x128xf32, #tpu.memory_space<vmem>>, %arg12: memref<!tpu.dma_semaphore, #tpu.memory_space<semaphore_mem>>, %arg13: memref<!tpu.dma_semaphore, #tpu.memory_space<semaphore_mem>>, %arg14: memref<!tpu.dma_semaphore, #tpu.memory_space<semaphore_mem>>, %arg15: memref<!tpu.dma_semaphore, #tpu.memory_space<semaphore_mem>>, %arg16: memref<!tpu.dma_semaphore, #tpu.memory_space<semaphore_mem>>) attributes {dimension_semantics = [#tpu.dimension_semantics<core_parallel>, #tpu.dimension_semantics<subcore_parallel>], iteration_bounds = array<i64: 2, 16>, scalar_prefetch = 0 : i64, scratch_operands = 10 : i64, tpu.core_type = #tpu.core_type<sc_vector_subcore>, window_params = [{transform_indices = #map}, {transform_indices = #map1}, {transform_indices = #map1}, {transform_indices = #map}, {transform_indices = #map1}]} {
    %mul3A = arith.constant 16 : i32
    %mul3A_0 = arith.muli %arg0, %mul3A : i32
    %add3A = arith.addi %mul3A_0, %arg1 : i32
    %mul3A_1 = arith.constant 632 : i32
    %mul3A_2 = arith.muli %arg1, %mul3A_1 : i32
    "tpu.region"() ({
      %run_scoped3A_26 = tpu.sem_alloc : memref<!tpu.dma_semaphore, #tpu.memory_space<semaphore_mem>>
      %dma_start3A_27 = arith.constant 0 : i32
      %dma_start3A_28 = tpu.memref_slice %arg7[%mul3A_2, %dma_start3A_27] : memref<10112x128xf32, #tpu.memory_space<vmem_shared>> -> memref<632x128xf32, #tpu.memory_space<vmem_shared>>
      tpu.enqueue_dma source(%arg5 : memref<632x128xf32, #tpu.memory_space<hbm>>) target(%dma_start3A_28 : memref<632x128xf32, #tpu.memory_space<vmem_shared>>) target_semaphore(%run_scoped3A_26 : memref<!tpu.dma_semaphore, #tpu.memory_space<semaphore_mem>>)
      %dma_wait3A_29 = arith.constant 0 : i32
      %dma_wait3A_30 = tpu.memref_slice %arg7[%mul3A_2, %dma_wait3A_29] : memref<10112x128xf32, #tpu.memory_space<vmem_shared>> -> memref<632x128xf32, #tpu.memory_space<vmem_shared>>
      tpu.wait_dma2 semaphore(%run_scoped3A_26 : memref<!tpu.dma_semaphore, #tpu.memory_space<semaphore_mem>>) src(%arg5 : memref<632x128xf32, #tpu.memory_space<hbm>>) dst(%dma_wait3A_30 : memref<632x128xf32, #tpu.memory_space<vmem_shared>>)
      tpu.yield
    }) : () -> ()
    "tpu.region"() ({
      %run_scoped3A_26 = tpu.sem_alloc : memref<!tpu.dma_semaphore, #tpu.memory_space<semaphore_mem>>
      %dma_start3A_27 = arith.constant 0 : i32
      %dma_start3A_28 = arith.constant 0 : i32
      %dma_start3A_29 = tpu.memref_slice %arg3[%add3A, %dma_start3A_27, %dma_start3A_28] : memref<32x80x128xi32, #tpu.memory_space<hbm>> -> memref<1x80x128xi32, #tpu.memory_space<hbm>>
      %dma_start3A_30 = tpu.memref_squeeze %dma_start3A_29 : memref<1x80x128xi32, #tpu.memory_space<hbm>> -> memref<80x128xi32, #tpu.memory_space<hbm>>
      %dma_start3A_31 = arith.constant 0 : i32
      %dma_start3A_32 = arith.constant 0 : i32
      %dma_start3A_33 = tpu.memref_slice %arg3[%add3A, %dma_start3A_31, %dma_start3A_32] : memref<32x80x128xi32, #tpu.memory_space<hbm>> -> memref<1x80x128xi32, #tpu.memory_space<hbm>>
      %dma_start3A_34 = tpu.memref_squeeze %dma_start3A_33 : memref<1x80x128xi32, #tpu.memory_space<hbm>> -> memref<80x128xi32, #tpu.memory_space<hbm>>
      tpu.enqueue_dma source(%dma_start3A_34 : memref<80x128xi32, #tpu.memory_space<hbm>>) target(%arg8 : memref<80x128xi32, #tpu.memory_space<vmem>>) target_semaphore(%run_scoped3A_26 : memref<!tpu.dma_semaphore, #tpu.memory_space<semaphore_mem>>)
      %dma_wait3A_35 = arith.constant 0 : i32
      %dma_wait3A_36 = arith.constant 0 : i32
      %dma_wait3A_37 = tpu.memref_slice %arg3[%add3A, %dma_wait3A_35, %dma_wait3A_36] : memref<32x80x128xi32, #tpu.memory_space<hbm>> -> memref<1x80x128xi32, #tpu.memory_space<hbm>>
      %dma_wait3A_38 = tpu.memref_squeeze %dma_wait3A_37 : memref<1x80x128xi32, #tpu.memory_space<hbm>> -> memref<80x128xi32, #tpu.memory_space<hbm>>
      %dma_wait3A_39 = arith.constant 0 : i32
      %dma_wait3A_40 = arith.constant 0 : i32
      %dma_wait3A_41 = tpu.memref_slice %arg3[%add3A, %dma_wait3A_39, %dma_wait3A_40] : memref<32x80x128xi32, #tpu.memory_space<hbm>> -> memref<1x80x128xi32, #tpu.memory_space<hbm>>
      %dma_wait3A_42 = tpu.memref_squeeze %dma_wait3A_41 : memref<1x80x128xi32, #tpu.memory_space<hbm>> -> memref<80x128xi32, #tpu.memory_space<hbm>>
      tpu.wait_dma2 semaphore(%run_scoped3A_26 : memref<!tpu.dma_semaphore, #tpu.memory_space<semaphore_mem>>) src(%dma_wait3A_42 : memref<80x128xi32, #tpu.memory_space<hbm>>) dst(%arg8 : memref<80x128xi32, #tpu.memory_space<vmem>>)
      tpu.yield
    }) : () -> ()
    %run_scoped3A = arith.constant 0 : i32
    "tpu.region"() ({
      %run_scoped3A_26 = tpu.sem_alloc : memref<!tpu.dma_semaphore, #tpu.memory_space<semaphore_mem>>
      %dma_start3A_27 = arith.constant 0 : i32
      %dma_start3A_28 = arith.constant 0 : i32
      %dma_start3A_29 = tpu.memref_slice %arg9[%run_scoped3A, %dma_start3A_27, %dma_start3A_28] : memref<2x8x128xi32, #tpu.memory_space<vmem>> -> memref<1x8x128xi32, #tpu.memory_space<vmem>>
      %dma_start3A_30 = tpu.memref_squeeze %dma_start3A_29 : memref<1x8x128xi32, #tpu.memory_space<vmem>> -> memref<8x128xi32, #tpu.memory_space<vmem>>
      %dma_start3A_31 = arith.constant 0 : i32
      %dma_start3A_32 = arith.constant 0 : i32
      %dma_start3A_33 = tpu.memref_slice %arg4[%add3A, %dma_start3A_31, %dma_start3A_32] : memref<32x80x128xi32, #tpu.memory_space<hbm>> -> memref<1x8x128xi32, #tpu.memory_space<hbm>>
      %dma_start3A_34 = tpu.memref_squeeze %dma_start3A_33 : memref<1x8x128xi32, #tpu.memory_space<hbm>> -> memref<8x128xi32, #tpu.memory_space<hbm>>
      %dma_start3A_35 = arith.constant 0 : i32
      %dma_start3A_36 = arith.constant 0 : i32
      %dma_start3A_37 = tpu.memref_slice %arg9[%run_scoped3A, %dma_start3A_35, %dma_start3A_36] : memref<2x8x128xi32, #tpu.memory_space<vmem>> -> memref<1x8x128xi32, #tpu.memory_space<vmem>>
      %dma_start3A_38 = tpu.memref_squeeze %dma_start3A_37 : memref<1x8x128xi32, #tpu.memory_space<vmem>> -> memref<8x128xi32, #tpu.memory_space<vmem>>
      %dma_start3A_39 = arith.constant 0 : i32
      %dma_start3A_40 = arith.constant 0 : i32
      %dma_start3A_41 = tpu.memref_slice %arg4[%add3A, %dma_start3A_39, %dma_start3A_40] : memref<32x80x128xi32, #tpu.memory_space<hbm>> -> memref<1x8x128xi32, #tpu.memory_space<hbm>>
      %dma_start3A_42 = tpu.memref_squeeze %dma_start3A_41 : memref<1x8x128xi32, #tpu.memory_space<hbm>> -> memref<8x128xi32, #tpu.memory_space<hbm>>
      tpu.enqueue_dma source(%dma_start3A_42 : memref<8x128xi32, #tpu.memory_space<hbm>>) target(%dma_start3A_38 : memref<8x128xi32, #tpu.memory_space<vmem>>) target_semaphore(%run_scoped3A_26 : memref<!tpu.dma_semaphore, #tpu.memory_space<semaphore_mem>>)
      %dma_wait3A_43 = arith.constant 0 : i32
      %dma_wait3A_44 = arith.constant 0 : i32
      %dma_wait3A_45 = tpu.memref_slice %arg9[%run_scoped3A, %dma_wait3A_43, %dma_wait3A_44] : memref<2x8x128xi32, #tpu.memory_space<vmem>> -> memref<1x8x128xi32, #tpu.memory_space<vmem>>
      %dma_wait3A_46 = tpu.memref_squeeze %dma_wait3A_45 : memref<1x8x128xi32, #tpu.memory_space<vmem>> -> memref<8x128xi32, #tpu.memory_space<vmem>>
      %dma_wait3A_47 = arith.constant 0 : i32
      %dma_wait3A_48 = arith.constant 0 : i32
      %dma_wait3A_49 = tpu.memref_slice %arg4[%add3A, %dma_wait3A_47, %dma_wait3A_48] : memref<32x80x128xi32, #tpu.memory_space<hbm>> -> memref<1x8x128xi32, #tpu.memory_space<hbm>>
      %dma_wait3A_50 = tpu.memref_squeeze %dma_wait3A_49 : memref<1x8x128xi32, #tpu.memory_space<hbm>> -> memref<8x128xi32, #tpu.memory_space<hbm>>
      %dma_wait3A_51 = arith.constant 0 : i32
      %dma_wait3A_52 = arith.constant 0 : i32
      %dma_wait3A_53 = tpu.memref_slice %arg9[%run_scoped3A, %dma_wait3A_51, %dma_wait3A_52] : memref<2x8x128xi32, #tpu.memory_space<vmem>> -> memref<1x8x128xi32, #tpu.memory_space<vmem>>
      %dma_wait3A_54 = tpu.memref_squeeze %dma_wait3A_53 : memref<1x8x128xi32, #tpu.memory_space<vmem>> -> memref<8x128xi32, #tpu.memory_space<vmem>>
      %dma_wait3A_55 = arith.constant 0 : i32
      %dma_wait3A_56 = arith.constant 0 : i32
      %dma_wait3A_57 = tpu.memref_slice %arg4[%add3A, %dma_wait3A_55, %dma_wait3A_56] : memref<32x80x128xi32, #tpu.memory_space<hbm>> -> memref<1x8x128xi32, #tpu.memory_space<hbm>>
      %dma_wait3A_58 = tpu.memref_squeeze %dma_wait3A_57 : memref<1x8x128xi32, #tpu.memory_space<hbm>> -> memref<8x128xi32, #tpu.memory_space<hbm>>
      tpu.wait_dma2 semaphore(%run_scoped3A_26 : memref<!tpu.dma_semaphore, #tpu.memory_space<semaphore_mem>>) src(%dma_wait3A_58 : memref<8x128xi32, #tpu.memory_space<hbm>>) dst(%dma_wait3A_54 : memref<8x128xi32, #tpu.memory_space<vmem>>)
      tpu.yield
    }) : () -> ()
    %barrier3A = arith.constant 0 : index
    tpu.barrier barrier_id(%barrier3A)
    %dma_start3A = arith.constant 0 : i32
    %dma_start3A_3 = arith.constant 0 : i32
    %dma_start3A_4 = tpu.memref_slice %arg8[%dma_start3A, %dma_start3A_3] : memref<80x128xi32, #tpu.memory_space<vmem>> -> memref<1x128xi32, #tpu.memory_space<vmem>>
    %dma_start3A_5 = tpu.memref_squeeze %dma_start3A_4 : memref<1x128xi32, #tpu.memory_space<vmem>> -> memref<128xi32, #tpu.memory_space<vmem>>
    %dma_start3A_6 = arith.constant 0 : i32
    %dma_start3A_7 = arith.constant 0 : i32
    %dma_start3A_8 = tpu.memref_slice %arg2[%dma_start3A_6, %dma_start3A_7] : memref<10112x128xf32, #tpu.memory_space<hbm>> -> memref<10112x128xf32, #tpu.memory_space<hbm>>
    tpu.enqueue_indirect_dma source(%dma_start3A_8 : memref<10112x128xf32, #tpu.memory_space<hbm>>) target(%arg10 : memref<128x128xf32, #tpu.memory_space<vmem>>) offsets(%dma_start3A_5 : memref<128xi32, #tpu.memory_space<vmem>>) semaphore(%arg12 : memref<!tpu.dma_semaphore, #tpu.memory_space<semaphore_mem>>)
    %scan3A = arith.constant 0 : i32
    %scan3A_9 = arith.constant 0 : i32
    %scan3A_10 = arith.constant 5 : i32
    %scan3A_11 = arith.addi %scan3A_9, %scan3A_10 : i32
    %scan3A_12 = arith.constant 1 : i32
    scf.for %scan3A_26 = %scan3A_9 to %scan3A_11 step %scan3A_12  : i32 {
      %mul3A_27 = arith.constant 2 : i32
      %mul3A_28 = arith.muli %mul3A_27, %scan3A_26 : i32
      %add3A_29 = arith.constant 0 : i32
      %add3A_30 = arith.addi %mul3A_28, %add3A_29 : i32
      %mul3A_31 = arith.constant 8 : i32
      %mul3A_32 = arith.muli %add3A_30, %mul3A_31 : i32
      %add3A_33 = arith.constant 0 : i32
      %add3A_34 = arith.addi %mul3A_32, %add3A_33 : i32
      %ge3A = arith.constant 1 : i32
      %ge3A_35 = arith.cmpi sge, %scan3A_26, %ge3A : i32
      %convert_element_type3A = arith.extui %ge3A_35 : i1 to i32
      %cond3A = arith.constant 0 : i32
      %cond3A_36 = arith.cmpi ne, %convert_element_type3A, %cond3A : i32
      scf.if %cond3A_36 {
        %dma_wait3A_631 = arith.constant 0 : i32
        %dma_wait3A_632 = arith.constant 0 : i32
        %dma_wait3A_633 = arith.constant 0 : i32
        %dma_wait3A_634 = tpu.memref_slice %arg9[%dma_wait3A_631, %dma_wait3A_632, %dma_wait3A_633] : memref<2x8x128xi32, #tpu.memory_space<vmem>> -> memref<1x8x128xi32, #tpu.memory_space<vmem>>
        %dma_wait3A_635 = tpu.memref_squeeze %dma_wait3A_634 : memref<1x8x128xi32, #tpu.memory_space<vmem>> -> memref<8x128xi32, #tpu.memory_space<vmem>>
        %dma_wait3A_636 = arith.constant 0 : i32
        %dma_wait3A_637 = arith.constant 0 : i32
        %dma_wait3A_638 = tpu.memref_slice %arg4[%add3A, %dma_wait3A_636, %dma_wait3A_637] : memref<32x80x128xi32, #tpu.memory_space<hbm>> -> memref<1x8x128xi32, #tpu.memory_space<hbm>>
        %dma_wait3A_639 = tpu.memref_squeeze %dma_wait3A_638 : memref<1x8x128xi32, #tpu.memory_space<hbm>> -> memref<8x128xi32, #tpu.memory_space<hbm>>
        %dma_wait3A_640 = arith.constant 0 : i32
        %dma_wait3A_641 = arith.constant 0 : i32
        %dma_wait3A_642 = tpu.memref_slice %arg9[%dma_wait3A_631, %dma_wait3A_640, %dma_wait3A_641] : memref<2x8x128xi32, #tpu.memory_space<vmem>> -> memref<1x8x128xi32, #tpu.memory_space<vmem>>
        %dma_wait3A_643 = tpu.memref_squeeze %dma_wait3A_642 : memref<1x8x128xi32, #tpu.memory_space<vmem>> -> memref<8x128xi32, #tpu.memory_space<vmem>>
        %dma_wait3A_644 = arith.constant 0 : i32
        %dma_wait3A_645 = arith.constant 0 : i32
        %dma_wait3A_646 = tpu.memref_slice %arg4[%add3A, %dma_wait3A_644, %dma_wait3A_645] : memref<32x80x128xi32, #tpu.memory_space<hbm>> -> memref<1x8x128xi32, #tpu.memory_space<hbm>>
        %dma_wait3A_647 = tpu.memref_squeeze %dma_wait3A_646 : memref<1x8x128xi32, #tpu.memory_space<hbm>> -> memref<8x128xi32, #tpu.memory_space<hbm>>
        tpu.wait_dma2 semaphore(%arg16 : memref<!tpu.dma_semaphore, #tpu.memory_space<semaphore_mem>>) src(%dma_wait3A_647 : memref<8x128xi32, #tpu.memory_space<hbm>>) dst(%dma_wait3A_643 : memref<8x128xi32, #tpu.memory_space<vmem>>)
      } else {
      }
      %dma_wait3A_37 = arith.constant 0 : i32
      %dma_wait3A_38 = arith.constant 0 : i32
      %dma_wait3A_39 = tpu.memref_slice %arg8[%dma_wait3A_37, %dma_wait3A_38] : memref<80x128xi32, #tpu.memory_space<vmem>> -> memref<1x128xi32, #tpu.memory_space<vmem>>
      %dma_wait3A_40 = tpu.memref_squeeze %dma_wait3A_39 : memref<1x128xi32, #tpu.memory_space<vmem>> -> memref<128xi32, #tpu.memory_space<vmem>>
      %dma_wait3A_41 = arith.constant 0 : i32
      %dma_wait3A_42 = arith.constant 0 : i32
      %dma_wait3A_43 = tpu.memref_slice %arg2[%dma_wait3A_41, %dma_wait3A_42] : memref<10112x128xf32, #tpu.memory_space<hbm>> -> memref<10112x128xf32, #tpu.memory_space<hbm>>
      tpu.wait_indirect_dma semaphore(%arg12 : memref<!tpu.dma_semaphore, #tpu.memory_space<semaphore_mem>>) src(%dma_wait3A_43 : memref<10112x128xf32, #tpu.memory_space<hbm>>) dst(%arg10 : memref<128x128xf32, #tpu.memory_space<vmem>>)
      %dma_start3A_44 = arith.constant 0 : i32
      %dma_start3A_45 = arith.constant 0 : i32
      %dma_start3A_46 = arith.constant 0 : i32
      %dma_start3A_47 = tpu.memref_slice %arg9[%dma_start3A_44, %dma_start3A_45, %dma_start3A_46] : memref<2x8x128xi32, #tpu.memory_space<vmem>> -> memref<1x1x128xi32, #tpu.memory_space<vmem>>
      %dma_start3A_48 = tpu.memref_squeeze %dma_start3A_47 : memref<1x1x128xi32, #tpu.memory_space<vmem>> -> memref<128xi32, #tpu.memory_space<vmem>>
      %dma_start3A_49 = arith.constant 0 : i32
      %dma_start3A_50 = arith.constant 0 : i32
      %dma_start3A_51 = tpu.memref_slice %arg7[%dma_start3A_49, %dma_start3A_50] : memref<10112x128xf32, #tpu.memory_space<vmem_shared>> -> memref<10112x128xf32, #tpu.memory_space<vmem_shared>>
      tpu.enqueue_indirect_dma source(%arg10 : memref<128x128xf32, #tpu.memory_space<vmem>>) target(%dma_start3A_51 : memref<10112x128xf32, #tpu.memory_space<vmem_shared>>) offsets(%dma_start3A_48 : memref<128xi32, #tpu.memory_space<vmem>>) semaphore(%arg14 : memref<!tpu.dma_semaphore, #tpu.memory_space<semaphore_mem>>) {add = true}
      %ge3A_52 = arith.constant 1 : i32
      %ge3A_53 = arith.cmpi sge, %scan3A_26, %ge3A_52 : i32
      %convert_element_type3A_54 = arith.extui %ge3A_53 : i1 to i32
      %cond3A_55 = arith.constant 0 : i32
      %cond3A_56 = arith.cmpi ne, %convert_element_type3A_54, %cond3A_55 : i32
      scf.if %cond3A_56 {
        %dma_wait3A_631 = arith.constant 0 : i32
        %dma_wait3A_632 = arith.constant 0 : i32
        %dma_wait3A_633 = arith.constant 0 : i32
        %dma_wait3A_634 = tpu.memref_slice %arg9[%dma_wait3A_631, %dma_wait3A_632, %dma_wait3A_633] : memref<2x8x128xi32, #tpu.memory_space<vmem>> -> memref<1x1x128xi32, #tpu.memory_space<vmem>>
        %dma_wait3A_635 = tpu.memref_squeeze %dma_wait3A_634 : memref<1x1x128xi32, #tpu.memory_space<vmem>> -> memref<128xi32, #tpu.memory_space<vmem>>
        %dma_wait3A_636 = arith.constant 0 : i32
        %dma_wait3A_637 = arith.constant 0 : i32
        %dma_wait3A_638 = tpu.memref_slice %arg7[%dma_wait3A_636, %dma_wait3A_637] : memref<10112x128xf32, #tpu.memory_space<vmem_shared>> -> memref<10112x128xf32, #tpu.memory_space<vmem_shared>>
        tpu.wait_indirect_dma semaphore(%arg15 : memref<!tpu.dma_semaphore, #tpu.memory_space<semaphore_mem>>) src(%arg11 : memref<128x128xf32, #tpu.memory_space<vmem>>) dst(%dma_wait3A_638 : memref<10112x128xf32, #tpu.memory_space<vmem_shared>>)
      } else {
      }
      %add3A_57 = arith.constant 1 : i32
      %add3A_58 = arith.addi %add3A_34, %add3A_57 : i32
      %dma_start3A_59 = arith.constant 0 : i32
      %dma_start3A_60 = tpu.memref_slice %arg8[%add3A_58, %dma_start3A_59] : memref<80x128xi32, #tpu.memory_space<vmem>> -> memref<1x128xi32, #tpu.memory_space<vmem>>
      %dma_start3A_61 = tpu.memref_squeeze %dma_start3A_60 : memref<1x128xi32, #tpu.memory_space<vmem>> -> memref<128xi32, #tpu.memory_space<vmem>>
      %dma_start3A_62 = arith.constant 0 : i32
      %dma_start3A_63 = arith.constant 0 : i32
      %dma_start3A_64 = tpu.memref_slice %arg2[%dma_start3A_62, %dma_start3A_63] : memref<10112x128xf32, #tpu.memory_space<hbm>> -> memref<10112x128xf32, #tpu.memory_space<hbm>>
      tpu.enqueue_indirect_dma source(%dma_start3A_64 : memref<10112x128xf32, #tpu.memory_space<hbm>>) target(%arg11 : memref<128x128xf32, #tpu.memory_space<vmem>>) offsets(%dma_start3A_61 : memref<128xi32, #tpu.memory_space<vmem>>) semaphore(%arg13 : memref<!tpu.dma_semaphore, #tpu.memory_space<semaphore_mem>>)
      %mul3A_65 = arith.constant 8 : i32
      %mul3A_66 = arith.muli %add3A_30, %mul3A_65 : i32
      %add3A_67 = arith.constant 1 : i32
      %add3A_68 = arith.addi %mul3A_66, %add3A_67 : i32
      %dma_wait3A_69 = arith.constant 0 : i32
      %dma_wait3A_70 = arith.constant 0 : i32
      %dma_wait3A_71 = tpu.memref_slice %arg8[%dma_wait3A_69, %dma_wait3A_70] : memref<80x128xi32, #tpu.memory_space<vmem>> -> memref<1x128xi32, #tpu.memory_space<vmem>>
      %dma_wait3A_72 = tpu.memref_squeeze %dma_wait3A_71 : memref<1x128xi32, #tpu.memory_space<vmem>> -> memref<128xi32, #tpu.memory_space<vmem>>
      %dma_wait3A_73 = arith.constant 0 : i32
      %dma_wait3A_74 = arith.constant 0 : i32
      %dma_wait3A_75 = tpu.memref_slice %arg2[%dma_wait3A_73, %dma_wait3A_74] : memref<10112x128xf32, #tpu.memory_space<hbm>> -> memref<10112x128xf32, #tpu.memory_space<hbm>>
      tpu.wait_indirect_dma semaphore(%arg13 : memref<!tpu.dma_semaphore, #tpu.memory_space<semaphore_mem>>) src(%dma_wait3A_75 : memref<10112x128xf32, #tpu.memory_space<hbm>>) dst(%arg11 : memref<128x128xf32, #tpu.memory_space<vmem>>)
      %dma_start3A_76 = arith.constant 0 : i32
      %dma_start3A_77 = arith.constant 1 : i32
      %dma_start3A_78 = arith.constant 0 : i32
      %dma_start3A_79 = tpu.memref_slice %arg9[%dma_start3A_76, %dma_start3A_77, %dma_start3A_78] : memref<2x8x128xi32, #tpu.memory_space<vmem>> -> memref<1x1x128xi32, #tpu.memory_space<vmem>>
      %dma_start3A_80 = tpu.memref_squeeze %dma_start3A_79 : memref<1x1x128xi32, #tpu.memory_space<vmem>> -> memref<128xi32, #tpu.memory_space<vmem>>
      %dma_start3A_81 = arith.constant 0 : i32
      %dma_start3A_82 = arith.constant 0 : i32
      %dma_start3A_83 = tpu.memref_slice %arg7[%dma_start3A_81, %dma_start3A_82] : memref<10112x128xf32, #tpu.memory_space<vmem_shared>> -> memref<10112x128xf32, #tpu.memory_space<vmem_shared>>
      tpu.enqueue_indirect_dma source(%arg11 : memref<128x128xf32, #tpu.memory_space<vmem>>) target(%dma_start3A_83 : memref<10112x128xf32, #tpu.memory_space<vmem_shared>>) offsets(%dma_start3A_80 : memref<128xi32, #tpu.memory_space<vmem>>) semaphore(%arg15 : memref<!tpu.dma_semaphore, #tpu.memory_space<semaphore_mem>>) {add = true}
      %dma_wait3A_84 = arith.constant 0 : i32
      %dma_wait3A_85 = arith.constant 0 : i32
      %dma_wait3A_86 = arith.constant 0 : i32
      %dma_wait3A_87 = tpu.memref_slice %arg9[%dma_wait3A_84, %dma_wait3A_85, %dma_wait3A_86] : memref<2x8x128xi32, #tpu.memory_space<vmem>> -> memref<1x1x128xi32, #tpu.memory_space<vmem>>
      %dma_wait3A_88 = tpu.memref_squeeze %dma_wait3A_87 : memref<1x1x128xi32, #tpu.memory_space<vmem>> -> memref<128xi32, #tpu.memory_space<vmem>>
      %dma_wait3A_89 = arith.constant 0 : i32
      %dma_wait3A_90 = arith.constant 0 : i32
      %dma_wait3A_91 = tpu.memref_slice %arg7[%dma_wait3A_89, %dma_wait3A_90] : memref<10112x128xf32, #tpu.memory_space<vmem_shared>> -> memref<10112x128xf32, #tpu.memory_space<vmem_shared>>
      tpu.wait_indirect_dma semaphore(%arg14 : memref<!tpu.dma_semaphore, #tpu.memory_space<semaphore_mem>>) src(%arg10 : memref<128x128xf32, #tpu.memory_space<vmem>>) dst(%dma_wait3A_91 : memref<10112x128xf32, #tpu.memory_space<vmem_shared>>)
      %add3A_92 = arith.constant 1 : i32
      %add3A_93 = arith.addi %add3A_68, %add3A_92 : i32
      %dma_start3A_94 = arith.constant 0 : i32
      %dma_start3A_95 = tpu.memref_slice %arg8[%add3A_93, %dma_start3A_94] : memref<80x128xi32, #tpu.memory_space<vmem>> -> memref<1x128xi32, #tpu.memory_space<vmem>>
      %dma_start3A_96 = tpu.memref_squeeze %dma_start3A_95 : memref<1x128xi32, #tpu.memory_space<vmem>> -> memref<128xi32, #tpu.memory_space<vmem>>
      %dma_start3A_97 = arith.constant 0 : i32
      %dma_start3A_98 = arith.constant 0 : i32
      %dma_start3A_99 = tpu.memref_slice %arg2[%dma_start3A_97, %dma_start3A_98] : memref<10112x128xf32, #tpu.memory_space<hbm>> -> memref<10112x128xf32, #tpu.memory_space<hbm>>
      tpu.enqueue_indirect_dma source(%dma_start3A_99 : memref<10112x128xf32, #tpu.memory_space<hbm>>) target(%arg10 : memref<128x128xf32, #tpu.memory_space<vmem>>) offsets(%dma_start3A_96 : memref<128xi32, #tpu.memory_space<vmem>>) semaphore(%arg12 : memref<!tpu.dma_semaphore, #tpu.memory_space<semaphore_mem>>)
      %mul3A_100 = arith.constant 8 : i32
      %mul3A_101 = arith.muli %add3A_30, %mul3A_100 : i32
      %add3A_102 = arith.constant 2 : i32
      %add3A_103 = arith.addi %mul3A_101, %add3A_102 : i32
      %dma_wait3A_104 = arith.constant 0 : i32
      %dma_wait3A_105 = arith.constant 0 : i32
      %dma_wait3A_106 = tpu.memref_slice %arg8[%dma_wait3A_104, %dma_wait3A_105] : memref<80x128xi32, #tpu.memory_space<vmem>> -> memref<1x128xi32, #tpu.memory_space<vmem>>
      %dma_wait3A_107 = tpu.memref_squeeze %dma_wait3A_106 : memref<1x128xi32, #tpu.memory_space<vmem>> -> memref<128xi32, #tpu.memory_space<vmem>>
      %dma_wait3A_108 = arith.constant 0 : i32
      %dma_wait3A_109 = arith.constant 0 : i32
      %dma_wait3A_110 = tpu.memref_slice %arg2[%dma_wait3A_108, %dma_wait3A_109] : memref<10112x128xf32, #tpu.memory_space<hbm>> -> memref<10112x128xf32, #tpu.memory_space<hbm>>
      tpu.wait_indirect_dma semaphore(%arg12 : memref<!tpu.dma_semaphore, #tpu.memory_space<semaphore_mem>>) src(%dma_wait3A_110 : memref<10112x128xf32, #tpu.memory_space<hbm>>) dst(%arg10 : memref<128x128xf32, #tpu.memory_space<vmem>>)
      %dma_start3A_111 = arith.constant 0 : i32
      %dma_start3A_112 = arith.constant 2 : i32
      %dma_start3A_113 = arith.constant 0 : i32
      %dma_start3A_114 = tpu.memref_slice %arg9[%dma_start3A_111, %dma_start3A_112, %dma_start3A_113] : memref<2x8x128xi32, #tpu.memory_space<vmem>> -> memref<1x1x128xi32, #tpu.memory_space<vmem>>
      %dma_start3A_115 = tpu.memref_squeeze %dma_start3A_114 : memref<1x1x128xi32, #tpu.memory_space<vmem>> -> memref<128xi32, #tpu.memory_space<vmem>>
      %dma_start3A_116 = arith.constant 0 : i32
      %dma_start3A_117 = arith.constant 0 : i32
      %dma_start3A_118 = tpu.memref_slice %arg7[%dma_start3A_116, %dma_start3A_117] : memref<10112x128xf32, #tpu.memory_space<vmem_shared>> -> memref<10112x128xf32, #tpu.memory_space<vmem_shared>>
      tpu.enqueue_indirect_dma source(%arg10 : memref<128x128xf32, #tpu.memory_space<vmem>>) target(%dma_start3A_118 : memref<10112x128xf32, #tpu.memory_space<vmem_shared>>) offsets(%dma_start3A_115 : memref<128xi32, #tpu.memory_space<vmem>>) semaphore(%arg14 : memref<!tpu.dma_semaphore, #tpu.memory_space<semaphore_mem>>) {add = true}
      %dma_wait3A_119 = arith.constant 0 : i32
      %dma_wait3A_120 = arith.constant 0 : i32
      %dma_wait3A_121 = arith.constant 0 : i32
      %dma_wait3A_122 = tpu.memref_slice %arg9[%dma_wait3A_119, %dma_wait3A_120, %dma_wait3A_121] : memref<2x8x128xi32, #tpu.memory_space<vmem>> -> memref<1x1x128xi32, #tpu.memory_space<vmem>>
      %dma_wait3A_123 = tpu.memref_squeeze %dma_wait3A_122 : memref<1x1x128xi32, #tpu.memory_space<vmem>> -> memref<128xi32, #tpu.memory_space<vmem>>
      %dma_wait3A_124 = arith.constant 0 : i32
      %dma_wait3A_125 = arith.constant 0 : i32
      %dma_wait3A_126 = tpu.memref_slice %arg7[%dma_wait3A_124, %dma_wait3A_125] : memref<10112x128xf32, #tpu.memory_space<vmem_shared>> -> memref<10112x128xf32, #tpu.memory_space<vmem_shared>>
      tpu.wait_indirect_dma semaphore(%arg15 : memref<!tpu.dma_semaphore, #tpu.memory_space<semaphore_mem>>) src(%arg11 : memref<128x128xf32, #tpu.memory_space<vmem>>) dst(%dma_wait3A_126 : memref<10112x128xf32, #tpu.memory_space<vmem_shared>>)
      %add3A_127 = arith.constant 1 : i32
      %add3A_128 = arith.addi %add3A_30, %add3A_127 : i32
      %mul3A_129 = arith.constant 8 : i32
      %mul3A_130 = arith.muli %add3A_128, %mul3A_129 : i32
      %dma_start3A_131 = arith.constant 1 : i32
      %dma_start3A_132 = arith.constant 0 : i32
      %dma_start3A_133 = arith.constant 0 : i32
      %dma_start3A_134 = tpu.memref_slice %arg9[%dma_start3A_131, %dma_start3A_132, %dma_start3A_133] : memref<2x8x128xi32, #tpu.memory_space<vmem>> -> memref<1x8x128xi32, #tpu.memory_space<vmem>>
      %dma_start3A_135 = tpu.memref_squeeze %dma_start3A_134 : memref<1x8x128xi32, #tpu.memory_space<vmem>> -> memref<8x128xi32, #tpu.memory_space<vmem>>
      %dma_start3A_136 = arith.constant 0 : i32
      %dma_start3A_137 = tpu.memref_slice %arg4[%add3A, %mul3A_130, %dma_start3A_136] : memref<32x80x128xi32, #tpu.memory_space<hbm>> -> memref<1x8x128xi32, #tpu.memory_space<hbm>>
      %dma_start3A_138 = tpu.memref_squeeze %dma_start3A_137 : memref<1x8x128xi32, #tpu.memory_space<hbm>> -> memref<8x128xi32, #tpu.memory_space<hbm>>
      %dma_start3A_139 = arith.constant 0 : i32
      %dma_start3A_140 = arith.constant 0 : i32
      %dma_start3A_141 = tpu.memref_slice %arg9[%dma_start3A_131, %dma_start3A_139, %dma_start3A_140] : memref<2x8x128xi32, #tpu.memory_space<vmem>> -> memref<1x8x128xi32, #tpu.memory_space<vmem>>
      %dma_start3A_142 = tpu.memref_squeeze %dma_start3A_141 : memref<1x8x128xi32, #tpu.memory_space<vmem>> -> memref<8x128xi32, #tpu.memory_space<vmem>>
      %dma_start3A_143 = arith.constant 0 : i32
      %dma_start3A_144 = tpu.memref_slice %arg4[%add3A, %mul3A_130, %dma_start3A_143] : memref<32x80x128xi32, #tpu.memory_space<hbm>> -> memref<1x8x128xi32, #tpu.memory_space<hbm>>
      %dma_start3A_145 = tpu.memref_squeeze %dma_start3A_144 : memref<1x8x128xi32, #tpu.memory_space<hbm>> -> memref<8x128xi32, #tpu.memory_space<hbm>>
      tpu.enqueue_dma source(%dma_start3A_145 : memref<8x128xi32, #tpu.memory_space<hbm>>) target(%dma_start3A_142 : memref<8x128xi32, #tpu.memory_space<vmem>>) target_semaphore(%arg16 : memref<!tpu.dma_semaphore, #tpu.memory_space<semaphore_mem>>)
      %add3A_146 = arith.constant 1 : i32
      %add3A_147 = arith.addi %add3A_103, %add3A_146 : i32
      %dma_start3A_148 = arith.constant 0 : i32
      %dma_start3A_149 = tpu.memref_slice %arg8[%add3A_147, %dma_start3A_148] : memref<80x128xi32, #tpu.memory_space<vmem>> -> memref<1x128xi32, #tpu.memory_space<vmem>>
      %dma_start3A_150 = tpu.memref_squeeze %dma_start3A_149 : memref<1x128xi32, #tpu.memory_space<vmem>> -> memref<128xi32, #tpu.memory_space<vmem>>
      %dma_start3A_151 = arith.constant 0 : i32
      %dma_start3A_152 = arith.constant 0 : i32
      %dma_start3A_153 = tpu.memref_slice %arg2[%dma_start3A_151, %dma_start3A_152] : memref<10112x128xf32, #tpu.memory_space<hbm>> -> memref<10112x128xf32, #tpu.memory_space<hbm>>
      tpu.enqueue_indirect_dma source(%dma_start3A_153 : memref<10112x128xf32, #tpu.memory_space<hbm>>) target(%arg11 : memref<128x128xf32, #tpu.memory_space<vmem>>) offsets(%dma_start3A_150 : memref<128xi32, #tpu.memory_space<vmem>>) semaphore(%arg13 : memref<!tpu.dma_semaphore, #tpu.memory_space<semaphore_mem>>)
      %mul3A_154 = arith.constant 8 : i32
      %mul3A_155 = arith.muli %add3A_30, %mul3A_154 : i32
      %add3A_156 = arith.constant 3 : i32
      %add3A_157 = arith.addi %mul3A_155, %add3A_156 : i32
      %dma_wait3A_158 = arith.constant 0 : i32
      %dma_wait3A_159 = arith.constant 0 : i32
      %dma_wait3A_160 = tpu.memref_slice %arg8[%dma_wait3A_158, %dma_wait3A_159] : memref<80x128xi32, #tpu.memory_space<vmem>> -> memref<1x128xi32, #tpu.memory_space<vmem>>
      %dma_wait3A_161 = tpu.memref_squeeze %dma_wait3A_160 : memref<1x128xi32, #tpu.memory_space<vmem>> -> memref<128xi32, #tpu.memory_space<vmem>>
      %dma_wait3A_162 = arith.constant 0 : i32
      %dma_wait3A_163 = arith.constant 0 : i32
      %dma_wait3A_164 = tpu.memref_slice %arg2[%dma_wait3A_162, %dma_wait3A_163] : memref<10112x128xf32, #tpu.memory_space<hbm>> -> memref<10112x128xf32, #tpu.memory_space<hbm>>
      tpu.wait_indirect_dma semaphore(%arg13 : memref<!tpu.dma_semaphore, #tpu.memory_space<semaphore_mem>>) src(%dma_wait3A_164 : memref<10112x128xf32, #tpu.memory_space<hbm>>) dst(%arg11 : memref<128x128xf32, #tpu.memory_space<vmem>>)
      %dma_start3A_165 = arith.constant 0 : i32
      %dma_start3A_166 = arith.constant 3 : i32
      %dma_start3A_167 = arith.constant 0 : i32
      %dma_start3A_168 = tpu.memref_slice %arg9[%dma_start3A_165, %dma_start3A_166, %dma_start3A_167] : memref<2x8x128xi32, #tpu.memory_space<vmem>> -> memref<1x1x128xi32, #tpu.memory_space<vmem>>
      %dma_start3A_169 = tpu.memref_squeeze %dma_start3A_168 : memref<1x1x128xi32, #tpu.memory_space<vmem>> -> memref<128xi32, #tpu.memory_space<vmem>>
      %dma_start3A_170 = arith.constant 0 : i32
      %dma_start3A_171 = arith.constant 0 : i32
      %dma_start3A_172 = tpu.memref_slice %arg7[%dma_start3A_170, %dma_start3A_171] : memref<10112x128xf32, #tpu.memory_space<vmem_shared>> -> memref<10112x128xf32, #tpu.memory_space<vmem_shared>>
      tpu.enqueue_indirect_dma source(%arg11 : memref<128x128xf32, #tpu.memory_space<vmem>>) target(%dma_start3A_172 : memref<10112x128xf32, #tpu.memory_space<vmem_shared>>) offsets(%dma_start3A_169 : memref<128xi32, #tpu.memory_space<vmem>>) semaphore(%arg15 : memref<!tpu.dma_semaphore, #tpu.memory_space<semaphore_mem>>) {add = true}
      %dma_wait3A_173 = arith.constant 0 : i32
      %dma_wait3A_174 = arith.constant 0 : i32
      %dma_wait3A_175 = arith.constant 0 : i32
      %dma_wait3A_176 = tpu.memref_slice %arg9[%dma_wait3A_173, %dma_wait3A_174, %dma_wait3A_175] : memref<2x8x128xi32, #tpu.memory_space<vmem>> -> memref<1x1x128xi32, #tpu.memory_space<vmem>>
      %dma_wait3A_177 = tpu.memref_squeeze %dma_wait3A_176 : memref<1x1x128xi32, #tpu.memory_space<vmem>> -> memref<128xi32, #tpu.memory_space<vmem>>
      %dma_wait3A_178 = arith.constant 0 : i32
      %dma_wait3A_179 = arith.constant 0 : i32
      %dma_wait3A_180 = tpu.memref_slice %arg7[%dma_wait3A_178, %dma_wait3A_179] : memref<10112x128xf32, #tpu.memory_space<vmem_shared>> -> memref<10112x128xf32, #tpu.memory_space<vmem_shared>>
      tpu.wait_indirect_dma semaphore(%arg14 : memref<!tpu.dma_semaphore, #tpu.memory_space<semaphore_mem>>) src(%arg10 : memref<128x128xf32, #tpu.memory_space<vmem>>) dst(%dma_wait3A_180 : memref<10112x128xf32, #tpu.memory_space<vmem_shared>>)
      %add3A_181 = arith.constant 1 : i32
      %add3A_182 = arith.addi %add3A_157, %add3A_181 : i32
      %dma_start3A_183 = arith.constant 0 : i32
      %dma_start3A_184 = tpu.memref_slice %arg8[%add3A_182, %dma_start3A_183] : memref<80x128xi32, #tpu.memory_space<vmem>> -> memref<1x128xi32, #tpu.memory_space<vmem>>
      %dma_start3A_185 = tpu.memref_squeeze %dma_start3A_184 : memref<1x128xi32, #tpu.memory_space<vmem>> -> memref<128xi32, #tpu.memory_space<vmem>>
      %dma_start3A_186 = arith.constant 0 : i32
      %dma_start3A_187 = arith.constant 0 : i32
      %dma_start3A_188 = tpu.memref_slice %arg2[%dma_start3A_186, %dma_start3A_187] : memref<10112x128xf32, #tpu.memory_space<hbm>> -> memref<10112x128xf32, #tpu.memory_space<hbm>>
      tpu.enqueue_indirect_dma source(%dma_start3A_188 : memref<10112x128xf32, #tpu.memory_space<hbm>>) target(%arg10 : memref<128x128xf32, #tpu.memory_space<vmem>>) offsets(%dma_start3A_185 : memref<128xi32, #tpu.memory_space<vmem>>) semaphore(%arg12 : memref<!tpu.dma_semaphore, #tpu.memory_space<semaphore_mem>>)
      %mul3A_189 = arith.constant 8 : i32
      %mul3A_190 = arith.muli %add3A_30, %mul3A_189 : i32
      %add3A_191 = arith.constant 4 : i32
      %add3A_192 = arith.addi %mul3A_190, %add3A_191 : i32
      %dma_wait3A_193 = arith.constant 0 : i32
      %dma_wait3A_194 = arith.constant 0 : i32
      %dma_wait3A_195 = tpu.memref_slice %arg8[%dma_wait3A_193, %dma_wait3A_194] : memref<80x128xi32, #tpu.memory_space<vmem>> -> memref<1x128xi32, #tpu.memory_space<vmem>>
      %dma_wait3A_196 = tpu.memref_squeeze %dma_wait3A_195 : memref<1x128xi32, #tpu.memory_space<vmem>> -> memref<128xi32, #tpu.memory_space<vmem>>
      %dma_wait3A_197 = arith.constant 0 : i32
      %dma_wait3A_198 = arith.constant 0 : i32
      %dma_wait3A_199 = tpu.memref_slice %arg2[%dma_wait3A_197, %dma_wait3A_198] : memref<10112x128xf32, #tpu.memory_space<hbm>> -> memref<10112x128xf32, #tpu.memory_space<hbm>>
      tpu.wait_indirect_dma semaphore(%arg12 : memref<!tpu.dma_semaphore, #tpu.memory_space<semaphore_mem>>) src(%dma_wait3A_199 : memref<10112x128xf32, #tpu.memory_space<hbm>>) dst(%arg10 : memref<128x128xf32, #tpu.memory_space<vmem>>)
      %dma_start3A_200 = arith.constant 0 : i32
      %dma_start3A_201 = arith.constant 4 : i32
      %dma_start3A_202 = arith.constant 0 : i32
      %dma_start3A_203 = tpu.memref_slice %arg9[%dma_start3A_200, %dma_start3A_201, %dma_start3A_202] : memref<2x8x128xi32, #tpu.memory_space<vmem>> -> memref<1x1x128xi32, #tpu.memory_space<vmem>>
      %dma_start3A_204 = tpu.memref_squeeze %dma_start3A_203 : memref<1x1x128xi32, #tpu.memory_space<vmem>> -> memref<128xi32, #tpu.memory_space<vmem>>
      %dma_start3A_205 = arith.constant 0 : i32
      %dma_start3A_206 = arith.constant 0 : i32
      %dma_start3A_207 = tpu.memref_slice %arg7[%dma_start3A_205, %dma_start3A_206] : memref<10112x128xf32, #tpu.memory_space<vmem_shared>> -> memref<10112x128xf32, #tpu.memory_space<vmem_shared>>
      tpu.enqueue_indirect_dma source(%arg10 : memref<128x128xf32, #tpu.memory_space<vmem>>) target(%dma_start3A_207 : memref<10112x128xf32, #tpu.memory_space<vmem_shared>>) offsets(%dma_start3A_204 : memref<128xi32, #tpu.memory_space<vmem>>) semaphore(%arg14 : memref<!tpu.dma_semaphore, #tpu.memory_space<semaphore_mem>>) {add = true}
      %dma_wait3A_208 = arith.constant 0 : i32
      %dma_wait3A_209 = arith.constant 0 : i32
      %dma_wait3A_210 = arith.constant 0 : i32
      %dma_wait3A_211 = tpu.memref_slice %arg9[%dma_wait3A_208, %dma_wait3A_209, %dma_wait3A_210] : memref<2x8x128xi32, #tpu.memory_space<vmem>> -> memref<1x1x128xi32, #tpu.memory_space<vmem>>
      %dma_wait3A_212 = tpu.memref_squeeze %dma_wait3A_211 : memref<1x1x128xi32, #tpu.memory_space<vmem>> -> memref<128xi32, #tpu.memory_space<vmem>>
      %dma_wait3A_213 = arith.constant 0 : i32
      %dma_wait3A_214 = arith.constant 0 : i32
      %dma_wait3A_215 = tpu.memref_slice %arg7[%dma_wait3A_213, %dma_wait3A_214] : memref<10112x128xf32, #tpu.memory_space<vmem_shared>> -> memref<10112x128xf32, #tpu.memory_space<vmem_shared>>
      tpu.wait_indirect_dma semaphore(%arg15 : memref<!tpu.dma_semaphore, #tpu.memory_space<semaphore_mem>>) src(%arg11 : memref<128x128xf32, #tpu.memory_space<vmem>>) dst(%dma_wait3A_215 : memref<10112x128xf32, #tpu.memory_space<vmem_shared>>)
      %add3A_216 = arith.constant 1 : i32
      %add3A_217 = arith.addi %add3A_192, %add3A_216 : i32
      %dma_start3A_218 = arith.constant 0 : i32
      %dma_start3A_219 = tpu.memref_slice %arg8[%add3A_217, %dma_start3A_218] : memref<80x128xi32, #tpu.memory_space<vmem>> -> memref<1x128xi32, #tpu.memory_space<vmem>>
      %dma_start3A_220 = tpu.memref_squeeze %dma_start3A_219 : memref<1x128xi32, #tpu.memory_space<vmem>> -> memref<128xi32, #tpu.memory_space<vmem>>
      %dma_start3A_221 = arith.constant 0 : i32
      %dma_start3A_222 = arith.constant 0 : i32
      %dma_start3A_223 = tpu.memref_slice %arg2[%dma_start3A_221, %dma_start3A_222] : memref<10112x128xf32, #tpu.memory_space<hbm>> -> memref<10112x128xf32, #tpu.memory_space<hbm>>
      tpu.enqueue_indirect_dma source(%dma_start3A_223 : memref<10112x128xf32, #tpu.memory_space<hbm>>) target(%arg11 : memref<128x128xf32, #tpu.memory_space<vmem>>) offsets(%dma_start3A_220 : memref<128xi32, #tpu.memory_space<vmem>>) semaphore(%arg13 : memref<!tpu.dma_semaphore, #tpu.memory_space<semaphore_mem>>)
      %mul3A_224 = arith.constant 8 : i32
      %mul3A_225 = arith.muli %add3A_30, %mul3A_224 : i32
      %add3A_226 = arith.constant 5 : i32
      %add3A_227 = arith.addi %mul3A_225, %add3A_226 : i32
      %dma_wait3A_228 = arith.constant 0 : i32
      %dma_wait3A_229 = arith.constant 0 : i32
      %dma_wait3A_230 = tpu.memref_slice %arg8[%dma_wait3A_228, %dma_wait3A_229] : memref<80x128xi32, #tpu.memory_space<vmem>> -> memref<1x128xi32, #tpu.memory_space<vmem>>
      %dma_wait3A_231 = tpu.memref_squeeze %dma_wait3A_230 : memref<1x128xi32, #tpu.memory_space<vmem>> -> memref<128xi32, #tpu.memory_space<vmem>>
      %dma_wait3A_232 = arith.constant 0 : i32
      %dma_wait3A_233 = arith.constant 0 : i32
      %dma_wait3A_234 = tpu.memref_slice %arg2[%dma_wait3A_232, %dma_wait3A_233] : memref<10112x128xf32, #tpu.memory_space<hbm>> -> memref<10112x128xf32, #tpu.memory_space<hbm>>
      tpu.wait_indirect_dma semaphore(%arg13 : memref<!tpu.dma_semaphore, #tpu.memory_space<semaphore_mem>>) src(%dma_wait3A_234 : memref<10112x128xf32, #tpu.memory_space<hbm>>) dst(%arg11 : memref<128x128xf32, #tpu.memory_space<vmem>>)
      %dma_start3A_235 = arith.constant 0 : i32
      %dma_start3A_236 = arith.constant 5 : i32
      %dma_start3A_237 = arith.constant 0 : i32
      %dma_start3A_238 = tpu.memref_slice %arg9[%dma_start3A_235, %dma_start3A_236, %dma_start3A_237] : memref<2x8x128xi32, #tpu.memory_space<vmem>> -> memref<1x1x128xi32, #tpu.memory_space<vmem>>
      %dma_start3A_239 = tpu.memref_squeeze %dma_start3A_238 : memref<1x1x128xi32, #tpu.memory_space<vmem>> -> memref<128xi32, #tpu.memory_space<vmem>>
      %dma_start3A_240 = arith.constant 0 : i32
      %dma_start3A_241 = arith.constant 0 : i32
      %dma_start3A_242 = tpu.memref_slice %arg7[%dma_start3A_240, %dma_start3A_241] : memref<10112x128xf32, #tpu.memory_space<vmem_shared>> -> memref<10112x128xf32, #tpu.memory_space<vmem_shared>>
      tpu.enqueue_indirect_dma source(%arg11 : memref<128x128xf32, #tpu.memory_space<vmem>>) target(%dma_start3A_242 : memref<10112x128xf32, #tpu.memory_space<vmem_shared>>) offsets(%dma_start3A_239 : memref<128xi32, #tpu.memory_space<vmem>>) semaphore(%arg15 : memref<!tpu.dma_semaphore, #tpu.memory_space<semaphore_mem>>) {add = true}
      %dma_wait3A_243 = arith.constant 0 : i32
      %dma_wait3A_244 = arith.constant 0 : i32
      %dma_wait3A_245 = arith.constant 0 : i32
      %dma_wait3A_246 = tpu.memref_slice %arg9[%dma_wait3A_243, %dma_wait3A_244, %dma_wait3A_245] : memref<2x8x128xi32, #tpu.memory_space<vmem>> -> memref<1x1x128xi32, #tpu.memory_space<vmem>>
      %dma_wait3A_247 = tpu.memref_squeeze %dma_wait3A_246 : memref<1x1x128xi32, #tpu.memory_space<vmem>> -> memref<128xi32, #tpu.memory_space<vmem>>
      %dma_wait3A_248 = arith.constant 0 : i32
      %dma_wait3A_249 = arith.constant 0 : i32
      %dma_wait3A_250 = tpu.memref_slice %arg7[%dma_wait3A_248, %dma_wait3A_249] : memref<10112x128xf32, #tpu.memory_space<vmem_shared>> -> memref<10112x128xf32, #tpu.memory_space<vmem_shared>>
      tpu.wait_indirect_dma semaphore(%arg14 : memref<!tpu.dma_semaphore, #tpu.memory_space<semaphore_mem>>) src(%arg10 : memref<128x128xf32, #tpu.memory_space<vmem>>) dst(%dma_wait3A_250 : memref<10112x128xf32, #tpu.memory_space<vmem_shared>>)
      %add3A_251 = arith.constant 1 : i32
      %add3A_252 = arith.addi %add3A_227, %add3A_251 : i32
      %dma_start3A_253 = arith.constant 0 : i32
      %dma_start3A_254 = tpu.memref_slice %arg8[%add3A_252, %dma_start3A_253] : memref<80x128xi32, #tpu.memory_space<vmem>> -> memref<1x128xi32, #tpu.memory_space<vmem>>
      %dma_start3A_255 = tpu.memref_squeeze %dma_start3A_254 : memref<1x128xi32, #tpu.memory_space<vmem>> -> memref<128xi32, #tpu.memory_space<vmem>>
      %dma_start3A_256 = arith.constant 0 : i32
      %dma_start3A_257 = arith.constant 0 : i32
      %dma_start3A_258 = tpu.memref_slice %arg2[%dma_start3A_256, %dma_start3A_257] : memref<10112x128xf32, #tpu.memory_space<hbm>> -> memref<10112x128xf32, #tpu.memory_space<hbm>>
      tpu.enqueue_indirect_dma source(%dma_start3A_258 : memref<10112x128xf32, #tpu.memory_space<hbm>>) target(%arg10 : memref<128x128xf32, #tpu.memory_space<vmem>>) offsets(%dma_start3A_255 : memref<128xi32, #tpu.memory_space<vmem>>) semaphore(%arg12 : memref<!tpu.dma_semaphore, #tpu.memory_space<semaphore_mem>>)
      %mul3A_259 = arith.constant 8 : i32
      %mul3A_260 = arith.muli %add3A_30, %mul3A_259 : i32
      %add3A_261 = arith.constant 6 : i32
      %add3A_262 = arith.addi %mul3A_260, %add3A_261 : i32
      %dma_wait3A_263 = arith.constant 0 : i32
      %dma_wait3A_264 = arith.constant 0 : i32
      %dma_wait3A_265 = tpu.memref_slice %arg8[%dma_wait3A_263, %dma_wait3A_264] : memref<80x128xi32, #tpu.memory_space<vmem>> -> memref<1x128xi32, #tpu.memory_space<vmem>>
      %dma_wait3A_266 = tpu.memref_squeeze %dma_wait3A_265 : memref<1x128xi32, #tpu.memory_space<vmem>> -> memref<128xi32, #tpu.memory_space<vmem>>
      %dma_wait3A_267 = arith.constant 0 : i32
      %dma_wait3A_268 = arith.constant 0 : i32
      %dma_wait3A_269 = tpu.memref_slice %arg2[%dma_wait3A_267, %dma_wait3A_268] : memref<10112x128xf32, #tpu.memory_space<hbm>> -> memref<10112x128xf32, #tpu.memory_space<hbm>>
      tpu.wait_indirect_dma semaphore(%arg12 : memref<!tpu.dma_semaphore, #tpu.memory_space<semaphore_mem>>) src(%dma_wait3A_269 : memref<10112x128xf32, #tpu.memory_space<hbm>>) dst(%arg10 : memref<128x128xf32, #tpu.memory_space<vmem>>)
      %dma_start3A_270 = arith.constant 0 : i32
      %dma_start3A_271 = arith.constant 6 : i32
      %dma_start3A_272 = arith.constant 0 : i32
      %dma_start3A_273 = tpu.memref_slice %arg9[%dma_start3A_270, %dma_start3A_271, %dma_start3A_272] : memref<2x8x128xi32, #tpu.memory_space<vmem>> -> memref<1x1x128xi32, #tpu.memory_space<vmem>>
      %dma_start3A_274 = tpu.memref_squeeze %dma_start3A_273 : memref<1x1x128xi32, #tpu.memory_space<vmem>> -> memref<128xi32, #tpu.memory_space<vmem>>
      %dma_start3A_275 = arith.constant 0 : i32
      %dma_start3A_276 = arith.constant 0 : i32
      %dma_start3A_277 = tpu.memref_slice %arg7[%dma_start3A_275, %dma_start3A_276] : memref<10112x128xf32, #tpu.memory_space<vmem_shared>> -> memref<10112x128xf32, #tpu.memory_space<vmem_shared>>
      tpu.enqueue_indirect_dma source(%arg10 : memref<128x128xf32, #tpu.memory_space<vmem>>) target(%dma_start3A_277 : memref<10112x128xf32, #tpu.memory_space<vmem_shared>>) offsets(%dma_start3A_274 : memref<128xi32, #tpu.memory_space<vmem>>) semaphore(%arg14 : memref<!tpu.dma_semaphore, #tpu.memory_space<semaphore_mem>>) {add = true}
      %dma_wait3A_278 = arith.constant 0 : i32
      %dma_wait3A_279 = arith.constant 0 : i32
      %dma_wait3A_280 = arith.constant 0 : i32
      %dma_wait3A_281 = tpu.memref_slice %arg9[%dma_wait3A_278, %dma_wait3A_279, %dma_wait3A_280] : memref<2x8x128xi32, #tpu.memory_space<vmem>> -> memref<1x1x128xi32, #tpu.memory_space<vmem>>
      %dma_wait3A_282 = tpu.memref_squeeze %dma_wait3A_281 : memref<1x1x128xi32, #tpu.memory_space<vmem>> -> memref<128xi32, #tpu.memory_space<vmem>>
      %dma_wait3A_283 = arith.constant 0 : i32
      %dma_wait3A_284 = arith.constant 0 : i32
      %dma_wait3A_285 = tpu.memref_slice %arg7[%dma_wait3A_283, %dma_wait3A_284] : memref<10112x128xf32, #tpu.memory_space<vmem_shared>> -> memref<10112x128xf32, #tpu.memory_space<vmem_shared>>
      tpu.wait_indirect_dma semaphore(%arg15 : memref<!tpu.dma_semaphore, #tpu.memory_space<semaphore_mem>>) src(%arg11 : memref<128x128xf32, #tpu.memory_space<vmem>>) dst(%dma_wait3A_285 : memref<10112x128xf32, #tpu.memory_space<vmem_shared>>)
      %add3A_286 = arith.constant 1 : i32
      %add3A_287 = arith.addi %add3A_262, %add3A_286 : i32
      %dma_start3A_288 = arith.constant 0 : i32
      %dma_start3A_289 = tpu.memref_slice %arg8[%add3A_287, %dma_start3A_288] : memref<80x128xi32, #tpu.memory_space<vmem>> -> memref<1x128xi32, #tpu.memory_space<vmem>>
      %dma_start3A_290 = tpu.memref_squeeze %dma_start3A_289 : memref<1x128xi32, #tpu.memory_space<vmem>> -> memref<128xi32, #tpu.memory_space<vmem>>
      %dma_start3A_291 = arith.constant 0 : i32
      %dma_start3A_292 = arith.constant 0 : i32
      %dma_start3A_293 = tpu.memref_slice %arg2[%dma_start3A_291, %dma_start3A_292] : memref<10112x128xf32, #tpu.memory_space<hbm>> -> memref<10112x128xf32, #tpu.memory_space<hbm>>
      tpu.enqueue_indirect_dma source(%dma_start3A_293 : memref<10112x128xf32, #tpu.memory_space<hbm>>) target(%arg11 : memref<128x128xf32, #tpu.memory_space<vmem>>) offsets(%dma_start3A_290 : memref<128xi32, #tpu.memory_space<vmem>>) semaphore(%arg13 : memref<!tpu.dma_semaphore, #tpu.memory_space<semaphore_mem>>)
      %mul3A_294 = arith.constant 8 : i32
      %mul3A_295 = arith.muli %add3A_30, %mul3A_294 : i32
      %add3A_296 = arith.constant 7 : i32
      %add3A_297 = arith.addi %mul3A_295, %add3A_296 : i32
      %dma_wait3A_298 = arith.constant 0 : i32
      %dma_wait3A_299 = arith.constant 0 : i32
      %dma_wait3A_300 = tpu.memref_slice %arg8[%dma_wait3A_298, %dma_wait3A_299] : memref<80x128xi32, #tpu.memory_space<vmem>> -> memref<1x128xi32, #tpu.memory_space<vmem>>
      %dma_wait3A_301 = tpu.memref_squeeze %dma_wait3A_300 : memref<1x128xi32, #tpu.memory_space<vmem>> -> memref<128xi32, #tpu.memory_space<vmem>>
      %dma_wait3A_302 = arith.constant 0 : i32
      %dma_wait3A_303 = arith.constant 0 : i32
      %dma_wait3A_304 = tpu.memref_slice %arg2[%dma_wait3A_302, %dma_wait3A_303] : memref<10112x128xf32, #tpu.memory_space<hbm>> -> memref<10112x128xf32, #tpu.memory_space<hbm>>
      tpu.wait_indirect_dma semaphore(%arg13 : memref<!tpu.dma_semaphore, #tpu.memory_space<semaphore_mem>>) src(%dma_wait3A_304 : memref<10112x128xf32, #tpu.memory_space<hbm>>) dst(%arg11 : memref<128x128xf32, #tpu.memory_space<vmem>>)
      %dma_start3A_305 = arith.constant 0 : i32
      %dma_start3A_306 = arith.constant 7 : i32
      %dma_start3A_307 = arith.constant 0 : i32
      %dma_start3A_308 = tpu.memref_slice %arg9[%dma_start3A_305, %dma_start3A_306, %dma_start3A_307] : memref<2x8x128xi32, #tpu.memory_space<vmem>> -> memref<1x1x128xi32, #tpu.memory_space<vmem>>
      %dma_start3A_309 = tpu.memref_squeeze %dma_start3A_308 : memref<1x1x128xi32, #tpu.memory_space<vmem>> -> memref<128xi32, #tpu.memory_space<vmem>>
      %dma_start3A_310 = arith.constant 0 : i32
      %dma_start3A_311 = arith.constant 0 : i32
      %dma_start3A_312 = tpu.memref_slice %arg7[%dma_start3A_310, %dma_start3A_311] : memref<10112x128xf32, #tpu.memory_space<vmem_shared>> -> memref<10112x128xf32, #tpu.memory_space<vmem_shared>>
      tpu.enqueue_indirect_dma source(%arg11 : memref<128x128xf32, #tpu.memory_space<vmem>>) target(%dma_start3A_312 : memref<10112x128xf32, #tpu.memory_space<vmem_shared>>) offsets(%dma_start3A_309 : memref<128xi32, #tpu.memory_space<vmem>>) semaphore(%arg15 : memref<!tpu.dma_semaphore, #tpu.memory_space<semaphore_mem>>) {add = true}
      %dma_wait3A_313 = arith.constant 0 : i32
      %dma_wait3A_314 = arith.constant 0 : i32
      %dma_wait3A_315 = arith.constant 0 : i32
      %dma_wait3A_316 = tpu.memref_slice %arg9[%dma_wait3A_313, %dma_wait3A_314, %dma_wait3A_315] : memref<2x8x128xi32, #tpu.memory_space<vmem>> -> memref<1x1x128xi32, #tpu.memory_space<vmem>>
      %dma_wait3A_317 = tpu.memref_squeeze %dma_wait3A_316 : memref<1x1x128xi32, #tpu.memory_space<vmem>> -> memref<128xi32, #tpu.memory_space<vmem>>
      %dma_wait3A_318 = arith.constant 0 : i32
      %dma_wait3A_319 = arith.constant 0 : i32
      %dma_wait3A_320 = tpu.memref_slice %arg7[%dma_wait3A_318, %dma_wait3A_319] : memref<10112x128xf32, #tpu.memory_space<vmem_shared>> -> memref<10112x128xf32, #tpu.memory_space<vmem_shared>>
      tpu.wait_indirect_dma semaphore(%arg14 : memref<!tpu.dma_semaphore, #tpu.memory_space<semaphore_mem>>) src(%arg10 : memref<128x128xf32, #tpu.memory_space<vmem>>) dst(%dma_wait3A_320 : memref<10112x128xf32, #tpu.memory_space<vmem_shared>>)
      %add3A_321 = arith.constant 1 : i32
      %add3A_322 = arith.addi %add3A_297, %add3A_321 : i32
      %dma_start3A_323 = arith.constant 0 : i32
      %dma_start3A_324 = tpu.memref_slice %arg8[%add3A_322, %dma_start3A_323] : memref<80x128xi32, #tpu.memory_space<vmem>> -> memref<1x128xi32, #tpu.memory_space<vmem>>
      %dma_start3A_325 = tpu.memref_squeeze %dma_start3A_324 : memref<1x128xi32, #tpu.memory_space<vmem>> -> memref<128xi32, #tpu.memory_space<vmem>>
      %dma_start3A_326 = arith.constant 0 : i32
      %dma_start3A_327 = arith.constant 0 : i32
      %dma_start3A_328 = tpu.memref_slice %arg2[%dma_start3A_326, %dma_start3A_327] : memref<10112x128xf32, #tpu.memory_space<hbm>> -> memref<10112x128xf32, #tpu.memory_space<hbm>>
      tpu.enqueue_indirect_dma source(%dma_start3A_328 : memref<10112x128xf32, #tpu.memory_space<hbm>>) target(%arg10 : memref<128x128xf32, #tpu.memory_space<vmem>>) offsets(%dma_start3A_325 : memref<128xi32, #tpu.memory_space<vmem>>) semaphore(%arg12 : memref<!tpu.dma_semaphore, #tpu.memory_space<semaphore_mem>>)
      %mul3A_329 = arith.constant 2 : i32
      %mul3A_330 = arith.muli %mul3A_329, %scan3A_26 : i32
      %add3A_331 = arith.constant 1 : i32
      %add3A_332 = arith.addi %mul3A_330, %add3A_331 : i32
      %mul3A_333 = arith.constant 8 : i32
      %mul3A_334 = arith.muli %add3A_332, %mul3A_333 : i32
      %add3A_335 = arith.constant 0 : i32
      %add3A_336 = arith.addi %mul3A_334, %add3A_335 : i32
      %dma_wait3A_337 = arith.constant 1 : i32
      %dma_wait3A_338 = arith.constant 0 : i32
      %dma_wait3A_339 = arith.constant 0 : i32
      %dma_wait3A_340 = tpu.memref_slice %arg9[%dma_wait3A_337, %dma_wait3A_338, %dma_wait3A_339] : memref<2x8x128xi32, #tpu.memory_space<vmem>> -> memref<1x8x128xi32, #tpu.memory_space<vmem>>
      %dma_wait3A_341 = tpu.memref_squeeze %dma_wait3A_340 : memref<1x8x128xi32, #tpu.memory_space<vmem>> -> memref<8x128xi32, #tpu.memory_space<vmem>>
      %dma_wait3A_342 = arith.constant 0 : i32
      %dma_wait3A_343 = arith.constant 0 : i32
      %dma_wait3A_344 = tpu.memref_slice %arg4[%add3A, %dma_wait3A_342, %dma_wait3A_343] : memref<32x80x128xi32, #tpu.memory_space<hbm>> -> memref<1x8x128xi32, #tpu.memory_space<hbm>>
      %dma_wait3A_345 = tpu.memref_squeeze %dma_wait3A_344 : memref<1x8x128xi32, #tpu.memory_space<hbm>> -> memref<8x128xi32, #tpu.memory_space<hbm>>
      %dma_wait3A_346 = arith.constant 0 : i32
      %dma_wait3A_347 = arith.constant 0 : i32
      %dma_wait3A_348 = tpu.memref_slice %arg9[%dma_wait3A_337, %dma_wait3A_346, %dma_wait3A_347] : memref<2x8x128xi32, #tpu.memory_space<vmem>> -> memref<1x8x128xi32, #tpu.memory_space<vmem>>
      %dma_wait3A_349 = tpu.memref_squeeze %dma_wait3A_348 : memref<1x8x128xi32, #tpu.memory_space<vmem>> -> memref<8x128xi32, #tpu.memory_space<vmem>>
      %dma_wait3A_350 = arith.constant 0 : i32
      %dma_wait3A_351 = arith.constant 0 : i32
      %dma_wait3A_352 = tpu.memref_slice %arg4[%add3A, %dma_wait3A_350, %dma_wait3A_351] : memref<32x80x128xi32, #tpu.memory_space<hbm>> -> memref<1x8x128xi32, #tpu.memory_space<hbm>>
      %dma_wait3A_353 = tpu.memref_squeeze %dma_wait3A_352 : memref<1x8x128xi32, #tpu.memory_space<hbm>> -> memref<8x128xi32, #tpu.memory_space<hbm>>
      tpu.wait_dma2 semaphore(%arg16 : memref<!tpu.dma_semaphore, #tpu.memory_space<semaphore_mem>>) src(%dma_wait3A_353 : memref<8x128xi32, #tpu.memory_space<hbm>>) dst(%dma_wait3A_349 : memref<8x128xi32, #tpu.memory_space<vmem>>)
      %dma_wait3A_354 = arith.constant 0 : i32
      %dma_wait3A_355 = arith.constant 0 : i32
      %dma_wait3A_356 = tpu.memref_slice %arg8[%dma_wait3A_354, %dma_wait3A_355] : memref<80x128xi32, #tpu.memory_space<vmem>> -> memref<1x128xi32, #tpu.memory_space<vmem>>
      %dma_wait3A_357 = tpu.memref_squeeze %dma_wait3A_356 : memref<1x128xi32, #tpu.memory_space<vmem>> -> memref<128xi32, #tpu.memory_space<vmem>>
      %dma_wait3A_358 = arith.constant 0 : i32
      %dma_wait3A_359 = arith.constant 0 : i32
      %dma_wait3A_360 = tpu.memref_slice %arg2[%dma_wait3A_358, %dma_wait3A_359] : memref<10112x128xf32, #tpu.memory_space<hbm>> -> memref<10112x128xf32, #tpu.memory_space<hbm>>
      tpu.wait_indirect_dma semaphore(%arg12 : memref<!tpu.dma_semaphore, #tpu.memory_space<semaphore_mem>>) src(%dma_wait3A_360 : memref<10112x128xf32, #tpu.memory_space<hbm>>) dst(%arg10 : memref<128x128xf32, #tpu.memory_space<vmem>>)
      %dma_start3A_361 = arith.constant 1 : i32
      %dma_start3A_362 = arith.constant 0 : i32
      %dma_start3A_363 = arith.constant 0 : i32
      %dma_start3A_364 = tpu.memref_slice %arg9[%dma_start3A_361, %dma_start3A_362, %dma_start3A_363] : memref<2x8x128xi32, #tpu.memory_space<vmem>> -> memref<1x1x128xi32, #tpu.memory_space<vmem>>
      %dma_start3A_365 = tpu.memref_squeeze %dma_start3A_364 : memref<1x1x128xi32, #tpu.memory_space<vmem>> -> memref<128xi32, #tpu.memory_space<vmem>>
      %dma_start3A_366 = arith.constant 0 : i32
      %dma_start3A_367 = arith.constant 0 : i32
      %dma_start3A_368 = tpu.memref_slice %arg7[%dma_start3A_366, %dma_start3A_367] : memref<10112x128xf32, #tpu.memory_space<vmem_shared>> -> memref<10112x128xf32, #tpu.memory_space<vmem_shared>>
      tpu.enqueue_indirect_dma source(%arg10 : memref<128x128xf32, #tpu.memory_space<vmem>>) target(%dma_start3A_368 : memref<10112x128xf32, #tpu.memory_space<vmem_shared>>) offsets(%dma_start3A_365 : memref<128xi32, #tpu.memory_space<vmem>>) semaphore(%arg14 : memref<!tpu.dma_semaphore, #tpu.memory_space<semaphore_mem>>) {add = true}
      %dma_wait3A_369 = arith.constant 0 : i32
      %dma_wait3A_370 = arith.constant 0 : i32
      %dma_wait3A_371 = arith.constant 0 : i32
      %dma_wait3A_372 = tpu.memref_slice %arg9[%dma_wait3A_369, %dma_wait3A_370, %dma_wait3A_371] : memref<2x8x128xi32, #tpu.memory_space<vmem>> -> memref<1x1x128xi32, #tpu.memory_space<vmem>>
      %dma_wait3A_373 = tpu.memref_squeeze %dma_wait3A_372 : memref<1x1x128xi32, #tpu.memory_space<vmem>> -> memref<128xi32, #tpu.memory_space<vmem>>
      %dma_wait3A_374 = arith.constant 0 : i32
      %dma_wait3A_375 = arith.constant 0 : i32
      %dma_wait3A_376 = tpu.memref_slice %arg7[%dma_wait3A_374, %dma_wait3A_375] : memref<10112x128xf32, #tpu.memory_space<vmem_shared>> -> memref<10112x128xf32, #tpu.memory_space<vmem_shared>>
      tpu.wait_indirect_dma semaphore(%arg15 : memref<!tpu.dma_semaphore, #tpu.memory_space<semaphore_mem>>) src(%arg11 : memref<128x128xf32, #tpu.memory_space<vmem>>) dst(%dma_wait3A_376 : memref<10112x128xf32, #tpu.memory_space<vmem_shared>>)
      %add3A_377 = arith.constant 1 : i32
      %add3A_378 = arith.addi %add3A_336, %add3A_377 : i32
      %dma_start3A_379 = arith.constant 0 : i32
      %dma_start3A_380 = tpu.memref_slice %arg8[%add3A_378, %dma_start3A_379] : memref<80x128xi32, #tpu.memory_space<vmem>> -> memref<1x128xi32, #tpu.memory_space<vmem>>
      %dma_start3A_381 = tpu.memref_squeeze %dma_start3A_380 : memref<1x128xi32, #tpu.memory_space<vmem>> -> memref<128xi32, #tpu.memory_space<vmem>>
      %dma_start3A_382 = arith.constant 0 : i32
      %dma_start3A_383 = arith.constant 0 : i32
      %dma_start3A_384 = tpu.memref_slice %arg2[%dma_start3A_382, %dma_start3A_383] : memref<10112x128xf32, #tpu.memory_space<hbm>> -> memref<10112x128xf32, #tpu.memory_space<hbm>>
      tpu.enqueue_indirect_dma source(%dma_start3A_384 : memref<10112x128xf32, #tpu.memory_space<hbm>>) target(%arg11 : memref<128x128xf32, #tpu.memory_space<vmem>>) offsets(%dma_start3A_381 : memref<128xi32, #tpu.memory_space<vmem>>) semaphore(%arg13 : memref<!tpu.dma_semaphore, #tpu.memory_space<semaphore_mem>>)
      %mul3A_385 = arith.constant 8 : i32
      %mul3A_386 = arith.muli %add3A_332, %mul3A_385 : i32
      %add3A_387 = arith.constant 1 : i32
      %add3A_388 = arith.addi %mul3A_386, %add3A_387 : i32
      %dma_wait3A_389 = arith.constant 0 : i32
      %dma_wait3A_390 = arith.constant 0 : i32
      %dma_wait3A_391 = tpu.memref_slice %arg8[%dma_wait3A_389, %dma_wait3A_390] : memref<80x128xi32, #tpu.memory_space<vmem>> -> memref<1x128xi32, #tpu.memory_space<vmem>>
      %dma_wait3A_392 = tpu.memref_squeeze %dma_wait3A_391 : memref<1x128xi32, #tpu.memory_space<vmem>> -> memref<128xi32, #tpu.memory_space<vmem>>
      %dma_wait3A_393 = arith.constant 0 : i32
      %dma_wait3A_394 = arith.constant 0 : i32
      %dma_wait3A_395 = tpu.memref_slice %arg2[%dma_wait3A_393, %dma_wait3A_394] : memref<10112x128xf32, #tpu.memory_space<hbm>> -> memref<10112x128xf32, #tpu.memory_space<hbm>>
      tpu.wait_indirect_dma semaphore(%arg13 : memref<!tpu.dma_semaphore, #tpu.memory_space<semaphore_mem>>) src(%dma_wait3A_395 : memref<10112x128xf32, #tpu.memory_space<hbm>>) dst(%arg11 : memref<128x128xf32, #tpu.memory_space<vmem>>)
      %dma_start3A_396 = arith.constant 1 : i32
      %dma_start3A_397 = arith.constant 1 : i32
      %dma_start3A_398 = arith.constant 0 : i32
      %dma_start3A_399 = tpu.memref_slice %arg9[%dma_start3A_396, %dma_start3A_397, %dma_start3A_398] : memref<2x8x128xi32, #tpu.memory_space<vmem>> -> memref<1x1x128xi32, #tpu.memory_space<vmem>>
      %dma_start3A_400 = tpu.memref_squeeze %dma_start3A_399 : memref<1x1x128xi32, #tpu.memory_space<vmem>> -> memref<128xi32, #tpu.memory_space<vmem>>
      %dma_start3A_401 = arith.constant 0 : i32
      %dma_start3A_402 = arith.constant 0 : i32
      %dma_start3A_403 = tpu.memref_slice %arg7[%dma_start3A_401, %dma_start3A_402] : memref<10112x128xf32, #tpu.memory_space<vmem_shared>> -> memref<10112x128xf32, #tpu.memory_space<vmem_shared>>
      tpu.enqueue_indirect_dma source(%arg11 : memref<128x128xf32, #tpu.memory_space<vmem>>) target(%dma_start3A_403 : memref<10112x128xf32, #tpu.memory_space<vmem_shared>>) offsets(%dma_start3A_400 : memref<128xi32, #tpu.memory_space<vmem>>) semaphore(%arg15 : memref<!tpu.dma_semaphore, #tpu.memory_space<semaphore_mem>>) {add = true}
      %dma_wait3A_404 = arith.constant 0 : i32
      %dma_wait3A_405 = arith.constant 0 : i32
      %dma_wait3A_406 = arith.constant 0 : i32
      %dma_wait3A_407 = tpu.memref_slice %arg9[%dma_wait3A_404, %dma_wait3A_405, %dma_wait3A_406] : memref<2x8x128xi32, #tpu.memory_space<vmem>> -> memref<1x1x128xi32, #tpu.memory_space<vmem>>
      %dma_wait3A_408 = tpu.memref_squeeze %dma_wait3A_407 : memref<1x1x128xi32, #tpu.memory_space<vmem>> -> memref<128xi32, #tpu.memory_space<vmem>>
      %dma_wait3A_409 = arith.constant 0 : i32
      %dma_wait3A_410 = arith.constant 0 : i32
      %dma_wait3A_411 = tpu.memref_slice %arg7[%dma_wait3A_409, %dma_wait3A_410] : memref<10112x128xf32, #tpu.memory_space<vmem_shared>> -> memref<10112x128xf32, #tpu.memory_space<vmem_shared>>
      tpu.wait_indirect_dma semaphore(%arg14 : memref<!tpu.dma_semaphore, #tpu.memory_space<semaphore_mem>>) src(%arg10 : memref<128x128xf32, #tpu.memory_space<vmem>>) dst(%dma_wait3A_411 : memref<10112x128xf32, #tpu.memory_space<vmem_shared>>)
      %add3A_412 = arith.constant 1 : i32
      %add3A_413 = arith.addi %add3A_388, %add3A_412 : i32
      %dma_start3A_414 = arith.constant 0 : i32
      %dma_start3A_415 = tpu.memref_slice %arg8[%add3A_413, %dma_start3A_414] : memref<80x128xi32, #tpu.memory_space<vmem>> -> memref<1x128xi32, #tpu.memory_space<vmem>>
      %dma_start3A_416 = tpu.memref_squeeze %dma_start3A_415 : memref<1x128xi32, #tpu.memory_space<vmem>> -> memref<128xi32, #tpu.memory_space<vmem>>
      %dma_start3A_417 = arith.constant 0 : i32
      %dma_start3A_418 = arith.constant 0 : i32
      %dma_start3A_419 = tpu.memref_slice %arg2[%dma_start3A_417, %dma_start3A_418] : memref<10112x128xf32, #tpu.memory_space<hbm>> -> memref<10112x128xf32, #tpu.memory_space<hbm>>
      tpu.enqueue_indirect_dma source(%dma_start3A_419 : memref<10112x128xf32, #tpu.memory_space<hbm>>) target(%arg10 : memref<128x128xf32, #tpu.memory_space<vmem>>) offsets(%dma_start3A_416 : memref<128xi32, #tpu.memory_space<vmem>>) semaphore(%arg12 : memref<!tpu.dma_semaphore, #tpu.memory_space<semaphore_mem>>)
      %mul3A_420 = arith.constant 8 : i32
      %mul3A_421 = arith.muli %add3A_332, %mul3A_420 : i32
      %add3A_422 = arith.constant 2 : i32
      %add3A_423 = arith.addi %mul3A_421, %add3A_422 : i32
      %dma_wait3A_424 = arith.constant 0 : i32
      %dma_wait3A_425 = arith.constant 0 : i32
      %dma_wait3A_426 = tpu.memref_slice %arg8[%dma_wait3A_424, %dma_wait3A_425] : memref<80x128xi32, #tpu.memory_space<vmem>> -> memref<1x128xi32, #tpu.memory_space<vmem>>
      %dma_wait3A_427 = tpu.memref_squeeze %dma_wait3A_426 : memref<1x128xi32, #tpu.memory_space<vmem>> -> memref<128xi32, #tpu.memory_space<vmem>>
      %dma_wait3A_428 = arith.constant 0 : i32
      %dma_wait3A_429 = arith.constant 0 : i32
      %dma_wait3A_430 = tpu.memref_slice %arg2[%dma_wait3A_428, %dma_wait3A_429] : memref<10112x128xf32, #tpu.memory_space<hbm>> -> memref<10112x128xf32, #tpu.memory_space<hbm>>
      tpu.wait_indirect_dma semaphore(%arg12 : memref<!tpu.dma_semaphore, #tpu.memory_space<semaphore_mem>>) src(%dma_wait3A_430 : memref<10112x128xf32, #tpu.memory_space<hbm>>) dst(%arg10 : memref<128x128xf32, #tpu.memory_space<vmem>>)
      %dma_start3A_431 = arith.constant 1 : i32
      %dma_start3A_432 = arith.constant 2 : i32
      %dma_start3A_433 = arith.constant 0 : i32
      %dma_start3A_434 = tpu.memref_slice %arg9[%dma_start3A_431, %dma_start3A_432, %dma_start3A_433] : memref<2x8x128xi32, #tpu.memory_space<vmem>> -> memref<1x1x128xi32, #tpu.memory_space<vmem>>
      %dma_start3A_435 = tpu.memref_squeeze %dma_start3A_434 : memref<1x1x128xi32, #tpu.memory_space<vmem>> -> memref<128xi32, #tpu.memory_space<vmem>>
      %dma_start3A_436 = arith.constant 0 : i32
      %dma_start3A_437 = arith.constant 0 : i32
      %dma_start3A_438 = tpu.memref_slice %arg7[%dma_start3A_436, %dma_start3A_437] : memref<10112x128xf32, #tpu.memory_space<vmem_shared>> -> memref<10112x128xf32, #tpu.memory_space<vmem_shared>>
      tpu.enqueue_indirect_dma source(%arg10 : memref<128x128xf32, #tpu.memory_space<vmem>>) target(%dma_start3A_438 : memref<10112x128xf32, #tpu.memory_space<vmem_shared>>) offsets(%dma_start3A_435 : memref<128xi32, #tpu.memory_space<vmem>>) semaphore(%arg14 : memref<!tpu.dma_semaphore, #tpu.memory_space<semaphore_mem>>) {add = true}
      %dma_wait3A_439 = arith.constant 0 : i32
      %dma_wait3A_440 = arith.constant 0 : i32
      %dma_wait3A_441 = arith.constant 0 : i32
      %dma_wait3A_442 = tpu.memref_slice %arg9[%dma_wait3A_439, %dma_wait3A_440, %dma_wait3A_441] : memref<2x8x128xi32, #tpu.memory_space<vmem>> -> memref<1x1x128xi32, #tpu.memory_space<vmem>>
      %dma_wait3A_443 = tpu.memref_squeeze %dma_wait3A_442 : memref<1x1x128xi32, #tpu.memory_space<vmem>> -> memref<128xi32, #tpu.memory_space<vmem>>
      %dma_wait3A_444 = arith.constant 0 : i32
      %dma_wait3A_445 = arith.constant 0 : i32
      %dma_wait3A_446 = tpu.memref_slice %arg7[%dma_wait3A_444, %dma_wait3A_445] : memref<10112x128xf32, #tpu.memory_space<vmem_shared>> -> memref<10112x128xf32, #tpu.memory_space<vmem_shared>>
      tpu.wait_indirect_dma semaphore(%arg15 : memref<!tpu.dma_semaphore, #tpu.memory_space<semaphore_mem>>) src(%arg11 : memref<128x128xf32, #tpu.memory_space<vmem>>) dst(%dma_wait3A_446 : memref<10112x128xf32, #tpu.memory_space<vmem_shared>>)
      %lt3A = arith.constant 4 : i32
      %lt3A_447 = arith.cmpi slt, %scan3A_26, %lt3A : i32
      %convert_element_type3A_448 = arith.extui %lt3A_447 : i1 to i32
      %cond3A_449 = arith.constant 0 : i32
      %cond3A_450 = arith.cmpi ne, %convert_element_type3A_448, %cond3A_449 : i32
      scf.if %cond3A_450 {
        %add3A_631 = arith.constant 1 : i32
        %add3A_632 = arith.addi %add3A_332, %add3A_631 : i32
        %mul3A_633 = arith.constant 8 : i32
        %mul3A_634 = arith.muli %add3A_632, %mul3A_633 : i32
        %dma_start3A_635 = arith.constant 0 : i32
        %dma_start3A_636 = arith.constant 0 : i32
        %dma_start3A_637 = arith.constant 0 : i32
        %dma_start3A_638 = tpu.memref_slice %arg9[%dma_start3A_635, %dma_start3A_636, %dma_start3A_637] : memref<2x8x128xi32, #tpu.memory_space<vmem>> -> memref<1x8x128xi32, #tpu.memory_space<vmem>>
        %dma_start3A_639 = tpu.memref_squeeze %dma_start3A_638 : memref<1x8x128xi32, #tpu.memory_space<vmem>> -> memref<8x128xi32, #tpu.memory_space<vmem>>
        %dma_start3A_640 = arith.constant 0 : i32
        %dma_start3A_641 = tpu.memref_slice %arg4[%add3A, %mul3A_634, %dma_start3A_640] : memref<32x80x128xi32, #tpu.memory_space<hbm>> -> memref<1x8x128xi32, #tpu.memory_space<hbm>>
        %dma_start3A_642 = tpu.memref_squeeze %dma_start3A_641 : memref<1x8x128xi32, #tpu.memory_space<hbm>> -> memref<8x128xi32, #tpu.memory_space<hbm>>
        %dma_start3A_643 = arith.constant 0 : i32
        %dma_start3A_644 = arith.constant 0 : i32
        %dma_start3A_645 = tpu.memref_slice %arg9[%dma_start3A_635, %dma_start3A_643, %dma_start3A_644] : memref<2x8x128xi32, #tpu.memory_space<vmem>> -> memref<1x8x128xi32, #tpu.memory_space<vmem>>
        %dma_start3A_646 = tpu.memref_squeeze %dma_start3A_645 : memref<1x8x128xi32, #tpu.memory_space<vmem>> -> memref<8x128xi32, #tpu.memory_space<vmem>>
        %dma_start3A_647 = arith.constant 0 : i32
        %dma_start3A_648 = tpu.memref_slice %arg4[%add3A, %mul3A_634, %dma_start3A_647] : memref<32x80x128xi32, #tpu.memory_space<hbm>> -> memref<1x8x128xi32, #tpu.memory_space<hbm>>
        %dma_start3A_649 = tpu.memref_squeeze %dma_start3A_648 : memref<1x8x128xi32, #tpu.memory_space<hbm>> -> memref<8x128xi32, #tpu.memory_space<hbm>>
        tpu.enqueue_dma source(%dma_start3A_649 : memref<8x128xi32, #tpu.memory_space<hbm>>) target(%dma_start3A_646 : memref<8x128xi32, #tpu.memory_space<vmem>>) target_semaphore(%arg16 : memref<!tpu.dma_semaphore, #tpu.memory_space<semaphore_mem>>)
      } else {
      }
      %add3A_451 = arith.constant 1 : i32
      %add3A_452 = arith.addi %add3A_423, %add3A_451 : i32
      %dma_start3A_453 = arith.constant 0 : i32
      %dma_start3A_454 = tpu.memref_slice %arg8[%add3A_452, %dma_start3A_453] : memref<80x128xi32, #tpu.memory_space<vmem>> -> memref<1x128xi32, #tpu.memory_space<vmem>>
      %dma_start3A_455 = tpu.memref_squeeze %dma_start3A_454 : memref<1x128xi32, #tpu.memory_space<vmem>> -> memref<128xi32, #tpu.memory_space<vmem>>
      %dma_start3A_456 = arith.constant 0 : i32
      %dma_start3A_457 = arith.constant 0 : i32
      %dma_start3A_458 = tpu.memref_slice %arg2[%dma_start3A_456, %dma_start3A_457] : memref<10112x128xf32, #tpu.memory_space<hbm>> -> memref<10112x128xf32, #tpu.memory_space<hbm>>
      tpu.enqueue_indirect_dma source(%dma_start3A_458 : memref<10112x128xf32, #tpu.memory_space<hbm>>) target(%arg11 : memref<128x128xf32, #tpu.memory_space<vmem>>) offsets(%dma_start3A_455 : memref<128xi32, #tpu.memory_space<vmem>>) semaphore(%arg13 : memref<!tpu.dma_semaphore, #tpu.memory_space<semaphore_mem>>)
      %mul3A_459 = arith.constant 8 : i32
      %mul3A_460 = arith.muli %add3A_332, %mul3A_459 : i32
      %add3A_461 = arith.constant 3 : i32
      %add3A_462 = arith.addi %mul3A_460, %add3A_461 : i32
      %dma_wait3A_463 = arith.constant 0 : i32
      %dma_wait3A_464 = arith.constant 0 : i32
      %dma_wait3A_465 = tpu.memref_slice %arg8[%dma_wait3A_463, %dma_wait3A_464] : memref<80x128xi32, #tpu.memory_space<vmem>> -> memref<1x128xi32, #tpu.memory_space<vmem>>
      %dma_wait3A_466 = tpu.memref_squeeze %dma_wait3A_465 : memref<1x128xi32, #tpu.memory_space<vmem>> -> memref<128xi32, #tpu.memory_space<vmem>>
      %dma_wait3A_467 = arith.constant 0 : i32
      %dma_wait3A_468 = arith.constant 0 : i32
      %dma_wait3A_469 = tpu.memref_slice %arg2[%dma_wait3A_467, %dma_wait3A_468] : memref<10112x128xf32, #tpu.memory_space<hbm>> -> memref<10112x128xf32, #tpu.memory_space<hbm>>
      tpu.wait_indirect_dma semaphore(%arg13 : memref<!tpu.dma_semaphore, #tpu.memory_space<semaphore_mem>>) src(%dma_wait3A_469 : memref<10112x128xf32, #tpu.memory_space<hbm>>) dst(%arg11 : memref<128x128xf32, #tpu.memory_space<vmem>>)
      %dma_start3A_470 = arith.constant 1 : i32
      %dma_start3A_471 = arith.constant 3 : i32
      %dma_start3A_472 = arith.constant 0 : i32
      %dma_start3A_473 = tpu.memref_slice %arg9[%dma_start3A_470, %dma_start3A_471, %dma_start3A_472] : memref<2x8x128xi32, #tpu.memory_space<vmem>> -> memref<1x1x128xi32, #tpu.memory_space<vmem>>
      %dma_start3A_474 = tpu.memref_squeeze %dma_start3A_473 : memref<1x1x128xi32, #tpu.memory_space<vmem>> -> memref<128xi32, #tpu.memory_space<vmem>>
      %dma_start3A_475 = arith.constant 0 : i32
      %dma_start3A_476 = arith.constant 0 : i32
      %dma_start3A_477 = tpu.memref_slice %arg7[%dma_start3A_475, %dma_start3A_476] : memref<10112x128xf32, #tpu.memory_space<vmem_shared>> -> memref<10112x128xf32, #tpu.memory_space<vmem_shared>>
      tpu.enqueue_indirect_dma source(%arg11 : memref<128x128xf32, #tpu.memory_space<vmem>>) target(%dma_start3A_477 : memref<10112x128xf32, #tpu.memory_space<vmem_shared>>) offsets(%dma_start3A_474 : memref<128xi32, #tpu.memory_space<vmem>>) semaphore(%arg15 : memref<!tpu.dma_semaphore, #tpu.memory_space<semaphore_mem>>) {add = true}
      %dma_wait3A_478 = arith.constant 0 : i32
      %dma_wait3A_479 = arith.constant 0 : i32
      %dma_wait3A_480 = arith.constant 0 : i32
      %dma_wait3A_481 = tpu.memref_slice %arg9[%dma_wait3A_478, %dma_wait3A_479, %dma_wait3A_480] : memref<2x8x128xi32, #tpu.memory_space<vmem>> -> memref<1x1x128xi32, #tpu.memory_space<vmem>>
      %dma_wait3A_482 = tpu.memref_squeeze %dma_wait3A_481 : memref<1x1x128xi32, #tpu.memory_space<vmem>> -> memref<128xi32, #tpu.memory_space<vmem>>
      %dma_wait3A_483 = arith.constant 0 : i32
      %dma_wait3A_484 = arith.constant 0 : i32
      %dma_wait3A_485 = tpu.memref_slice %arg7[%dma_wait3A_483, %dma_wait3A_484] : memref<10112x128xf32, #tpu.memory_space<vmem_shared>> -> memref<10112x128xf32, #tpu.memory_space<vmem_shared>>
      tpu.wait_indirect_dma semaphore(%arg14 : memref<!tpu.dma_semaphore, #tpu.memory_space<semaphore_mem>>) src(%arg10 : memref<128x128xf32, #tpu.memory_space<vmem>>) dst(%dma_wait3A_485 : memref<10112x128xf32, #tpu.memory_space<vmem_shared>>)
      %add3A_486 = arith.constant 1 : i32
      %add3A_487 = arith.addi %add3A_462, %add3A_486 : i32
      %dma_start3A_488 = arith.constant 0 : i32
      %dma_start3A_489 = tpu.memref_slice %arg8[%add3A_487, %dma_start3A_488] : memref<80x128xi32, #tpu.memory_space<vmem>> -> memref<1x128xi32, #tpu.memory_space<vmem>>
      %dma_start3A_490 = tpu.memref_squeeze %dma_start3A_489 : memref<1x128xi32, #tpu.memory_space<vmem>> -> memref<128xi32, #tpu.memory_space<vmem>>
      %dma_start3A_491 = arith.constant 0 : i32
      %dma_start3A_492 = arith.constant 0 : i32
      %dma_start3A_493 = tpu.memref_slice %arg2[%dma_start3A_491, %dma_start3A_492] : memref<10112x128xf32, #tpu.memory_space<hbm>> -> memref<10112x128xf32, #tpu.memory_space<hbm>>
      tpu.enqueue_indirect_dma source(%dma_start3A_493 : memref<10112x128xf32, #tpu.memory_space<hbm>>) target(%arg10 : memref<128x128xf32, #tpu.memory_space<vmem>>) offsets(%dma_start3A_490 : memref<128xi32, #tpu.memory_space<vmem>>) semaphore(%arg12 : memref<!tpu.dma_semaphore, #tpu.memory_space<semaphore_mem>>)
      %mul3A_494 = arith.constant 8 : i32
      %mul3A_495 = arith.muli %add3A_332, %mul3A_494 : i32
      %add3A_496 = arith.constant 4 : i32
      %add3A_497 = arith.addi %mul3A_495, %add3A_496 : i32
      %dma_wait3A_498 = arith.constant 0 : i32
      %dma_wait3A_499 = arith.constant 0 : i32
      %dma_wait3A_500 = tpu.memref_slice %arg8[%dma_wait3A_498, %dma_wait3A_499] : memref<80x128xi32, #tpu.memory_space<vmem>> -> memref<1x128xi32, #tpu.memory_space<vmem>>
      %dma_wait3A_501 = tpu.memref_squeeze %dma_wait3A_500 : memref<1x128xi32, #tpu.memory_space<vmem>> -> memref<128xi32, #tpu.memory_space<vmem>>
      %dma_wait3A_502 = arith.constant 0 : i32
      %dma_wait3A_503 = arith.constant 0 : i32
      %dma_wait3A_504 = tpu.memref_slice %arg2[%dma_wait3A_502, %dma_wait3A_503] : memref<10112x128xf32, #tpu.memory_space<hbm>> -> memref<10112x128xf32, #tpu.memory_space<hbm>>
      tpu.wait_indirect_dma semaphore(%arg12 : memref<!tpu.dma_semaphore, #tpu.memory_space<semaphore_mem>>) src(%dma_wait3A_504 : memref<10112x128xf32, #tpu.memory_space<hbm>>) dst(%arg10 : memref<128x128xf32, #tpu.memory_space<vmem>>)
      %dma_start3A_505 = arith.constant 1 : i32
      %dma_start3A_506 = arith.constant 4 : i32
      %dma_start3A_507 = arith.constant 0 : i32
      %dma_start3A_508 = tpu.memref_slice %arg9[%dma_start3A_505, %dma_start3A_506, %dma_start3A_507] : memref<2x8x128xi32, #tpu.memory_space<vmem>> -> memref<1x1x128xi32, #tpu.memory_space<vmem>>
      %dma_start3A_509 = tpu.memref_squeeze %dma_start3A_508 : memref<1x1x128xi32, #tpu.memory_space<vmem>> -> memref<128xi32, #tpu.memory_space<vmem>>
      %dma_start3A_510 = arith.constant 0 : i32
      %dma_start3A_511 = arith.constant 0 : i32
      %dma_start3A_512 = tpu.memref_slice %arg7[%dma_start3A_510, %dma_start3A_511] : memref<10112x128xf32, #tpu.memory_space<vmem_shared>> -> memref<10112x128xf32, #tpu.memory_space<vmem_shared>>
      tpu.enqueue_indirect_dma source(%arg10 : memref<128x128xf32, #tpu.memory_space<vmem>>) target(%dma_start3A_512 : memref<10112x128xf32, #tpu.memory_space<vmem_shared>>) offsets(%dma_start3A_509 : memref<128xi32, #tpu.memory_space<vmem>>) semaphore(%arg14 : memref<!tpu.dma_semaphore, #tpu.memory_space<semaphore_mem>>) {add = true}
      %dma_wait3A_513 = arith.constant 0 : i32
      %dma_wait3A_514 = arith.constant 0 : i32
      %dma_wait3A_515 = arith.constant 0 : i32
      %dma_wait3A_516 = tpu.memref_slice %arg9[%dma_wait3A_513, %dma_wait3A_514, %dma_wait3A_515] : memref<2x8x128xi32, #tpu.memory_space<vmem>> -> memref<1x1x128xi32, #tpu.memory_space<vmem>>
      %dma_wait3A_517 = tpu.memref_squeeze %dma_wait3A_516 : memref<1x1x128xi32, #tpu.memory_space<vmem>> -> memref<128xi32, #tpu.memory_space<vmem>>
      %dma_wait3A_518 = arith.constant 0 : i32
      %dma_wait3A_519 = arith.constant 0 : i32
      %dma_wait3A_520 = tpu.memref_slice %arg7[%dma_wait3A_518, %dma_wait3A_519] : memref<10112x128xf32, #tpu.memory_space<vmem_shared>> -> memref<10112x128xf32, #tpu.memory_space<vmem_shared>>
      tpu.wait_indirect_dma semaphore(%arg15 : memref<!tpu.dma_semaphore, #tpu.memory_space<semaphore_mem>>) src(%arg11 : memref<128x128xf32, #tpu.memory_space<vmem>>) dst(%dma_wait3A_520 : memref<10112x128xf32, #tpu.memory_space<vmem_shared>>)
      %add3A_521 = arith.constant 1 : i32
      %add3A_522 = arith.addi %add3A_497, %add3A_521 : i32
      %dma_start3A_523 = arith.constant 0 : i32
      %dma_start3A_524 = tpu.memref_slice %arg8[%add3A_522, %dma_start3A_523] : memref<80x128xi32, #tpu.memory_space<vmem>> -> memref<1x128xi32, #tpu.memory_space<vmem>>
      %dma_start3A_525 = tpu.memref_squeeze %dma_start3A_524 : memref<1x128xi32, #tpu.memory_space<vmem>> -> memref<128xi32, #tpu.memory_space<vmem>>
      %dma_start3A_526 = arith.constant 0 : i32
      %dma_start3A_527 = arith.constant 0 : i32
      %dma_start3A_528 = tpu.memref_slice %arg2[%dma_start3A_526, %dma_start3A_527] : memref<10112x128xf32, #tpu.memory_space<hbm>> -> memref<10112x128xf32, #tpu.memory_space<hbm>>
      tpu.enqueue_indirect_dma source(%dma_start3A_528 : memref<10112x128xf32, #tpu.memory_space<hbm>>) target(%arg11 : memref<128x128xf32, #tpu.memory_space<vmem>>) offsets(%dma_start3A_525 : memref<128xi32, #tpu.memory_space<vmem>>) semaphore(%arg13 : memref<!tpu.dma_semaphore, #tpu.memory_space<semaphore_mem>>)
      %mul3A_529 = arith.constant 8 : i32
      %mul3A_530 = arith.muli %add3A_332, %mul3A_529 : i32
      %add3A_531 = arith.constant 5 : i32
      %add3A_532 = arith.addi %mul3A_530, %add3A_531 : i32
      %dma_wait3A_533 = arith.constant 0 : i32
      %dma_wait3A_534 = arith.constant 0 : i32
      %dma_wait3A_535 = tpu.memref_slice %arg8[%dma_wait3A_533, %dma_wait3A_534] : memref<80x128xi32, #tpu.memory_space<vmem>> -> memref<1x128xi32, #tpu.memory_space<vmem>>
      %dma_wait3A_536 = tpu.memref_squeeze %dma_wait3A_535 : memref<1x128xi32, #tpu.memory_space<vmem>> -> memref<128xi32, #tpu.memory_space<vmem>>
      %dma_wait3A_537 = arith.constant 0 : i32
      %dma_wait3A_538 = arith.constant 0 : i32
      %dma_wait3A_539 = tpu.memref_slice %arg2[%dma_wait3A_537, %dma_wait3A_538] : memref<10112x128xf32, #tpu.memory_space<hbm>> -> memref<10112x128xf32, #tpu.memory_space<hbm>>
      tpu.wait_indirect_dma semaphore(%arg13 : memref<!tpu.dma_semaphore, #tpu.memory_space<semaphore_mem>>) src(%dma_wait3A_539 : memref<10112x128xf32, #tpu.memory_space<hbm>>) dst(%arg11 : memref<128x128xf32, #tpu.memory_space<vmem>>)
      %dma_start3A_540 = arith.constant 1 : i32
      %dma_start3A_541 = arith.constant 5 : i32
      %dma_start3A_542 = arith.constant 0 : i32
      %dma_start3A_543 = tpu.memref_slice %arg9[%dma_start3A_540, %dma_start3A_541, %dma_start3A_542] : memref<2x8x128xi32, #tpu.memory_space<vmem>> -> memref<1x1x128xi32, #tpu.memory_space<vmem>>
      %dma_start3A_544 = tpu.memref_squeeze %dma_start3A_543 : memref<1x1x128xi32, #tpu.memory_space<vmem>> -> memref<128xi32, #tpu.memory_space<vmem>>
      %dma_start3A_545 = arith.constant 0 : i32
      %dma_start3A_546 = arith.constant 0 : i32
      %dma_start3A_547 = tpu.memref_slice %arg7[%dma_start3A_545, %dma_start3A_546] : memref<10112x128xf32, #tpu.memory_space<vmem_shared>> -> memref<10112x128xf32, #tpu.memory_space<vmem_shared>>
      tpu.enqueue_indirect_dma source(%arg11 : memref<128x128xf32, #tpu.memory_space<vmem>>) target(%dma_start3A_547 : memref<10112x128xf32, #tpu.memory_space<vmem_shared>>) offsets(%dma_start3A_544 : memref<128xi32, #tpu.memory_space<vmem>>) semaphore(%arg15 : memref<!tpu.dma_semaphore, #tpu.memory_space<semaphore_mem>>) {add = true}
      %dma_wait3A_548 = arith.constant 0 : i32
      %dma_wait3A_549 = arith.constant 0 : i32
      %dma_wait3A_550 = arith.constant 0 : i32
      %dma_wait3A_551 = tpu.memref_slice %arg9[%dma_wait3A_548, %dma_wait3A_549, %dma_wait3A_550] : memref<2x8x128xi32, #tpu.memory_space<vmem>> -> memref<1x1x128xi32, #tpu.memory_space<vmem>>
      %dma_wait3A_552 = tpu.memref_squeeze %dma_wait3A_551 : memref<1x1x128xi32, #tpu.memory_space<vmem>> -> memref<128xi32, #tpu.memory_space<vmem>>
      %dma_wait3A_553 = arith.constant 0 : i32
      %dma_wait3A_554 = arith.constant 0 : i32
      %dma_wait3A_555 = tpu.memref_slice %arg7[%dma_wait3A_553, %dma_wait3A_554] : memref<10112x128xf32, #tpu.memory_space<vmem_shared>> -> memref<10112x128xf32, #tpu.memory_space<vmem_shared>>
      tpu.wait_indirect_dma semaphore(%arg14 : memref<!tpu.dma_semaphore, #tpu.memory_space<semaphore_mem>>) src(%arg10 : memref<128x128xf32, #tpu.memory_space<vmem>>) dst(%dma_wait3A_555 : memref<10112x128xf32, #tpu.memory_space<vmem_shared>>)
      %add3A_556 = arith.constant 1 : i32
      %add3A_557 = arith.addi %add3A_532, %add3A_556 : i32
      %dma_start3A_558 = arith.constant 0 : i32
      %dma_start3A_559 = tpu.memref_slice %arg8[%add3A_557, %dma_start3A_558] : memref<80x128xi32, #tpu.memory_space<vmem>> -> memref<1x128xi32, #tpu.memory_space<vmem>>
      %dma_start3A_560 = tpu.memref_squeeze %dma_start3A_559 : memref<1x128xi32, #tpu.memory_space<vmem>> -> memref<128xi32, #tpu.memory_space<vmem>>
      %dma_start3A_561 = arith.constant 0 : i32
      %dma_start3A_562 = arith.constant 0 : i32
      %dma_start3A_563 = tpu.memref_slice %arg2[%dma_start3A_561, %dma_start3A_562] : memref<10112x128xf32, #tpu.memory_space<hbm>> -> memref<10112x128xf32, #tpu.memory_space<hbm>>
      tpu.enqueue_indirect_dma source(%dma_start3A_563 : memref<10112x128xf32, #tpu.memory_space<hbm>>) target(%arg10 : memref<128x128xf32, #tpu.memory_space<vmem>>) offsets(%dma_start3A_560 : memref<128xi32, #tpu.memory_space<vmem>>) semaphore(%arg12 : memref<!tpu.dma_semaphore, #tpu.memory_space<semaphore_mem>>)
      %mul3A_564 = arith.constant 8 : i32
      %mul3A_565 = arith.muli %add3A_332, %mul3A_564 : i32
      %add3A_566 = arith.constant 6 : i32
      %add3A_567 = arith.addi %mul3A_565, %add3A_566 : i32
      %dma_wait3A_568 = arith.constant 0 : i32
      %dma_wait3A_569 = arith.constant 0 : i32
      %dma_wait3A_570 = tpu.memref_slice %arg8[%dma_wait3A_568, %dma_wait3A_569] : memref<80x128xi32, #tpu.memory_space<vmem>> -> memref<1x128xi32, #tpu.memory_space<vmem>>
      %dma_wait3A_571 = tpu.memref_squeeze %dma_wait3A_570 : memref<1x128xi32, #tpu.memory_space<vmem>> -> memref<128xi32, #tpu.memory_space<vmem>>
      %dma_wait3A_572 = arith.constant 0 : i32
      %dma_wait3A_573 = arith.constant 0 : i32
      %dma_wait3A_574 = tpu.memref_slice %arg2[%dma_wait3A_572, %dma_wait3A_573] : memref<10112x128xf32, #tpu.memory_space<hbm>> -> memref<10112x128xf32, #tpu.memory_space<hbm>>
      tpu.wait_indirect_dma semaphore(%arg12 : memref<!tpu.dma_semaphore, #tpu.memory_space<semaphore_mem>>) src(%dma_wait3A_574 : memref<10112x128xf32, #tpu.memory_space<hbm>>) dst(%arg10 : memref<128x128xf32, #tpu.memory_space<vmem>>)
      %dma_start3A_575 = arith.constant 1 : i32
      %dma_start3A_576 = arith.constant 6 : i32
      %dma_start3A_577 = arith.constant 0 : i32
      %dma_start3A_578 = tpu.memref_slice %arg9[%dma_start3A_575, %dma_start3A_576, %dma_start3A_577] : memref<2x8x128xi32, #tpu.memory_space<vmem>> -> memref<1x1x128xi32, #tpu.memory_space<vmem>>
      %dma_start3A_579 = tpu.memref_squeeze %dma_start3A_578 : memref<1x1x128xi32, #tpu.memory_space<vmem>> -> memref<128xi32, #tpu.memory_space<vmem>>
      %dma_start3A_580 = arith.constant 0 : i32
      %dma_start3A_581 = arith.constant 0 : i32
      %dma_start3A_582 = tpu.memref_slice %arg7[%dma_start3A_580, %dma_start3A_581] : memref<10112x128xf32, #tpu.memory_space<vmem_shared>> -> memref<10112x128xf32, #tpu.memory_space<vmem_shared>>
      tpu.enqueue_indirect_dma source(%arg10 : memref<128x128xf32, #tpu.memory_space<vmem>>) target(%dma_start3A_582 : memref<10112x128xf32, #tpu.memory_space<vmem_shared>>) offsets(%dma_start3A_579 : memref<128xi32, #tpu.memory_space<vmem>>) semaphore(%arg14 : memref<!tpu.dma_semaphore, #tpu.memory_space<semaphore_mem>>) {add = true}
      %dma_wait3A_583 = arith.constant 0 : i32
      %dma_wait3A_584 = arith.constant 0 : i32
      %dma_wait3A_585 = arith.constant 0 : i32
      %dma_wait3A_586 = tpu.memref_slice %arg9[%dma_wait3A_583, %dma_wait3A_584, %dma_wait3A_585] : memref<2x8x128xi32, #tpu.memory_space<vmem>> -> memref<1x1x128xi32, #tpu.memory_space<vmem>>
      %dma_wait3A_587 = tpu.memref_squeeze %dma_wait3A_586 : memref<1x1x128xi32, #tpu.memory_space<vmem>> -> memref<128xi32, #tpu.memory_space<vmem>>
      %dma_wait3A_588 = arith.constant 0 : i32
      %dma_wait3A_589 = arith.constant 0 : i32
      %dma_wait3A_590 = tpu.memref_slice %arg7[%dma_wait3A_588, %dma_wait3A_589] : memref<10112x128xf32, #tpu.memory_space<vmem_shared>> -> memref<10112x128xf32, #tpu.memory_space<vmem_shared>>
      tpu.wait_indirect_dma semaphore(%arg15 : memref<!tpu.dma_semaphore, #tpu.memory_space<semaphore_mem>>) src(%arg11 : memref<128x128xf32, #tpu.memory_space<vmem>>) dst(%dma_wait3A_590 : memref<10112x128xf32, #tpu.memory_space<vmem_shared>>)
      %add3A_591 = arith.constant 1 : i32
      %add3A_592 = arith.addi %add3A_567, %add3A_591 : i32
      %dma_start3A_593 = arith.constant 0 : i32
      %dma_start3A_594 = tpu.memref_slice %arg8[%add3A_592, %dma_start3A_593] : memref<80x128xi32, #tpu.memory_space<vmem>> -> memref<1x128xi32, #tpu.memory_space<vmem>>
      %dma_start3A_595 = tpu.memref_squeeze %dma_start3A_594 : memref<1x128xi32, #tpu.memory_space<vmem>> -> memref<128xi32, #tpu.memory_space<vmem>>
      %dma_start3A_596 = arith.constant 0 : i32
      %dma_start3A_597 = arith.constant 0 : i32
      %dma_start3A_598 = tpu.memref_slice %arg2[%dma_start3A_596, %dma_start3A_597] : memref<10112x128xf32, #tpu.memory_space<hbm>> -> memref<10112x128xf32, #tpu.memory_space<hbm>>
      tpu.enqueue_indirect_dma source(%dma_start3A_598 : memref<10112x128xf32, #tpu.memory_space<hbm>>) target(%arg11 : memref<128x128xf32, #tpu.memory_space<vmem>>) offsets(%dma_start3A_595 : memref<128xi32, #tpu.memory_space<vmem>>) semaphore(%arg13 : memref<!tpu.dma_semaphore, #tpu.memory_space<semaphore_mem>>)
      %mul3A_599 = arith.constant 8 : i32
      %mul3A_600 = arith.muli %add3A_332, %mul3A_599 : i32
      %add3A_601 = arith.constant 7 : i32
      %add3A_602 = arith.addi %mul3A_600, %add3A_601 : i32
      %dma_wait3A_603 = arith.constant 0 : i32
      %dma_wait3A_604 = arith.constant 0 : i32
      %dma_wait3A_605 = tpu.memref_slice %arg8[%dma_wait3A_603, %dma_wait3A_604] : memref<80x128xi32, #tpu.memory_space<vmem>> -> memref<1x128xi32, #tpu.memory_space<vmem>>
      %dma_wait3A_606 = tpu.memref_squeeze %dma_wait3A_605 : memref<1x128xi32, #tpu.memory_space<vmem>> -> memref<128xi32, #tpu.memory_space<vmem>>
      %dma_wait3A_607 = arith.constant 0 : i32
      %dma_wait3A_608 = arith.constant 0 : i32
      %dma_wait3A_609 = tpu.memref_slice %arg2[%dma_wait3A_607, %dma_wait3A_608] : memref<10112x128xf32, #tpu.memory_space<hbm>> -> memref<10112x128xf32, #tpu.memory_space<hbm>>
      tpu.wait_indirect_dma semaphore(%arg13 : memref<!tpu.dma_semaphore, #tpu.memory_space<semaphore_mem>>) src(%dma_wait3A_609 : memref<10112x128xf32, #tpu.memory_space<hbm>>) dst(%arg11 : memref<128x128xf32, #tpu.memory_space<vmem>>)
      %dma_start3A_610 = arith.constant 1 : i32
      %dma_start3A_611 = arith.constant 7 : i32
      %dma_start3A_612 = arith.constant 0 : i32
      %dma_start3A_613 = tpu.memref_slice %arg9[%dma_start3A_610, %dma_start3A_611, %dma_start3A_612] : memref<2x8x128xi32, #tpu.memory_space<vmem>> -> memref<1x1x128xi32, #tpu.memory_space<vmem>>
      %dma_start3A_614 = tpu.memref_squeeze %dma_start3A_613 : memref<1x1x128xi32, #tpu.memory_space<vmem>> -> memref<128xi32, #tpu.memory_space<vmem>>
      %dma_start3A_615 = arith.constant 0 : i32
      %dma_start3A_616 = arith.constant 0 : i32
      %dma_start3A_617 = tpu.memref_slice %arg7[%dma_start3A_615, %dma_start3A_616] : memref<10112x128xf32, #tpu.memory_space<vmem_shared>> -> memref<10112x128xf32, #tpu.memory_space<vmem_shared>>
      tpu.enqueue_indirect_dma source(%arg11 : memref<128x128xf32, #tpu.memory_space<vmem>>) target(%dma_start3A_617 : memref<10112x128xf32, #tpu.memory_space<vmem_shared>>) offsets(%dma_start3A_614 : memref<128xi32, #tpu.memory_space<vmem>>) semaphore(%arg15 : memref<!tpu.dma_semaphore, #tpu.memory_space<semaphore_mem>>) {add = true}
      %dma_wait3A_618 = arith.constant 0 : i32
      %dma_wait3A_619 = arith.constant 0 : i32
      %dma_wait3A_620 = arith.constant 0 : i32
      %dma_wait3A_621 = tpu.memref_slice %arg9[%dma_wait3A_618, %dma_wait3A_619, %dma_wait3A_620] : memref<2x8x128xi32, #tpu.memory_space<vmem>> -> memref<1x1x128xi32, #tpu.memory_space<vmem>>
      %dma_wait3A_622 = tpu.memref_squeeze %dma_wait3A_621 : memref<1x1x128xi32, #tpu.memory_space<vmem>> -> memref<128xi32, #tpu.memory_space<vmem>>
      %dma_wait3A_623 = arith.constant 0 : i32
      %dma_wait3A_624 = arith.constant 0 : i32
      %dma_wait3A_625 = tpu.memref_slice %arg7[%dma_wait3A_623, %dma_wait3A_624] : memref<10112x128xf32, #tpu.memory_space<vmem_shared>> -> memref<10112x128xf32, #tpu.memory_space<vmem_shared>>
      tpu.wait_indirect_dma semaphore(%arg14 : memref<!tpu.dma_semaphore, #tpu.memory_space<semaphore_mem>>) src(%arg10 : memref<128x128xf32, #tpu.memory_space<vmem>>) dst(%dma_wait3A_625 : memref<10112x128xf32, #tpu.memory_space<vmem_shared>>)
      %lt3A_626 = arith.constant 4 : i32
      %lt3A_627 = arith.cmpi slt, %scan3A_26, %lt3A_626 : i32
      %convert_element_type3A_628 = arith.extui %lt3A_627 : i1 to i32
      %cond3A_629 = arith.constant 0 : i32
      %cond3A_630 = arith.cmpi ne, %convert_element_type3A_628, %cond3A_629 : i32
      scf.if %cond3A_630 {
        %add3A_631 = arith.constant 1 : i32
        %add3A_632 = arith.addi %add3A_602, %add3A_631 : i32
        %dma_start3A_633 = arith.constant 0 : i32
        %dma_start3A_634 = tpu.memref_slice %arg8[%add3A_632, %dma_start3A_633] : memref<80x128xi32, #tpu.memory_space<vmem>> -> memref<1x128xi32, #tpu.memory_space<vmem>>
        %dma_start3A_635 = tpu.memref_squeeze %dma_start3A_634 : memref<1x128xi32, #tpu.memory_space<vmem>> -> memref<128xi32, #tpu.memory_space<vmem>>
        %dma_start3A_636 = arith.constant 0 : i32
        %dma_start3A_637 = arith.constant 0 : i32
        %dma_start3A_638 = tpu.memref_slice %arg2[%dma_start3A_636, %dma_start3A_637] : memref<10112x128xf32, #tpu.memory_space<hbm>> -> memref<10112x128xf32, #tpu.memory_space<hbm>>
        tpu.enqueue_indirect_dma source(%dma_start3A_638 : memref<10112x128xf32, #tpu.memory_space<hbm>>) target(%arg10 : memref<128x128xf32, #tpu.memory_space<vmem>>) offsets(%dma_start3A_635 : memref<128xi32, #tpu.memory_space<vmem>>) semaphore(%arg12 : memref<!tpu.dma_semaphore, #tpu.memory_space<semaphore_mem>>)
      } else {
      }
    }
    %scan3A_13 = arith.constant 5 : i32
    %dma_wait3A = arith.constant 0 : i32
    %dma_wait3A_14 = arith.constant 0 : i32
    %dma_wait3A_15 = arith.constant 0 : i32
    %dma_wait3A_16 = tpu.memref_slice %arg9[%dma_wait3A, %dma_wait3A_14, %dma_wait3A_15] : memref<2x8x128xi32, #tpu.memory_space<vmem>> -> memref<1x1x128xi32, #tpu.memory_space<vmem>>
    %dma_wait3A_17 = tpu.memref_squeeze %dma_wait3A_16 : memref<1x1x128xi32, #tpu.memory_space<vmem>> -> memref<128xi32, #tpu.memory_space<vmem>>
    %dma_wait3A_18 = arith.constant 0 : i32
    %dma_wait3A_19 = arith.constant 0 : i32
    %dma_wait3A_20 = tpu.memref_slice %arg7[%dma_wait3A_18, %dma_wait3A_19] : memref<10112x128xf32, #tpu.memory_space<vmem_shared>> -> memref<10112x128xf32, #tpu.memory_space<vmem_shared>>
    tpu.wait_indirect_dma semaphore(%arg15 : memref<!tpu.dma_semaphore, #tpu.memory_space<semaphore_mem>>) src(%arg11 : memref<128x128xf32, #tpu.memory_space<vmem>>) dst(%dma_wait3A_20 : memref<10112x128xf32, #tpu.memory_space<vmem_shared>>)
    %barrier3A_21 = arith.constant 0 : index
    tpu.barrier barrier_id(%barrier3A_21)
    %mul3A_22 = arith.constant 632 : i32
    %mul3A_23 = arith.muli %arg1, %mul3A_22 : i32
    %mul3A_24 = arith.constant 632 : i32
    %mul3A_25 = arith.muli %arg1, %mul3A_24 : i32
    "tpu.region"() ({
      %run_scoped3A_26 = tpu.sem_alloc : memref<!tpu.dma_semaphore, #tpu.memory_space<semaphore_mem>>
      %dma_start3A_27 = arith.constant 0 : i32
      %dma_start3A_28 = tpu.memref_slice %arg6[%arg0, %mul3A_25, %dma_start3A_27] : memref<2x10112x128xf32, #tpu.memory_space<hbm>> -> memref<1x632x128xf32, #tpu.memory_space<hbm>>
      %dma_start3A_29 = tpu.memref_squeeze %dma_start3A_28 : memref<1x632x128xf32, #tpu.memory_space<hbm>> -> memref<632x128xf32, #tpu.memory_space<hbm>>
      %dma_start3A_30 = arith.constant 0 : i32
      %dma_start3A_31 = tpu.memref_slice %arg7[%mul3A_23, %dma_start3A_30] : memref<10112x128xf32, #tpu.memory_space<vmem_shared>> -> memref<632x128xf32, #tpu.memory_space<vmem_shared>>
      tpu.enqueue_dma source(%dma_start3A_31 : memref<632x128xf32, #tpu.memory_space<vmem_shared>>) target(%dma_start3A_29 : memref<632x128xf32, #tpu.memory_space<hbm>>) target_semaphore(%run_scoped3A_26 : memref<!tpu.dma_semaphore, #tpu.memory_space<semaphore_mem>>)
      %dma_wait3A_32 = arith.constant 0 : i32
      %dma_wait3A_33 = tpu.memref_slice %arg6[%arg0, %mul3A_25, %dma_wait3A_32] : memref<2x10112x128xf32, #tpu.memory_space<hbm>> -> memref<1x632x128xf32, #tpu.memory_space<hbm>>
      %dma_wait3A_34 = tpu.memref_squeeze %dma_wait3A_33 : memref<1x632x128xf32, #tpu.memory_space<hbm>> -> memref<632x128xf32, #tpu.memory_space<hbm>>
      %dma_wait3A_35 = arith.constant 0 : i32
      %dma_wait3A_36 = tpu.memref_slice %arg7[%mul3A_23, %dma_wait3A_35] : memref<10112x128xf32, #tpu.memory_space<vmem_shared>> -> memref<632x128xf32, #tpu.memory_space<vmem_shared>>
      tpu.wait_dma2 semaphore(%run_scoped3A_26 : memref<!tpu.dma_semaphore, #tpu.memory_space<semaphore_mem>>) src(%dma_wait3A_36 : memref<632x128xf32, #tpu.memory_space<vmem_shared>>) dst(%dma_wait3A_34 : memref<632x128xf32, #tpu.memory_space<hbm>>)
      tpu.yield
    }) : () -> ()
    return
  }
}

module attributes {stable_mosaic.version = 14 : i64} {
  func.func @_tc1_body(%arg0: i32, %arg1: memref<1264x128xf32, #tpu.memory_space<vmem>>, %arg2: memref<1264x128xf32, #tpu.memory_space<vmem>>, %arg3: memref<1264x128xf32, #tpu.memory_space<vmem>>, %arg4: memref<1264x128xf32, #tpu.memory_space<vmem>>) attributes {dimension_semantics = [#tpu.dimension_semantics<arbitrary>], iteration_bounds = array<i64: 8>, scalar_prefetch = 0 : i64, scratch_operands = 0 : i64, tpu.core_type = #tpu.core_type<tc>, window_params = [{transform_indices = @transform_0, window_bounds = array<i64: 1264, 128>}, {transform_indices = @transform_1, window_bounds = array<i64: 1264, 128>}, {transform_indices = @transform_2, window_bounds = array<i64: 1264, 128>}, {transform_indices = @transform_3, window_bounds = array<i64: 1264, 128>}]} {
    %get3A = arith.constant 0 : index
    %get3A_0 = arith.constant 0 : index
    %get3A_1 = vector.load %arg1[%get3A, %get3A_0] : memref<1264x128xf32, #tpu.memory_space<vmem>>, vector<1264x128xf32>
    %get3A_2 = arith.constant 0 : index
    %get3A_3 = arith.constant 0 : index
    %get3A_4 = vector.load %arg2[%get3A_2, %get3A_3] : memref<1264x128xf32, #tpu.memory_space<vmem>>, vector<1264x1xf32>
    %get3A_5 = arith.constant 0 : index
    %get3A_6 = arith.constant 0 : index
    %get3A_7 = vector.load %arg3[%get3A_5, %get3A_6] : memref<1264x128xf32, #tpu.memory_space<vmem>>, vector<1264x1xf32>
    %add3A = arith.addf %get3A_4, %get3A_7 : vector<1264x1xf32>
    %max3A = arith.constant 1.000000e+00 : f32
    %max3A_8 = vector.broadcast %max3A : f32 to vector<1264x1xf32>
    %max3A_9 = arith.maximumf %add3A, %max3A_8 : vector<1264x1xf32>
    %rsqrt3A = math.rsqrt %max3A_9 : vector<1264x1xf32>
    %mul3A = vector.broadcast %rsqrt3A : vector<1264x1xf32> to vector<1264x128xf32>
    %mul3A_10 = arith.mulf %get3A_1, %mul3A : vector<1264x128xf32>
    %swap3A = arith.constant 0 : index
    %swap3A_11 = arith.constant 0 : index
    %swap3A_12 = vector.load %arg4[%swap3A, %swap3A_11] : memref<1264x128xf32, #tpu.memory_space<vmem>>, vector<1264x128xf32>
    tpu.vector_store %arg4[%swap3A, %swap3A_11], %mul3A_10 {strides = array<i32>} : memref<1264x128xf32, #tpu.memory_space<vmem>>, vector<1264x128xf32>,
    return
  }
  func.func @transform_0(%arg0: i32) -> (i32, i32) {
    %c0_i32 = arith.constant 0 : i32
    %c0_i32_0 = arith.constant 0 : i32
    return %arg0, %c0_i32 : i32, i32
  }
  func.func @transform_1(%arg0: i32) -> (i32, i32) {
    %c0_i32 = arith.constant 0 : i32
    %c0_i32_0 = arith.constant 0 : i32
    return %arg0, %c0_i32 : i32, i32
  }
  func.func @transform_2(%arg0: i32) -> (i32, i32) {
    %c0_i32 = arith.constant 0 : i32
    %c0_i32_0 = arith.constant 0 : i32
    return %arg0, %c0_i32 : i32, i32
  }
  func.func @transform_3(%arg0: i32) -> (i32, i32) {
    %c0_i32 = arith.constant 0 : i32
    %c0_i32_0 = arith.constant 0 : i32
    return %arg0, %c0_i32 : i32, i32
  }
}

module attributes {stable_mosaic.version = 14 : i64} {
  func.func @_tc2_body(%arg0: i32, %arg1: memref<1264x128xf32, #tpu.memory_space<vmem>>, %arg2: memref<1264x128xf32, #tpu.memory_space<vmem>>, %arg3: memref<1264x128xf32, #tpu.memory_space<vmem>>, %arg4: memref<1264x128xf32, #tpu.memory_space<vmem>>, %arg5: memref<128x128xf32, #tpu.memory_space<vmem>>, %arg6: memref<1x128xf32, #tpu.memory_space<vmem>>, %arg7: memref<1264x128xf32, #tpu.memory_space<vmem>>) attributes {dimension_semantics = [#tpu.dimension_semantics<arbitrary>], iteration_bounds = array<i64: 8>, scalar_prefetch = 0 : i64, scratch_operands = 0 : i64, tpu.core_type = #tpu.core_type<tc>, window_params = [{transform_indices = @transform_0, window_bounds = array<i64: 1264, 128>}, {transform_indices = @transform_1, window_bounds = array<i64: 1264, 128>}, {transform_indices = @transform_2, window_bounds = array<i64: 1264, 128>}, {transform_indices = @transform_3, window_bounds = array<i64: 1264, 128>}, {pipeline_mode = #tpu.pipeline_mode<synchronous>, transform_indices = @transform_4, window_bounds = array<i64: 128, 128>}, {pipeline_mode = #tpu.pipeline_mode<synchronous>, transform_indices = @transform_5, window_bounds = array<i64: 1, 128>}, {transform_indices = @transform_6, window_bounds = array<i64: 1264, 128>}]} {
    %get3A = arith.constant 0 : index
    %get3A_0 = arith.constant 0 : index
    %get3A_1 = vector.load %arg1[%get3A, %get3A_0] : memref<1264x128xf32, #tpu.memory_space<vmem>>, vector<1264x128xf32>
    %get3A_2 = arith.constant 0 : index
    %get3A_3 = arith.constant 0 : index
    %get3A_4 = vector.load %arg2[%get3A_2, %get3A_3] : memref<1264x128xf32, #tpu.memory_space<vmem>>, vector<1264x128xf32>
    %add3A = arith.addf %get3A_1, %get3A_4 : vector<1264x128xf32>
    %get3A_5 = arith.constant 0 : index
    %get3A_6 = arith.constant 0 : index
    %get3A_7 = vector.load %arg5[%get3A_5, %get3A_6] : memref<128x128xf32, #tpu.memory_space<vmem>>, vector<128x128xf32>
    %dot_general3A = arith.constant dense<0.000000e+00> : vector<1264x128xf32>
    %dot_general3A_8 = tpu.matmul %add3A, %get3A_7, %dot_general3A {dimension_numbers = #tpu.dot_dimension_numbers<[1], [0], [0], [1], [0, 0, 1, 1], [], []>, transpose_lhs_hint = false} : vector<1264x128xf32>, vector<128x128xf32>, vector<1264x128xf32> -> vector<1264x128xf32>
    %get3A_9 = arith.constant 0 : index
    %get3A_10 = arith.constant 32 : index
    %get3A_11 = vector.load %arg3[%get3A_9, %get3A_10] : memref<1264x128xf32, #tpu.memory_space<vmem>>, vector<1264x1xf32>
    %get3A_12 = arith.constant 0 : index
    %get3A_13 = arith.constant 32 : index
    %get3A_14 = vector.load %arg4[%get3A_12, %get3A_13] : memref<1264x128xf32, #tpu.memory_space<vmem>>, vector<1264x1xf32>
    %add3A_15 = arith.addf %get3A_11, %get3A_14 : vector<1264x1xf32>
    %max3A = arith.constant 1.000000e+00 : f32
    %max3A_16 = vector.broadcast %max3A : f32 to vector<1264x1xf32>
    %max3A_17 = arith.maximumf %add3A_15, %max3A_16 : vector<1264x1xf32>
    %rsqrt3A = math.rsqrt %max3A_17 : vector<1264x1xf32>
    %mul3A = vector.broadcast %rsqrt3A : vector<1264x1xf32> to vector<1264x128xf32>
    %mul3A_18 = arith.mulf %dot_general3A_8, %mul3A : vector<1264x128xf32>
    %get3A_19 = arith.constant 0 : index
    %get3A_20 = arith.constant 0 : index
    %get3A_21 = vector.load %arg6[%get3A_19, %get3A_20] : memref<1x128xf32, #tpu.memory_space<vmem>>, vector<1x128xf32>
    %add3A_22 = vector.broadcast %get3A_21 : vector<1x128xf32> to vector<1264x128xf32>
    %add3A_23 = arith.addf %mul3A_18, %add3A_22 : vector<1264x128xf32>
    %max3A_24 = arith.constant 0.000000e+00 : f32
    %max3A_25 = vector.broadcast %max3A_24 : f32 to vector<1264x128xf32>
    %max3A_26 = arith.maximumf %add3A_23, %max3A_25 : vector<1264x128xf32>
    %get3A_27 = arith.constant 0 : index
    %get3A_28 = arith.constant 64 : index
    %get3A_29 = vector.load %arg3[%get3A_27, %get3A_28] : memref<1264x128xf32, #tpu.memory_space<vmem>>, vector<1264x1xf32>
    %get3A_30 = arith.constant 0 : index
    %get3A_31 = arith.constant 64 : index
    %get3A_32 = vector.load %arg4[%get3A_30, %get3A_31] : memref<1264x128xf32, #tpu.memory_space<vmem>>, vector<1264x1xf32>
    %add3A_33 = arith.addf %get3A_29, %get3A_32 : vector<1264x1xf32>
    %max3A_34 = arith.constant 1.000000e+00 : f32
    %max3A_35 = vector.broadcast %max3A_34 : f32 to vector<1264x1xf32>
    %max3A_36 = arith.maximumf %add3A_33, %max3A_35 : vector<1264x1xf32>
    %rsqrt3A_37 = math.rsqrt %max3A_36 : vector<1264x1xf32>
    %mul3A_38 = vector.broadcast %rsqrt3A_37 : vector<1264x1xf32> to vector<1264x128xf32>
    %mul3A_39 = arith.mulf %max3A_26, %mul3A_38 : vector<1264x128xf32>
    %swap3A = arith.constant 0 : index
    %swap3A_40 = arith.constant 0 : index
    %swap3A_41 = vector.load %arg7[%swap3A, %swap3A_40] : memref<1264x128xf32, #tpu.memory_space<vmem>>, vector<1264x128xf32>
    tpu.vector_store %arg7[%swap3A, %swap3A_40], %mul3A_39 {strides = array<i32>} : memref<1264x128xf32, #tpu.memory_space<vmem>>, vector<1264x128xf32>,
    return
  }
  func.func @transform_0(%arg0: i32) -> (i32, i32) {
    %c0_i32 = arith.constant 0 : i32
    %c0_i32_0 = arith.constant 0 : i32
    return %arg0, %c0_i32 : i32, i32
  }
  func.func @transform_1(%arg0: i32) -> (i32, i32) {
    %c0_i32 = arith.constant 0 : i32
    %c0_i32_0 = arith.constant 0 : i32
    return %arg0, %c0_i32 : i32, i32
  }
  func.func @transform_2(%arg0: i32) -> (i32, i32) {
    %c0_i32 = arith.constant 0 : i32
    %c0_i32_0 = arith.constant 0 : i32
    return %arg0, %c0_i32 : i32, i32
  }
  func.func @transform_3(%arg0: i32) -> (i32, i32) {
    %c0_i32 = arith.constant 0 : i32
    %c0_i32_0 = arith.constant 0 : i32
    return %arg0, %c0_i32 : i32, i32
  }
  func.func @transform_4(%arg0: i32) -> (i32, i32) {
    %c0_i32 = arith.constant 0 : i32
    %c0_i32_0 = arith.constant 0 : i32
    %c0_i32_1 = arith.constant 0 : i32
    return %c0_i32, %c0_i32_0 : i32, i32
  }
  func.func @transform_5(%arg0: i32) -> (i32, i32) {
    %c0_i32 = arith.constant 0 : i32
    %c0_i32_0 = arith.constant 0 : i32
    %c0_i32_1 = arith.constant 0 : i32
    return %c0_i32, %c0_i32_0 : i32, i32
  }
  func.func @transform_6(%arg0: i32) -> (i32, i32) {
    %c0_i32 = arith.constant 0 : i32
    %c0_i32_0 = arith.constant 0 : i32
    return %arg0, %c0_i32 : i32, i32
  }
}

module attributes {stable_mosaic.version = 14 : i64} {
  func.func @_tc3_body(%arg0: i32, %arg1: memref<1264x128xf32, #tpu.memory_space<vmem>>, %arg2: memref<1264x128xf32, #tpu.memory_space<vmem>>, %arg3: memref<1264x128xf32, #tpu.memory_space<vmem>>, %arg4: memref<1264x128xf32, #tpu.memory_space<vmem>>, %arg5: memref<128x64xf32, #tpu.memory_space<vmem>>, %arg6: memref<1x64xf32, #tpu.memory_space<vmem>>, %arg7: memref<1264x64xf32, #tpu.memory_space<vmem>>) attributes {dimension_semantics = [#tpu.dimension_semantics<arbitrary>], iteration_bounds = array<i64: 8>, scalar_prefetch = 0 : i64, scratch_operands = 0 : i64, tpu.core_type = #tpu.core_type<tc>, window_params = [{transform_indices = @transform_0, window_bounds = array<i64: 1264, 128>}, {transform_indices = @transform_1, window_bounds = array<i64: 1264, 128>}, {transform_indices = @transform_2, window_bounds = array<i64: 1264, 128>}, {transform_indices = @transform_3, window_bounds = array<i64: 1264, 128>}, {pipeline_mode = #tpu.pipeline_mode<synchronous>, transform_indices = @transform_4, window_bounds = array<i64: 128, 64>}, {pipeline_mode = #tpu.pipeline_mode<synchronous>, transform_indices = @transform_5, window_bounds = array<i64: 1, 64>}, {transform_indices = @transform_6, window_bounds = array<i64: 1264, 64>}]} {
    %get3A = arith.constant 0 : index
    %get3A_0 = arith.constant 0 : index
    %get3A_1 = vector.load %arg1[%get3A, %get3A_0] : memref<1264x128xf32, #tpu.memory_space<vmem>>, vector<1264x128xf32>
    %get3A_2 = arith.constant 0 : index
    %get3A_3 = arith.constant 0 : index
    %get3A_4 = vector.load %arg2[%get3A_2, %get3A_3] : memref<1264x128xf32, #tpu.memory_space<vmem>>, vector<1264x128xf32>
    %add3A = arith.addf %get3A_1, %get3A_4 : vector<1264x128xf32>
    %get3A_5 = arith.constant 0 : index
    %get3A_6 = arith.constant 0 : index
    %get3A_7 = vector.load %arg5[%get3A_5, %get3A_6] : memref<128x64xf32, #tpu.memory_space<vmem>>, vector<128x64xf32>
    %dot_general3A = arith.constant dense<0.000000e+00> : vector<1264x64xf32>
    %dot_general3A_8 = tpu.matmul %add3A, %get3A_7, %dot_general3A {dimension_numbers = #tpu.dot_dimension_numbers<[1], [0], [0], [1], [0, 0, 1, 1], [], []>, transpose_lhs_hint = false} : vector<1264x128xf32>, vector<128x64xf32>, vector<1264x64xf32> -> vector<1264x64xf32>
    %get3A_9 = arith.constant 0 : index
    %get3A_10 = arith.constant 96 : index
    %get3A_11 = vector.load %arg3[%get3A_9, %get3A_10] : memref<1264x128xf32, #tpu.memory_space<vmem>>, vector<1264x1xf32>
    %get3A_12 = arith.constant 0 : index
    %get3A_13 = arith.constant 96 : index
    %get3A_14 = vector.load %arg4[%get3A_12, %get3A_13] : memref<1264x128xf32, #tpu.memory_space<vmem>>, vector<1264x1xf32>
    %add3A_15 = arith.addf %get3A_11, %get3A_14 : vector<1264x1xf32>
    %max3A = arith.constant 1.000000e+00 : f32
    %max3A_16 = vector.broadcast %max3A : f32 to vector<1264x1xf32>
    %max3A_17 = arith.maximumf %add3A_15, %max3A_16 : vector<1264x1xf32>
    %rsqrt3A = math.rsqrt %max3A_17 : vector<1264x1xf32>
    %mul3A = vector.broadcast %rsqrt3A : vector<1264x1xf32> to vector<1264x64xf32>
    %mul3A_18 = arith.mulf %dot_general3A_8, %mul3A : vector<1264x64xf32>
    %get3A_19 = arith.constant 0 : index
    %get3A_20 = arith.constant 0 : index
    %get3A_21 = vector.load %arg6[%get3A_19, %get3A_20] : memref<1x64xf32, #tpu.memory_space<vmem>>, vector<1x64xf32>
    %add3A_22 = vector.broadcast %get3A_21 : vector<1x64xf32> to vector<1264x64xf32>
    %add3A_23 = arith.addf %mul3A_18, %add3A_22 : vector<1264x64xf32>
    %swap3A = arith.constant 0 : index
    %swap3A_24 = arith.constant 0 : index
    %swap3A_25 = vector.load %arg7[%swap3A, %swap3A_24] : memref<1264x64xf32, #tpu.memory_space<vmem>>, vector<1264x64xf32>
    tpu.vector_store %arg7[%swap3A, %swap3A_24], %add3A_23 {strides = array<i32>} : memref<1264x64xf32, #tpu.memory_space<vmem>>, vector<1264x64xf32>,
    return
  }
  func.func @transform_0(%arg0: i32) -> (i32, i32) {
    %c0_i32 = arith.constant 0 : i32
    %c0_i32_0 = arith.constant 0 : i32
    return %arg0, %c0_i32 : i32, i32
  }
  func.func @transform_1(%arg0: i32) -> (i32, i32) {
    %c0_i32 = arith.constant 0 : i32
    %c0_i32_0 = arith.constant 0 : i32
    return %arg0, %c0_i32 : i32, i32
  }
  func.func @transform_2(%arg0: i32) -> (i32, i32) {
    %c0_i32 = arith.constant 0 : i32
    %c0_i32_0 = arith.constant 0 : i32
    return %arg0, %c0_i32 : i32, i32
  }
  func.func @transform_3(%arg0: i32) -> (i32, i32) {
    %c0_i32 = arith.constant 0 : i32
    %c0_i32_0 = arith.constant 0 : i32
    return %arg0, %c0_i32 : i32, i32
  }
  func.func @transform_4(%arg0: i32) -> (i32, i32) {
    %c0_i32 = arith.constant 0 : i32
    %c0_i32_0 = arith.constant 0 : i32
    %c0_i32_1 = arith.constant 0 : i32
    return %c0_i32, %c0_i32_0 : i32, i32
  }
  func.func @transform_5(%arg0: i32) -> (i32, i32) {
    %c0_i32 = arith.constant 0 : i32
    %c0_i32_0 = arith.constant 0 : i32
    %c0_i32_1 = arith.constant 0 : i32
    return %c0_i32, %c0_i32_0 : i32, i32
  }
  func.func @transform_6(%arg0: i32) -> (i32, i32) {
    %c0_i32 = arith.constant 0 : i32
    %c0_i32_0 = arith.constant 0 : i32
    return %arg0, %c0_i32 : i32, i32
  }
}

</mosaic_0001>

<sc_bundles>
// kernel: kernel.11.cloned.1.call-start
scs
__scs_entry_jumppad:
0x0: {  	(pc) =	sbr.rel $0x88, $3  }
0x1: {  	(tag) =	ssettag $0x0;
	lr =	simm.s32 $0x1  }
0x2: {  	[smem:$0x3F9A] =	sst lr;
	_ =	strace $0xD0000000  }
0x3: {  	_ = 	snop  }
0x4: {  	_ = 	snop  }
0x5: {  	_ = 	snop  }
0x6: {  	_ = 	snop  }
0x7: {  	_ = 	snop  }
__scs_overlays_trampoline_lowered:
0x8: {  	[smem:$0x3FA9] =	sst s0  }
0x9: {  	[smem:$0x3FAA] =	sst s1  }
0xa: {  	[smem:$0x3FAB] =	sst s2  }
0xb: {  	[smem:$0x3FAC] =	sst s3  }
0xc: {  	[smem:$0x3FAD] =	sst s4  }
0xd: {  	[smem:$0x3FAE] =	sst s5  }
0xe: {  	[smem:$0x3FAF] =	sst s6  }
0xf: {  	[smem:$0x3FB0] =	sst s7  }
0x10: {  	[smem:$0x3FB1] =	sst s8  }
0x11: {  	[smem:$0x3FB2] =	sst s9;
	s0 =	simm.s32 @!p0 $0x0  }
0x12: {  	s1 =	sld [smem:$0x3F98];
	s0 =	simm.s32 @p0 $0x1  }
0x13: {  	[smem:$0x3FB3] =	sst s0;
	s0 =	simm.s32 @!p1 $0x0  }
0x14: {  	s2 =	sld [smem:$0x3F97];
	s0 =	simm.s32 @p1 $0x1  }
0x15: {  	[smem:$0x3FB4] =	sst s0;
	s0 =	simm.s32 @!p2 $0x0  }
0x16: {  	s3 =	sld [smem:$0x3FDB];
	s0 =	simm.s32 @p2 $0x1  }
0x17: {  	s4 =	simm.s32 $0x1BF5;
	[smem:$0x3FB6] =	sst s0  }
0x18: {  	s0 =	sld [smem:$0x3F99];
	_ =	swait.ge [sflag:s4], $0x0  }
0x19: {  	s7 =	sld [smem:$0x3F9A]  }
0x1a: {  	s8 =	sadd.s32 $0xFFFFE003, lr  }
0x1b: {  	s9 =	sadd.s32 $0xFFFFFEF7, lr;
	s5 =	simm.s32 $0xFFFFFFFF;
	p2 =	slt.u32 s8, $0xFFFFF086  }
0x1c: {  	p1 =	slt.u32 s9, $0xF7A;
	s5 =	simm.s32 @!p2 $0x0  }
0x1d: {  	s5 =	simm.s32 @p1 $0x1;
	p0 =	seq.s32 s7, s2  }
0x1e: {  	s7 =	smul.u32 @!p0 $0xF7A, s2;
	p2 =	seq.s32 @!p0 s5, $0x0  }
0x1f: {  	s9 =	smul.u32 $0xF7A, s1;
	s8 =	simm.s32 @!p0 $0x1BF5;
	p2 =	por !p2, p0  }
0x20: {  	[sflag:s8] =	ssyncset.s32 @!p0 $0xFFFFF086;
	s6 =	sadd.s32 @!p0 s3, s7;
	s7 =	simm.s32 @!p0 $0x108  }
0x21: {  	s3 =	sadd.s32 s3, s9;
	s6 =	sadd.s32 @!p0 $0x88, s6;
	s7 =	simm.s32 @p2 $0x1082  }
0x22: {  	[simem:s7], [sflag:s8] =	dma.local @!p0 [hbm:s6], $0xF7A  }
0x23: {  	s9 =	sor.u32 $0xD0000000, s2;
	s6 =	simm.s32 $0x108;
	_ =	swait.ge @!p0 [sflag:s8], $0x0  }
0x24: {  	s3 =	sadd.s32 $0x88, s3;
	s6 =	simm.s32 @!p1 $0x1082;
	[sflag:s4] =	ssyncset.s32 $0xFFFFF086  }
0x25: {  	[simem:s6], [sflag:s4] =	dma.local [hbm:s3], $0xF7A  }
0x26: {  	[smem:$0x3F9A] =	sst s1;
	(tag) =	ssettag s2;
	_ =	strace s9  }
0x27: {  	s1 =	sld [smem:$0x3FAA]  }
0x28: {  	s2 =	sld [smem:$0x3FAB]  }
0x29: {  	s4 =	sld [smem:$0x3FAD]  }
0x2a: {  	p0 =	seq.s32 s5, $0x0;
	s5 =	sld [smem:$0x3FAE]  }
0x2b: {  	s6 =	sld [smem:$0x3FAF]  }
0x2c: {  	s7 =	sld [smem:$0x3FB0]  }
0x2d: {  	s3 =	simm.s32 $0x108;
	s8 =	sld [smem:$0x3FB1]  }
0x2e: {  	s3 =	simm.s32 @!p0 $0x1082;
	s9 =	sld [smem:$0x3FB2]  }
0x2f: {  	lr =	sadd.s32 s0, s3;
	s0 =	sld [smem:$0x3FA9]  }
0x30: {  	s3 =	sld [smem:$0x3FAC]  }
0x31: {  	[smem:$0x3FB5] =	sst s10  }
0x32: {  	s10 =	sld [smem:$0x3FB3];
	_ =	sdelay $0x3  }
0x33: {  	p0 =	seq.s32 s10, $0x1;
	s10 =	sld [smem:$0x3FB5];
	_ =	sdelay $0x3  }
0x34: {  	[smem:$0x3FB5] =	sst s10  }
0x35: {  	s10 =	sld [smem:$0x3FB4];
	_ =	sdelay $0x3  }
0x36: {  	p1 =	seq.s32 s10, $0x1;
	s10 =	sld [smem:$0x3FB5];
	_ =	sdelay $0x3  }
0x37: {  	[smem:$0x3FB5] =	sst s10  }
0x38: {  	s10 =	sld [smem:$0x3FB6]  }
0x39: {  	_ = 	snop;
	(pc) =	sbr.ind lr, $3  }
0x3a: {  	_ = 	snop  }
0x3b: {  	_ = 	snop  }
0x3c: {  	p2 =	seq.s32 s10, $0x1;
	s10 =	sld [smem:$0x3FB5]  }
0x3d: {  	_ =	shalt  }
0x3e: {  	_ =	shalt  }
0x3f: {  	_ =	shalt  }
0x40: {  	_ =	shalt  }
0x41: {  	_ =	shalt  }
0x42: {  	_ =	shalt  }
0x43: {  	_ =	shalt  }
0x44: {  	_ =	shalt  }
0x45: {  	_ =	shalt  }
0x46: {  	_ =	shalt  }
0x47: {  	_ =	shalt  }
0x48: {  	_ =	shalt  }
0x49: {  	_ =	shalt  }
0x4a: {  	_ =	shalt  }
0x4b: {  	_ =	shalt  }
0x4c: {  	_ =	shalt  }
0x4d: {  	_ =	shalt  }
0x4e: {  	_ =	shalt  }
0x4f: {  	_ =	shalt  }
0x50: {  	_ =	shalt  }
0x51: {  	_ =	shalt  }
0x52: {  	_ =	shalt  }
0x53: {  	_ =	shalt  }
0x54: {  	_ =	shalt  }
0x55: {  	_ =	shalt  }
0x56: {  	_ =	shalt  }
0x57: {  	_ =	shalt  }
0x58: {  	_ =	shalt  }
0x59: {  	_ =	shalt  }
0x5a: {  	_ =	shalt  }
0x5b: {  	_ =	shalt  }
0x5c: {  	_ =	shalt  }
0x5d: {  	_ =	shalt  }
0x5e: {  	_ =	shalt  }
0x5f: {  	_ =	shalt  }
0x60: {  	_ =	shalt  }
0x61: {  	_ =	shalt  }
0x62: {  	_ =	shalt  }
0x63: {  	_ =	shalt  }
0x64: {  	_ =	shalt  }
0x65: {  	_ =	shalt  }
0x66: {  	_ =	shalt  }
0x67: {  	_ =	shalt  }
0x68: {  	_ =	shalt  }
0x69: {  	_ =	shalt  }
0x6a: {  	_ =	shalt  }
0x6b: {  	_ =	shalt  }
0x6c: {  	_ =	shalt  }
0x6d: {  	_ =	shalt  }
0x6e: {  	_ =	shalt  }
0x6f: {  	_ =	shalt  }
0x70: {  	_ =	shalt  }
0x71: {  	_ =	shalt  }
0x72: {  	_ =	shalt  }
0x73: {  	_ =	shalt  }
0x74: {  	_ =	shalt  }
0x75: {  	_ =	shalt  }
0x76: {  	_ =	shalt  }
0x77: {  	_ =	shalt  }
0x78: {  	_ =	shalt  }
0x79: {  	_ =	shalt  }
0x7a: {  	_ =	shalt  }
0x7b: {  	_ =	shalt  }
0x7c: {  	_ =	shalt  }
0x7d: {  	_ =	shalt  }
0x7e: {  	_ =	shalt  }
0x7f: {  	_ =	shalt  }
0x80: {  	_ =	shalt  }
0x81: {  	_ =	shalt  }
0x82: {  	_ =	shalt  }
0x83: {  	_ =	shalt  }
0x84: {  	_ =	shalt  }
0x85: {  	_ =	shalt  }
0x86: {  	_ =	shalt  }
0x87: {  	_ =	shalt  }
.Lfunc_end0:
.L_simem_size_0:
called_computation.1_lowered:
.L_overlay_start_0:
0x88: {  	s2 =	sld [smem:$0x3FD9]  }
0x89: {  	s3 =	sld [smem:$0x3FFE];
	_ =	sdelay $0x1  }
0x8a: {  	s1 =	srdreg.scid  }
0x8b: {  	s0 =	sand.u32 $0x1, s1  }
0x8c: {  	s17 =	sshll.u32 s0, $0xA;
	s2 =	sadd.s32 s3, s2  }
0x8d: {  	s2 =	sadd.s32 s2, s17  }
0x8e: {  	[smem:$0x3FC1] =	sst s2  }
0x8f: {  	_ = 	snop  }
0x90: {  	s2 =	sld [smem:$0x3FD0];
	(tm) =	ssettm $0x1  }
0x91: {  	s18 =	sld [smem:$0x3FFB];
	_ =	sdelay $0x3  }
0x92: {  	_ =	strace s18  }
0x93: {  	s3 =	sld [smem:$0x3FFC];
	_ =	sdelay $0x3  }
0x94: {  	_ =	strace s3  }
0x95: {  	s3 =	sld [smem:$0x3FFD];
	_ =	sdelay $0x3  }
0x96: {  	_ =	strace s3  }
0x97: {  	_ =	strace $0x8FFFFFFF  }
0x98: {  	s19 =	sld [smem:$0x3FDB];
	_ =	sdelay $0x1  }
0x99: {  	s4 =	simm.s32 $_scs_section_size  }
0x9a: {  	s5 =	simm.s32 $_size__tile_overlayer_lowered;
	s6 =	simm.s32 $_tile_overlayer_lowered  }
0x9b: {  	s22 =	simm.s32 $0x1BFF;
	s21 =	sshll.u32 s6, $0x1;
	s3 =	sadd.s32 s4, s19  }
0x9c: {  	s7 =	simm.s32 $0x0;
	s20 =	sshll.u32 s5, $0x1;
	s5 =	sadd.s32 s21, s3  }
0x9d: {  	[timem:s7], [sflag:s22] =	dma.local [hbm:s5], s20  }
0x9e: {  	_ =	swait.ge [sflag:s22], s20  }
0x9f: {  	s4 =	ssub.s32 $0x0, s20;
	[sflag:s22] =	ssyncset.done $0x0  }
0xa0: {  	[sflag:s22] =	ssyncadd.s32 s4;
	_ =	sdelay $0x1  }
0xa1: {  	s23 =	simm.s32 $0x1B8B  }
0xa2: {  	_ =	swait.ge [sflag:s23], $0x1  }
0xa3: {  	[sflag:s23] =	ssyncset.done $0x0  }
0xa4: {  	s25 =	simm.s32 $0x1B8E;
	s24 =	sld [smem:$0x3FFE];
	[sflag:s23] =	ssyncadd.s32 $0xFFFFFFFF  }
0xa5: {  	s26 =	simm.s32 $execute0_lowered;
	[smem:$0x3FD2] =	sst s25  }
0xa6: {  	s5 =	sshll.u32 s26, $0x1;
	_ =	strace $0x80000049;
	[dreg:$0x1] =	wrdreg $0xFFFFFFFF  }
0xa7: {  	s28 =	simm.s32 $_size_execute0_lowered;
	s3 =	sadd.s32 s3, s5;
	[dreg:$0x0] =	wrdreg $0x0  }
0xa8: {  	s5 =	sshll.u32 s28, $0x1;
	[dreg:$0x2] =	wrdreg s3  }
0xa9: {  	[dreg:$0x3] =	wrdreg s5  }
0xaa: {  	[dreg:$0x4] =	wrdreg $0xC0  }
0xab: {  	_ =	task [dreg:s7], $0x5FFFF  }
0xac: {  	[dreg:$0x1] =	wrdreg $0xFFFFFFFF  }
0xad: {  	[dreg:$0x0] =	wrdreg $0x60  }
0xae: {  	[dreg:$0x2] =	wrdreg s24  }
0xaf: {  	[dreg:$0x3] =	wrdreg s2  }
0xb0: {  	[dreg:$0x4] =	wrdreg $0x0  }
0xb1: {  	[dreg:$0x5] =	wrdreg $0x9  }
0xb2: {  	_ =	task.clear_ibuf [dreg:s7], $0x6FFFF;
	_ =	strace $0x90000049  }
0xb3: {  	s29 =	simm.s32 $0x9;
	_ =	strace $0x8000004B  }
0xb4: {  	_ =	swait.ge [sflag:s29], $0x1  }
0xb5: {  	[sflag:s29] =	ssyncadd.s32 $0xFFFFFFFF  }
0xb6: {  	_ =	strace $0x9000004B  }
0xb7: {  	_ =	sfence  }
0xb8: {  	s30 =	sld [smem:$0x0];
	_ =	sdelay $0x2  }
0xb9: {  	s31 =	sshll.u32 s1, $0xD;
	s1 =	sshrl.u32 s1, $0x2  }
0xba: {  	s3 =	sand.u32 $0x4000, s31;
	s1 =	sadd.s32 s1, s30  }
0xbb: {  	s0 =	sor.u32 s3, s0;
	s1 =	sshll.u32 s1, $0x11  }
0xbc: {  	s0 =	sor.u32 s1, s0  }
0xbd: {  	s0 =	sadd.s32 $0x8F2B, s0  }
0xbe: {  	[sflag:s0] =	ssyncadd.remote.s32 $0x1  }
0xbf: {  	_ =	sfence.sel $0xFFFF  }
0xc0: {  	[dreg:$0x0] =	wrdreg $0xFFFFFFFF;
	(pc) =	sbr.abs _section_cstart, $3  }
0xc1: {  	[dreg:$0x1] =	wrdreg $0xFFFFFFFF  }
0xc2: {  	_ =	task.clear_ibuf [dreg:s7], $0x2FFFF;
	_ =	strace $0x9FFFFFFF  }
0xc3: {  	(tm) =	ssettm $0x7FFFFFFF  }
tec
execute0_lowered:
.L_overlay_start_1:
0x0: {  	(tag) =	ssettag $0x1  }
0x1: {  	s0 =	rddreg [dreg:$0x0]  }
0x2: {  	s2 =	rddreg [dreg:$0x1]  }
0x3: {  	s1 =	rddreg [dreg:$0x2];
	s3 =	simm.s32 $0x0;
	s4 =	srdreg.scid  }
0x4: {  	s16 =	stileid.u32;
	s14 =	simm.s32 $0x6;
	s28 =	simm.s32 $0x16800  }
0x5: {  	s30 =	simm.s32 $0x16600;
	s31 =	simm.s32 $0x16680;
	s12 =	simm.s32 $0x16B80  }
0x6: {  	s15 =	simm.s32 $0x0;
	s29 =	simm.s32 $0x0;
	s8 =	smul.u32 $0x13C00, s16  }
0x7: {  	[smem:$0x7FF] =	sst s3;
	s6 =	sand.u32 $0x1, s4;
	s18 =	smul.u32 $0x4F000, s16  }
0x8: {  	s4 =	sadd.s32 $0x4CA00, s0;
	s5 =	sadd.s32 $0x2200, s0;
	s11 =	smul.u32 $0x2800, s16  }
0x9: {  	s10 =	sadd.s32 $0x4A200, s0;
	s21 =	sshll.u32 s16, $0x6;
	s7 =	smul.u32 $0x13C000, s6  }
0xa: {  	_ =	strace $0x8000004A;
	s9 =	sshll.u32 s6, $0x4;
	[dreg:$0x4] =	wrdreg s10  }
0xb: {  	s19 =	ssub.s32 $0x2, s6;
	s6 =	smul.u32 $0x28000, s6;
	s13 =	sor.u32 $0x1C06, s21  }
0xc: {  	s21 =	simm.s32 $0x2;
	s10 =	simm.s32 $0x16A00;
	s17 =	sor.u32 s16, s9  }
0xd: {  	s20 =	sshrl.u32 s19, $0x1;
	s9 =	sshrl.u32 s18, $0x2;
	s18 =	simm.s32 $0x80  }
0xe: {  	s16 =	simm.s32 $0x16B00;
	[dreg:$0x5] =	wrdreg s13;
	s7 =	sadd.s32 s8, s7  }
0xf: {  	s8 =	smul.u32 $0x2800, s17;
	s9 =	sadd.s32 s9, s1;
	s6 =	sadd.s32 s11, s6  }
0x10: {  	s17 =	simm.s32 $0x5;
	s11 =	simm.s32 $0x16A80;
	s7 =	sshrl.u32 s7, $0x3  }
0x11: {  	s23 =	sor.u32 $0x400, s6;
	s26 =	sadd.s32 $0x800, s6;
	s6 =	simm.s32 $0x16880  }
0x12: {  	s0 =	sadd.s32 s7, s0;
	s7 =	ssub.s32 s19, s20;
	s8 =	sshrl.u32 s8, $0x3  }
0x13: {  	s25 =	sshrl.u32 s23, $0x3;
	[dreg:$0xa] =	wrdreg s26;
	s19 =	simm.s32 $0x16C00  }
0x14: {  	s20 =	simm.s32 $0x1AC00;
	s23 =	simm.s32 $0x3;
	s2 =	sadd.s32 s2, s8  }
0x15: {  	s26 =	simm.s32 $0x4;
	s22 =	sadd.s32 s5, s8;
	[dreg:$0x6] =	wrdreg s2  }
.Ltmp0:
0x16: {  	s0 =	sadd.s32 $0x74200, s0;
	[dreg:$0x7] =	wrdreg s22;
	(pc) =	sbr.rel .LBB2_1-.Ltmp0, $4  }
0x17: {  	s24 =	smax.u32 s7, $0x1;
	s7 =	sshrl.u32 s9, $0x3;
	[dreg:$0x8] =	wrdreg s0  }
0x18: {  	s8 =	simm.s32 $0x16900;
	s9 =	simm.s32 $0x16980;
	[dreg:$0x9] =	wrdreg s24  }
0x19: {  	s0 =	sadd.s32 s25, s5;
	s24 =	simm.s32 $0x1;
	[dreg:$0xc] =	wrdreg s7  }
0x1a: {  	s2 =	simm.s32 $0x16780;
	[dreg:$0xb] =	wrdreg s0;
	s0 =	simm.s32 $0x16700  }
.LBB2_4:
0x1b: {  	_ =	swait.ge [sflag:s26], $0x4000  }
0x1c: {  	[sflag:s26] =	ssyncset.done $0x0  }
0x1d: {  	[sflag:s26] =	ssyncadd.s32 $0xFFFFC000  }
0x1e: {  	[bflag:$0x0] =	sbarrier.arrive $0xFFFF  }
0x1f: {  	s13 =	rddreg [dreg:$0x5]  }
0x20: {  	s3 =	rddreg [dreg:$0x8]  }
0x21: {  	s14 =	simm.s32 $0x6;
	s7 =	rddreg [dreg:$0xc]  }
0x22: {  	[hbm:s3], [sflag:s13] =	dma.local [spmem:s7], $0x2780  }
0x23: {  	_ =	swait.ge [sflag:s14], $0x2780  }
0x24: {  	s15 =	rddreg [dreg:$0xd]  }
0x25: {  	s25 =	rddreg [dreg:$0x9];
	s15 =	sadd.s32 $0x1, s15  }
0x26: {  	p0 =	sne.s32 s15, s25  }
.Ltmp1:
0x27: {  	_ = 	snop;
	(pc) =	sbr.rel @!p0 .LBB2_5-.Ltmp1, $3  }
0x28: {  	_ =	sdelay $0x1  }
0x29: {  	[sflag:s14] =	ssyncset.done $0x0  }
0x2a: {  	[sflag:s14] =	ssyncadd.s32 $0xFFFFD880  }
.LBB2_1:
0x2b: {  	[dreg:$0xd] =	wrdreg s15  }
0x2c: {  	s3 =	rddreg [dreg:$0x4]  }
0x2d: {  	[spmem:s7], [sflag:s13] =	dma.local [hbm:s3], $0x2780  }
0x2e: {  	_ =	swait.ge [sflag:s14], $0x2780  }
0x2f: {  	s3 =	simm.s32 $0x0;
	[sflag:s14] =	ssyncset.done $0x0  }
0x30: {  	s13 =	simm.s32 $0x13C00;
	s15 =	rddreg [dreg:$0x6];
	[sflag:s14] =	ssyncadd.s32 $0xFFFFD880  }
0x31: {  	[tilespmem:s13], [sflag:$0x6] =	stream.linear.gather [hbm4b:s15+s3], $0x2800, $0x38;
	[tilespmem:$0x1EC00] =	vst v63  }
0x32: {  	_ =	swait.ge [sflag:s14], $0x2800  }
0x33: {  	[sflag:s14] =	ssyncset.done $0x0  }
0x34: {  	s25 =	simm.s32 $0x16400;
	s22 =	rddreg [dreg:$0x7];
	[sflag:s14] =	ssyncadd.s32 $0xFFFFD800  }
0x35: {  	[tilespmem:s25], [sflag:$0x6] =	stream.linear.gather [hbm4b:s22+s3], $0x400, $0x38;
	[tilespmem:$0x1EC00] =	vst v63  }
0x36: {  	_ =	swait.ge [sflag:s14], $0x400  }
0x37: {  	[sflag:s14] =	ssyncset.done $0x0  }
0x38: {  	[sflag:s14] =	ssyncadd.s32 $0xFFFFFC00  }
0x39: {  	[bflag:$0x0] =	sbarrier.arrive $0xFFFF  }
0x3a: {  	[tilespmem:s19], [sflag:$0x1] =	stream.indirect.gather [hbm4b:s4+s18], $0x80, s13, s18, $0xb8;
	[tilespmem:$0x1EC00] =	vst v63  }
0x3b: {  	s7 =	rddreg [dreg:$0xb]  }
0x3c: {  	s15 =	simm.s32 $0x0;
	s14 =	rddreg [dreg:$0xa]  }
.LBB2_2:
0x3d: {  	p0 =	seq.s32 s15, $0x0  }
0x3e: {  	s13 =	simm.s32 @p0 $0x1  }
0x3f: {  	_ =	swait.ge @p0 [sflag:s13], $0x4000  }
0x40: {  	s3 =	simm.s32 @p0 $0x16400;
	[sflag:s13] =	ssyncset.done @p0 $0x0  }
0x41: {  	s22 =	simm.s32 @p0 $0x16C00;
	[sflag:s13] =	ssyncadd.s32 @p0 $0xFFFFC000;
	s13 =	simm.s32 @p0 $0x80  }
0x42: {  	[spmem:s1] =	stream.indirect.scatter.add.f32 @p0 [tilespmem:s22], [sflag:$0x3], $0x80, s3, s13, $0xb8;
	[tilespmem:$0x1EC00] =	vst v63  }
0x43: {  	s3 =	simm.s32 @!p0 $0x5  }
0x44: {  	_ =	swait.ge @!p0 [sflag:s3], $0x400  }
0x45: {  	[sflag:s3] =	ssyncset.done @!p0 $0x0  }
0x46: {  	[sflag:s3] =	ssyncadd.s32 @!p0 $0xFFFFFC00;
	s3 =	simm.s32 @!p0 $0x1  }
0x47: {  	_ =	swait.ge @!p0 [sflag:s3], $0x4000  }
0x48: {  	s13 =	simm.s32 @!p0 $0x16400;
	[sflag:s3] =	ssyncset.done @!p0 $0x0  }
0x49: {  	s22 =	simm.s32 @!p0 $0x16C00;
	[sflag:s3] =	ssyncadd.s32 @!p0 $0xFFFFC000;
	s3 =	simm.s32 @!p0 $0x80  }
0x4a: {  	[spmem:s1] =	stream.indirect.scatter.add.f32 @!p0 [tilespmem:s22], [sflag:$0x3], $0x80, s13, s3, $0xb8;
	[tilespmem:$0x1EC00] =	vst v63  }
0x4b: {  	s3 =	simm.s32 @!p0 $0x4  }
0x4c: {  	_ =	swait.ge @!p0 [sflag:s3], $0x4000  }
0x4d: {  	s13 =	sshra.s32 s15, $0x2;
	[sflag:s3] =	ssyncset.done @!p0 $0x0  }
0x4e: {  	s22 =	sadd.s32 $0x13C80, s13;
	[sflag:s3] =	ssyncadd.s32 @!p0 $0xFFFFC000  }
0x4f: {  	[tilespmem:s20], [sflag:$0x2] =	stream.indirect.gather [hbm4b:s4+s18], $0x80, s22, s18, $0xb8;
	[tilespmem:$0x1EC00] =	vst v63  }
0x50: {  	_ =	swait.ge [sflag:s21], $0x4000  }
0x51: {  	[sflag:s21] =	ssyncset.done $0x0  }
0x52: {  	s25 =	simm.s32 $0x16480;
	[sflag:s21] =	ssyncadd.s32 $0xFFFFC000  }
0x53: {  	[spmem:s1] =	stream.indirect.scatter.add.f32 [tilespmem:s20], [sflag:$0x4], $0x80, s25, s18, $0xb8;
	[tilespmem:$0x1EC00] =	vst v63  }
0x54: {  	_ =	swait.ge [sflag:s23], $0x4000  }
0x55: {  	[sflag:s23] =	ssyncset.done $0x0  }
0x56: {  	s22 =	sadd.s32 $0x13D00, s13;
	[sflag:s23] =	ssyncadd.s32 $0xFFFFC000  }
0x57: {  	[tilespmem:s19], [sflag:$0x1] =	stream.indirect.gather [hbm4b:s4+s18], $0x80, s22, s18, $0xb8;
	[tilespmem:$0x1EC00] =	vst v63  }
0x58: {  	_ =	swait.ge [sflag:s24], $0x4000  }
0x59: {  	[sflag:s24] =	ssyncset.done $0x0  }
0x5a: {  	s25 =	simm.s32 $0x16500;
	[sflag:s24] =	ssyncadd.s32 $0xFFFFC000  }
0x5b: {  	[spmem:s1] =	stream.indirect.scatter.add.f32 [tilespmem:s19], [sflag:$0x3], $0x80, s25, s18, $0xb8;
	[tilespmem:$0x1EC00] =	vst v63  }
0x5c: {  	_ =	swait.ge [sflag:s26], $0x4000  }
0x5d: {  	[sflag:s26] =	ssyncset.done $0x0  }
0x5e: {  	[sflag:s26] =	ssyncadd.s32 $0xFFFFC000  }
0x5f: {  	[tilespmem:s28], [sflag:$0x5] =	stream.linear.gather [hbm4b:s7+s29], $0x400, $0x38;
	[tilespmem:$0x1EC00] =	vst v63  }
0x60: {  	s22 =	sadd.s32 $0x13D80, s13  }
0x61: {  	[tilespmem:s20], [sflag:$0x2] =	stream.indirect.gather [hbm4b:s4+s18], $0x80, s22, s18, $0xb8;
	[tilespmem:$0x1EC00] =	vst v63  }
0x62: {  	_ =	swait.ge [sflag:s21], $0x4000  }
0x63: {  	[sflag:s21] =	ssyncset.done $0x0  }
0x64: {  	s25 =	simm.s32 $0x16580;
	[sflag:s21] =	ssyncadd.s32 $0xFFFFC000  }
0x65: {  	[spmem:s1] =	stream.indirect.scatter.add.f32 [tilespmem:s20], [sflag:$0x4], $0x80, s25, s18, $0xb8;
	[tilespmem:$0x1EC00] =	vst v63  }
0x66: {  	_ =	swait.ge [sflag:s23], $0x4000  }
0x67: {  	[sflag:s23] =	ssyncset.done $0x0  }
0x68: {  	s22 =	sadd.s32 $0x13E00, s13;
	[sflag:s23] =	ssyncadd.s32 $0xFFFFC000  }
0x69: {  	[tilespmem:s19], [sflag:$0x1] =	stream.indirect.gather [hbm4b:s4+s18], $0x80, s22, s18, $0xb8;
	[tilespmem:$0x1EC00] =	vst v63  }
0x6a: {  	_ =	swait.ge [sflag:s24], $0x4000  }
0x6b: {  	[sflag:s24] =	ssyncset.done $0x0  }
0x6c: {  	[sflag:s24] =	ssyncadd.s32 $0xFFFFC000  }
0x6d: {  	[spmem:s1] =	stream.indirect.scatter.add.f32 [tilespmem:s19], [sflag:$0x3], $0x80, s30, s18, $0xb8;
	[tilespmem:$0x1EC00] =	vst v63  }
0x6e: {  	_ =	swait.ge [sflag:s26], $0x4000  }
0x6f: {  	[sflag:s26] =	ssyncset.done $0x0  }
0x70: {  	s25 =	sadd.s32 $0x13E80, s13;
	[sflag:s26] =	ssyncadd.s32 $0xFFFFC000  }
0x71: {  	[tilespmem:s20], [sflag:$0x2] =	stream.indirect.gather [hbm4b:s4+s18], $0x80, s25, s18, $0xb8;
	[tilespmem:$0x1EC00] =	vst v63  }
0x72: {  	_ =	swait.ge [sflag:s21], $0x4000  }
0x73: {  	[sflag:s21] =	ssyncset.done $0x0  }
0x74: {  	[sflag:s21] =	ssyncadd.s32 $0xFFFFC000  }
0x75: {  	[spmem:s1] =	stream.indirect.scatter.add.f32 [tilespmem:s20], [sflag:$0x4], $0x80, s31, s18, $0xb8;
	[tilespmem:$0x1EC00] =	vst v63  }
0x76: {  	_ =	swait.ge [sflag:s23], $0x4000  }
0x77: {  	[sflag:s23] =	ssyncset.done $0x0  }
0x78: {  	s22 =	sadd.s32 $0x13F00, s13;
	[sflag:s23] =	ssyncadd.s32 $0xFFFFC000  }
0x79: {  	[tilespmem:s19], [sflag:$0x1] =	stream.indirect.gather [hbm4b:s4+s18], $0x80, s22, s18, $0xb8;
	[tilespmem:$0x1EC00] =	vst v63  }
0x7a: {  	_ =	swait.ge [sflag:s24], $0x4000  }
0x7b: {  	[sflag:s24] =	ssyncset.done $0x0  }
0x7c: {  	[sflag:s24] =	ssyncadd.s32 $0xFFFFC000  }
0x7d: {  	[spmem:s1] =	stream.indirect.scatter.add.f32 [tilespmem:s19], [sflag:$0x3], $0x80, s0, s18, $0xb8;
	[tilespmem:$0x1EC00] =	vst v63  }
0x7e: {  	_ =	swait.ge [sflag:s26], $0x4000  }
0x7f: {  	[sflag:s26] =	ssyncset.done $0x0  }
0x80: {  	s25 =	sadd.s32 $0x13F80, s13;
	[sflag:s26] =	ssyncadd.s32 $0xFFFFC000  }
0x81: {  	[tilespmem:s20], [sflag:$0x2] =	stream.indirect.gather [hbm4b:s4+s18], $0x80, s25, s18, $0xb8;
	[tilespmem:$0x1EC00] =	vst v63  }
0x82: {  	_ =	swait.ge [sflag:s21], $0x4000  }
0x83: {  	[sflag:s21] =	ssyncset.done $0x0  }
0x84: {  	[sflag:s21] =	ssyncadd.s32 $0xFFFFC000  }
0x85: {  	[spmem:s1] =	stream.indirect.scatter.add.f32 [tilespmem:s20], [sflag:$0x4], $0x80, s2, s18, $0xb8;
	[tilespmem:$0x1EC00] =	vst v63  }
0x86: {  	_ =	swait.ge [sflag:s23], $0x4000  }
0x87: {  	[sflag:s23] =	ssyncset.done $0x0  }
0x88: {  	s22 =	sadd.s32 $0x14000, s13;
	[sflag:s23] =	ssyncadd.s32 $0xFFFFC000  }
0x89: {  	[tilespmem:s19], [sflag:$0x1] =	stream.indirect.gather [hbm4b:s4+s18], $0x80, s22, s18, $0xb8;
	[tilespmem:$0x1EC00] =	vst v63  }
0x8a: {  	_ =	swait.ge [sflag:s17], $0x400  }
0x8b: {  	[sflag:s17] =	ssyncset.done $0x0  }
0x8c: {  	[sflag:s17] =	ssyncadd.s32 $0xFFFFFC00  }
0x8d: {  	_ =	swait.ge [sflag:s24], $0x4000  }
0x8e: {  	[sflag:s24] =	ssyncset.done $0x0  }
0x8f: {  	[sflag:s24] =	ssyncadd.s32 $0xFFFFC000  }
0x90: {  	[spmem:s1] =	stream.indirect.scatter.add.f32 [tilespmem:s19], [sflag:$0x3], $0x80, s28, s18, $0xb8;
	[tilespmem:$0x1EC00] =	vst v63  }
0x91: {  	_ =	swait.ge [sflag:s26], $0x4000  }
0x92: {  	[sflag:s26] =	ssyncset.done $0x0  }
0x93: {  	s25 =	sadd.s32 $0x14080, s13;
	[sflag:s26] =	ssyncadd.s32 $0xFFFFC000  }
0x94: {  	[tilespmem:s20], [sflag:$0x2] =	stream.indirect.gather [hbm4b:s4+s18], $0x80, s25, s18, $0xb8;
	[tilespmem:$0x1EC00] =	vst v63  }
0x95: {  	_ =	swait.ge [sflag:s21], $0x4000  }
0x96: {  	[sflag:s21] =	ssyncset.done $0x0  }
0x97: {  	[sflag:s21] =	ssyncadd.s32 $0xFFFFC000  }
0x98: {  	[spmem:s1] =	stream.indirect.scatter.add.f32 [tilespmem:s20], [sflag:$0x4], $0x80, s6, s18, $0xb8;
	[tilespmem:$0x1EC00] =	vst v63  }
0x99: {  	_ =	swait.ge [sflag:s23], $0x4000  }
0x9a: {  	[sflag:s23] =	ssyncset.done $0x0  }
0x9b: {  	s22 =	sadd.s32 $0x14100, s13;
	[sflag:s23] =	ssyncadd.s32 $0xFFFFC000  }
0x9c: {  	[tilespmem:s19], [sflag:$0x1] =	stream.indirect.gather [hbm4b:s4+s18], $0x80, s22, s18, $0xb8;
	[tilespmem:$0x1EC00] =	vst v63  }
0x9d: {  	_ =	swait.ge [sflag:s24], $0x4000  }
0x9e: {  	[sflag:s24] =	ssyncset.done $0x0  }
0x9f: {  	p0 =	seq.s32 s15, $0x8000;
	[sflag:s24] =	ssyncadd.s32 $0xFFFFC000  }
0xa0: {  	[spmem:s1] =	stream.indirect.scatter.add.f32 [tilespmem:s19], [sflag:$0x3], $0x80, s8, s18, $0xb8;
	[tilespmem:$0x1EC00] =	vst v63  }
0xa1: {  	s3 =	sshrl.u32 @!p0 s14, $0x3;
	_ =	swait.ge [sflag:s26], $0x4000  }
0xa2: {  	s3 =	sadd.s32 @!p0 s5, s3;
	[sflag:s26] =	ssyncset.done $0x0  }
0xa3: {  	s25 =	simm.s32 @!p0 $0x16400;
	s22 =	simm.s32 @!p0 $0x0;
	[sflag:s26] =	ssyncadd.s32 $0xFFFFC000  }
0xa4: {  	[tilespmem:s25], [sflag:$0x5] =	stream.linear.gather @!p0 [hbm4b:s3+s22], $0x400, $0x38;
	[tilespmem:$0x1EC00] =	vst v63  }
0xa5: {  	s25 =	sadd.s32 $0x14180, s13  }
0xa6: {  	[tilespmem:s20], [sflag:$0x2] =	stream.indirect.gather [hbm4b:s4+s18], $0x80, s25, s18, $0xb8;
	[tilespmem:$0x1EC00] =	vst v63  }
0xa7: {  	_ =	swait.ge [sflag:s21], $0x4000  }
0xa8: {  	[sflag:s21] =	ssyncset.done $0x0  }
0xa9: {  	[sflag:s21] =	ssyncadd.s32 $0xFFFFC000  }
0xaa: {  	[spmem:s1] =	stream.indirect.scatter.add.f32 [tilespmem:s20], [sflag:$0x4], $0x80, s9, s18, $0xb8;
	[tilespmem:$0x1EC00] =	vst v63  }
0xab: {  	_ =	swait.ge [sflag:s23], $0x4000  }
0xac: {  	[sflag:s23] =	ssyncset.done $0x0  }
0xad: {  	s22 =	sadd.s32 $0x14200, s13;
	[sflag:s23] =	ssyncadd.s32 $0xFFFFC000  }
0xae: {  	[tilespmem:s19], [sflag:$0x1] =	stream.indirect.gather [hbm4b:s4+s18], $0x80, s22, s18, $0xb8;
	[tilespmem:$0x1EC00] =	vst v63  }
0xaf: {  	_ =	swait.ge [sflag:s24], $0x4000  }
0xb0: {  	[sflag:s24] =	ssyncset.done $0x0  }
0xb1: {  	[sflag:s24] =	ssyncadd.s32 $0xFFFFC000  }
0xb2: {  	[spmem:s1] =	stream.indirect.scatter.add.f32 [tilespmem:s19], [sflag:$0x3], $0x80, s10, s18, $0xb8;
	[tilespmem:$0x1EC00] =	vst v63  }
0xb3: {  	_ =	swait.ge [sflag:s26], $0x4000  }
0xb4: {  	[sflag:s26] =	ssyncset.done $0x0  }
0xb5: {  	s25 =	sadd.s32 $0x14280, s13;
	[sflag:s26] =	ssyncadd.s32 $0xFFFFC000  }
0xb6: {  	[tilespmem:s20], [sflag:$0x2] =	stream.indirect.gather [hbm4b:s4+s18], $0x80, s25, s18, $0xb8;
	[tilespmem:$0x1EC00] =	vst v63  }
0xb7: {  	_ =	swait.ge [sflag:s21], $0x4000  }
0xb8: {  	[sflag:s21] =	ssyncset.done $0x0  }
0xb9: {  	[sflag:s21] =	ssyncadd.s32 $0xFFFFC000  }
0xba: {  	[spmem:s1] =	stream.indirect.scatter.add.f32 [tilespmem:s20], [sflag:$0x4], $0x80, s11, s18, $0xb8;
	[tilespmem:$0x1EC00] =	vst v63  }
0xbb: {  	_ =	swait.ge [sflag:s23], $0x4000  }
0xbc: {  	[sflag:s23] =	ssyncset.done $0x0  }
0xbd: {  	s22 =	sadd.s32 $0x14300, s13;
	[sflag:s23] =	ssyncadd.s32 $0xFFFFC000  }
0xbe: {  	[tilespmem:s19], [sflag:$0x1] =	stream.indirect.gather [hbm4b:s4+s18], $0x80, s22, s18, $0xb8;
	[tilespmem:$0x1EC00] =	vst v63  }
0xbf: {  	_ =	swait.ge [sflag:s24], $0x4000  }
0xc0: {  	[sflag:s24] =	ssyncset.done $0x0  }
0xc1: {  	[sflag:s24] =	ssyncadd.s32 $0xFFFFC000  }
0xc2: {  	[spmem:s1] =	stream.indirect.scatter.add.f32 [tilespmem:s19], [sflag:$0x3], $0x80, s16, s18, $0xb8;
	[tilespmem:$0x1EC00] =	vst v63  }
0xc3: {  	_ =	swait.ge [sflag:s26], $0x4000  }
0xc4: {  	[sflag:s26] =	ssyncset.done $0x0  }
0xc5: {  	s25 =	sadd.s32 $0x14380, s13;
	[sflag:s26] =	ssyncadd.s32 $0xFFFFC000  }
0xc6: {  	[tilespmem:s20], [sflag:$0x2] =	stream.indirect.gather [hbm4b:s4+s18], $0x80, s25, s18, $0xb8;
	[tilespmem:$0x1EC00] =	vst v63  }
0xc7: {  	_ =	swait.ge [sflag:s21], $0x4000  }
0xc8: {  	[sflag:s21] =	ssyncset.done $0x0  }
.Ltmp2:
0xc9: {  	[sflag:s21] =	ssyncadd.s32 $0xFFFFC000;
	(pc) =	sbr.rel @p0 .LBB2_4-.Ltmp2, $4  }
0xca: {  	[spmem:s1] =	stream.indirect.scatter.add.f32 [tilespmem:s20], [sflag:$0x4], $0x80, s12, s18, $0xb8;
	[tilespmem:$0x1EC00] =	vst v63  }
0xcb: {  	_ =	swait.ge [sflag:s23], $0x4000  }
0xcc: {  	[sflag:s23] =	ssyncset.done $0x0  }
0xcd: {  	[sflag:s23] =	ssyncadd.s32 $0xFFFFC000  }
.Ltmp3:
0xce: {  	(pc) =	sbr.rel .LBB2_2-.Ltmp3, $4  }
0xcf: {  	_ = 	snop  }
0xd0: {  	s3 =	sadd.s32 $0x14400, s13  }
0xd1: {  	s15 =	sadd.s32 $0x2000, s15;
	s14 =	sadd.s32 $0x800, s14;
	s7 =	sadd.s32 $0x100, s7  }
0xd2: {  	[tilespmem:s19], [sflag:$0x1] =	stream.indirect.gather [hbm4b:s4+s18], $0x80, s3, s18, $0xb8;
	[tilespmem:$0x1EC00] =	vst v63  }
.LBB2_5:
0xd3: {  	_ =	sfence.sel $0x180000  }
0xd4: {  	[bflag:$0x0] =	sbarrier.arrive $0xFFFF  }
0xd5: {  	_ =	strace $0x9000004A  }
0xd6: {  	s0 =	stileid.u32;
	[bflag:$0x2] =	sbarrier.arrive $0xFFFF  }
0xd7: {  	p0 =	sne.s32 s0, $0x0;
	s0 =	rddreg [dreg:$0x3]  }
0xd8: {  	s0 =	sadd.s32 @!p0 $0x100000, s0  }
0xd9: {  	[sflag:s0] =	ssyncadd.tile.s32 @!p0 $0x1;
	_ =	shalt  }
.Lfunc_end2:
_tile_overlayer_lowered:
.L_overlay_start_2:
0xda: {  	(tag) =	ssettag $0x2  }
0xdb: {  	s0 =	rddreg [dreg:$0x0];
	s2 =	stileid.u32  }
0xdc: {  	s1 =	rddreg [dreg:$0x1];
	p0 =	sne.s32 s2, $0x0  }
0xdd: {  	s3 =	rddreg [dreg:$0x2];
	[bflag:$0x3] =	sbarrier.arrive $0xFFFF;
	s2 =	simm.s32 @!p0 $0x1C06  }
0xde: {  	[timem:s3], [sflag:s2] =	dma.local @!p0 [hbm:s0], s1  }
0xdf: {  	s0 =	simm.s32 @!p0 $0x6  }
0xe0: {  	_ =	swait.ge @!p0 [sflag:s0], s1  }
0xe1: {  	s1 =	ssub.s32 @!p0 $0x0, s1;
	[sflag:s0] =	ssyncset.done @!p0 $0x0  }
0xe2: {  	[sflag:s0] =	ssyncadd.s32 @!p0 s1  }
0xe3: {  	[bflag:$0x3] =	sbarrier.arrive $0xFFFF  }
0xe4: {  	_ =	shalt  }

// kernel: kernel.14.cloned.1.call-start
scs
__scs_entry_jumppad:
0x0: {  	(pc) =	sbr.rel $0x88, $3  }
0x1: {  	(tag) =	ssettag $0x0;
	lr =	simm.s32 $0x1  }
0x2: {  	[smem:$0x3F9A] =	sst lr;
	_ =	strace $0xD0000000  }
0x3: {  	_ = 	snop  }
0x4: {  	_ = 	snop  }
0x5: {  	_ = 	snop  }
0x6: {  	_ = 	snop  }
0x7: {  	_ = 	snop  }
__scs_overlays_trampoline_lowered:
0x8: {  	[smem:$0x3FA9] =	sst s0  }
0x9: {  	[smem:$0x3FAA] =	sst s1  }
0xa: {  	[smem:$0x3FAB] =	sst s2  }
0xb: {  	[smem:$0x3FAC] =	sst s3  }
0xc: {  	[smem:$0x3FAD] =	sst s4  }
0xd: {  	[smem:$0x3FAE] =	sst s5  }
0xe: {  	[smem:$0x3FAF] =	sst s6  }
0xf: {  	[smem:$0x3FB0] =	sst s7  }
0x10: {  	[smem:$0x3FB1] =	sst s8  }
0x11: {  	[smem:$0x3FB2] =	sst s9;
	s0 =	simm.s32 @!p0 $0x0  }
0x12: {  	s1 =	sld [smem:$0x3F98];
	s0 =	simm.s32 @p0 $0x1  }
0x13: {  	[smem:$0x3FB3] =	sst s0;
	s0 =	simm.s32 @!p1 $0x0  }
0x14: {  	s2 =	sld [smem:$0x3F97];
	s0 =	simm.s32 @p1 $0x1  }
0x15: {  	[smem:$0x3FB4] =	sst s0;
	s0 =	simm.s32 @!p2 $0x0  }
0x16: {  	s3 =	sld [smem:$0x3FDB];
	s0 =	simm.s32 @p2 $0x1  }
0x17: {  	s4 =	simm.s32 $0x1BF5;
	[smem:$0x3FB6] =	sst s0  }
0x18: {  	s0 =	sld [smem:$0x3F99];
	_ =	swait.ge [sflag:s4], $0x0  }
0x19: {  	s7 =	sld [smem:$0x3F9A]  }
0x1a: {  	s8 =	sadd.s32 $0xFFFFE003, lr  }
0x1b: {  	s9 =	sadd.s32 $0xFFFFFEF7, lr;
	s5 =	simm.s32 $0xFFFFFFFF;
	p2 =	slt.u32 s8, $0xFFFFF086  }
0x1c: {  	p1 =	slt.u32 s9, $0xF7A;
	s5 =	simm.s32 @!p2 $0x0  }
0x1d: {  	s5 =	simm.s32 @p1 $0x1;
	p0 =	seq.s32 s7, s2  }
0x1e: {  	s7 =	smul.u32 @!p0 $0xF7A, s2;
	p2 =	seq.s32 @!p0 s5, $0x0  }
0x1f: {  	s9 =	smul.u32 $0xF7A, s1;
	s8 =	simm.s32 @!p0 $0x1BF5;
	p2 =	por !p2, p0  }
0x20: {  	[sflag:s8] =	ssyncset.s32 @!p0 $0xFFFFF086;
	s6 =	sadd.s32 @!p0 s3, s7;
	s7 =	simm.s32 @!p0 $0x108  }
0x21: {  	s3 =	sadd.s32 s3, s9;
	s6 =	sadd.s32 @!p0 $0x88, s6;
	s7 =	simm.s32 @p2 $0x1082  }
0x22: {  	[simem:s7], [sflag:s8] =	dma.local @!p0 [hbm:s6], $0xF7A  }
0x23: {  	s9 =	sor.u32 $0xD0000000, s2;
	s6 =	simm.s32 $0x108;
	_ =	swait.ge @!p0 [sflag:s8], $0x0  }
0x24: {  	s3 =	sadd.s32 $0x88, s3;
	s6 =	simm.s32 @!p1 $0x1082;
	[sflag:s4] =	ssyncset.s32 $0xFFFFF086  }
0x25: {  	[simem:s6], [sflag:s4] =	dma.local [hbm:s3], $0xF7A  }
0x26: {  	[smem:$0x3F9A] =	sst s1;
	(tag) =	ssettag s2;
	_ =	strace s9  }
0x27: {  	s1 =	sld [smem:$0x3FAA]  }
0x28: {  	s2 =	sld [smem:$0x3FAB]  }
0x29: {  	s4 =	sld [smem:$0x3FAD]  }
0x2a: {  	p0 =	seq.s32 s5, $0x0;
	s5 =	sld [smem:$0x3FAE]  }
0x2b: {  	s6 =	sld [smem:$0x3FAF]  }
0x2c: {  	s7 =	sld [smem:$0x3FB0]  }
0x2d: {  	s3 =	simm.s32 $0x108;
	s8 =	sld [smem:$0x3FB1]  }
0x2e: {  	s3 =	simm.s32 @!p0 $0x1082;
	s9 =	sld [smem:$0x3FB2]  }
0x2f: {  	lr =	sadd.s32 s0, s3;
	s0 =	sld [smem:$0x3FA9]  }
0x30: {  	s3 =	sld [smem:$0x3FAC]  }
0x31: {  	[smem:$0x3FB5] =	sst s10  }
0x32: {  	s10 =	sld [smem:$0x3FB3];
	_ =	sdelay $0x3  }
0x33: {  	p0 =	seq.s32 s10, $0x1;
	s10 =	sld [smem:$0x3FB5];
	_ =	sdelay $0x3  }
0x34: {  	[smem:$0x3FB5] =	sst s10  }
0x35: {  	s10 =	sld [smem:$0x3FB4];
	_ =	sdelay $0x3  }
0x36: {  	p1 =	seq.s32 s10, $0x1;
	s10 =	sld [smem:$0x3FB5];
	_ =	sdelay $0x3  }
0x37: {  	[smem:$0x3FB5] =	sst s10  }
0x38: {  	s10 =	sld [smem:$0x3FB6]  }
0x39: {  	_ = 	snop;
	(pc) =	sbr.ind lr, $3  }
0x3a: {  	_ = 	snop  }
0x3b: {  	_ = 	snop  }
0x3c: {  	p2 =	seq.s32 s10, $0x1;
	s10 =	sld [smem:$0x3FB5]  }
0x3d: {  	_ =	shalt  }
0x3e: {  	_ =	shalt  }
0x3f: {  	_ =	shalt  }
0x40: {  	_ =	shalt  }
0x41: {  	_ =	shalt  }
0x42: {  	_ =	shalt  }
0x43: {  	_ =	shalt  }
0x44: {  	_ =	shalt  }
0x45: {  	_ =	shalt  }
0x46: {  	_ =	shalt  }
0x47: {  	_ =	shalt  }
0x48: {  	_ =	shalt  }
0x49: {  	_ =	shalt  }
0x4a: {  	_ =	shalt  }
0x4b: {  	_ =	shalt  }
0x4c: {  	_ =	shalt  }
0x4d: {  	_ =	shalt  }
0x4e: {  	_ =	shalt  }
0x4f: {  	_ =	shalt  }
0x50: {  	_ =	shalt  }
0x51: {  	_ =	shalt  }
0x52: {  	_ =	shalt  }
0x53: {  	_ =	shalt  }
0x54: {  	_ =	shalt  }
0x55: {  	_ =	shalt  }
0x56: {  	_ =	shalt  }
0x57: {  	_ =	shalt  }
0x58: {  	_ =	shalt  }
0x59: {  	_ =	shalt  }
0x5a: {  	_ =	shalt  }
0x5b: {  	_ =	shalt  }
0x5c: {  	_ =	shalt  }
0x5d: {  	_ =	shalt  }
0x5e: {  	_ =	shalt  }
0x5f: {  	_ =	shalt  }
0x60: {  	_ =	shalt  }
0x61: {  	_ =	shalt  }
0x62: {  	_ =	shalt  }
0x63: {  	_ =	shalt  }
0x64: {  	_ =	shalt  }
0x65: {  	_ =	shalt  }
0x66: {  	_ =	shalt  }
0x67: {  	_ =	shalt  }
0x68: {  	_ =	shalt  }
0x69: {  	_ =	shalt  }
0x6a: {  	_ =	shalt  }
0x6b: {  	_ =	shalt  }
0x6c: {  	_ =	shalt  }
0x6d: {  	_ =	shalt  }
0x6e: {  	_ =	shalt  }
0x6f: {  	_ =	shalt  }
0x70: {  	_ =	shalt  }
0x71: {  	_ =	shalt  }
0x72: {  	_ =	shalt  }
0x73: {  	_ =	shalt  }
0x74: {  	_ =	shalt  }
0x75: {  	_ =	shalt  }
0x76: {  	_ =	shalt  }
0x77: {  	_ =	shalt  }
0x78: {  	_ =	shalt  }
0x79: {  	_ =	shalt  }
0x7a: {  	_ =	shalt  }
0x7b: {  	_ =	shalt  }
0x7c: {  	_ =	shalt  }
0x7d: {  	_ =	shalt  }
0x7e: {  	_ =	shalt  }
0x7f: {  	_ =	shalt  }
0x80: {  	_ =	shalt  }
0x81: {  	_ =	shalt  }
0x82: {  	_ =	shalt  }
0x83: {  	_ =	shalt  }
0x84: {  	_ =	shalt  }
0x85: {  	_ =	shalt  }
0x86: {  	_ =	shalt  }
0x87: {  	_ =	shalt  }
.Lfunc_end0:
.L_simem_size_0:
called_computation.2_lowered:
.L_overlay_start_0:
0x88: {  	s2 =	sld [smem:$0x3FD9]  }
0x89: {  	s3 =	sld [smem:$0x3FFE];
	_ =	sdelay $0x1  }
0x8a: {  	s1 =	srdreg.scid  }
0x8b: {  	s0 =	sand.u32 $0x1, s1  }
0x8c: {  	s16 =	sshll.u32 s0, $0xA;
	s2 =	sadd.s32 s3, s2  }
0x8d: {  	s2 =	sadd.s32 s2, s16  }
0x8e: {  	[smem:$0x3FC1] =	sst s2  }
0x8f: {  	_ = 	snop  }
0x90: {  	(tm) =	ssettm $0x1  }
0x91: {  	s17 =	sld [smem:$0x3FFB];
	_ =	sdelay $0x3  }
0x92: {  	_ =	strace s17  }
0x93: {  	s2 =	sld [smem:$0x3FFC];
	_ =	sdelay $0x3  }
0x94: {  	_ =	strace s2  }
0x95: {  	s2 =	sld [smem:$0x3FFD];
	_ =	sdelay $0x3  }
0x96: {  	_ =	strace s2  }
0x97: {  	_ =	strace $0x8FFFFFFF  }
0x98: {  	s18 =	sld [smem:$0x3FDB];
	_ =	sdelay $0x1  }
0x99: {  	s19 =	simm.s32 $_scs_section_size  }
0x9a: {  	s4 =	simm.s32 $_size__tile_overlayer_lowered;
	s5 =	simm.s32 $_tile_overlayer_lowered  }
0x9b: {  	s22 =	simm.s32 $0x1BFF;
	s21 =	sshll.u32 s5, $0x1;
	s2 =	sadd.s32 s19, s18  }
0x9c: {  	s6 =	simm.s32 $0x0;
	s20 =	sshll.u32 s4, $0x1;
	s4 =	sadd.s32 s21, s2  }
0x9d: {  	[timem:s6], [sflag:s22] =	dma.local [hbm:s4], s20  }
0x9e: {  	_ =	swait.ge [sflag:s22], s20  }
0x9f: {  	s3 =	ssub.s32 $0x0, s20;
	[sflag:s22] =	ssyncset.done $0x0  }
0xa0: {  	[sflag:s22] =	ssyncadd.s32 s3;
	_ =	sdelay $0x1  }
0xa1: {  	s23 =	simm.s32 $0x1B8B  }
0xa2: {  	_ =	swait.ge [sflag:s23], $0x1  }
0xa3: {  	[sflag:s23] =	ssyncset.done $0x0  }
0xa4: {  	s25 =	simm.s32 $0x1B8E;
	s24 =	sld [smem:$0x3FFE];
	[sflag:s23] =	ssyncadd.s32 $0xFFFFFFFF  }
0xa5: {  	s26 =	simm.s32 $execute0_lowered;
	[smem:$0x3FD2] =	sst s25  }
0xa6: {  	s4 =	sshll.u32 s26, $0x1;
	_ =	strace $0x8000004C;
	[dreg:$0x1] =	wrdreg $0xFFFFFFFF  }
0xa7: {  	s28 =	simm.s32 $_size_execute0_lowered;
	s2 =	sadd.s32 s2, s4;
	[dreg:$0x0] =	wrdreg $0x0  }
0xa8: {  	s4 =	sshll.u32 s28, $0x1;
	[dreg:$0x2] =	wrdreg s2  }
0xa9: {  	[dreg:$0x3] =	wrdreg s4  }
0xaa: {  	[dreg:$0x4] =	wrdreg $0xC0  }
0xab: {  	_ =	task [dreg:s6], $0x5FFFF  }
0xac: {  	[dreg:$0x1] =	wrdreg $0xFFFFFFFF  }
0xad: {  	[dreg:$0x0] =	wrdreg $0x60  }
0xae: {  	[dreg:$0x2] =	wrdreg s24  }
0xaf: {  	[dreg:$0x3] =	wrdreg $0x0  }
0xb0: {  	[dreg:$0x4] =	wrdreg $0x9  }
0xb1: {  	_ =	task.clear_ibuf [dreg:s6], $0x5FFFF;
	_ =	strace $0x9000004C  }
0xb2: {  	s29 =	simm.s32 $0x9;
	_ =	strace $0x8000004E  }
0xb3: {  	_ =	swait.ge [sflag:s29], $0x1  }
0xb4: {  	[sflag:s29] =	ssyncadd.s32 $0xFFFFFFFF  }
0xb5: {  	_ =	strace $0x9000004E  }
0xb6: {  	_ =	sfence  }
0xb7: {  	s30 =	sld [smem:$0x0];
	_ =	sdelay $0x2  }
0xb8: {  	s31 =	sshll.u32 s1, $0xD;
	s1 =	sshrl.u32 s1, $0x2  }
0xb9: {  	s3 =	sand.u32 $0x4000, s31;
	s1 =	sadd.s32 s1, s30  }
0xba: {  	s0 =	sor.u32 s3, s0;
	s1 =	sshll.u32 s1, $0x11  }
0xbb: {  	s0 =	sor.u32 s1, s0  }
0xbc: {  	s0 =	sadd.s32 $0x8F2B, s0  }
0xbd: {  	[sflag:s0] =	ssyncadd.remote.s32 $0x1  }
0xbe: {  	_ =	sfence.sel $0xFFFF  }
0xbf: {  	[dreg:$0x0] =	wrdreg $0xFFFFFFFF;
	(pc) =	sbr.abs _section_cstart, $3  }
0xc0: {  	[dreg:$0x1] =	wrdreg $0xFFFFFFFF  }
0xc1: {  	_ =	task.clear_ibuf [dreg:s6], $0x2FFFF;
	_ =	strace $0x9FFFFFFF  }
0xc2: {  	(tm) =	ssettm $0x7FFFFFFF  }
0xc3: {  	_ =	shalt  }
tec
execute0_lowered:
.L_overlay_start_1:
0x0: {  	(tag) =	ssettag $0x1  }
0x1: {  	s0 =	srdreg.scid;
	s1 =	rddreg [dreg:$0x0]  }
0x2: {  	s12 =	stileid.u32;
	s2 =	rddreg [dreg:$0x1];
	s16 =	simm.s32 $0x0  }
0x3: {  	s14 =	simm.s32 $0x6;
	s28 =	simm.s32 $0x16800;
	s30 =	simm.s32 $0x16600  }
0x4: {  	s31 =	simm.s32 $0x16680;
	s15 =	simm.s32 $0x0;
	s29 =	simm.s32 $0x0  }
0x5: {  	s0 =	sand.u32 $0x1, s0;
	[smem:$0x7FF] =	sst s16;
	s8 =	smul.u32 $0x13C00, s12  }
0x6: {  	s5 =	sadd.s32 $0x16200, s1;
	s17 =	sadd.s32 $0x4A200, s1;
	s18 =	smul.u32 $0x4F000, s12  }
0x7: {  	s11 =	smul.u32 $0x2800, s12;
	s20 =	sshll.u32 s12, $0x6;
	s16 =	simm.s32 $0x16B00  }
0x8: {  	s3 =	sshll.u32 s0, $0x4;
	s6 =	smul.u32 $0x13C000, s0;
	_ =	strace $0x8000004D  }
0x9: {  	[dreg:$0x3] =	wrdreg s17;
	s10 =	ssub.s32 $0x2, s0;
	s0 =	smul.u32 $0x28000, s0  }
0xa: {  	s13 =	sor.u32 $0x1C06, s20;
	s20 =	simm.s32 $0x1AC00;
	s17 =	simm.s32 $0x5  }
0xb: {  	s4 =	sor.u32 s12, s3;
	s19 =	sshrl.u32 s10, $0x1;
	s12 =	simm.s32 $0x16B80  }
0xc: {  	[dreg:$0x4] =	wrdreg s13;
	s4 =	smul.u32 $0x2800, s4;
	s6 =	sadd.s32 s8, s6  }
0xd: {  	s8 =	sshrl.u32 s18, $0x2;
	s0 =	sadd.s32 s11, s0;
	s18 =	simm.s32 $0x80  }
0xe: {  	s11 =	simm.s32 $0x16A80;
	s6 =	sshrl.u32 s6, $0x3;
	s8 =	sadd.s32 s8, s2  }
0xf: {  	s23 =	sor.u32 $0x400, s0;
	s0 =	sadd.s32 $0x800, s0;
	s7 =	sshrl.u32 s4, $0x3  }
0x10: {  	s4 =	sadd.s32 $0x4CA00, s1;
	s25 =	sshrl.u32 s23, $0x3;
	[dreg:$0x9] =	wrdreg s0  }
0x11: {  	s23 =	simm.s32 $0x3;
	s0 =	simm.s32 $0x16780;
	s9 =	sadd.s32 s7, s1  }
0x12: {  	s1 =	sadd.s32 s6, s1;
	s6 =	ssub.s32 s10, s19;
	s22 =	sadd.s32 s5, s7  }
0x13: {  	s26 =	sadd.s32 s25, s5;
	s7 =	sshrl.u32 s8, $0x3;
	[dreg:$0x6] =	wrdreg s22  }
0x14: {  	s19 =	simm.s32 $0x16C00;
	s8 =	simm.s32 $0x16900;
	[dreg:$0xa] =	wrdreg s26  }
.Ltmp0:
0x15: {  	s21 =	sadd.s32 $0xC200, s9;
	[dreg:$0xb] =	wrdreg s7;
	(pc) =	sbr.rel .LBB2_1-.Ltmp0, $4  }
0x16: {  	s10 =	simm.s32 $0x16A00;
	s1 =	sadd.s32 $0x74200, s1;
	[dreg:$0x5] =	wrdreg s21  }
0x17: {  	s24 =	smax.u32 s6, $0x1;
	s26 =	simm.s32 $0x4;
	[dreg:$0x7] =	wrdreg s1  }
0x18: {  	s6 =	simm.s32 $0x16880;
	s9 =	simm.s32 $0x16980;
	[dreg:$0x8] =	wrdreg s24  }
0x19: {  	s21 =	simm.s32 $0x2;
	s24 =	simm.s32 $0x1;
	s1 =	simm.s32 $0x16700  }
.LBB2_4:
0x1a: {  	_ =	swait.ge [sflag:s26], $0x4000  }
0x1b: {  	[sflag:s26] =	ssyncset.done $0x0  }
0x1c: {  	[sflag:s26] =	ssyncadd.s32 $0xFFFFC000  }
0x1d: {  	[bflag:$0x0] =	sbarrier.arrive $0xFFFF  }
0x1e: {  	s13 =	rddreg [dreg:$0x4]  }
0x1f: {  	s3 =	rddreg [dreg:$0x7]  }
0x20: {  	s14 =	simm.s32 $0x6;
	s7 =	rddreg [dreg:$0xb]  }
0x21: {  	[hbm:s3], [sflag:s13] =	dma.local [spmem:s7], $0x2780  }
0x22: {  	_ =	swait.ge [sflag:s14], $0x2780  }
0x23: {  	s15 =	rddreg [dreg:$0xc]  }
0x24: {  	s25 =	rddreg [dreg:$0x8];
	s15 =	sadd.s32 $0x1, s15  }
0x25: {  	p0 =	sne.s32 s15, s25  }
.Ltmp1:
0x26: {  	_ = 	snop;
	(pc) =	sbr.rel @!p0 .LBB2_5-.Ltmp1, $3  }
0x27: {  	_ =	sdelay $0x1  }
0x28: {  	[sflag:s14] =	ssyncset.done $0x0  }
0x29: {  	[sflag:s14] =	ssyncadd.s32 $0xFFFFD880  }
.LBB2_1:
0x2a: {  	[dreg:$0xc] =	wrdreg s15  }
0x2b: {  	s3 =	rddreg [dreg:$0x3]  }
0x2c: {  	[spmem:s7], [sflag:s13] =	dma.local [hbm:s3], $0x2780  }
0x2d: {  	_ =	swait.ge [sflag:s14], $0x2780  }
0x2e: {  	s3 =	simm.s32 $0x0;
	[sflag:s14] =	ssyncset.done $0x0  }
0x2f: {  	s13 =	simm.s32 $0x13C00;
	s15 =	rddreg [dreg:$0x5];
	[sflag:s14] =	ssyncadd.s32 $0xFFFFD880  }
0x30: {  	[tilespmem:s13], [sflag:$0x6] =	stream.linear.gather [hbm4b:s15+s3], $0x2800, $0x38;
	[tilespmem:$0x1EC00] =	vst v63  }
0x31: {  	_ =	swait.ge [sflag:s14], $0x2800  }
0x32: {  	[sflag:s14] =	ssyncset.done $0x0  }
0x33: {  	s25 =	simm.s32 $0x16400;
	s22 =	rddreg [dreg:$0x6];
	[sflag:s14] =	ssyncadd.s32 $0xFFFFD800  }
0x34: {  	[tilespmem:s25], [sflag:$0x6] =	stream.linear.gather [hbm4b:s22+s3], $0x400, $0x38;
	[tilespmem:$0x1EC00] =	vst v63  }
0x35: {  	_ =	swait.ge [sflag:s14], $0x400  }
0x36: {  	[sflag:s14] =	ssyncset.done $0x0  }
0x37: {  	[sflag:s14] =	ssyncadd.s32 $0xFFFFFC00  }
0x38: {  	[bflag:$0x0] =	sbarrier.arrive $0xFFFF  }
0x39: {  	[tilespmem:s19], [sflag:$0x1] =	stream.indirect.gather [hbm4b:s4+s18], $0x80, s13, s18, $0xb8;
	[tilespmem:$0x1EC00] =	vst v63  }
0x3a: {  	s7 =	rddreg [dreg:$0xa]  }
0x3b: {  	s15 =	simm.s32 $0x0;
	s14 =	rddreg [dreg:$0x9]  }
.LBB2_2:
0x3c: {  	p0 =	seq.s32 s15, $0x0  }
0x3d: {  	s13 =	simm.s32 @p0 $0x1  }
0x3e: {  	_ =	swait.ge @p0 [sflag:s13], $0x4000  }
0x3f: {  	s3 =	simm.s32 @p0 $0x16400;
	[sflag:s13] =	ssyncset.done @p0 $0x0  }
0x40: {  	s22 =	simm.s32 @p0 $0x16C00;
	[sflag:s13] =	ssyncadd.s32 @p0 $0xFFFFC000;
	s13 =	simm.s32 @p0 $0x80  }
0x41: {  	[spmem:s2] =	stream.indirect.scatter.add.f32 @p0 [tilespmem:s22], [sflag:$0x3], $0x80, s3, s13, $0xb8;
	[tilespmem:$0x1EC00] =	vst v63  }
0x42: {  	s3 =	simm.s32 @!p0 $0x5  }
0x43: {  	_ =	swait.ge @!p0 [sflag:s3], $0x400  }
0x44: {  	[sflag:s3] =	ssyncset.done @!p0 $0x0  }
0x45: {  	[sflag:s3] =	ssyncadd.s32 @!p0 $0xFFFFFC00;
	s3 =	simm.s32 @!p0 $0x1  }
0x46: {  	_ =	swait.ge @!p0 [sflag:s3], $0x4000  }
0x47: {  	s13 =	simm.s32 @!p0 $0x16400;
	[sflag:s3] =	ssyncset.done @!p0 $0x0  }
0x48: {  	s22 =	simm.s32 @!p0 $0x16C00;
	[sflag:s3] =	ssyncadd.s32 @!p0 $0xFFFFC000;
	s3 =	simm.s32 @!p0 $0x80  }
0x49: {  	[spmem:s2] =	stream.indirect.scatter.add.f32 @!p0 [tilespmem:s22], [sflag:$0x3], $0x80, s13, s3, $0xb8;
	[tilespmem:$0x1EC00] =	vst v63  }
0x4a: {  	s3 =	simm.s32 @!p0 $0x4  }
0x4b: {  	_ =	swait.ge @!p0 [sflag:s3], $0x4000  }
0x4c: {  	s13 =	sshra.s32 s15, $0x2;
	[sflag:s3] =	ssyncset.done @!p0 $0x0  }
0x4d: {  	s22 =	sadd.s32 $0x13C80, s13;
	[sflag:s3] =	ssyncadd.s32 @!p0 $0xFFFFC000  }
0x4e: {  	[tilespmem:s20], [sflag:$0x2] =	stream.indirect.gather [hbm4b:s4+s18], $0x80, s22, s18, $0xb8;
	[tilespmem:$0x1EC00] =	vst v63  }
0x4f: {  	_ =	swait.ge [sflag:s21], $0x4000  }
0x50: {  	[sflag:s21] =	ssyncset.done $0x0  }
0x51: {  	s25 =	simm.s32 $0x16480;
	[sflag:s21] =	ssyncadd.s32 $0xFFFFC000  }
0x52: {  	[spmem:s2] =	stream.indirect.scatter.add.f32 [tilespmem:s20], [sflag:$0x4], $0x80, s25, s18, $0xb8;
	[tilespmem:$0x1EC00] =	vst v63  }
0x53: {  	_ =	swait.ge [sflag:s23], $0x4000  }
0x54: {  	[sflag:s23] =	ssyncset.done $0x0  }
0x55: {  	s22 =	sadd.s32 $0x13D00, s13;
	[sflag:s23] =	ssyncadd.s32 $0xFFFFC000  }
0x56: {  	[tilespmem:s19], [sflag:$0x1] =	stream.indirect.gather [hbm4b:s4+s18], $0x80, s22, s18, $0xb8;
	[tilespmem:$0x1EC00] =	vst v63  }
0x57: {  	_ =	swait.ge [sflag:s24], $0x4000  }
0x58: {  	[sflag:s24] =	ssyncset.done $0x0  }
0x59: {  	s25 =	simm.s32 $0x16500;
	[sflag:s24] =	ssyncadd.s32 $0xFFFFC000  }
0x5a: {  	[spmem:s2] =	stream.indirect.scatter.add.f32 [tilespmem:s19], [sflag:$0x3], $0x80, s25, s18, $0xb8;
	[tilespmem:$0x1EC00] =	vst v63  }
0x5b: {  	_ =	swait.ge [sflag:s26], $0x4000  }
0x5c: {  	[sflag:s26] =	ssyncset.done $0x0  }
0x5d: {  	[sflag:s26] =	ssyncadd.s32 $0xFFFFC000  }
0x5e: {  	[tilespmem:s28], [sflag:$0x5] =	stream.linear.gather [hbm4b:s7+s29], $0x400, $0x38;
	[tilespmem:$0x1EC00] =	vst v63  }
0x5f: {  	s22 =	sadd.s32 $0x13D80, s13  }
0x60: {  	[tilespmem:s20], [sflag:$0x2] =	stream.indirect.gather [hbm4b:s4+s18], $0x80, s22, s18, $0xb8;
	[tilespmem:$0x1EC00] =	vst v63  }
0x61: {  	_ =	swait.ge [sflag:s21], $0x4000  }
0x62: {  	[sflag:s21] =	ssyncset.done $0x0  }
0x63: {  	s25 =	simm.s32 $0x16580;
	[sflag:s21] =	ssyncadd.s32 $0xFFFFC000  }
0x64: {  	[spmem:s2] =	stream.indirect.scatter.add.f32 [tilespmem:s20], [sflag:$0x4], $0x80, s25, s18, $0xb8;
	[tilespmem:$0x1EC00] =	vst v63  }
0x65: {  	_ =	swait.ge [sflag:s23], $0x4000  }
0x66: {  	[sflag:s23] =	ssyncset.done $0x0  }
0x67: {  	s22 =	sadd.s32 $0x13E00, s13;
	[sflag:s23] =	ssyncadd.s32 $0xFFFFC000  }
0x68: {  	[tilespmem:s19], [sflag:$0x1] =	stream.indirect.gather [hbm4b:s4+s18], $0x80, s22, s18, $0xb8;
	[tilespmem:$0x1EC00] =	vst v63  }
0x69: {  	_ =	swait.ge [sflag:s24], $0x4000  }
0x6a: {  	[sflag:s24] =	ssyncset.done $0x0  }
0x6b: {  	[sflag:s24] =	ssyncadd.s32 $0xFFFFC000  }
0x6c: {  	[spmem:s2] =	stream.indirect.scatter.add.f32 [tilespmem:s19], [sflag:$0x3], $0x80, s30, s18, $0xb8;
	[tilespmem:$0x1EC00] =	vst v63  }
0x6d: {  	_ =	swait.ge [sflag:s26], $0x4000  }
0x6e: {  	[sflag:s26] =	ssyncset.done $0x0  }
0x6f: {  	s25 =	sadd.s32 $0x13E80, s13;
	[sflag:s26] =	ssyncadd.s32 $0xFFFFC000  }
0x70: {  	[tilespmem:s20], [sflag:$0x2] =	stream.indirect.gather [hbm4b:s4+s18], $0x80, s25, s18, $0xb8;
	[tilespmem:$0x1EC00] =	vst v63  }
0x71: {  	_ =	swait.ge [sflag:s21], $0x4000  }
0x72: {  	[sflag:s21] =	ssyncset.done $0x0  }
0x73: {  	[sflag:s21] =	ssyncadd.s32 $0xFFFFC000  }
0x74: {  	[spmem:s2] =	stream.indirect.scatter.add.f32 [tilespmem:s20], [sflag:$0x4], $0x80, s31, s18, $0xb8;
	[tilespmem:$0x1EC00] =	vst v63  }
0x75: {  	_ =	swait.ge [sflag:s23], $0x4000  }
0x76: {  	[sflag:s23] =	ssyncset.done $0x0  }
0x77: {  	s22 =	sadd.s32 $0x13F00, s13;
	[sflag:s23] =	ssyncadd.s32 $0xFFFFC000  }
0x78: {  	[tilespmem:s19], [sflag:$0x1] =	stream.indirect.gather [hbm4b:s4+s18], $0x80, s22, s18, $0xb8;
	[tilespmem:$0x1EC00] =	vst v63  }
0x79: {  	_ =	swait.ge [sflag:s24], $0x4000  }
0x7a: {  	[sflag:s24] =	ssyncset.done $0x0  }
0x7b: {  	[sflag:s24] =	ssyncadd.s32 $0xFFFFC000  }
0x7c: {  	[spmem:s2] =	stream.indirect.scatter.add.f32 [tilespmem:s19], [sflag:$0x3], $0x80, s1, s18, $0xb8;
	[tilespmem:$0x1EC00] =	vst v63  }
0x7d: {  	_ =	swait.ge [sflag:s26], $0x4000  }
0x7e: {  	[sflag:s26] =	ssyncset.done $0x0  }
0x7f: {  	s25 =	sadd.s32 $0x13F80, s13;
	[sflag:s26] =	ssyncadd.s32 $0xFFFFC000  }
0x80: {  	[tilespmem:s20], [sflag:$0x2] =	stream.indirect.gather [hbm4b:s4+s18], $0x80, s25, s18, $0xb8;
	[tilespmem:$0x1EC00] =	vst v63  }
0x81: {  	_ =	swait.ge [sflag:s21], $0x4000  }
0x82: {  	[sflag:s21] =	ssyncset.done $0x0  }
0x83: {  	[sflag:s21] =	ssyncadd.s32 $0xFFFFC000  }
0x84: {  	[spmem:s2] =	stream.indirect.scatter.add.f32 [tilespmem:s20], [sflag:$0x4], $0x80, s0, s18, $0xb8;
	[tilespmem:$0x1EC00] =	vst v63  }
0x85: {  	_ =	swait.ge [sflag:s23], $0x4000  }
0x86: {  	[sflag:s23] =	ssyncset.done $0x0  }
0x87: {  	s22 =	sadd.s32 $0x14000, s13;
	[sflag:s23] =	ssyncadd.s32 $0xFFFFC000  }
0x88: {  	[tilespmem:s19], [sflag:$0x1] =	stream.indirect.gather [hbm4b:s4+s18], $0x80, s22, s18, $0xb8;
	[tilespmem:$0x1EC00] =	vst v63  }
0x89: {  	_ =	swait.ge [sflag:s17], $0x400  }
0x8a: {  	[sflag:s17] =	ssyncset.done $0x0  }
0x8b: {  	[sflag:s17] =	ssyncadd.s32 $0xFFFFFC00  }
0x8c: {  	_ =	swait.ge [sflag:s24], $0x4000  }
0x8d: {  	[sflag:s24] =	ssyncset.done $0x0  }
0x8e: {  	[sflag:s24] =	ssyncadd.s32 $0xFFFFC000  }
0x8f: {  	[spmem:s2] =	stream.indirect.scatter.add.f32 [tilespmem:s19], [sflag:$0x3], $0x80, s28, s18, $0xb8;
	[tilespmem:$0x1EC00] =	vst v63  }
0x90: {  	_ =	swait.ge [sflag:s26], $0x4000  }
0x91: {  	[sflag:s26] =	ssyncset.done $0x0  }
0x92: {  	s25 =	sadd.s32 $0x14080, s13;
	[sflag:s26] =	ssyncadd.s32 $0xFFFFC000  }
0x93: {  	[tilespmem:s20], [sflag:$0x2] =	stream.indirect.gather [hbm4b:s4+s18], $0x80, s25, s18, $0xb8;
	[tilespmem:$0x1EC00] =	vst v63  }
0x94: {  	_ =	swait.ge [sflag:s21], $0x4000  }
0x95: {  	[sflag:s21] =	ssyncset.done $0x0  }
0x96: {  	[sflag:s21] =	ssyncadd.s32 $0xFFFFC000  }
0x97: {  	[spmem:s2] =	stream.indirect.scatter.add.f32 [tilespmem:s20], [sflag:$0x4], $0x80, s6, s18, $0xb8;
	[tilespmem:$0x1EC00] =	vst v63  }
0x98: {  	_ =	swait.ge [sflag:s23], $0x4000  }
0x99: {  	[sflag:s23] =	ssyncset.done $0x0  }
0x9a: {  	s22 =	sadd.s32 $0x14100, s13;
	[sflag:s23] =	ssyncadd.s32 $0xFFFFC000  }
0x9b: {  	[tilespmem:s19], [sflag:$0x1] =	stream.indirect.gather [hbm4b:s4+s18], $0x80, s22, s18, $0xb8;
	[tilespmem:$0x1EC00] =	vst v63  }
0x9c: {  	_ =	swait.ge [sflag:s24], $0x4000  }
0x9d: {  	[sflag:s24] =	ssyncset.done $0x0  }
0x9e: {  	p0 =	seq.s32 s15, $0x8000;
	[sflag:s24] =	ssyncadd.s32 $0xFFFFC000  }
0x9f: {  	[spmem:s2] =	stream.indirect.scatter.add.f32 [tilespmem:s19], [sflag:$0x3], $0x80, s8, s18, $0xb8;
	[tilespmem:$0x1EC00] =	vst v63  }
0xa0: {  	s3 =	sshrl.u32 @!p0 s14, $0x3;
	_ =	swait.ge [sflag:s26], $0x4000  }
0xa1: {  	s3 =	sadd.s32 @!p0 s5, s3;
	[sflag:s26] =	ssyncset.done $0x0  }
0xa2: {  	s25 =	simm.s32 @!p0 $0x16400;
	s22 =	simm.s32 @!p0 $0x0;
	[sflag:s26] =	ssyncadd.s32 $0xFFFFC000  }
0xa3: {  	[tilespmem:s25], [sflag:$0x5] =	stream.linear.gather @!p0 [hbm4b:s3+s22], $0x400, $0x38;
	[tilespmem:$0x1EC00] =	vst v63  }
0xa4: {  	s25 =	sadd.s32 $0x14180, s13  }
0xa5: {  	[tilespmem:s20], [sflag:$0x2] =	stream.indirect.gather [hbm4b:s4+s18], $0x80, s25, s18, $0xb8;
	[tilespmem:$0x1EC00] =	vst v63  }
0xa6: {  	_ =	swait.ge [sflag:s21], $0x4000  }
0xa7: {  	[sflag:s21] =	ssyncset.done $0x0  }
0xa8: {  	[sflag:s21] =	ssyncadd.s32 $0xFFFFC000  }
0xa9: {  	[spmem:s2] =	stream.indirect.scatter.add.f32 [tilespmem:s20], [sflag:$0x4], $0x80, s9, s18, $0xb8;
	[tilespmem:$0x1EC00] =	vst v63  }
0xaa: {  	_ =	swait.ge [sflag:s23], $0x4000  }
0xab: {  	[sflag:s23] =	ssyncset.done $0x0  }
0xac: {  	s22 =	sadd.s32 $0x14200, s13;
	[sflag:s23] =	ssyncadd.s32 $0xFFFFC000  }
0xad: {  	[tilespmem:s19], [sflag:$0x1] =	stream.indirect.gather [hbm4b:s4+s18], $0x80, s22, s18, $0xb8;
	[tilespmem:$0x1EC00] =	vst v63  }
0xae: {  	_ =	swait.ge [sflag:s24], $0x4000  }
0xaf: {  	[sflag:s24] =	ssyncset.done $0x0  }
0xb0: {  	[sflag:s24] =	ssyncadd.s32 $0xFFFFC000  }
0xb1: {  	[spmem:s2] =	stream.indirect.scatter.add.f32 [tilespmem:s19], [sflag:$0x3], $0x80, s10, s18, $0xb8;
	[tilespmem:$0x1EC00] =	vst v63  }
0xb2: {  	_ =	swait.ge [sflag:s26], $0x4000  }
0xb3: {  	[sflag:s26] =	ssyncset.done $0x0  }
0xb4: {  	s25 =	sadd.s32 $0x14280, s13;
	[sflag:s26] =	ssyncadd.s32 $0xFFFFC000  }
0xb5: {  	[tilespmem:s20], [sflag:$0x2] =	stream.indirect.gather [hbm4b:s4+s18], $0x80, s25, s18, $0xb8;
	[tilespmem:$0x1EC00] =	vst v63  }
0xb6: {  	_ =	swait.ge [sflag:s21], $0x4000  }
0xb7: {  	[sflag:s21] =	ssyncset.done $0x0  }
0xb8: {  	[sflag:s21] =	ssyncadd.s32 $0xFFFFC000  }
0xb9: {  	[spmem:s2] =	stream.indirect.scatter.add.f32 [tilespmem:s20], [sflag:$0x4], $0x80, s11, s18, $0xb8;
	[tilespmem:$0x1EC00] =	vst v63  }
0xba: {  	_ =	swait.ge [sflag:s23], $0x4000  }
0xbb: {  	[sflag:s23] =	ssyncset.done $0x0  }
0xbc: {  	s22 =	sadd.s32 $0x14300, s13;
	[sflag:s23] =	ssyncadd.s32 $0xFFFFC000  }
0xbd: {  	[tilespmem:s19], [sflag:$0x1] =	stream.indirect.gather [hbm4b:s4+s18], $0x80, s22, s18, $0xb8;
	[tilespmem:$0x1EC00] =	vst v63  }
0xbe: {  	_ =	swait.ge [sflag:s24], $0x4000  }
0xbf: {  	[sflag:s24] =	ssyncset.done $0x0  }
0xc0: {  	[sflag:s24] =	ssyncadd.s32 $0xFFFFC000  }
0xc1: {  	[spmem:s2] =	stream.indirect.scatter.add.f32 [tilespmem:s19], [sflag:$0x3], $0x80, s16, s18, $0xb8;
	[tilespmem:$0x1EC00] =	vst v63  }
0xc2: {  	_ =	swait.ge [sflag:s26], $0x4000  }
0xc3: {  	[sflag:s26] =	ssyncset.done $0x0  }
0xc4: {  	s25 =	sadd.s32 $0x14380, s13;
	[sflag:s26] =	ssyncadd.s32 $0xFFFFC000  }
0xc5: {  	[tilespmem:s20], [sflag:$0x2] =	stream.indirect.gather [hbm4b:s4+s18], $0x80, s25, s18, $0xb8;
	[tilespmem:$0x1EC00] =	vst v63  }
0xc6: {  	_ =	swait.ge [sflag:s21], $0x4000  }
0xc7: {  	[sflag:s21] =	ssyncset.done $0x0  }
.Ltmp2:
0xc8: {  	[sflag:s21] =	ssyncadd.s32 $0xFFFFC000;
	(pc) =	sbr.rel @p0 .LBB2_4-.Ltmp2, $4  }
0xc9: {  	[spmem:s2] =	stream.indirect.scatter.add.f32 [tilespmem:s20], [sflag:$0x4], $0x80, s12, s18, $0xb8;
	[tilespmem:$0x1EC00] =	vst v63  }
0xca: {  	_ =	swait.ge [sflag:s23], $0x4000  }
0xcb: {  	[sflag:s23] =	ssyncset.done $0x0  }
0xcc: {  	[sflag:s23] =	ssyncadd.s32 $0xFFFFC000  }
.Ltmp3:
0xcd: {  	(pc) =	sbr.rel .LBB2_2-.Ltmp3, $4  }
0xce: {  	_ = 	snop  }
0xcf: {  	s3 =	sadd.s32 $0x14400, s13  }
0xd0: {  	s15 =	sadd.s32 $0x2000, s15;
	s14 =	sadd.s32 $0x800, s14;
	s7 =	sadd.s32 $0x100, s7  }
0xd1: {  	[tilespmem:s19], [sflag:$0x1] =	stream.indirect.gather [hbm4b:s4+s18], $0x80, s3, s18, $0xb8;
	[tilespmem:$0x1EC00] =	vst v63  }
.LBB2_5:
0xd2: {  	_ =	sfence.sel $0x180000  }
0xd3: {  	[bflag:$0x0] =	sbarrier.arrive $0xFFFF  }
0xd4: {  	_ =	strace $0x9000004D  }
0xd5: {  	s0 =	stileid.u32;
	[bflag:$0x2] =	sbarrier.arrive $0xFFFF  }
0xd6: {  	p0 =	sne.s32 s0, $0x0;
	s0 =	rddreg [dreg:$0x2]  }
0xd7: {  	s0 =	sadd.s32 @!p0 $0x100000, s0  }
0xd8: {  	[sflag:s0] =	ssyncadd.tile.s32 @!p0 $0x1;
	_ =	shalt  }
.Lfunc_end2:
_tile_overlayer_lowered:
.L_overlay_start_2:
0xd9: {  	(tag) =	ssettag $0x2  }
0xda: {  	s0 =	rddreg [dreg:$0x0];
	s2 =	stileid.u32  }
0xdb: {  	s1 =	rddreg [dreg:$0x1];
	p0 =	sne.s32 s2, $0x0  }
0xdc: {  	s3 =	rddreg [dreg:$0x2];
	[bflag:$0x3] =	sbarrier.arrive $0xFFFF;
	s2 =	simm.s32 @!p0 $0x1C06  }
0xdd: {  	[timem:s3], [sflag:s2] =	dma.local @!p0 [hbm:s0], s1  }
0xde: {  	s0 =	simm.s32 @!p0 $0x6  }
0xdf: {  	_ =	swait.ge @!p0 [sflag:s0], s1  }
0xe0: {  	s1 =	ssub.s32 @!p0 $0x0, s1;
	[sflag:s0] =	ssyncset.done @!p0 $0x0  }
0xe1: {  	[sflag:s0] =	ssyncadd.s32 @!p0 s1  }
0xe2: {  	[bflag:$0x3] =	sbarrier.arrive $0xFFFF  }
0xe3: {  	_ =	shalt  }

// kernel: kernel.8.cloned.1.call-start
scs
__scs_entry_jumppad:
0x0: {  	(pc) =	sbr.rel $0x88, $3  }
0x1: {  	(tag) =	ssettag $0x0;
	lr =	simm.s32 $0x1  }
0x2: {  	[smem:$0x3F9A] =	sst lr;
	_ =	strace $0xD0000000  }
0x3: {  	_ = 	snop  }
0x4: {  	_ = 	snop  }
0x5: {  	_ = 	snop  }
0x6: {  	_ = 	snop  }
0x7: {  	_ = 	snop  }
__scs_overlays_trampoline_lowered:
0x8: {  	[smem:$0x3FA9] =	sst s0  }
0x9: {  	[smem:$0x3FAA] =	sst s1  }
0xa: {  	[smem:$0x3FAB] =	sst s2  }
0xb: {  	[smem:$0x3FAC] =	sst s3  }
0xc: {  	[smem:$0x3FAD] =	sst s4  }
0xd: {  	[smem:$0x3FAE] =	sst s5  }
0xe: {  	[smem:$0x3FAF] =	sst s6  }
0xf: {  	[smem:$0x3FB0] =	sst s7  }
0x10: {  	[smem:$0x3FB1] =	sst s8  }
0x11: {  	[smem:$0x3FB2] =	sst s9;
	s0 =	simm.s32 @!p0 $0x0  }
0x12: {  	s1 =	sld [smem:$0x3F98];
	s0 =	simm.s32 @p0 $0x1  }
0x13: {  	[smem:$0x3FB3] =	sst s0;
	s0 =	simm.s32 @!p1 $0x0  }
0x14: {  	s2 =	sld [smem:$0x3F97];
	s0 =	simm.s32 @p1 $0x1  }
0x15: {  	[smem:$0x3FB4] =	sst s0;
	s0 =	simm.s32 @!p2 $0x0  }
0x16: {  	s3 =	sld [smem:$0x3FDB];
	s0 =	simm.s32 @p2 $0x1  }
0x17: {  	s4 =	simm.s32 $0x1BF5;
	[smem:$0x3FB6] =	sst s0  }
0x18: {  	s0 =	sld [smem:$0x3F99];
	_ =	swait.ge [sflag:s4], $0x0  }
0x19: {  	s7 =	sld [smem:$0x3F9A]  }
0x1a: {  	s8 =	sadd.s32 $0xFFFFE003, lr  }
0x1b: {  	s9 =	sadd.s32 $0xFFFFFEF7, lr;
	s5 =	simm.s32 $0xFFFFFFFF;
	p2 =	slt.u32 s8, $0xFFFFF086  }
0x1c: {  	p1 =	slt.u32 s9, $0xF7A;
	s5 =	simm.s32 @!p2 $0x0  }
0x1d: {  	s5 =	simm.s32 @p1 $0x1;
	p0 =	seq.s32 s7, s2  }
0x1e: {  	s7 =	smul.u32 @!p0 $0xF7A, s2;
	p2 =	seq.s32 @!p0 s5, $0x0  }
0x1f: {  	s9 =	smul.u32 $0xF7A, s1;
	s8 =	simm.s32 @!p0 $0x1BF5;
	p2 =	por !p2, p0  }
0x20: {  	[sflag:s8] =	ssyncset.s32 @!p0 $0xFFFFF086;
	s6 =	sadd.s32 @!p0 s3, s7;
	s7 =	simm.s32 @!p0 $0x108  }
0x21: {  	s3 =	sadd.s32 s3, s9;
	s6 =	sadd.s32 @!p0 $0x88, s6;
	s7 =	simm.s32 @p2 $0x1082  }
0x22: {  	[simem:s7], [sflag:s8] =	dma.local @!p0 [hbm:s6], $0xF7A  }
0x23: {  	s9 =	sor.u32 $0xD0000000, s2;
	s6 =	simm.s32 $0x108;
	_ =	swait.ge @!p0 [sflag:s8], $0x0  }
0x24: {  	s3 =	sadd.s32 $0x88, s3;
	s6 =	simm.s32 @!p1 $0x1082;
	[sflag:s4] =	ssyncset.s32 $0xFFFFF086  }
0x25: {  	[simem:s6], [sflag:s4] =	dma.local [hbm:s3], $0xF7A  }
0x26: {  	[smem:$0x3F9A] =	sst s1;
	(tag) =	ssettag s2;
	_ =	strace s9  }
0x27: {  	s1 =	sld [smem:$0x3FAA]  }
0x28: {  	s2 =	sld [smem:$0x3FAB]  }
0x29: {  	s4 =	sld [smem:$0x3FAD]  }
0x2a: {  	p0 =	seq.s32 s5, $0x0;
	s5 =	sld [smem:$0x3FAE]  }
0x2b: {  	s6 =	sld [smem:$0x3FAF]  }
0x2c: {  	s7 =	sld [smem:$0x3FB0]  }
0x2d: {  	s3 =	simm.s32 $0x108;
	s8 =	sld [smem:$0x3FB1]  }
0x2e: {  	s3 =	simm.s32 @!p0 $0x1082;
	s9 =	sld [smem:$0x3FB2]  }
0x2f: {  	lr =	sadd.s32 s0, s3;
	s0 =	sld [smem:$0x3FA9]  }
0x30: {  	s3 =	sld [smem:$0x3FAC]  }
0x31: {  	[smem:$0x3FB5] =	sst s10  }
0x32: {  	s10 =	sld [smem:$0x3FB3];
	_ =	sdelay $0x3  }
0x33: {  	p0 =	seq.s32 s10, $0x1;
	s10 =	sld [smem:$0x3FB5];
	_ =	sdelay $0x3  }
0x34: {  	[smem:$0x3FB5] =	sst s10  }
0x35: {  	s10 =	sld [smem:$0x3FB4];
	_ =	sdelay $0x3  }
0x36: {  	p1 =	seq.s32 s10, $0x1;
	s10 =	sld [smem:$0x3FB5];
	_ =	sdelay $0x3  }
0x37: {  	[smem:$0x3FB5] =	sst s10  }
0x38: {  	s10 =	sld [smem:$0x3FB6]  }
0x39: {  	_ = 	snop;
	(pc) =	sbr.ind lr, $3  }
0x3a: {  	_ = 	snop  }
0x3b: {  	_ = 	snop  }
0x3c: {  	p2 =	seq.s32 s10, $0x1;
	s10 =	sld [smem:$0x3FB5]  }
0x3d: {  	_ =	shalt  }
0x3e: {  	_ =	shalt  }
0x3f: {  	_ =	shalt  }
0x40: {  	_ =	shalt  }
0x41: {  	_ =	shalt  }
0x42: {  	_ =	shalt  }
0x43: {  	_ =	shalt  }
0x44: {  	_ =	shalt  }
0x45: {  	_ =	shalt  }
0x46: {  	_ =	shalt  }
0x47: {  	_ =	shalt  }
0x48: {  	_ =	shalt  }
0x49: {  	_ =	shalt  }
0x4a: {  	_ =	shalt  }
0x4b: {  	_ =	shalt  }
0x4c: {  	_ =	shalt  }
0x4d: {  	_ =	shalt  }
0x4e: {  	_ =	shalt  }
0x4f: {  	_ =	shalt  }
0x50: {  	_ =	shalt  }
0x51: {  	_ =	shalt  }
0x52: {  	_ =	shalt  }
0x53: {  	_ =	shalt  }
0x54: {  	_ =	shalt  }
0x55: {  	_ =	shalt  }
0x56: {  	_ =	shalt  }
0x57: {  	_ =	shalt  }
0x58: {  	_ =	shalt  }
0x59: {  	_ =	shalt  }
0x5a: {  	_ =	shalt  }
0x5b: {  	_ =	shalt  }
0x5c: {  	_ =	shalt  }
0x5d: {  	_ =	shalt  }
0x5e: {  	_ =	shalt  }
0x5f: {  	_ =	shalt  }
0x60: {  	_ =	shalt  }
0x61: {  	_ =	shalt  }
0x62: {  	_ =	shalt  }
0x63: {  	_ =	shalt  }
0x64: {  	_ =	shalt  }
0x65: {  	_ =	shalt  }
0x66: {  	_ =	shalt  }
0x67: {  	_ =	shalt  }
0x68: {  	_ =	shalt  }
0x69: {  	_ =	shalt  }
0x6a: {  	_ =	shalt  }
0x6b: {  	_ =	shalt  }
0x6c: {  	_ =	shalt  }
0x6d: {  	_ =	shalt  }
0x6e: {  	_ =	shalt  }
0x6f: {  	_ =	shalt  }
0x70: {  	_ =	shalt  }
0x71: {  	_ =	shalt  }
0x72: {  	_ =	shalt  }
0x73: {  	_ =	shalt  }
0x74: {  	_ =	shalt  }
0x75: {  	_ =	shalt  }
0x76: {  	_ =	shalt  }
0x77: {  	_ =	shalt  }
0x78: {  	_ =	shalt  }
0x79: {  	_ =	shalt  }
0x7a: {  	_ =	shalt  }
0x7b: {  	_ =	shalt  }
0x7c: {  	_ =	shalt  }
0x7d: {  	_ =	shalt  }
0x7e: {  	_ =	shalt  }
0x7f: {  	_ =	shalt  }
0x80: {  	_ =	shalt  }
0x81: {  	_ =	shalt  }
0x82: {  	_ =	shalt  }
0x83: {  	_ =	shalt  }
0x84: {  	_ =	shalt  }
0x85: {  	_ =	shalt  }
0x86: {  	_ =	shalt  }
0x87: {  	_ =	shalt  }
.Lfunc_end0:
.L_simem_size_0:
called_computation_lowered:
.L_overlay_start_0:
0x88: {  	s2 =	sld [smem:$0x3FD9]  }
0x89: {  	s3 =	sld [smem:$0x3FFE];
	_ =	sdelay $0x1  }
0x8a: {  	s1 =	srdreg.scid  }
0x8b: {  	s0 =	sand.u32 $0x1, s1  }
0x8c: {  	s16 =	sshll.u32 s0, $0xA;
	s2 =	sadd.s32 s3, s2  }
0x8d: {  	s2 =	sadd.s32 s2, s16  }
0x8e: {  	[smem:$0x3FC1] =	sst s2  }
0x8f: {  	_ = 	snop  }
0x90: {  	(tm) =	ssettm $0x1  }
0x91: {  	s17 =	sld [smem:$0x3FFB];
	_ =	sdelay $0x3  }
0x92: {  	_ =	strace s17  }
0x93: {  	s2 =	sld [smem:$0x3FFC];
	_ =	sdelay $0x3  }
0x94: {  	_ =	strace s2  }
0x95: {  	s2 =	sld [smem:$0x3FFD];
	_ =	sdelay $0x3  }
0x96: {  	_ =	strace s2  }
0x97: {  	_ =	strace $0x8FFFFFFF  }
0x98: {  	s18 =	sld [smem:$0x3FDB];
	_ =	sdelay $0x1  }
0x99: {  	s19 =	simm.s32 $_scs_section_size  }
0x9a: {  	s4 =	simm.s32 $_size__tile_overlayer_lowered;
	s5 =	simm.s32 $_tile_overlayer_lowered  }
0x9b: {  	s22 =	simm.s32 $0x1BFF;
	s21 =	sshll.u32 s5, $0x1;
	s2 =	sadd.s32 s19, s18  }
0x9c: {  	s6 =	simm.s32 $0x0;
	s20 =	sshll.u32 s4, $0x1;
	s4 =	sadd.s32 s21, s2  }
0x9d: {  	[timem:s6], [sflag:s22] =	dma.local [hbm:s4], s20  }
0x9e: {  	_ =	swait.ge [sflag:s22], s20  }
0x9f: {  	s3 =	ssub.s32 $0x0, s20;
	[sflag:s22] =	ssyncset.done $0x0  }
0xa0: {  	[sflag:s22] =	ssyncadd.s32 s3;
	_ =	sdelay $0x1  }
0xa1: {  	s23 =	simm.s32 $0x1B8B  }
0xa2: {  	_ =	swait.ge [sflag:s23], $0x1  }
0xa3: {  	[sflag:s23] =	ssyncset.done $0x0  }
0xa4: {  	s25 =	simm.s32 $0x1B8E;
	s24 =	sld [smem:$0x3FFE];
	[sflag:s23] =	ssyncadd.s32 $0xFFFFFFFF  }
0xa5: {  	s26 =	simm.s32 $execute0_lowered;
	[smem:$0x3FD2] =	sst s25  }
0xa6: {  	s4 =	sshll.u32 s26, $0x1;
	_ =	strace $0x80000046;
	[dreg:$0x1] =	wrdreg $0xFFFFFFFF  }
0xa7: {  	s28 =	simm.s32 $_size_execute0_lowered;
	s2 =	sadd.s32 s2, s4;
	[dreg:$0x0] =	wrdreg $0x0  }
0xa8: {  	s4 =	sshll.u32 s28, $0x1;
	[dreg:$0x2] =	wrdreg s2  }
0xa9: {  	[dreg:$0x3] =	wrdreg s4  }
0xaa: {  	[dreg:$0x4] =	wrdreg $0xC0  }
0xab: {  	_ =	task [dreg:s6], $0x5FFFF  }
0xac: {  	[dreg:$0x1] =	wrdreg $0xFFFFFFFF  }
0xad: {  	[dreg:$0x0] =	wrdreg $0x60  }
0xae: {  	[dreg:$0x2] =	wrdreg s24  }
0xaf: {  	[dreg:$0x3] =	wrdreg $0x0  }
0xb0: {  	[dreg:$0x4] =	wrdreg $0x9  }
0xb1: {  	_ =	task.clear_ibuf [dreg:s6], $0x5FFFF;
	_ =	strace $0x90000046  }
0xb2: {  	s29 =	simm.s32 $0x9;
	_ =	strace $0x80000048  }
0xb3: {  	_ =	swait.ge [sflag:s29], $0x1  }
0xb4: {  	[sflag:s29] =	ssyncadd.s32 $0xFFFFFFFF  }
0xb5: {  	_ =	strace $0x90000048  }
0xb6: {  	_ =	sfence  }
0xb7: {  	s30 =	sld [smem:$0x0];
	_ =	sdelay $0x2  }
0xb8: {  	s31 =	sshll.u32 s1, $0xD;
	s1 =	sshrl.u32 s1, $0x2  }
0xb9: {  	s3 =	sand.u32 $0x4000, s31;
	s1 =	sadd.s32 s1, s30  }
0xba: {  	s0 =	sor.u32 s3, s0;
	s1 =	sshll.u32 s1, $0x11  }
0xbb: {  	s0 =	sor.u32 s1, s0  }
0xbc: {  	s0 =	sadd.s32 $0x8F2B, s0  }
0xbd: {  	[sflag:s0] =	ssyncadd.remote.s32 $0x1  }
0xbe: {  	_ =	sfence.sel $0xFFFF  }
0xbf: {  	[dreg:$0x0] =	wrdreg $0xFFFFFFFF;
	(pc) =	sbr.abs _section_cstart, $3  }
0xc0: {  	[dreg:$0x1] =	wrdreg $0xFFFFFFFF  }
0xc1: {  	_ =	task.clear_ibuf [dreg:s6], $0x2FFFF;
	_ =	strace $0x9FFFFFFF  }
0xc2: {  	(tm) =	ssettm $0x7FFFFFFF  }
0xc3: {  	_ =	shalt  }
tec
execute0_lowered:
.L_overlay_start_1:
0x0: {  	(tag) =	ssettag $0x1  }
0x1: {  	s0 =	srdreg.scid;
	s12 =	rddreg [dreg:$0x0]  }
0x2: {  	s2 =	rddreg [dreg:$0x1];
	s3 =	simm.s32 $0x0;
	s17 =	simm.s32 $0x3  }
0x3: {  	s18 =	simm.s32 $0x16400;
	s19 =	simm.s32 $0x13C00;
	s20 =	simm.s32 $0x80  }
0x4: {  	s21 =	simm.s32 $0x13C80;
	s22 =	simm.s32 $0x1;
	s6 =	sand.u32 $0x1, s0  }
0x5: {  	s23 =	simm.s32 $0x2;
	s0 =	stileid.u32;
	s5 =	smul.u32 $0x13C000, s6  }
0x6: {  	s24 =	simm.s32 $0x0;
	[smem:$0x7FF] =	sst s3;
	s7 =	smul.u32 $0x13C00, s0  }
0x7: {  	s10 =	sadd.s32 $0x49200, s12;
	s1 =	sshll.u32 s6, $0x4;
	s8 =	smul.u32 $0x4F000, s0  }
0x8: {  	s6 =	ssub.s32 $0x2, s6;
	s9 =	sshll.u32 s0, $0x6;
	s1 =	sor.u32 s0, s1  }
0x9: {  	s31 =	sshrl.u32 s6, $0x1;
	s4 =	smul.u32 $0x2800, s1;
	s1 =	rddreg [dreg:$0x2]  }
0xa: {  	_ =	strace $0x80000047;
	s5 =	sadd.s32 s7, s5;
	s8 =	sshrl.u32 s8, $0x2  }
0xb: {  	s15 =	ssub.s32 s6, s31;
	s6 =	sor.u32 $0x1C03, s9;
	s7 =	sshrl.u32 s5, $0x3  }
0xc: {  	s5 =	sadd.s32 $0x48200, s12;
	s16 =	sadd.s32 s8, s2;
	s8 =	sadd.s32 $0x48A00, s12  }
0xd: {  	s15 =	smax.u32 s15, $0x1;
	s4 =	sshrl.u32 s4, $0x3;
	s14 =	sadd.s32 s7, s12  }
0xe: {  	s16 =	sshrl.u32 s16, $0x3;
	s13 =	sadd.s32 s4, s12;
	s4 =	sadd.s32 $0x4A200, s12  }
0xf: {  	s12 =	sadd.s32 $0x49A00, s12;
	s14 =	sadd.s32 $0x4CA00, s14;
	s7 =	sadd.s32 $0x20200, s13  }
0x10: {  	s9 =	sadd.s32 $0x2A200, s13;
	s11 =	sadd.s32 $0x34200, s13;
	s13 =	sadd.s32 $0x3E200, s13  }
.LBB2_1:
0x11: {  	[spmem:s16], [sflag:s6] =	dma.local [hbm:s4], $0x2780  }
0x12: {  	_ =	swait.ge [sflag:s17], $0x2780  }
0x13: {  	[sflag:s17] =	ssyncset.done $0x0  }
0x14: {  	[sflag:s17] =	ssyncadd.s32 $0xFFFFD880  }
0x15: {  	[bflag:$0x0] =	sbarrier.arrive $0xFFFF  }
0x16: {  	[tilespmem:s18], [sflag:$0x3] =	stream.linear.gather [hbm4b:s5+s3], $0x4000, $0x38;
	[tilespmem:$0x1A400] =	vst v63  }
0x17: {  	_ =	swait.ge [sflag:s17], $0x4000  }
0x18: {  	[sflag:s17] =	ssyncset.done $0x0  }
0x19: {  	[sflag:s17] =	ssyncadd.s32 $0xFFFFC000  }
0x1a: {  	[tilespmem:s19], [sflag:$0x3] =	stream.linear.gather [hbm4b:s7+s3], $0x2800, $0x38;
	[tilespmem:$0x1A400] =	vst v63  }
0x1b: {  	_ =	swait.ge [sflag:s17], $0x2800  }
0x1c: {  	[sflag:s17] =	ssyncset.done $0x0  }
0x1d: {  	[sflag:s17] =	ssyncadd.s32 $0xFFFFD800  }
0x1e: {  	[spmem:s2] =	stream.indirect.scatter.add.f32 [tilespmem:s18], [sflag:$0x1], $0x80, s19, s20, $0xb8;
	[tilespmem:$0x1A400] =	vst v63  }
0x1f: {  	_ = 	snop  }
0x20: {  	[spmem:s2] =	stream.indirect.scatter.add.f32 [tilespmem:s18], [sflag:$0x2], $0x80, s21, s20, $0xb8;
	[tilespmem:$0x1A400] =	vst v63  }
0x21: {  	_ =	swait.ge [sflag:s22], $0x4000  }
0x22: {  	[sflag:s22] =	ssyncset.done $0x0  }
0x23: {  	s25 =	simm.s32 $0x13D00;
	[sflag:s22] =	ssyncadd.s32 $0xFFFFC000  }
0x24: {  	[spmem:s2] =	stream.indirect.scatter.add.f32 [tilespmem:s18], [sflag:$0x1], $0x80, s25, s20, $0xb8;
	[tilespmem:$0x1A400] =	vst v63  }
0x25: {  	_ =	swait.ge [sflag:s23], $0x4000  }
0x26: {  	[sflag:s23] =	ssyncset.done $0x0  }
0x27: {  	s26 =	simm.s32 $0x13D80;
	s25 =	simm.s32 $0xFFFF6800;
	[sflag:s23] =	ssyncadd.s32 $0xFFFFC000  }
.LBB2_2:
0x28: {  	[spmem:s2] =	stream.indirect.scatter.add.f32 [tilespmem:s18], [sflag:$0x2], $0x80, s26, s20, $0xb8;
	[tilespmem:$0x1A400] =	vst v63  }
0x29: {  	s26 =	smov.u32 s25  }
0x2a: {  	p0 =	sne.s32 s25, $0xFFFFFC00;
	s25 =	sadd.s32 $0x400, s25;
	_ =	swait.ge [sflag:s22], $0x4000  }
0x2b: {  	s26 =	sshra.s32 s26, $0x2;
	[sflag:s22] =	ssyncset.done $0x0  }
.Ltmp0:
0x2c: {  	s28 =	sadd.s32 $0x16400, s26;
	[sflag:s22] =	ssyncadd.s32 $0xFFFFC000;
	(pc) =	sbr.rel @p0 .LBB2_2-.Ltmp0, $4  }
0x2d: {  	[spmem:s2] =	stream.indirect.scatter.add.f32 [tilespmem:s18], [sflag:$0x1], $0x80, s28, s20, $0xb8;
	[tilespmem:$0x1A400] =	vst v63  }
0x2e: {  	_ =	swait.ge [sflag:s23], $0x4000  }
0x2f: {  	[sflag:s23] =	ssyncset.done $0x0  }
0x30: {  	s26 =	sadd.s32 $0x16480, s26;
	[sflag:s23] =	ssyncadd.s32 $0xFFFFC000  }
0x31: {  	[spmem:s2] =	stream.indirect.scatter.add.f32 [tilespmem:s18], [sflag:$0x2], $0x80, s26, s20, $0xb8;
	[tilespmem:$0x1A400] =	vst v63  }
0x32: {  	_ =	swait.ge [sflag:s22], $0x4000  }
0x33: {  	[sflag:s22] =	ssyncset.done $0x0  }
0x34: {  	[sflag:s22] =	ssyncadd.s32 $0xFFFFC000  }
0x35: {  	_ =	swait.ge [sflag:s23], $0x4000  }
0x36: {  	[sflag:s23] =	ssyncset.done $0x0  }
0x37: {  	[sflag:s23] =	ssyncadd.s32 $0xFFFFC000  }
0x38: {  	[tilespmem:s18], [sflag:$0x3] =	stream.linear.gather [hbm4b:s8+s3], $0x4000, $0x38;
	[tilespmem:$0x1A400] =	vst v63  }
0x39: {  	_ =	swait.ge [sflag:s17], $0x4000  }
0x3a: {  	[sflag:s17] =	ssyncset.done $0x0  }
0x3b: {  	[sflag:s17] =	ssyncadd.s32 $0xFFFFC000  }
0x3c: {  	[tilespmem:s19], [sflag:$0x3] =	stream.linear.gather [hbm4b:s9+s3], $0x2800, $0x38;
	[tilespmem:$0x1A400] =	vst v63  }
0x3d: {  	_ =	swait.ge [sflag:s17], $0x2800  }
0x3e: {  	[sflag:s17] =	ssyncset.done $0x0  }
0x3f: {  	[sflag:s17] =	ssyncadd.s32 $0xFFFFD800  }
0x40: {  	[spmem:s2] =	stream.indirect.scatter.add.f32 [tilespmem:s18], [sflag:$0x1], $0x80, s19, s20, $0xb8;
	[tilespmem:$0x1A400] =	vst v63  }
0x41: {  	_ = 	snop  }
0x42: {  	[spmem:s2] =	stream.indirect.scatter.add.f32 [tilespmem:s18], [sflag:$0x2], $0x80, s21, s20, $0xb8;
	[tilespmem:$0x1A400] =	vst v63  }
0x43: {  	_ =	swait.ge [sflag:s22], $0x4000  }
0x44: {  	[sflag:s22] =	ssyncset.done $0x0  }
0x45: {  	s25 =	simm.s32 $0x13D00;
	[sflag:s22] =	ssyncadd.s32 $0xFFFFC000  }
0x46: {  	[spmem:s2] =	stream.indirect.scatter.add.f32 [tilespmem:s18], [sflag:$0x1], $0x80, s25, s20, $0xb8;
	[tilespmem:$0x1A400] =	vst v63  }
0x47: {  	_ =	swait.ge [sflag:s23], $0x4000  }
0x48: {  	[sflag:s23] =	ssyncset.done $0x0  }
0x49: {  	s26 =	simm.s32 $0x13D80;
	s25 =	simm.s32 $0xFFFF6800;
	[sflag:s23] =	ssyncadd.s32 $0xFFFFC000  }
.LBB2_4:
0x4a: {  	[spmem:s2] =	stream.indirect.scatter.add.f32 [tilespmem:s18], [sflag:$0x2], $0x80, s26, s20, $0xb8;
	[tilespmem:$0x1A400] =	vst v63  }
0x4b: {  	s26 =	smov.u32 s25  }
0x4c: {  	p0 =	sne.s32 s25, $0xFFFFFC00;
	s25 =	sadd.s32 $0x400, s25;
	_ =	swait.ge [sflag:s22], $0x4000  }
0x4d: {  	s26 =	sshra.s32 s26, $0x2;
	[sflag:s22] =	ssyncset.done $0x0  }
.Ltmp1:
0x4e: {  	s28 =	sadd.s32 $0x16400, s26;
	[sflag:s22] =	ssyncadd.s32 $0xFFFFC000;
	(pc) =	sbr.rel @p0 .LBB2_4-.Ltmp1, $4  }
0x4f: {  	[spmem:s2] =	stream.indirect.scatter.add.f32 [tilespmem:s18], [sflag:$0x1], $0x80, s28, s20, $0xb8;
	[tilespmem:$0x1A400] =	vst v63  }
0x50: {  	_ =	swait.ge [sflag:s23], $0x4000  }
0x51: {  	[sflag:s23] =	ssyncset.done $0x0  }
0x52: {  	s26 =	sadd.s32 $0x16480, s26;
	[sflag:s23] =	ssyncadd.s32 $0xFFFFC000  }
0x53: {  	[spmem:s2] =	stream.indirect.scatter.add.f32 [tilespmem:s18], [sflag:$0x2], $0x80, s26, s20, $0xb8;
	[tilespmem:$0x1A400] =	vst v63  }
0x54: {  	_ =	swait.ge [sflag:s22], $0x4000  }
0x55: {  	[sflag:s22] =	ssyncset.done $0x0  }
0x56: {  	[sflag:s22] =	ssyncadd.s32 $0xFFFFC000  }
0x57: {  	_ =	swait.ge [sflag:s23], $0x4000  }
0x58: {  	[sflag:s23] =	ssyncset.done $0x0  }
0x59: {  	[sflag:s23] =	ssyncadd.s32 $0xFFFFC000  }
0x5a: {  	[tilespmem:s18], [sflag:$0x3] =	stream.linear.gather [hbm4b:s10+s3], $0x4000, $0x38;
	[tilespmem:$0x1A400] =	vst v63  }
0x5b: {  	_ =	swait.ge [sflag:s17], $0x4000  }
0x5c: {  	[sflag:s17] =	ssyncset.done $0x0  }
0x5d: {  	[sflag:s17] =	ssyncadd.s32 $0xFFFFC000  }
0x5e: {  	[tilespmem:s19], [sflag:$0x3] =	stream.linear.gather [hbm4b:s11+s3], $0x2800, $0x38;
	[tilespmem:$0x1A400] =	vst v63  }
0x5f: {  	_ =	swait.ge [sflag:s17], $0x2800  }
0x60: {  	[sflag:s17] =	ssyncset.done $0x0  }
0x61: {  	[sflag:s17] =	ssyncadd.s32 $0xFFFFD800  }
0x62: {  	[spmem:s2] =	stream.indirect.scatter.add.f32 [tilespmem:s18], [sflag:$0x1], $0x80, s19, s20, $0xb8;
	[tilespmem:$0x1A400] =	vst v63  }
0x63: {  	_ = 	snop  }
0x64: {  	[spmem:s2] =	stream.indirect.scatter.add.f32 [tilespmem:s18], [sflag:$0x2], $0x80, s21, s20, $0xb8;
	[tilespmem:$0x1A400] =	vst v63  }
0x65: {  	_ =	swait.ge [sflag:s22], $0x4000  }
0x66: {  	[sflag:s22] =	ssyncset.done $0x0  }
0x67: {  	s25 =	simm.s32 $0x13D00;
	[sflag:s22] =	ssyncadd.s32 $0xFFFFC000  }
0x68: {  	[spmem:s2] =	stream.indirect.scatter.add.f32 [tilespmem:s18], [sflag:$0x1], $0x80, s25, s20, $0xb8;
	[tilespmem:$0x1A400] =	vst v63  }
0x69: {  	_ =	swait.ge [sflag:s23], $0x4000  }
0x6a: {  	[sflag:s23] =	ssyncset.done $0x0  }
0x6b: {  	s26 =	simm.s32 $0x13D80;
	s25 =	simm.s32 $0xFFFF6800;
	[sflag:s23] =	ssyncadd.s32 $0xFFFFC000  }
.LBB2_6:
0x6c: {  	[spmem:s2] =	stream.indirect.scatter.add.f32 [tilespmem:s18], [sflag:$0x2], $0x80, s26, s20, $0xb8;
	[tilespmem:$0x1A400] =	vst v63  }
0x6d: {  	s26 =	smov.u32 s25  }
0x6e: {  	p0 =	sne.s32 s25, $0xFFFFFC00;
	s25 =	sadd.s32 $0x400, s25;
	_ =	swait.ge [sflag:s22], $0x4000  }
0x6f: {  	s26 =	sshra.s32 s26, $0x2;
	[sflag:s22] =	ssyncset.done $0x0  }
.Ltmp2:
0x70: {  	s28 =	sadd.s32 $0x16400, s26;
	[sflag:s22] =	ssyncadd.s32 $0xFFFFC000;
	(pc) =	sbr.rel @p0 .LBB2_6-.Ltmp2, $4  }
0x71: {  	[spmem:s2] =	stream.indirect.scatter.add.f32 [tilespmem:s18], [sflag:$0x1], $0x80, s28, s20, $0xb8;
	[tilespmem:$0x1A400] =	vst v63  }
0x72: {  	_ =	swait.ge [sflag:s23], $0x4000  }
0x73: {  	[sflag:s23] =	ssyncset.done $0x0  }
0x74: {  	s26 =	sadd.s32 $0x16480, s26;
	[sflag:s23] =	ssyncadd.s32 $0xFFFFC000  }
0x75: {  	[spmem:s2] =	stream.indirect.scatter.add.f32 [tilespmem:s18], [sflag:$0x2], $0x80, s26, s20, $0xb8;
	[tilespmem:$0x1A400] =	vst v63  }
0x76: {  	_ =	swait.ge [sflag:s22], $0x4000  }
0x77: {  	[sflag:s22] =	ssyncset.done $0x0  }
0x78: {  	[sflag:s22] =	ssyncadd.s32 $0xFFFFC000  }
0x79: {  	_ =	swait.ge [sflag:s23], $0x4000  }
0x7a: {  	[sflag:s23] =	ssyncset.done $0x0  }
0x7b: {  	[sflag:s23] =	ssyncadd.s32 $0xFFFFC000  }
0x7c: {  	[tilespmem:s18], [sflag:$0x3] =	stream.linear.gather [hbm4b:s12+s3], $0x4000, $0x38;
	[tilespmem:$0x1A400] =	vst v63  }
0x7d: {  	_ =	swait.ge [sflag:s17], $0x4000  }
0x7e: {  	[sflag:s17] =	ssyncset.done $0x0  }
0x7f: {  	[sflag:s17] =	ssyncadd.s32 $0xFFFFC000  }
0x80: {  	[tilespmem:s19], [sflag:$0x3] =	stream.linear.gather [hbm4b:s13+s3], $0x2800, $0x38;
	[tilespmem:$0x1A400] =	vst v63  }
0x81: {  	_ =	swait.ge [sflag:s17], $0x2800  }
0x82: {  	[sflag:s17] =	ssyncset.done $0x0  }
0x83: {  	[sflag:s17] =	ssyncadd.s32 $0xFFFFD800  }
0x84: {  	[spmem:s2] =	stream.indirect.scatter.add.f32 [tilespmem:s18], [sflag:$0x1], $0x80, s19, s20, $0xb8;
	[tilespmem:$0x1A400] =	vst v63  }
0x85: {  	_ = 	snop  }
0x86: {  	[spmem:s2] =	stream.indirect.scatter.add.f32 [tilespmem:s18], [sflag:$0x2], $0x80, s21, s20, $0xb8;
	[tilespmem:$0x1A400] =	vst v63  }
0x87: {  	_ =	swait.ge [sflag:s22], $0x4000  }
0x88: {  	[sflag:s22] =	ssyncset.done $0x0  }
0x89: {  	s25 =	simm.s32 $0x13D00;
	[sflag:s22] =	ssyncadd.s32 $0xFFFFC000  }
0x8a: {  	[spmem:s2] =	stream.indirect.scatter.add.f32 [tilespmem:s18], [sflag:$0x1], $0x80, s25, s20, $0xb8;
	[tilespmem:$0x1A400] =	vst v63  }
0x8b: {  	_ =	swait.ge [sflag:s23], $0x4000  }
0x8c: {  	[sflag:s23] =	ssyncset.done $0x0  }
0x8d: {  	s26 =	simm.s32 $0x13D80;
	s25 =	simm.s32 $0xFFFF6800;
	[sflag:s23] =	ssyncadd.s32 $0xFFFFC000  }
.LBB2_8:
0x8e: {  	[spmem:s2] =	stream.indirect.scatter.add.f32 [tilespmem:s18], [sflag:$0x2], $0x80, s26, s20, $0xb8;
	[tilespmem:$0x1A400] =	vst v63  }
0x8f: {  	s26 =	smov.u32 s25  }
0x90: {  	p0 =	sne.s32 s25, $0xFFFFFC00;
	s25 =	sadd.s32 $0x400, s25;
	_ =	swait.ge [sflag:s22], $0x4000  }
0x91: {  	s26 =	sshra.s32 s26, $0x2;
	[sflag:s22] =	ssyncset.done $0x0  }
.Ltmp3:
0x92: {  	s28 =	sadd.s32 $0x16400, s26;
	[sflag:s22] =	ssyncadd.s32 $0xFFFFC000;
	(pc) =	sbr.rel @p0 .LBB2_8-.Ltmp3, $4  }
0x93: {  	[spmem:s2] =	stream.indirect.scatter.add.f32 [tilespmem:s18], [sflag:$0x1], $0x80, s28, s20, $0xb8;
	[tilespmem:$0x1A400] =	vst v63  }
0x94: {  	_ =	swait.ge [sflag:s23], $0x4000  }
0x95: {  	[sflag:s23] =	ssyncset.done $0x0  }
0x96: {  	s26 =	sadd.s32 $0x16480, s26;
	[sflag:s23] =	ssyncadd.s32 $0xFFFFC000  }
0x97: {  	[spmem:s2] =	stream.indirect.scatter.add.f32 [tilespmem:s18], [sflag:$0x2], $0x80, s26, s20, $0xb8;
	[tilespmem:$0x1A400] =	vst v63  }
0x98: {  	_ =	swait.ge [sflag:s22], $0x4000  }
0x99: {  	[sflag:s22] =	ssyncset.done $0x0  }
0x9a: {  	[sflag:s22] =	ssyncadd.s32 $0xFFFFC000  }
0x9b: {  	_ =	swait.ge [sflag:s23], $0x4000  }
0x9c: {  	s24 =	sadd.s32 $0x1, s24;
	[sflag:s23] =	ssyncset.done $0x0  }
0x9d: {  	p0 =	sne.s32 s24, s15;
	[sflag:s23] =	ssyncadd.s32 $0xFFFFC000  }
.Ltmp4:
0x9e: {  	[bflag:$0x0] =	sbarrier.arrive $0xFFFF;
	(pc) =	sbr.rel @p0 .LBB2_1-.Ltmp4, $4  }
0x9f: {  	[hbm:s14], [sflag:s6] =	dma.local [spmem:s16], $0x2780  }
0xa0: {  	_ =	swait.ge [sflag:s17], $0x2780  }
0xa1: {  	[sflag:s17] =	ssyncset.done $0x0  }
0xa2: {  	[sflag:s17] =	ssyncadd.s32 $0xFFFFD880  }
0xa3: {  	_ =	sfence.sel $0x180000  }
0xa4: {  	[bflag:$0x0] =	sbarrier.arrive $0xFFFF  }
0xa5: {  	p0 =	sne.s32 s0, $0x0;
	_ =	strace $0x90000047  }
0xa6: {  	s0 =	sadd.s32 @!p0 $0x100000, s1;
	[bflag:$0x2] =	sbarrier.arrive $0xFFFF  }
0xa7: {  	[sflag:s0] =	ssyncadd.tile.s32 @!p0 $0x1;
	_ =	shalt  }
.Lfunc_end2:
_tile_overlayer_lowered:
.L_overlay_start_2:
0xa8: {  	(tag) =	ssettag $0x2  }
0xa9: {  	s0 =	rddreg [dreg:$0x0];
	s2 =	stileid.u32  }
0xaa: {  	s1 =	rddreg [dreg:$0x1];
	p0 =	sne.s32 s2, $0x0  }
0xab: {  	s3 =	rddreg [dreg:$0x2];
	[bflag:$0x3] =	sbarrier.arrive $0xFFFF;
	s2 =	simm.s32 @!p0 $0x1C03  }
0xac: {  	[timem:s3], [sflag:s2] =	dma.local @!p0 [hbm:s0], s1  }
0xad: {  	s0 =	simm.s32 @!p0 $0x3  }
0xae: {  	_ =	swait.ge @!p0 [sflag:s0], s1  }
0xaf: {  	s1 =	ssub.s32 @!p0 $0x0, s1;
	[sflag:s0] =	ssyncset.done @!p0 $0x0  }
0xb0: {  	[sflag:s0] =	ssyncadd.s32 @!p0 s1  }
0xb1: {  	[bflag:$0x3] =	sbarrier.arrive $0xFFFF  }
0xb2: {  	_ =	shalt  }

</sc_bundles>
